<compile_context>
chip_gen: v7x
topology: tpu7x:2x2x1
jax: 0.10.2.dev20260603
libtpu: 0.0.44.dev20260713+nightly
codegen_flags: <defaults>
</compile_context>

<pallas_src>
import functools

import jax
import jax.numpy as jnp
from jax import lax
from jax.experimental import pallas as pl
from jax.experimental.pallas import tpu as pltpu
from jax.experimental.pallas import tpu_sc as plsc

_N = 100000
_E = 1600000
_D = 32
_DH = 16

_NC = 2
_NS = 16
_PER_TEC = 6272
_ACC_ROWS = _PER_TEC * _NS

_CH = 640
_GJ = _CH // 128
_NCHUNK = _E // _CH
_FULL = (_NCHUNK // _NS) & ~1
_LEFT = _NCHUNK - _FULL * _NS
_ZF = _PER_TEC // _CH
_ZT = _PER_TEC % _CH
_LROWS = _N - (_NS - 1) * _PER_TEC
_LF = _LROWS // _CH
_LT = _LROWS - _LF * _CH


def _gather_descs(tab, src, rows, sem):
    return [pltpu.make_async_copy(tab.at[src.at[pl.ds(j * 128, 128)]],
                                  rows.at[pl.ds(j * 128, 128)], sem)
            for j in range(_GJ)]


def _scatter_descs(rows, acc, idx, sem):
    return [pltpu.make_async_copy(rows.at[pl.ds(j * 128, 128)],
                                  acc.at[idx.at[pl.ds(j * 128, 128)]], sem)
            for j in range(_GJ)]


def _seg_body(tab_hbm, edges_hbm, *refs, merged):
    if merged:
        (out_hbm,) = refs[:1]
        (srcA, dstA, idxA, rowsA, srcB, dstB, idxB, rowsB,
         acc, sem_e, sem_g, sem_s) = refs[1:]
    else:
        outA_hbm, outB_hbm = refs[:2]
        (srcA, dstA, idxA, rowsA, srcB, dstB, idxB, rowsB,
         acc, sem_e, sem_g, sem_s) = refs[2:]
    c = lax.axis_index("c")
    s = lax.axis_index("s")
    srcb = (srcA, srcB)
    dstb = (dstA, dstB)
    idxg = (idxA, idxB)
    rowsb = (rowsA, rowsB)

    def _zb(t, carry):
        rowsA[t, pl.ds(0, 16)] = jnp.zeros((16,), jnp.float32)
        rowsB[t, pl.ds(0, 16)] = jnp.zeros((16,), jnp.float32)
        return carry
    lax.fori_loop(0, _CH, _zb, 0)

    lanes = jnp.arange(16, dtype=jnp.int32)
    def _zi(t, carry):
        spare = _N + lanes + (t % 8) * 16
        dstA[pl.ds(t * 16, 16)] = spare
        dstB[pl.ds(t * 16, 16)] = spare
        return carry
    lax.fori_loop(0, _CH // 16, _zi, 0)

    a0 = s * _PER_TEC
    def _zc(t, carry):
        pltpu.sync_copy(rowsA, acc.at[pl.ds(a0 + t * _CH, _CH)])
        return carry
    lax.fori_loop(0, _ZF, _zc, 0)
    pltpu.sync_copy(rowsA.at[pl.ds(0, _ZT)],
                    acc.at[pl.ds(a0 + _ZF * _CH, _ZT)])
    plsc.subcore_barrier()

    def _off(t):
        return (t * _NS + s) * _CH

    def _remap_src(b):
        def _vx(v, carry):
            sv = srcb[b][pl.ds(v * 16, 16)]
            idxg[b][pl.ds(v * 16, 16)] = sv * 2 + c
            return carry
        lax.fori_loop(0, _CH // 16, _vx, 0)

    def _fire_gathers(b):
        for j in range(_GJ):
            pltpu.async_copy(
                tab_hbm.at[idxg[b].at[pl.ds(j * 128, 128)]],
                rowsb[b].at[pl.ds(j * 128, 128)], sem_g)

    def _fire_scatters(b):
        for j in range(_GJ):
            pltpu.async_copy(rowsb[b].at[pl.ds(j * 128, 128)],
                             acc.at[dstb[b].at[pl.ds(j * 128, 128)]],
                             sem_s, add=True)

    pltpu.async_copy(edges_hbm.at[0, pl.ds(_off(0), _CH)], srcA, sem_e)
    pltpu.async_copy(edges_hbm.at[1, pl.ds(_off(0), _CH)], dstA, sem_e)
    _fire_scatters(1)

    def _chunk_pair(t, carry):
        for u in (0, 1):
            ch = 2 * t + u
            b = u
            off = _off(ch)
            pltpu.make_async_copy(edges_hbm.at[0, pl.ds(off, _CH)],
                                  srcb[b], sem_e).wait()
            pltpu.make_async_copy(edges_hbm.at[1, pl.ds(off, _CH)],
                                  dstb[b], sem_e).wait()
            _remap_src(b)
            _fire_gathers(b)
            for d in _scatter_descs(rowsb[1 - b], acc, dstb[1 - b], sem_s):
                d.wait()
            noff = _off(jnp.minimum(ch + 1, _FULL - 1))
            pltpu.async_copy(edges_hbm.at[0, pl.ds(noff, _CH)],
                             srcb[1 - b], sem_e)
            pltpu.async_copy(edges_hbm.at[1, pl.ds(noff, _CH)],
                             dstb[1 - b], sem_e)
            for d in _gather_descs(tab_hbm, idxg[b], rowsb[b], sem_g):
                d.wait()
            _fire_scatters(b)
        return carry
    lax.fori_loop(0, _FULL // 2, _chunk_pair, 0)

    lastb = (_FULL - 1) % 2
    for d in _scatter_descs(rowsb[lastb], acc, dstb[lastb], sem_s):
        d.wait()
    loff = _off(_FULL - 1)
    pltpu.make_async_copy(edges_hbm.at[0, pl.ds(loff, _CH)],
                          srcb[1 - lastb], sem_e).wait()
    pltpu.make_async_copy(edges_hbm.at[1, pl.ds(loff, _CH)],
                          dstb[1 - lastb], sem_e).wait()

    @pl.when(s < _LEFT)
    def _epilogue():
        eoff = (_FULL * _NS + s) * _CH
        pltpu.sync_copy(edges_hbm.at[0, pl.ds(eoff, _CH)], srcA)
        pltpu.sync_copy(edges_hbm.at[1, pl.ds(eoff, _CH)], dstA)
        _remap_src(0)
        _fire_gathers(0)
        for d in _gather_descs(tab_hbm, idxA, rowsA, sem_g):
            d.wait()
        _fire_scatters(0)
        for d in _scatter_descs(rowsA, acc, dstA, sem_s):
            d.wait()

    plsc.subcore_barrier()

    w0 = s * _PER_TEC
    nfull = jnp.where(s < _NS - 1, _ZF, _LF)
    col = c * _DH

    def _write_stripes(dst_slice):
        def _wb(t, carry):
            pltpu.sync_copy(acc.at[pl.ds(w0 + t * _CH, _CH)], rowsA)
            pltpu.sync_copy(rowsA, dst_slice(w0 + t * _CH, _CH))
            return carry
        lax.fori_loop(0, nfull, _wb, 0)

        @pl.when(s < _NS - 1)
        def _full_tail():
            pltpu.sync_copy(acc.at[pl.ds(w0 + _ZF * _CH, _ZT)],
                            rowsA.at[pl.ds(0, _ZT)])
            pltpu.sync_copy(rowsA.at[pl.ds(0, _ZT)],
                            dst_slice(w0 + _ZF * _CH, _ZT))

        @pl.when(s == _NS - 1)
        def _short_tail():
            _l0 = (_NS - 1) * _PER_TEC + _LF * _CH
            pltpu.sync_copy(acc.at[pl.ds(_l0, _LT)], rowsA.at[pl.ds(0, _LT)])
            pltpu.sync_copy(rowsA.at[pl.ds(0, _LT)], dst_slice(_l0, _LT))

    if merged:
        _write_stripes(
            lambda r0, nr: out_hbm.at[pl.ds(r0, nr), pl.ds(col, _DH)])
    else:
        @pl.when(c == 0)
        def _wA():
            _write_stripes(lambda r0, nr: outA_hbm.at[pl.ds(r0, nr)])

        @pl.when(c == 1)
        def _wB():
            _write_stripes(lambda r0, nr: outB_hbm.at[pl.ds(r0, nr)])


def _segment_sum(tab, edges, merged):
    mesh = plsc.VectorSubcoreMesh(core_axis_name="c", subcore_axis_name="s")
    if merged:
        out_type = jax.ShapeDtypeStruct((_N, _D), jnp.float32)
    else:
        out_type = (jax.ShapeDtypeStruct((_N, _DH), jnp.float32),
                    jax.ShapeDtypeStruct((_N, _DH), jnp.float32))
    k = pl.kernel(
        functools.partial(_seg_body, merged=merged),
        out_type=out_type,
        mesh=mesh,
        scratch_types=[
            pltpu.VMEM((_CH,), jnp.int32),
            pltpu.VMEM((_CH,), jnp.int32),
            pltpu.VMEM((_CH,), jnp.int32),
            pltpu.VMEM((_CH, _DH), jnp.float32),
            pltpu.VMEM((_CH,), jnp.int32),
            pltpu.VMEM((_CH,), jnp.int32),
            pltpu.VMEM((_CH,), jnp.int32),
            pltpu.VMEM((_CH, _DH), jnp.float32),
            pltpu.VMEM_SHARED((_ACC_ROWS, _DH), jnp.float32),
            pltpu.SemaphoreType.DMA,
            pltpu.SemaphoreType.DMA,
            pltpu.SemaphoreType.DMA,
        ],
        compiler_params=pltpu.CompilerParams(use_tc_tiling_on_sc=False),
    )
    return k(tab, edges)


_PK = 8
_PR = _N // _PK
_PBLK = _PR


def _mid_body(pA_ref, pB_ref, m1a_ref, m1b_ref, m2_ref, b1_ref, b2_ref,
              o_ref):
    z = (
        jnp.dot(pA_ref[...], m1a_ref[...], preferred_element_type=jnp.float32)
        + jnp.dot(pB_ref[...], m1b_ref[...], preferred_element_type=jnp.float32)
        + b1_ref[...]
    )
    g = jnp.maximum(z, 0.0)
    o_ref[...] = (
        jnp.dot(g, m2_ref[...], preferred_element_type=jnp.float32)
        + b2_ref[...]
    )


def _mid_transform(pA, pB, W1, b1, W2, b2):
    eye = jnp.eye(_PK, dtype=jnp.float32)
    m1a = (eye[:, None, :, None] * W1[None, :_DH, None, :]).reshape(128, 256)
    m1b = (eye[:, None, :, None] * W1[None, _DH:, None, :]).reshape(128, 256)
    m2 = (eye[:, None, :, None] * W2[None, :, None, :]).reshape(256, 256)
    b1t = jnp.tile(b1, _PK).reshape(1, 256)
    b2t = jnp.tile(b2, _PK).reshape(1, 256)
    return pl.pallas_call(
        _mid_body,
        grid=(_PR // _PBLK,),
        in_specs=[
            pl.BlockSpec((_PBLK, 128), lambda i: (i, 0)),
            pl.BlockSpec((_PBLK, 128), lambda i: (i, 0)),
            pl.BlockSpec((128, 256), lambda i: (0, 0)),
            pl.BlockSpec((128, 256), lambda i: (0, 0)),
            pl.BlockSpec((256, 256), lambda i: (0, 0)),
            pl.BlockSpec((1, 256), lambda i: (0, 0)),
            pl.BlockSpec((1, 256), lambda i: (0, 0)),
        ],
        out_specs=pl.BlockSpec((_PBLK, 256), lambda i: (i, 0)),
        out_shape=jax.ShapeDtypeStruct((_PR, 256), jnp.float32),
    )(pA, pB, m1a, m1b, m2, b1t, b2t)


def kernel(x, edge_index, W1, b1, W2, b2):
    pA, pB = _segment_sum(x.reshape(2 * _N, _DH), edge_index, merged=False)
    h2 = _mid_transform(pA.reshape(_PR, 128), pB.reshape(_PR, 128),
                        W1, b1, W2, b2)
    return _segment_sum(h2.reshape(2 * _N, _DH), edge_index, merged=True)

# --- scband reference (transcript-rebuilt; emitter-appended) ---
"""Pipeline reference for scband-gnn-9706626089476 (READ-ONLY COPY).

The authoritative reference and input builder live on the scoring server;
editing this copy changes nothing except your own understanding.
"""

import jax, jax.numpy as jnp
import numpy as np

N = 100000  # n_nodes / num entities
E = 1600000  # n_edges (avg_degree=16)
D = 32      # embedding_dim


def setup_inputs(seed: int = 0) -> dict:
    key = jax.random.key(seed)
    k1, k2, k3, k4 = jax.random.split(key, 4)
    # entity embedding table == node features x (xavier-normal-ish init)
    x = jax.random.normal(k1, (N, D), dtype=jnp.float32) * (2.0 / (N + D)) ** 0.5 * 50.0
    edge_index = jax.random.randint(k2, (2, E), 0, N, dtype=jnp.int32)
    # two vanilla GCNConv layers: lin weights + biases (normalize=False, add_self_loops=False)
    W1 = jax.random.normal(k3, (D, D), dtype=jnp.float32) * (1.0 / D) ** 0.5
    b1 = jnp.zeros((D,), dtype=jnp.float32)
    W2 = jax.random.normal(k4, (D, D), dtype=jnp.float32) * (1.0 / D) ** 0.5
    b2 = jnp.zeros((D,), dtype=jnp.float32)
    return {"x": x, "edge_index": edge_index, "W1": W1, "b1": b1, "W2": W2, "b2": b2}


def reference(x, edge_index, W1, b1, W2, b2):
    # Vanilla-GCN path of the GNN model: num_layers=2, normalize=False,
    # add_self_loops=False, ReLU between GCN layers, dropout disabled (eval).
    src = edge_index[0]
    dst = edge_index[1]
    # layer 1: linear transform then sum-aggregate messages at dst nodes
    h = x @ W1 + b1
    agg = jax.ops.segment_sum(jnp.take(h, src, axis=0), dst, num_segments=N)
    h = jax.nn.relu(agg)
    # layer 2
    h = h @ W2 + b2
    out = jax.ops.segment_sum(jnp.take(h, src, axis=0), dst, num_segments=N)
    return out

if __name__ == "__main__":
    import jax
    _d = setup_inputs()
    print(jax.jit(kernel)(*tuple(_d.values())))

</pallas_src>

<mosaic_0001>
#map = affine_map<(d0, d1) -> (0, 0)>
module attributes {stable_mosaic.version = 14 : i64} {
  func.func @_seg_body(%arg0: i32, %arg1: i32, %arg2: memref<200000x16xf32, #tpu.memory_space<hbm>>, %arg3: memref<2x1600000xi32, #tpu.memory_space<hbm>>, %arg4: memref<100000x32xf32, #tpu.memory_space<hbm>>, %arg5: memref<640xi32, #tpu.memory_space<vmem>>, %arg6: memref<640xi32, #tpu.memory_space<vmem>>, %arg7: memref<640xi32, #tpu.memory_space<vmem>>, %arg8: memref<640x16xf32, #tpu.memory_space<vmem>>, %arg9: memref<640xi32, #tpu.memory_space<vmem>>, %arg10: memref<640xi32, #tpu.memory_space<vmem>>, %arg11: memref<640xi32, #tpu.memory_space<vmem>>, %arg12: memref<640x16xf32, #tpu.memory_space<vmem>>, %arg13: memref<100352x16xf32, #tpu.memory_space<vmem_shared>>, %arg14: memref<!tpu.dma_semaphore, #tpu.memory_space<semaphore_mem>>, %arg15: memref<!tpu.dma_semaphore, #tpu.memory_space<semaphore_mem>>, %arg16: memref<!tpu.dma_semaphore, #tpu.memory_space<semaphore_mem>>) attributes {dimension_semantics = [#tpu.dimension_semantics<core_parallel>, #tpu.dimension_semantics<subcore_parallel>], iteration_bounds = array<i64: 2, 16>, scalar_prefetch = 0 : i64, scratch_operands = 12 : i64, tpu.core_type = #tpu.core_type<sc_vector_subcore>, window_params = [{transform_indices = #map}, {transform_indices = #map}, {transform_indices = #map}]} {
    %scan3A = arith.constant 0 : i32
    %scan3A_0 = arith.constant 0 : i32
    %scan3A_1 = arith.constant 640 : i32
    %scan3A_2 = arith.addi %scan3A_0, %scan3A_1 : i32
    %scan3A_3 = arith.constant 1 : i32
    scf.for %scan3A_163 = %scan3A_0 to %scan3A_2 step %scan3A_3  : i32 {
      %broadcast_in_dim3A = arith.constant 0.000000e+00 : f32
      %broadcast_in_dim3A_164 = vector.broadcast %broadcast_in_dim3A : f32 to vector<16xf32>
      %swap3A = arith.index_cast %scan3A_163 : i32 to index
      %swap3A_165 = arith.constant 0 : index
      %swap3A_166 = tpu.vector_load %arg8[%swap3A, %swap3A_165] {strides = array<i32>} : memref<640x16xf32, #tpu.memory_space<vmem>>, vector<1x16xf32>,
      %swap3A_167 = vector.shape_cast %swap3A_166 : vector<1x16xf32> to vector<16xf32>
      %swap3A_168 = vector.shape_cast %broadcast_in_dim3A_164 : vector<16xf32> to vector<1x16xf32>
      tpu.vector_store %arg8[%swap3A, %swap3A_165], %swap3A_168 {strides = array<i32>} : memref<640x16xf32, #tpu.memory_space<vmem>>, vector<1x16xf32>,
      %broadcast_in_dim3A_169 = arith.constant 0.000000e+00 : f32
      %broadcast_in_dim3A_170 = vector.broadcast %broadcast_in_dim3A_169 : f32 to vector<16xf32>
      %swap3A_171 = arith.index_cast %scan3A_163 : i32 to index
      %swap3A_172 = arith.constant 0 : index
      %swap3A_173 = tpu.vector_load %arg12[%swap3A_171, %swap3A_172] {strides = array<i32>} : memref<640x16xf32, #tpu.memory_space<vmem>>, vector<1x16xf32>,
      %swap3A_174 = vector.shape_cast %swap3A_173 : vector<1x16xf32> to vector<16xf32>
      %swap3A_175 = vector.shape_cast %broadcast_in_dim3A_170 : vector<16xf32> to vector<1x16xf32>
      tpu.vector_store %arg12[%swap3A_171, %swap3A_172], %swap3A_175 {strides = array<i32>} : memref<640x16xf32, #tpu.memory_space<vmem>>, vector<1x16xf32>,
    }
    %scan3A_4 = arith.constant 640 : i32
    %iota3A = tpu.iota {dimensions = array<i32: 0>} : vector<16xi32>
    %scan3A_5 = arith.constant 0 : i32
    %scan3A_6 = arith.constant 0 : i32
    %scan3A_7 = arith.constant 40 : i32
    %scan3A_8 = arith.addi %scan3A_6, %scan3A_7 : i32
    %scan3A_9 = arith.constant 1 : i32
    scf.for %scan3A_163 = %scan3A_6 to %scan3A_8 step %scan3A_9  : i32 {
      %add3A_164 = arith.constant 100000 : i32
      %add3A_165 = vector.broadcast %add3A_164 : i32 to vector<16xi32>
      %add3A_166 = arith.addi %add3A_165, %iota3A : vector<16xi32>
      %jit3A_167 = arith.constant 8 : i32
      %eq3A_168 = arith.constant 0 : i32
      %eq3A_169 = arith.cmpi eq, %jit3A_167, %eq3A_168 : i32
      %jit3A_170 = arith.constant 1 : i32
      %select_n3A_171 = arith.select %eq3A_169, %jit3A_170, %jit3A_167 : i32
      %rem3A = arith.remsi %scan3A_163, %select_n3A_171 : i32
      %ne3A = arith.constant 0 : i32
      %ne3A_172 = arith.cmpi ne, %rem3A, %ne3A : i32
      %lt3A_173 = arith.constant 0 : i32
      %lt3A_174 = arith.cmpi slt, %rem3A, %lt3A_173 : i32
      %lt3A_175 = arith.constant 0 : i32
      %lt3A_176 = arith.cmpi slt, %select_n3A_171, %lt3A_175 : i32
      %ne3A_177 = arith.xori %lt3A_174, %lt3A_176 : i1
      %and3A = arith.andi %ne3A_177, %ne3A_172 : i1
      %add3A_178 = arith.addi %rem3A, %select_n3A_171 : i32
      %select_n3A_179 = arith.select %and3A, %add3A_178, %rem3A : i32
      %mul3A_180 = arith.constant 16 : i32
      %mul3A_181 = arith.muli %select_n3A_179, %mul3A_180 : i32
      %add3A_182 = vector.broadcast %mul3A_181 : i32 to vector<16xi32>
      %add3A_183 = arith.addi %add3A_166, %add3A_182 : vector<16xi32>
      %mul3A_184 = arith.constant 16 : i32
      %mul3A_185 = arith.muli %scan3A_163, %mul3A_184 : i32
      %swap3A = arith.index_cast %mul3A_185 : i32 to index
      %swap3A_186 = tpu.vector_load %arg6[%swap3A] {strides = array<i32>} : memref<640xi32, #tpu.memory_space<vmem>>, vector<16xi32>,
      %swap3A_187 = vector.shape_cast %swap3A_186 : vector<16xi32> to vector<16xi32>
      %swap3A_188 = vector.shape_cast %add3A_183 : vector<16xi32> to vector<16xi32>
      tpu.vector_store %arg6[%swap3A], %swap3A_188 {strides = array<i32>} : memref<640xi32, #tpu.memory_space<vmem>>, vector<16xi32>,
      %mul3A_189 = arith.constant 16 : i32
      %mul3A_190 = arith.muli %scan3A_163, %mul3A_189 : i32
      %swap3A_191 = arith.index_cast %mul3A_190 : i32 to index
      %swap3A_192 = tpu.vector_load %arg10[%swap3A_191] {strides = array<i32>} : memref<640xi32, #tpu.memory_space<vmem>>, vector<16xi32>,
      %swap3A_193 = vector.shape_cast %swap3A_192 : vector<16xi32> to vector<16xi32>
      %swap3A_194 = vector.shape_cast %add3A_183 : vector<16xi32> to vector<16xi32>
      tpu.vector_store %arg10[%swap3A_191], %swap3A_194 {strides = array<i32>} : memref<640xi32, #tpu.memory_space<vmem>>, vector<16xi32>,
    }
    %scan3A_10 = arith.constant 40 : i32
    %mul3A = arith.constant 6272 : i32
    %mul3A_11 = arith.muli %arg1, %mul3A : i32
    %scan3A_12 = arith.constant 0 : i32
    %scan3A_13 = arith.constant 0 : i32
    %scan3A_14 = arith.constant 9 : i32
    %scan3A_15 = arith.addi %scan3A_13, %scan3A_14 : i32
    %scan3A_16 = arith.constant 1 : i32
    scf.for %scan3A_163 = %scan3A_13 to %scan3A_15 step %scan3A_16  : i32 {
      %mul3A_164 = arith.constant 640 : i32
      %mul3A_165 = arith.muli %scan3A_163, %mul3A_164 : i32
      %add3A_166 = arith.addi %mul3A_11, %mul3A_165 : i32
      "tpu.region"() ({
        %run_scoped3A = tpu.sem_alloc : memref<!tpu.dma_semaphore, #tpu.memory_space<semaphore_mem>>
        %dma_start3A_167 = arith.constant 0 : i32
        %dma_start3A_168 = tpu.memref_slice %arg13[%add3A_166, %dma_start3A_167] : memref<100352x16xf32, #tpu.memory_space<vmem_shared>> -> memref<640x16xf32, #tpu.memory_space<vmem_shared>>
        %dma_start3A_169 = arith.constant 0 : i32
        %dma_start3A_170 = tpu.memref_slice %arg13[%add3A_166, %dma_start3A_169] : memref<100352x16xf32, #tpu.memory_space<vmem_shared>> -> memref<640x16xf32, #tpu.memory_space<vmem_shared>>
        tpu.enqueue_dma source(%arg8 : memref<640x16xf32, #tpu.memory_space<vmem>>) target(%dma_start3A_170 : memref<640x16xf32, #tpu.memory_space<vmem_shared>>) target_semaphore(%run_scoped3A : memref<!tpu.dma_semaphore, #tpu.memory_space<semaphore_mem>>)
        %dma_wait3A_171 = arith.constant 0 : i32
        %dma_wait3A_172 = tpu.memref_slice %arg13[%add3A_166, %dma_wait3A_171] : memref<100352x16xf32, #tpu.memory_space<vmem_shared>> -> memref<640x16xf32, #tpu.memory_space<vmem_shared>>
        %dma_wait3A_173 = arith.constant 0 : i32
        %dma_wait3A_174 = tpu.memref_slice %arg13[%add3A_166, %dma_wait3A_173] : memref<100352x16xf32, #tpu.memory_space<vmem_shared>> -> memref<640x16xf32, #tpu.memory_space<vmem_shared>>
        tpu.wait_dma2 semaphore(%run_scoped3A : memref<!tpu.dma_semaphore, #tpu.memory_space<semaphore_mem>>) src(%arg8 : memref<640x16xf32, #tpu.memory_space<vmem>>) dst(%dma_wait3A_174 : memref<640x16xf32, #tpu.memory_space<vmem_shared>>)
        tpu.yield
      }) : () -> ()
    }
    %scan3A_17 = arith.constant 9 : i32
    %add3A = arith.constant 5760 : i32
    %add3A_18 = arith.addi %mul3A_11, %add3A : i32
    "tpu.region"() ({
      %run_scoped3A = tpu.sem_alloc : memref<!tpu.dma_semaphore, #tpu.memory_space<semaphore_mem>>
      %dma_start3A_163 = arith.constant 0 : i32
      %dma_start3A_164 = arith.constant 0 : i32
      %dma_start3A_165 = tpu.memref_slice %arg8[%dma_start3A_163, %dma_start3A_164] : memref<640x16xf32, #tpu.memory_space<vmem>> -> memref<512x16xf32, #tpu.memory_space<vmem>>
      %dma_start3A_166 = arith.constant 0 : i32
      %dma_start3A_167 = tpu.memref_slice %arg13[%add3A_18, %dma_start3A_166] : memref<100352x16xf32, #tpu.memory_space<vmem_shared>> -> memref<512x16xf32, #tpu.memory_space<vmem_shared>>
      %dma_start3A_168 = arith.constant 0 : i32
      %dma_start3A_169 = tpu.memref_slice %arg13[%add3A_18, %dma_start3A_168] : memref<100352x16xf32, #tpu.memory_space<vmem_shared>> -> memref<512x16xf32, #tpu.memory_space<vmem_shared>>
      %dma_start3A_170 = arith.constant 0 : i32
      %dma_start3A_171 = arith.constant 0 : i32
      %dma_start3A_172 = tpu.memref_slice %arg8[%dma_start3A_170, %dma_start3A_171] : memref<640x16xf32, #tpu.memory_space<vmem>> -> memref<512x16xf32, #tpu.memory_space<vmem>>
      tpu.enqueue_dma source(%dma_start3A_172 : memref<512x16xf32, #tpu.memory_space<vmem>>) target(%dma_start3A_169 : memref<512x16xf32, #tpu.memory_space<vmem_shared>>) target_semaphore(%run_scoped3A : memref<!tpu.dma_semaphore, #tpu.memory_space<semaphore_mem>>)
      %dma_wait3A_173 = arith.constant 0 : i32
      %dma_wait3A_174 = arith.constant 0 : i32
      %dma_wait3A_175 = tpu.memref_slice %arg8[%dma_wait3A_173, %dma_wait3A_174] : memref<640x16xf32, #tpu.memory_space<vmem>> -> memref<512x16xf32, #tpu.memory_space<vmem>>
      %dma_wait3A_176 = arith.constant 0 : i32
      %dma_wait3A_177 = tpu.memref_slice %arg13[%add3A_18, %dma_wait3A_176] : memref<100352x16xf32, #tpu.memory_space<vmem_shared>> -> memref<512x16xf32, #tpu.memory_space<vmem_shared>>
      %dma_wait3A_178 = arith.constant 0 : i32
      %dma_wait3A_179 = tpu.memref_slice %arg13[%add3A_18, %dma_wait3A_178] : memref<100352x16xf32, #tpu.memory_space<vmem_shared>> -> memref<512x16xf32, #tpu.memory_space<vmem_shared>>
      %dma_wait3A_180 = arith.constant 0 : i32
      %dma_wait3A_181 = arith.constant 0 : i32
      %dma_wait3A_182 = tpu.memref_slice %arg8[%dma_wait3A_180, %dma_wait3A_181] : memref<640x16xf32, #tpu.memory_space<vmem>> -> memref<512x16xf32, #tpu.memory_space<vmem>>
      tpu.wait_dma2 semaphore(%run_scoped3A : memref<!tpu.dma_semaphore, #tpu.memory_space<semaphore_mem>>) src(%dma_wait3A_182 : memref<512x16xf32, #tpu.memory_space<vmem>>) dst(%dma_wait3A_179 : memref<512x16xf32, #tpu.memory_space<vmem_shared>>)
      tpu.yield
    }) : () -> ()
    %barrier3A = arith.constant 0 : index
    tpu.barrier barrier_id(%barrier3A)
    %add3A_19 = arith.constant 0 : i32
    %add3A_20 = arith.addi %add3A_19, %arg1 : i32
    %mul3A_21 = arith.constant 640 : i32
    %mul3A_22 = arith.muli %add3A_20, %mul3A_21 : i32
    %dma_start3A = arith.constant 0 : i32
    %dma_start3A_23 = tpu.memref_slice %arg3[%dma_start3A, %mul3A_22] : memref<2x1600000xi32, #tpu.memory_space<hbm>> -> memref<1x640xi32, #tpu.memory_space<hbm>>
    %dma_start3A_24 = tpu.memref_squeeze %dma_start3A_23 : memref<1x640xi32, #tpu.memory_space<hbm>> -> memref<640xi32, #tpu.memory_space<hbm>>
    %dma_start3A_25 = tpu.memref_slice %arg3[%dma_start3A, %mul3A_22] : memref<2x1600000xi32, #tpu.memory_space<hbm>> -> memref<1x640xi32, #tpu.memory_space<hbm>>
    %dma_start3A_26 = tpu.memref_squeeze %dma_start3A_25 : memref<1x640xi32, #tpu.memory_space<hbm>> -> memref<640xi32, #tpu.memory_space<hbm>>
    tpu.enqueue_dma source(%dma_start3A_26 : memref<640xi32, #tpu.memory_space<hbm>>) target(%arg5 : memref<640xi32, #tpu.memory_space<vmem>>) target_semaphore(%arg14 : memref<!tpu.dma_semaphore, #tpu.memory_space<semaphore_mem>>)
    %add3A_27 = arith.constant 0 : i32
    %add3A_28 = arith.addi %add3A_27, %arg1 : i32
    %mul3A_29 = arith.constant 640 : i32
    %mul3A_30 = arith.muli %add3A_28, %mul3A_29 : i32
    %dma_start3A_31 = arith.constant 1 : i32
    %dma_start3A_32 = tpu.memref_slice %arg3[%dma_start3A_31, %mul3A_30] : memref<2x1600000xi32, #tpu.memory_space<hbm>> -> memref<1x640xi32, #tpu.memory_space<hbm>>
    %dma_start3A_33 = tpu.memref_squeeze %dma_start3A_32 : memref<1x640xi32, #tpu.memory_space<hbm>> -> memref<640xi32, #tpu.memory_space<hbm>>
    %dma_start3A_34 = tpu.memref_slice %arg3[%dma_start3A_31, %mul3A_30] : memref<2x1600000xi32, #tpu.memory_space<hbm>> -> memref<1x640xi32, #tpu.memory_space<hbm>>
    %dma_start3A_35 = tpu.memref_squeeze %dma_start3A_34 : memref<1x640xi32, #tpu.memory_space<hbm>> -> memref<640xi32, #tpu.memory_space<hbm>>
    tpu.enqueue_dma source(%dma_start3A_35 : memref<640xi32, #tpu.memory_space<hbm>>) target(%arg6 : memref<640xi32, #tpu.memory_space<vmem>>) target_semaphore(%arg14 : memref<!tpu.dma_semaphore, #tpu.memory_space<semaphore_mem>>)
    %dma_start3A_36 = arith.constant 0 : i32
    %dma_start3A_37 = arith.constant 0 : i32
    %dma_start3A_38 = tpu.memref_slice %arg12[%dma_start3A_36, %dma_start3A_37] : memref<640x16xf32, #tpu.memory_space<vmem>> -> memref<128x16xf32, #tpu.memory_space<vmem>>
    %dma_start3A_39 = arith.constant 0 : i32
    %dma_start3A_40 = tpu.memref_slice %arg10[%dma_start3A_39] : memref<640xi32, #tpu.memory_space<vmem>> -> memref<128xi32, #tpu.memory_space<vmem>>
    %dma_start3A_41 = arith.constant 0 : i32
    %dma_start3A_42 = arith.constant 0 : i32
    %dma_start3A_43 = tpu.memref_slice %arg13[%dma_start3A_41, %dma_start3A_42] : memref<100352x16xf32, #tpu.memory_space<vmem_shared>> -> memref<100352x16xf32, #tpu.memory_space<vmem_shared>>
    tpu.enqueue_indirect_dma source(%dma_start3A_38 : memref<128x16xf32, #tpu.memory_space<vmem>>) target(%dma_start3A_43 : memref<100352x16xf32, #tpu.memory_space<vmem_shared>>) offsets(%dma_start3A_40 : memref<128xi32, #tpu.memory_space<vmem>>) semaphore(%arg16 : memref<!tpu.dma_semaphore, #tpu.memory_space<semaphore_mem>>) {add = true}
    %dma_start3A_44 = arith.constant 128 : i32
    %dma_start3A_45 = arith.constant 0 : i32
    %dma_start3A_46 = tpu.memref_slice %arg12[%dma_start3A_44, %dma_start3A_45] : memref<640x16xf32, #tpu.memory_space<vmem>> -> memref<128x16xf32, #tpu.memory_space<vmem>>
    %dma_start3A_47 = arith.constant 128 : i32
    %dma_start3A_48 = tpu.memref_slice %arg10[%dma_start3A_47] : memref<640xi32, #tpu.memory_space<vmem>> -> memref<128xi32, #tpu.memory_space<vmem>>
    %dma_start3A_49 = arith.constant 0 : i32
    %dma_start3A_50 = arith.constant 0 : i32
    %dma_start3A_51 = tpu.memref_slice %arg13[%dma_start3A_49, %dma_start3A_50] : memref<100352x16xf32, #tpu.memory_space<vmem_shared>> -> memref<100352x16xf32, #tpu.memory_space<vmem_shared>>
    tpu.enqueue_indirect_dma source(%dma_start3A_46 : memref<128x16xf32, #tpu.memory_space<vmem>>) target(%dma_start3A_51 : memref<100352x16xf32, #tpu.memory_space<vmem_shared>>) offsets(%dma_start3A_48 : memref<128xi32, #tpu.memory_space<vmem>>) semaphore(%arg16 : memref<!tpu.dma_semaphore, #tpu.memory_space<semaphore_mem>>) {add = true}
    %dma_start3A_52 = arith.constant 256 : i32
    %dma_start3A_53 = arith.constant 0 : i32
    %dma_start3A_54 = tpu.memref_slice %arg12[%dma_start3A_52, %dma_start3A_53] : memref<640x16xf32, #tpu.memory_space<vmem>> -> memref<128x16xf32, #tpu.memory_space<vmem>>
    %dma_start3A_55 = arith.constant 256 : i32
    %dma_start3A_56 = tpu.memref_slice %arg10[%dma_start3A_55] : memref<640xi32, #tpu.memory_space<vmem>> -> memref<128xi32, #tpu.memory_space<vmem>>
    %dma_start3A_57 = arith.constant 0 : i32
    %dma_start3A_58 = arith.constant 0 : i32
    %dma_start3A_59 = tpu.memref_slice %arg13[%dma_start3A_57, %dma_start3A_58] : memref<100352x16xf32, #tpu.memory_space<vmem_shared>> -> memref<100352x16xf32, #tpu.memory_space<vmem_shared>>
    tpu.enqueue_indirect_dma source(%dma_start3A_54 : memref<128x16xf32, #tpu.memory_space<vmem>>) target(%dma_start3A_59 : memref<100352x16xf32, #tpu.memory_space<vmem_shared>>) offsets(%dma_start3A_56 : memref<128xi32, #tpu.memory_space<vmem>>) semaphore(%arg16 : memref<!tpu.dma_semaphore, #tpu.memory_space<semaphore_mem>>) {add = true}
    %dma_start3A_60 = arith.constant 384 : i32
    %dma_start3A_61 = arith.constant 0 : i32
    %dma_start3A_62 = tpu.memref_slice %arg12[%dma_start3A_60, %dma_start3A_61] : memref<640x16xf32, #tpu.memory_space<vmem>> -> memref<128x16xf32, #tpu.memory_space<vmem>>
    %dma_start3A_63 = arith.constant 384 : i32
    %dma_start3A_64 = tpu.memref_slice %arg10[%dma_start3A_63] : memref<640xi32, #tpu.memory_space<vmem>> -> memref<128xi32, #tpu.memory_space<vmem>>
    %dma_start3A_65 = arith.constant 0 : i32
    %dma_start3A_66 = arith.constant 0 : i32
    %dma_start3A_67 = tpu.memref_slice %arg13[%dma_start3A_65, %dma_start3A_66] : memref<100352x16xf32, #tpu.memory_space<vmem_shared>> -> memref<100352x16xf32, #tpu.memory_space<vmem_shared>>
    tpu.enqueue_indirect_dma source(%dma_start3A_62 : memref<128x16xf32, #tpu.memory_space<vmem>>) target(%dma_start3A_67 : memref<100352x16xf32, #tpu.memory_space<vmem_shared>>) offsets(%dma_start3A_64 : memref<128xi32, #tpu.memory_space<vmem>>) semaphore(%arg16 : memref<!tpu.dma_semaphore, #tpu.memory_space<semaphore_mem>>) {add = true}
    %dma_start3A_68 = arith.constant 512 : i32
    %dma_start3A_69 = arith.constant 0 : i32
    %dma_start3A_70 = tpu.memref_slice %arg12[%dma_start3A_68, %dma_start3A_69] : memref<640x16xf32, #tpu.memory_space<vmem>> -> memref<128x16xf32, #tpu.memory_space<vmem>>
    %dma_start3A_71 = arith.constant 512 : i32
    %dma_start3A_72 = tpu.memref_slice %arg10[%dma_start3A_71] : memref<640xi32, #tpu.memory_space<vmem>> -> memref<128xi32, #tpu.memory_space<vmem>>
    %dma_start3A_73 = arith.constant 0 : i32
    %dma_start3A_74 = arith.constant 0 : i32
    %dma_start3A_75 = tpu.memref_slice %arg13[%dma_start3A_73, %dma_start3A_74] : memref<100352x16xf32, #tpu.memory_space<vmem_shared>> -> memref<100352x16xf32, #tpu.memory_space<vmem_shared>>
    tpu.enqueue_indirect_dma source(%dma_start3A_70 : memref<128x16xf32, #tpu.memory_space<vmem>>) target(%dma_start3A_75 : memref<100352x16xf32, #tpu.memory_space<vmem_shared>>) offsets(%dma_start3A_72 : memref<128xi32, #tpu.memory_space<vmem>>) semaphore(%arg16 : memref<!tpu.dma_semaphore, #tpu.memory_space<semaphore_mem>>) {add = true}
    %scan3A_76 = arith.constant 0 : i32
    %scan3A_77 = arith.constant 0 : i32
    %scan3A_78 = arith.constant 78 : i32
    %scan3A_79 = arith.addi %scan3A_77, %scan3A_78 : i32
    %scan3A_80 = arith.constant 1 : i32
    scf.for %scan3A_163 = %scan3A_77 to %scan3A_79 step %scan3A_80  : i32 {
      %mul3A_164 = arith.constant 2 : i32
      %mul3A_165 = arith.muli %mul3A_164, %scan3A_163 : i32
      %add3A_166 = arith.constant 0 : i32
      %add3A_167 = arith.addi %mul3A_165, %add3A_166 : i32
      %mul3A_168 = arith.constant 16 : i32
      %mul3A_169 = arith.muli %add3A_167, %mul3A_168 : i32
      %add3A_170 = arith.addi %mul3A_169, %arg1 : i32
      %mul3A_171 = arith.constant 640 : i32
      %mul3A_172 = arith.muli %add3A_170, %mul3A_171 : i32
      %dma_wait3A_173 = arith.constant 0 : i32
      %dma_wait3A_174 = tpu.memref_slice %arg3[%dma_wait3A_173, %mul3A_172] : memref<2x1600000xi32, #tpu.memory_space<hbm>> -> memref<1x640xi32, #tpu.memory_space<hbm>>
      %dma_wait3A_175 = tpu.memref_squeeze %dma_wait3A_174 : memref<1x640xi32, #tpu.memory_space<hbm>> -> memref<640xi32, #tpu.memory_space<hbm>>
      %dma_wait3A_176 = tpu.memref_slice %arg3[%dma_wait3A_173, %mul3A_172] : memref<2x1600000xi32, #tpu.memory_space<hbm>> -> memref<1x640xi32, #tpu.memory_space<hbm>>
      %dma_wait3A_177 = tpu.memref_squeeze %dma_wait3A_176 : memref<1x640xi32, #tpu.memory_space<hbm>> -> memref<640xi32, #tpu.memory_space<hbm>>
      tpu.wait_dma2 semaphore(%arg14 : memref<!tpu.dma_semaphore, #tpu.memory_space<semaphore_mem>>) src(%dma_wait3A_177 : memref<640xi32, #tpu.memory_space<hbm>>) dst(%arg5 : memref<640xi32, #tpu.memory_space<vmem>>)
      %dma_wait3A_178 = arith.constant 1 : i32
      %dma_wait3A_179 = tpu.memref_slice %arg3[%dma_wait3A_178, %mul3A_172] : memref<2x1600000xi32, #tpu.memory_space<hbm>> -> memref<1x640xi32, #tpu.memory_space<hbm>>
      %dma_wait3A_180 = tpu.memref_squeeze %dma_wait3A_179 : memref<1x640xi32, #tpu.memory_space<hbm>> -> memref<640xi32, #tpu.memory_space<hbm>>
      %dma_wait3A_181 = tpu.memref_slice %arg3[%dma_wait3A_178, %mul3A_172] : memref<2x1600000xi32, #tpu.memory_space<hbm>> -> memref<1x640xi32, #tpu.memory_space<hbm>>
      %dma_wait3A_182 = tpu.memref_squeeze %dma_wait3A_181 : memref<1x640xi32, #tpu.memory_space<hbm>> -> memref<640xi32, #tpu.memory_space<hbm>>
      tpu.wait_dma2 semaphore(%arg14 : memref<!tpu.dma_semaphore, #tpu.memory_space<semaphore_mem>>) src(%dma_wait3A_182 : memref<640xi32, #tpu.memory_space<hbm>>) dst(%arg6 : memref<640xi32, #tpu.memory_space<vmem>>)
      %scan3A_183 = arith.constant 0 : i32
      %scan3A_184 = arith.constant 0 : i32
      %scan3A_185 = arith.constant 40 : i32
      %scan3A_186 = arith.addi %scan3A_184, %scan3A_185 : i32
      %scan3A_187 = arith.constant 1 : i32
      scf.for %scan3A_571 = %scan3A_184 to %scan3A_186 step %scan3A_187  : i32 {
        %mul3A_572 = arith.constant 16 : i32
        %mul3A_573 = arith.muli %scan3A_571, %mul3A_572 : i32
        %get3A = arith.index_cast %mul3A_573 : i32 to index
        %get3A_574 = tpu.vector_load %arg5[%get3A] {strides = array<i32>} : memref<640xi32, #tpu.memory_space<vmem>>, vector<16xi32>,
        %get3A_575 = vector.shape_cast %get3A_574 : vector<16xi32> to vector<16xi32>
        %mul3A_576 = arith.constant 2 : i32
        %mul3A_577 = vector.broadcast %mul3A_576 : i32 to vector<16xi32>
        %mul3A_578 = arith.muli %get3A_575, %mul3A_577 : vector<16xi32>
        %add3A_579 = vector.broadcast %arg0 : i32 to vector<16xi32>
        %add3A_580 = arith.addi %mul3A_578, %add3A_579 : vector<16xi32>
        %mul3A_581 = arith.constant 16 : i32
        %mul3A_582 = arith.muli %scan3A_571, %mul3A_581 : i32
        %swap3A = arith.index_cast %mul3A_582 : i32 to index
        %swap3A_583 = tpu.vector_load %arg7[%swap3A] {strides = array<i32>} : memref<640xi32, #tpu.memory_space<vmem>>, vector<16xi32>,
        %swap3A_584 = vector.shape_cast %swap3A_583 : vector<16xi32> to vector<16xi32>
        %swap3A_585 = vector.shape_cast %add3A_580 : vector<16xi32> to vector<16xi32>
        tpu.vector_store %arg7[%swap3A], %swap3A_585 {strides = array<i32>} : memref<640xi32, #tpu.memory_space<vmem>>, vector<16xi32>,
      }
      %scan3A_188 = arith.constant 40 : i32
      %dma_start3A_189 = arith.constant 0 : i32
      %dma_start3A_190 = arith.constant 0 : i32
      %dma_start3A_191 = tpu.memref_slice %arg8[%dma_start3A_189, %dma_start3A_190] : memref<640x16xf32, #tpu.memory_space<vmem>> -> memref<128x16xf32, #tpu.memory_space<vmem>>
      %dma_start3A_192 = arith.constant 0 : i32
      %dma_start3A_193 = tpu.memref_slice %arg7[%dma_start3A_192] : memref<640xi32, #tpu.memory_space<vmem>> -> memref<128xi32, #tpu.memory_space<vmem>>
      %dma_start3A_194 = arith.constant 0 : i32
      %dma_start3A_195 = arith.constant 0 : i32
      %dma_start3A_196 = tpu.memref_slice %arg2[%dma_start3A_194, %dma_start3A_195] : memref<200000x16xf32, #tpu.memory_space<hbm>> -> memref<200000x16xf32, #tpu.memory_space<hbm>>
      tpu.enqueue_indirect_dma source(%dma_start3A_196 : memref<200000x16xf32, #tpu.memory_space<hbm>>) target(%dma_start3A_191 : memref<128x16xf32, #tpu.memory_space<vmem>>) offsets(%dma_start3A_193 : memref<128xi32, #tpu.memory_space<vmem>>) semaphore(%arg15 : memref<!tpu.dma_semaphore, #tpu.memory_space<semaphore_mem>>)
      %dma_start3A_197 = arith.constant 128 : i32
      %dma_start3A_198 = arith.constant 0 : i32
      %dma_start3A_199 = tpu.memref_slice %arg8[%dma_start3A_197, %dma_start3A_198] : memref<640x16xf32, #tpu.memory_space<vmem>> -> memref<128x16xf32, #tpu.memory_space<vmem>>
      %dma_start3A_200 = arith.constant 128 : i32
      %dma_start3A_201 = tpu.memref_slice %arg7[%dma_start3A_200] : memref<640xi32, #tpu.memory_space<vmem>> -> memref<128xi32, #tpu.memory_space<vmem>>
      %dma_start3A_202 = arith.constant 0 : i32
      %dma_start3A_203 = arith.constant 0 : i32
      %dma_start3A_204 = tpu.memref_slice %arg2[%dma_start3A_202, %dma_start3A_203] : memref<200000x16xf32, #tpu.memory_space<hbm>> -> memref<200000x16xf32, #tpu.memory_space<hbm>>
      tpu.enqueue_indirect_dma source(%dma_start3A_204 : memref<200000x16xf32, #tpu.memory_space<hbm>>) target(%dma_start3A_199 : memref<128x16xf32, #tpu.memory_space<vmem>>) offsets(%dma_start3A_201 : memref<128xi32, #tpu.memory_space<vmem>>) semaphore(%arg15 : memref<!tpu.dma_semaphore, #tpu.memory_space<semaphore_mem>>)
      %dma_start3A_205 = arith.constant 256 : i32
      %dma_start3A_206 = arith.constant 0 : i32
      %dma_start3A_207 = tpu.memref_slice %arg8[%dma_start3A_205, %dma_start3A_206] : memref<640x16xf32, #tpu.memory_space<vmem>> -> memref<128x16xf32, #tpu.memory_space<vmem>>
      %dma_start3A_208 = arith.constant 256 : i32
      %dma_start3A_209 = tpu.memref_slice %arg7[%dma_start3A_208] : memref<640xi32, #tpu.memory_space<vmem>> -> memref<128xi32, #tpu.memory_space<vmem>>
      %dma_start3A_210 = arith.constant 0 : i32
      %dma_start3A_211 = arith.constant 0 : i32
      %dma_start3A_212 = tpu.memref_slice %arg2[%dma_start3A_210, %dma_start3A_211] : memref<200000x16xf32, #tpu.memory_space<hbm>> -> memref<200000x16xf32, #tpu.memory_space<hbm>>
      tpu.enqueue_indirect_dma source(%dma_start3A_212 : memref<200000x16xf32, #tpu.memory_space<hbm>>) target(%dma_start3A_207 : memref<128x16xf32, #tpu.memory_space<vmem>>) offsets(%dma_start3A_209 : memref<128xi32, #tpu.memory_space<vmem>>) semaphore(%arg15 : memref<!tpu.dma_semaphore, #tpu.memory_space<semaphore_mem>>)
      %dma_start3A_213 = arith.constant 384 : i32
      %dma_start3A_214 = arith.constant 0 : i32
      %dma_start3A_215 = tpu.memref_slice %arg8[%dma_start3A_213, %dma_start3A_214] : memref<640x16xf32, #tpu.memory_space<vmem>> -> memref<128x16xf32, #tpu.memory_space<vmem>>
      %dma_start3A_216 = arith.constant 384 : i32
      %dma_start3A_217 = tpu.memref_slice %arg7[%dma_start3A_216] : memref<640xi32, #tpu.memory_space<vmem>> -> memref<128xi32, #tpu.memory_space<vmem>>
      %dma_start3A_218 = arith.constant 0 : i32
      %dma_start3A_219 = arith.constant 0 : i32
      %dma_start3A_220 = tpu.memref_slice %arg2[%dma_start3A_218, %dma_start3A_219] : memref<200000x16xf32, #tpu.memory_space<hbm>> -> memref<200000x16xf32, #tpu.memory_space<hbm>>
      tpu.enqueue_indirect_dma source(%dma_start3A_220 : memref<200000x16xf32, #tpu.memory_space<hbm>>) target(%dma_start3A_215 : memref<128x16xf32, #tpu.memory_space<vmem>>) offsets(%dma_start3A_217 : memref<128xi32, #tpu.memory_space<vmem>>) semaphore(%arg15 : memref<!tpu.dma_semaphore, #tpu.memory_space<semaphore_mem>>)
      %dma_start3A_221 = arith.constant 512 : i32
      %dma_start3A_222 = arith.constant 0 : i32
      %dma_start3A_223 = tpu.memref_slice %arg8[%dma_start3A_221, %dma_start3A_222] : memref<640x16xf32, #tpu.memory_space<vmem>> -> memref<128x16xf32, #tpu.memory_space<vmem>>
      %dma_start3A_224 = arith.constant 512 : i32
      %dma_start3A_225 = tpu.memref_slice %arg7[%dma_start3A_224] : memref<640xi32, #tpu.memory_space<vmem>> -> memref<128xi32, #tpu.memory_space<vmem>>
      %dma_start3A_226 = arith.constant 0 : i32
      %dma_start3A_227 = arith.constant 0 : i32
      %dma_start3A_228 = tpu.memref_slice %arg2[%dma_start3A_226, %dma_start3A_227] : memref<200000x16xf32, #tpu.memory_space<hbm>> -> memref<200000x16xf32, #tpu.memory_space<hbm>>
      tpu.enqueue_indirect_dma source(%dma_start3A_228 : memref<200000x16xf32, #tpu.memory_space<hbm>>) target(%dma_start3A_223 : memref<128x16xf32, #tpu.memory_space<vmem>>) offsets(%dma_start3A_225 : memref<128xi32, #tpu.memory_space<vmem>>) semaphore(%arg15 : memref<!tpu.dma_semaphore, #tpu.memory_space<semaphore_mem>>)
      %dma_wait3A_229 = arith.constant 0 : i32
      %dma_wait3A_230 = arith.constant 0 : i32
      %dma_wait3A_231 = tpu.memref_slice %arg12[%dma_wait3A_229, %dma_wait3A_230] : memref<640x16xf32, #tpu.memory_space<vmem>> -> memref<128x16xf32, #tpu.memory_space<vmem>>
      %dma_wait3A_232 = arith.constant 0 : i32
      %dma_wait3A_233 = tpu.memref_slice %arg10[%dma_wait3A_232] : memref<640xi32, #tpu.memory_space<vmem>> -> memref<128xi32, #tpu.memory_space<vmem>>
      %dma_wait3A_234 = arith.constant 0 : i32
      %dma_wait3A_235 = arith.constant 0 : i32
      %dma_wait3A_236 = tpu.memref_slice %arg13[%dma_wait3A_234, %dma_wait3A_235] : memref<100352x16xf32, #tpu.memory_space<vmem_shared>> -> memref<100352x16xf32, #tpu.memory_space<vmem_shared>>
      tpu.wait_indirect_dma semaphore(%arg16 : memref<!tpu.dma_semaphore, #tpu.memory_space<semaphore_mem>>) src(%dma_wait3A_231 : memref<128x16xf32, #tpu.memory_space<vmem>>) dst(%dma_wait3A_236 : memref<100352x16xf32, #tpu.memory_space<vmem_shared>>)
      %dma_wait3A_237 = arith.constant 128 : i32
      %dma_wait3A_238 = arith.constant 0 : i32
      %dma_wait3A_239 = tpu.memref_slice %arg12[%dma_wait3A_237, %dma_wait3A_238] : memref<640x16xf32, #tpu.memory_space<vmem>> -> memref<128x16xf32, #tpu.memory_space<vmem>>
      %dma_wait3A_240 = arith.constant 128 : i32
      %dma_wait3A_241 = tpu.memref_slice %arg10[%dma_wait3A_240] : memref<640xi32, #tpu.memory_space<vmem>> -> memref<128xi32, #tpu.memory_space<vmem>>
      %dma_wait3A_242 = arith.constant 0 : i32
      %dma_wait3A_243 = arith.constant 0 : i32
      %dma_wait3A_244 = tpu.memref_slice %arg13[%dma_wait3A_242, %dma_wait3A_243] : memref<100352x16xf32, #tpu.memory_space<vmem_shared>> -> memref<100352x16xf32, #tpu.memory_space<vmem_shared>>
      tpu.wait_indirect_dma semaphore(%arg16 : memref<!tpu.dma_semaphore, #tpu.memory_space<semaphore_mem>>) src(%dma_wait3A_239 : memref<128x16xf32, #tpu.memory_space<vmem>>) dst(%dma_wait3A_244 : memref<100352x16xf32, #tpu.memory_space<vmem_shared>>)
      %dma_wait3A_245 = arith.constant 256 : i32
      %dma_wait3A_246 = arith.constant 0 : i32
      %dma_wait3A_247 = tpu.memref_slice %arg12[%dma_wait3A_245, %dma_wait3A_246] : memref<640x16xf32, #tpu.memory_space<vmem>> -> memref<128x16xf32, #tpu.memory_space<vmem>>
      %dma_wait3A_248 = arith.constant 256 : i32
      %dma_wait3A_249 = tpu.memref_slice %arg10[%dma_wait3A_248] : memref<640xi32, #tpu.memory_space<vmem>> -> memref<128xi32, #tpu.memory_space<vmem>>
      %dma_wait3A_250 = arith.constant 0 : i32
      %dma_wait3A_251 = arith.constant 0 : i32
      %dma_wait3A_252 = tpu.memref_slice %arg13[%dma_wait3A_250, %dma_wait3A_251] : memref<100352x16xf32, #tpu.memory_space<vmem_shared>> -> memref<100352x16xf32, #tpu.memory_space<vmem_shared>>
      tpu.wait_indirect_dma semaphore(%arg16 : memref<!tpu.dma_semaphore, #tpu.memory_space<semaphore_mem>>) src(%dma_wait3A_247 : memref<128x16xf32, #tpu.memory_space<vmem>>) dst(%dma_wait3A_252 : memref<100352x16xf32, #tpu.memory_space<vmem_shared>>)
      %dma_wait3A_253 = arith.constant 384 : i32
      %dma_wait3A_254 = arith.constant 0 : i32
      %dma_wait3A_255 = tpu.memref_slice %arg12[%dma_wait3A_253, %dma_wait3A_254] : memref<640x16xf32, #tpu.memory_space<vmem>> -> memref<128x16xf32, #tpu.memory_space<vmem>>
      %dma_wait3A_256 = arith.constant 384 : i32
      %dma_wait3A_257 = tpu.memref_slice %arg10[%dma_wait3A_256] : memref<640xi32, #tpu.memory_space<vmem>> -> memref<128xi32, #tpu.memory_space<vmem>>
      %dma_wait3A_258 = arith.constant 0 : i32
      %dma_wait3A_259 = arith.constant 0 : i32
      %dma_wait3A_260 = tpu.memref_slice %arg13[%dma_wait3A_258, %dma_wait3A_259] : memref<100352x16xf32, #tpu.memory_space<vmem_shared>> -> memref<100352x16xf32, #tpu.memory_space<vmem_shared>>
      tpu.wait_indirect_dma semaphore(%arg16 : memref<!tpu.dma_semaphore, #tpu.memory_space<semaphore_mem>>) src(%dma_wait3A_255 : memref<128x16xf32, #tpu.memory_space<vmem>>) dst(%dma_wait3A_260 : memref<100352x16xf32, #tpu.memory_space<vmem_shared>>)
      %dma_wait3A_261 = arith.constant 512 : i32
      %dma_wait3A_262 = arith.constant 0 : i32
      %dma_wait3A_263 = tpu.memref_slice %arg12[%dma_wait3A_261, %dma_wait3A_262] : memref<640x16xf32, #tpu.memory_space<vmem>> -> memref<128x16xf32, #tpu.memory_space<vmem>>
      %dma_wait3A_264 = arith.constant 512 : i32
      %dma_wait3A_265 = tpu.memref_slice %arg10[%dma_wait3A_264] : memref<640xi32, #tpu.memory_space<vmem>> -> memref<128xi32, #tpu.memory_space<vmem>>
      %dma_wait3A_266 = arith.constant 0 : i32
      %dma_wait3A_267 = arith.constant 0 : i32
      %dma_wait3A_268 = tpu.memref_slice %arg13[%dma_wait3A_266, %dma_wait3A_267] : memref<100352x16xf32, #tpu.memory_space<vmem_shared>> -> memref<100352x16xf32, #tpu.memory_space<vmem_shared>>
      tpu.wait_indirect_dma semaphore(%arg16 : memref<!tpu.dma_semaphore, #tpu.memory_space<semaphore_mem>>) src(%dma_wait3A_263 : memref<128x16xf32, #tpu.memory_space<vmem>>) dst(%dma_wait3A_268 : memref<100352x16xf32, #tpu.memory_space<vmem_shared>>)
      %add3A_269 = arith.constant 1 : i32
      %add3A_270 = arith.addi %add3A_167, %add3A_269 : i32
      %min3A = arith.constant 155 : i32
      %min3A_271 = arith.minsi %add3A_270, %min3A : i32
      %mul3A_272 = arith.constant 16 : i32
      %mul3A_273 = arith.muli %min3A_271, %mul3A_272 : i32
      %add3A_274 = arith.addi %mul3A_273, %arg1 : i32
      %mul3A_275 = arith.constant 640 : i32
      %mul3A_276 = arith.muli %add3A_274, %mul3A_275 : i32
      %dma_start3A_277 = arith.constant 0 : i32
      %dma_start3A_278 = tpu.memref_slice %arg3[%dma_start3A_277, %mul3A_276] : memref<2x1600000xi32, #tpu.memory_space<hbm>> -> memref<1x640xi32, #tpu.memory_space<hbm>>
      %dma_start3A_279 = tpu.memref_squeeze %dma_start3A_278 : memref<1x640xi32, #tpu.memory_space<hbm>> -> memref<640xi32, #tpu.memory_space<hbm>>
      %dma_start3A_280 = tpu.memref_slice %arg3[%dma_start3A_277, %mul3A_276] : memref<2x1600000xi32, #tpu.memory_space<hbm>> -> memref<1x640xi32, #tpu.memory_space<hbm>>
      %dma_start3A_281 = tpu.memref_squeeze %dma_start3A_280 : memref<1x640xi32, #tpu.memory_space<hbm>> -> memref<640xi32, #tpu.memory_space<hbm>>
      tpu.enqueue_dma source(%dma_start3A_281 : memref<640xi32, #tpu.memory_space<hbm>>) target(%arg9 : memref<640xi32, #tpu.memory_space<vmem>>) target_semaphore(%arg14 : memref<!tpu.dma_semaphore, #tpu.memory_space<semaphore_mem>>)
      %dma_start3A_282 = arith.constant 1 : i32
      %dma_start3A_283 = tpu.memref_slice %arg3[%dma_start3A_282, %mul3A_276] : memref<2x1600000xi32, #tpu.memory_space<hbm>> -> memref<1x640xi32, #tpu.memory_space<hbm>>
      %dma_start3A_284 = tpu.memref_squeeze %dma_start3A_283 : memref<1x640xi32, #tpu.memory_space<hbm>> -> memref<640xi32, #tpu.memory_space<hbm>>
      %dma_start3A_285 = tpu.memref_slice %arg3[%dma_start3A_282, %mul3A_276] : memref<2x1600000xi32, #tpu.memory_space<hbm>> -> memref<1x640xi32, #tpu.memory_space<hbm>>
      %dma_start3A_286 = tpu.memref_squeeze %dma_start3A_285 : memref<1x640xi32, #tpu.memory_space<hbm>> -> memref<640xi32, #tpu.memory_space<hbm>>
      tpu.enqueue_dma source(%dma_start3A_286 : memref<640xi32, #tpu.memory_space<hbm>>) target(%arg10 : memref<640xi32, #tpu.memory_space<vmem>>) target_semaphore(%arg14 : memref<!tpu.dma_semaphore, #tpu.memory_space<semaphore_mem>>)
      %dma_wait3A_287 = arith.constant 0 : i32
      %dma_wait3A_288 = arith.constant 0 : i32
      %dma_wait3A_289 = tpu.memref_slice %arg8[%dma_wait3A_287, %dma_wait3A_288] : memref<640x16xf32, #tpu.memory_space<vmem>> -> memref<128x16xf32, #tpu.memory_space<vmem>>
      %dma_wait3A_290 = arith.constant 0 : i32
      %dma_wait3A_291 = tpu.memref_slice %arg7[%dma_wait3A_290] : memref<640xi32, #tpu.memory_space<vmem>> -> memref<128xi32, #tpu.memory_space<vmem>>
      %dma_wait3A_292 = arith.constant 0 : i32
      %dma_wait3A_293 = arith.constant 0 : i32
      %dma_wait3A_294 = tpu.memref_slice %arg2[%dma_wait3A_292, %dma_wait3A_293] : memref<200000x16xf32, #tpu.memory_space<hbm>> -> memref<200000x16xf32, #tpu.memory_space<hbm>>
      tpu.wait_indirect_dma semaphore(%arg15 : memref<!tpu.dma_semaphore, #tpu.memory_space<semaphore_mem>>) src(%dma_wait3A_294 : memref<200000x16xf32, #tpu.memory_space<hbm>>) dst(%dma_wait3A_289 : memref<128x16xf32, #tpu.memory_space<vmem>>)
      %dma_wait3A_295 = arith.constant 128 : i32
      %dma_wait3A_296 = arith.constant 0 : i32
      %dma_wait3A_297 = tpu.memref_slice %arg8[%dma_wait3A_295, %dma_wait3A_296] : memref<640x16xf32, #tpu.memory_space<vmem>> -> memref<128x16xf32, #tpu.memory_space<vmem>>
      %dma_wait3A_298 = arith.constant 128 : i32
      %dma_wait3A_299 = tpu.memref_slice %arg7[%dma_wait3A_298] : memref<640xi32, #tpu.memory_space<vmem>> -> memref<128xi32, #tpu.memory_space<vmem>>
      %dma_wait3A_300 = arith.constant 0 : i32
      %dma_wait3A_301 = arith.constant 0 : i32
      %dma_wait3A_302 = tpu.memref_slice %arg2[%dma_wait3A_300, %dma_wait3A_301] : memref<200000x16xf32, #tpu.memory_space<hbm>> -> memref<200000x16xf32, #tpu.memory_space<hbm>>
      tpu.wait_indirect_dma semaphore(%arg15 : memref<!tpu.dma_semaphore, #tpu.memory_space<semaphore_mem>>) src(%dma_wait3A_302 : memref<200000x16xf32, #tpu.memory_space<hbm>>) dst(%dma_wait3A_297 : memref<128x16xf32, #tpu.memory_space<vmem>>)
      %dma_wait3A_303 = arith.constant 256 : i32
      %dma_wait3A_304 = arith.constant 0 : i32
      %dma_wait3A_305 = tpu.memref_slice %arg8[%dma_wait3A_303, %dma_wait3A_304] : memref<640x16xf32, #tpu.memory_space<vmem>> -> memref<128x16xf32, #tpu.memory_space<vmem>>
      %dma_wait3A_306 = arith.constant 256 : i32
      %dma_wait3A_307 = tpu.memref_slice %arg7[%dma_wait3A_306] : memref<640xi32, #tpu.memory_space<vmem>> -> memref<128xi32, #tpu.memory_space<vmem>>
      %dma_wait3A_308 = arith.constant 0 : i32
      %dma_wait3A_309 = arith.constant 0 : i32
      %dma_wait3A_310 = tpu.memref_slice %arg2[%dma_wait3A_308, %dma_wait3A_309] : memref<200000x16xf32, #tpu.memory_space<hbm>> -> memref<200000x16xf32, #tpu.memory_space<hbm>>
      tpu.wait_indirect_dma semaphore(%arg15 : memref<!tpu.dma_semaphore, #tpu.memory_space<semaphore_mem>>) src(%dma_wait3A_310 : memref<200000x16xf32, #tpu.memory_space<hbm>>) dst(%dma_wait3A_305 : memref<128x16xf32, #tpu.memory_space<vmem>>)
      %dma_wait3A_311 = arith.constant 384 : i32
      %dma_wait3A_312 = arith.constant 0 : i32
      %dma_wait3A_313 = tpu.memref_slice %arg8[%dma_wait3A_311, %dma_wait3A_312] : memref<640x16xf32, #tpu.memory_space<vmem>> -> memref<128x16xf32, #tpu.memory_space<vmem>>
      %dma_wait3A_314 = arith.constant 384 : i32
      %dma_wait3A_315 = tpu.memref_slice %arg7[%dma_wait3A_314] : memref<640xi32, #tpu.memory_space<vmem>> -> memref<128xi32, #tpu.memory_space<vmem>>
      %dma_wait3A_316 = arith.constant 0 : i32
      %dma_wait3A_317 = arith.constant 0 : i32
      %dma_wait3A_318 = tpu.memref_slice %arg2[%dma_wait3A_316, %dma_wait3A_317] : memref<200000x16xf32, #tpu.memory_space<hbm>> -> memref<200000x16xf32, #tpu.memory_space<hbm>>
      tpu.wait_indirect_dma semaphore(%arg15 : memref<!tpu.dma_semaphore, #tpu.memory_space<semaphore_mem>>) src(%dma_wait3A_318 : memref<200000x16xf32, #tpu.memory_space<hbm>>) dst(%dma_wait3A_313 : memref<128x16xf32, #tpu.memory_space<vmem>>)
      %dma_wait3A_319 = arith.constant 512 : i32
      %dma_wait3A_320 = arith.constant 0 : i32
      %dma_wait3A_321 = tpu.memref_slice %arg8[%dma_wait3A_319, %dma_wait3A_320] : memref<640x16xf32, #tpu.memory_space<vmem>> -> memref<128x16xf32, #tpu.memory_space<vmem>>
      %dma_wait3A_322 = arith.constant 512 : i32
      %dma_wait3A_323 = tpu.memref_slice %arg7[%dma_wait3A_322] : memref<640xi32, #tpu.memory_space<vmem>> -> memref<128xi32, #tpu.memory_space<vmem>>
      %dma_wait3A_324 = arith.constant 0 : i32
      %dma_wait3A_325 = arith.constant 0 : i32
      %dma_wait3A_326 = tpu.memref_slice %arg2[%dma_wait3A_324, %dma_wait3A_325] : memref<200000x16xf32, #tpu.memory_space<hbm>> -> memref<200000x16xf32, #tpu.memory_space<hbm>>
      tpu.wait_indirect_dma semaphore(%arg15 : memref<!tpu.dma_semaphore, #tpu.memory_space<semaphore_mem>>) src(%dma_wait3A_326 : memref<200000x16xf32, #tpu.memory_space<hbm>>) dst(%dma_wait3A_321 : memref<128x16xf32, #tpu.memory_space<vmem>>)
      %dma_start3A_327 = arith.constant 0 : i32
      %dma_start3A_328 = arith.constant 0 : i32
      %dma_start3A_329 = tpu.memref_slice %arg8[%dma_start3A_327, %dma_start3A_328] : memref<640x16xf32, #tpu.memory_space<vmem>> -> memref<128x16xf32, #tpu.memory_space<vmem>>
      %dma_start3A_330 = arith.constant 0 : i32
      %dma_start3A_331 = tpu.memref_slice %arg6[%dma_start3A_330] : memref<640xi32, #tpu.memory_space<vmem>> -> memref<128xi32, #tpu.memory_space<vmem>>
      %dma_start3A_332 = arith.constant 0 : i32
      %dma_start3A_333 = arith.constant 0 : i32
      %dma_start3A_334 = tpu.memref_slice %arg13[%dma_start3A_332, %dma_start3A_333] : memref<100352x16xf32, #tpu.memory_space<vmem_shared>> -> memref<100352x16xf32, #tpu.memory_space<vmem_shared>>
      tpu.enqueue_indirect_dma source(%dma_start3A_329 : memref<128x16xf32, #tpu.memory_space<vmem>>) target(%dma_start3A_334 : memref<100352x16xf32, #tpu.memory_space<vmem_shared>>) offsets(%dma_start3A_331 : memref<128xi32, #tpu.memory_space<vmem>>) semaphore(%arg16 : memref<!tpu.dma_semaphore, #tpu.memory_space<semaphore_mem>>) {add = true}
      %dma_start3A_335 = arith.constant 128 : i32
      %dma_start3A_336 = arith.constant 0 : i32
      %dma_start3A_337 = tpu.memref_slice %arg8[%dma_start3A_335, %dma_start3A_336] : memref<640x16xf32, #tpu.memory_space<vmem>> -> memref<128x16xf32, #tpu.memory_space<vmem>>
      %dma_start3A_338 = arith.constant 128 : i32
      %dma_start3A_339 = tpu.memref_slice %arg6[%dma_start3A_338] : memref<640xi32, #tpu.memory_space<vmem>> -> memref<128xi32, #tpu.memory_space<vmem>>
      %dma_start3A_340 = arith.constant 0 : i32
      %dma_start3A_341 = arith.constant 0 : i32
      %dma_start3A_342 = tpu.memref_slice %arg13[%dma_start3A_340, %dma_start3A_341] : memref<100352x16xf32, #tpu.memory_space<vmem_shared>> -> memref<100352x16xf32, #tpu.memory_space<vmem_shared>>
      tpu.enqueue_indirect_dma source(%dma_start3A_337 : memref<128x16xf32, #tpu.memory_space<vmem>>) target(%dma_start3A_342 : memref<100352x16xf32, #tpu.memory_space<vmem_shared>>) offsets(%dma_start3A_339 : memref<128xi32, #tpu.memory_space<vmem>>) semaphore(%arg16 : memref<!tpu.dma_semaphore, #tpu.memory_space<semaphore_mem>>) {add = true}
      %dma_start3A_343 = arith.constant 256 : i32
      %dma_start3A_344 = arith.constant 0 : i32
      %dma_start3A_345 = tpu.memref_slice %arg8[%dma_start3A_343, %dma_start3A_344] : memref<640x16xf32, #tpu.memory_space<vmem>> -> memref<128x16xf32, #tpu.memory_space<vmem>>
      %dma_start3A_346 = arith.constant 256 : i32
      %dma_start3A_347 = tpu.memref_slice %arg6[%dma_start3A_346] : memref<640xi32, #tpu.memory_space<vmem>> -> memref<128xi32, #tpu.memory_space<vmem>>
      %dma_start3A_348 = arith.constant 0 : i32
      %dma_start3A_349 = arith.constant 0 : i32
      %dma_start3A_350 = tpu.memref_slice %arg13[%dma_start3A_348, %dma_start3A_349] : memref<100352x16xf32, #tpu.memory_space<vmem_shared>> -> memref<100352x16xf32, #tpu.memory_space<vmem_shared>>
      tpu.enqueue_indirect_dma source(%dma_start3A_345 : memref<128x16xf32, #tpu.memory_space<vmem>>) target(%dma_start3A_350 : memref<100352x16xf32, #tpu.memory_space<vmem_shared>>) offsets(%dma_start3A_347 : memref<128xi32, #tpu.memory_space<vmem>>) semaphore(%arg16 : memref<!tpu.dma_semaphore, #tpu.memory_space<semaphore_mem>>) {add = true}
      %dma_start3A_351 = arith.constant 384 : i32
      %dma_start3A_352 = arith.constant 0 : i32
      %dma_start3A_353 = tpu.memref_slice %arg8[%dma_start3A_351, %dma_start3A_352] : memref<640x16xf32, #tpu.memory_space<vmem>> -> memref<128x16xf32, #tpu.memory_space<vmem>>
      %dma_start3A_354 = arith.constant 384 : i32
      %dma_start3A_355 = tpu.memref_slice %arg6[%dma_start3A_354] : memref<640xi32, #tpu.memory_space<vmem>> -> memref<128xi32, #tpu.memory_space<vmem>>
      %dma_start3A_356 = arith.constant 0 : i32
      %dma_start3A_357 = arith.constant 0 : i32
      %dma_start3A_358 = tpu.memref_slice %arg13[%dma_start3A_356, %dma_start3A_357] : memref<100352x16xf32, #tpu.memory_space<vmem_shared>> -> memref<100352x16xf32, #tpu.memory_space<vmem_shared>>
      tpu.enqueue_indirect_dma source(%dma_start3A_353 : memref<128x16xf32, #tpu.memory_space<vmem>>) target(%dma_start3A_358 : memref<100352x16xf32, #tpu.memory_space<vmem_shared>>) offsets(%dma_start3A_355 : memref<128xi32, #tpu.memory_space<vmem>>) semaphore(%arg16 : memref<!tpu.dma_semaphore, #tpu.memory_space<semaphore_mem>>) {add = true}
      %dma_start3A_359 = arith.constant 512 : i32
      %dma_start3A_360 = arith.constant 0 : i32
      %dma_start3A_361 = tpu.memref_slice %arg8[%dma_start3A_359, %dma_start3A_360] : memref<640x16xf32, #tpu.memory_space<vmem>> -> memref<128x16xf32, #tpu.memory_space<vmem>>
      %dma_start3A_362 = arith.constant 512 : i32
      %dma_start3A_363 = tpu.memref_slice %arg6[%dma_start3A_362] : memref<640xi32, #tpu.memory_space<vmem>> -> memref<128xi32, #tpu.memory_space<vmem>>
      %dma_start3A_364 = arith.constant 0 : i32
      %dma_start3A_365 = arith.constant 0 : i32
      %dma_start3A_366 = tpu.memref_slice %arg13[%dma_start3A_364, %dma_start3A_365] : memref<100352x16xf32, #tpu.memory_space<vmem_shared>> -> memref<100352x16xf32, #tpu.memory_space<vmem_shared>>
      tpu.enqueue_indirect_dma source(%dma_start3A_361 : memref<128x16xf32, #tpu.memory_space<vmem>>) target(%dma_start3A_366 : memref<100352x16xf32, #tpu.memory_space<vmem_shared>>) offsets(%dma_start3A_363 : memref<128xi32, #tpu.memory_space<vmem>>) semaphore(%arg16 : memref<!tpu.dma_semaphore, #tpu.memory_space<semaphore_mem>>) {add = true}
      %mul3A_367 = arith.constant 2 : i32
      %mul3A_368 = arith.muli %mul3A_367, %scan3A_163 : i32
      %add3A_369 = arith.constant 1 : i32
      %add3A_370 = arith.addi %mul3A_368, %add3A_369 : i32
      %mul3A_371 = arith.constant 16 : i32
      %mul3A_372 = arith.muli %add3A_370, %mul3A_371 : i32
      %add3A_373 = arith.addi %mul3A_372, %arg1 : i32
      %mul3A_374 = arith.constant 640 : i32
      %mul3A_375 = arith.muli %add3A_373, %mul3A_374 : i32
      %dma_wait3A_376 = arith.constant 0 : i32
      %dma_wait3A_377 = tpu.memref_slice %arg3[%dma_wait3A_376, %mul3A_375] : memref<2x1600000xi32, #tpu.memory_space<hbm>> -> memref<1x640xi32, #tpu.memory_space<hbm>>
      %dma_wait3A_378 = tpu.memref_squeeze %dma_wait3A_377 : memref<1x640xi32, #tpu.memory_space<hbm>> -> memref<640xi32, #tpu.memory_space<hbm>>
      %dma_wait3A_379 = tpu.memref_slice %arg3[%dma_wait3A_376, %mul3A_375] : memref<2x1600000xi32, #tpu.memory_space<hbm>> -> memref<1x640xi32, #tpu.memory_space<hbm>>
      %dma_wait3A_380 = tpu.memref_squeeze %dma_wait3A_379 : memref<1x640xi32, #tpu.memory_space<hbm>> -> memref<640xi32, #tpu.memory_space<hbm>>
      tpu.wait_dma2 semaphore(%arg14 : memref<!tpu.dma_semaphore, #tpu.memory_space<semaphore_mem>>) src(%dma_wait3A_380 : memref<640xi32, #tpu.memory_space<hbm>>) dst(%arg9 : memref<640xi32, #tpu.memory_space<vmem>>)
      %dma_wait3A_381 = arith.constant 1 : i32
      %dma_wait3A_382 = tpu.memref_slice %arg3[%dma_wait3A_381, %mul3A_375] : memref<2x1600000xi32, #tpu.memory_space<hbm>> -> memref<1x640xi32, #tpu.memory_space<hbm>>
      %dma_wait3A_383 = tpu.memref_squeeze %dma_wait3A_382 : memref<1x640xi32, #tpu.memory_space<hbm>> -> memref<640xi32, #tpu.memory_space<hbm>>
      %dma_wait3A_384 = tpu.memref_slice %arg3[%dma_wait3A_381, %mul3A_375] : memref<2x1600000xi32, #tpu.memory_space<hbm>> -> memref<1x640xi32, #tpu.memory_space<hbm>>
      %dma_wait3A_385 = tpu.memref_squeeze %dma_wait3A_384 : memref<1x640xi32, #tpu.memory_space<hbm>> -> memref<640xi32, #tpu.memory_space<hbm>>
      tpu.wait_dma2 semaphore(%arg14 : memref<!tpu.dma_semaphore, #tpu.memory_space<semaphore_mem>>) src(%dma_wait3A_385 : memref<640xi32, #tpu.memory_space<hbm>>) dst(%arg10 : memref<640xi32, #tpu.memory_space<vmem>>)
      %scan3A_386 = arith.constant 0 : i32
      %scan3A_387 = arith.constant 0 : i32
      %scan3A_388 = arith.constant 40 : i32
      %scan3A_389 = arith.addi %scan3A_387, %scan3A_388 : i32
      %scan3A_390 = arith.constant 1 : i32
      scf.for %scan3A_571 = %scan3A_387 to %scan3A_389 step %scan3A_390  : i32 {
        %mul3A_572 = arith.constant 16 : i32
        %mul3A_573 = arith.muli %scan3A_571, %mul3A_572 : i32
        %get3A = arith.index_cast %mul3A_573 : i32 to index
        %get3A_574 = tpu.vector_load %arg9[%get3A] {strides = array<i32>} : memref<640xi32, #tpu.memory_space<vmem>>, vector<16xi32>,
        %get3A_575 = vector.shape_cast %get3A_574 : vector<16xi32> to vector<16xi32>
        %mul3A_576 = arith.constant 2 : i32
        %mul3A_577 = vector.broadcast %mul3A_576 : i32 to vector<16xi32>
        %mul3A_578 = arith.muli %get3A_575, %mul3A_577 : vector<16xi32>
        %add3A_579 = vector.broadcast %arg0 : i32 to vector<16xi32>
        %add3A_580 = arith.addi %mul3A_578, %add3A_579 : vector<16xi32>
        %mul3A_581 = arith.constant 16 : i32
        %mul3A_582 = arith.muli %scan3A_571, %mul3A_581 : i32
        %swap3A = arith.index_cast %mul3A_582 : i32 to index
        %swap3A_583 = tpu.vector_load %arg11[%swap3A] {strides = array<i32>} : memref<640xi32, #tpu.memory_space<vmem>>, vector<16xi32>,
        %swap3A_584 = vector.shape_cast %swap3A_583 : vector<16xi32> to vector<16xi32>
        %swap3A_585 = vector.shape_cast %add3A_580 : vector<16xi32> to vector<16xi32>
        tpu.vector_store %arg11[%swap3A], %swap3A_585 {strides = array<i32>} : memref<640xi32, #tpu.memory_space<vmem>>, vector<16xi32>,
      }
      %scan3A_391 = arith.constant 40 : i32
      %dma_start3A_392 = arith.constant 0 : i32
      %dma_start3A_393 = arith.constant 0 : i32
      %dma_start3A_394 = tpu.memref_slice %arg12[%dma_start3A_392, %dma_start3A_393] : memref<640x16xf32, #tpu.memory_space<vmem>> -> memref<128x16xf32, #tpu.memory_space<vmem>>
      %dma_start3A_395 = arith.constant 0 : i32
      %dma_start3A_396 = tpu.memref_slice %arg11[%dma_start3A_395] : memref<640xi32, #tpu.memory_space<vmem>> -> memref<128xi32, #tpu.memory_space<vmem>>
      %dma_start3A_397 = arith.constant 0 : i32
      %dma_start3A_398 = arith.constant 0 : i32
      %dma_start3A_399 = tpu.memref_slice %arg2[%dma_start3A_397, %dma_start3A_398] : memref<200000x16xf32, #tpu.memory_space<hbm>> -> memref<200000x16xf32, #tpu.memory_space<hbm>>
      tpu.enqueue_indirect_dma source(%dma_start3A_399 : memref<200000x16xf32, #tpu.memory_space<hbm>>) target(%dma_start3A_394 : memref<128x16xf32, #tpu.memory_space<vmem>>) offsets(%dma_start3A_396 : memref<128xi32, #tpu.memory_space<vmem>>) semaphore(%arg15 : memref<!tpu.dma_semaphore, #tpu.memory_space<semaphore_mem>>)
      %dma_start3A_400 = arith.constant 128 : i32
      %dma_start3A_401 = arith.constant 0 : i32
      %dma_start3A_402 = tpu.memref_slice %arg12[%dma_start3A_400, %dma_start3A_401] : memref<640x16xf32, #tpu.memory_space<vmem>> -> memref<128x16xf32, #tpu.memory_space<vmem>>
      %dma_start3A_403 = arith.constant 128 : i32
      %dma_start3A_404 = tpu.memref_slice %arg11[%dma_start3A_403] : memref<640xi32, #tpu.memory_space<vmem>> -> memref<128xi32, #tpu.memory_space<vmem>>
      %dma_start3A_405 = arith.constant 0 : i32
      %dma_start3A_406 = arith.constant 0 : i32
      %dma_start3A_407 = tpu.memref_slice %arg2[%dma_start3A_405, %dma_start3A_406] : memref<200000x16xf32, #tpu.memory_space<hbm>> -> memref<200000x16xf32, #tpu.memory_space<hbm>>
      tpu.enqueue_indirect_dma source(%dma_start3A_407 : memref<200000x16xf32, #tpu.memory_space<hbm>>) target(%dma_start3A_402 : memref<128x16xf32, #tpu.memory_space<vmem>>) offsets(%dma_start3A_404 : memref<128xi32, #tpu.memory_space<vmem>>) semaphore(%arg15 : memref<!tpu.dma_semaphore, #tpu.memory_space<semaphore_mem>>)
      %dma_start3A_408 = arith.constant 256 : i32
      %dma_start3A_409 = arith.constant 0 : i32
      %dma_start3A_410 = tpu.memref_slice %arg12[%dma_start3A_408, %dma_start3A_409] : memref<640x16xf32, #tpu.memory_space<vmem>> -> memref<128x16xf32, #tpu.memory_space<vmem>>
      %dma_start3A_411 = arith.constant 256 : i32
      %dma_start3A_412 = tpu.memref_slice %arg11[%dma_start3A_411] : memref<640xi32, #tpu.memory_space<vmem>> -> memref<128xi32, #tpu.memory_space<vmem>>
      %dma_start3A_413 = arith.constant 0 : i32
      %dma_start3A_414 = arith.constant 0 : i32
      %dma_start3A_415 = tpu.memref_slice %arg2[%dma_start3A_413, %dma_start3A_414] : memref<200000x16xf32, #tpu.memory_space<hbm>> -> memref<200000x16xf32, #tpu.memory_space<hbm>>
      tpu.enqueue_indirect_dma source(%dma_start3A_415 : memref<200000x16xf32, #tpu.memory_space<hbm>>) target(%dma_start3A_410 : memref<128x16xf32, #tpu.memory_space<vmem>>) offsets(%dma_start3A_412 : memref<128xi32, #tpu.memory_space<vmem>>) semaphore(%arg15 : memref<!tpu.dma_semaphore, #tpu.memory_space<semaphore_mem>>)
      %dma_start3A_416 = arith.constant 384 : i32
      %dma_start3A_417 = arith.constant 0 : i32
      %dma_start3A_418 = tpu.memref_slice %arg12[%dma_start3A_416, %dma_start3A_417] : memref<640x16xf32, #tpu.memory_space<vmem>> -> memref<128x16xf32, #tpu.memory_space<vmem>>
      %dma_start3A_419 = arith.constant 384 : i32
      %dma_start3A_420 = tpu.memref_slice %arg11[%dma_start3A_419] : memref<640xi32, #tpu.memory_space<vmem>> -> memref<128xi32, #tpu.memory_space<vmem>>
      %dma_start3A_421 = arith.constant 0 : i32
      %dma_start3A_422 = arith.constant 0 : i32
      %dma_start3A_423 = tpu.memref_slice %arg2[%dma_start3A_421, %dma_start3A_422] : memref<200000x16xf32, #tpu.memory_space<hbm>> -> memref<200000x16xf32, #tpu.memory_space<hbm>>
      tpu.enqueue_indirect_dma source(%dma_start3A_423 : memref<200000x16xf32, #tpu.memory_space<hbm>>) target(%dma_start3A_418 : memref<128x16xf32, #tpu.memory_space<vmem>>) offsets(%dma_start3A_420 : memref<128xi32, #tpu.memory_space<vmem>>) semaphore(%arg15 : memref<!tpu.dma_semaphore, #tpu.memory_space<semaphore_mem>>)
      %dma_start3A_424 = arith.constant 512 : i32
      %dma_start3A_425 = arith.constant 0 : i32
      %dma_start3A_426 = tpu.memref_slice %arg12[%dma_start3A_424, %dma_start3A_425] : memref<640x16xf32, #tpu.memory_space<vmem>> -> memref<128x16xf32, #tpu.memory_space<vmem>>
      %dma_start3A_427 = arith.constant 512 : i32
      %dma_start3A_428 = tpu.memref_slice %arg11[%dma_start3A_427] : memref<640xi32, #tpu.memory_space<vmem>> -> memref<128xi32, #tpu.memory_space<vmem>>
      %dma_start3A_429 = arith.constant 0 : i32
      %dma_start3A_430 = arith.constant 0 : i32
      %dma_start3A_431 = tpu.memref_slice %arg2[%dma_start3A_429, %dma_start3A_430] : memref<200000x16xf32, #tpu.memory_space<hbm>> -> memref<200000x16xf32, #tpu.memory_space<hbm>>
      tpu.enqueue_indirect_dma source(%dma_start3A_431 : memref<200000x16xf32, #tpu.memory_space<hbm>>) target(%dma_start3A_426 : memref<128x16xf32, #tpu.memory_space<vmem>>) offsets(%dma_start3A_428 : memref<128xi32, #tpu.memory_space<vmem>>) semaphore(%arg15 : memref<!tpu.dma_semaphore, #tpu.memory_space<semaphore_mem>>)
      %dma_wait3A_432 = arith.constant 0 : i32
      %dma_wait3A_433 = arith.constant 0 : i32
      %dma_wait3A_434 = tpu.memref_slice %arg8[%dma_wait3A_432, %dma_wait3A_433] : memref<640x16xf32, #tpu.memory_space<vmem>> -> memref<128x16xf32, #tpu.memory_space<vmem>>
      %dma_wait3A_435 = arith.constant 0 : i32
      %dma_wait3A_436 = tpu.memref_slice %arg6[%dma_wait3A_435] : memref<640xi32, #tpu.memory_space<vmem>> -> memref<128xi32, #tpu.memory_space<vmem>>
      %dma_wait3A_437 = arith.constant 0 : i32
      %dma_wait3A_438 = arith.constant 0 : i32
      %dma_wait3A_439 = tpu.memref_slice %arg13[%dma_wait3A_437, %dma_wait3A_438] : memref<100352x16xf32, #tpu.memory_space<vmem_shared>> -> memref<100352x16xf32, #tpu.memory_space<vmem_shared>>
      tpu.wait_indirect_dma semaphore(%arg16 : memref<!tpu.dma_semaphore, #tpu.memory_space<semaphore_mem>>) src(%dma_wait3A_434 : memref<128x16xf32, #tpu.memory_space<vmem>>) dst(%dma_wait3A_439 : memref<100352x16xf32, #tpu.memory_space<vmem_shared>>)
      %dma_wait3A_440 = arith.constant 128 : i32
      %dma_wait3A_441 = arith.constant 0 : i32
      %dma_wait3A_442 = tpu.memref_slice %arg8[%dma_wait3A_440, %dma_wait3A_441] : memref<640x16xf32, #tpu.memory_space<vmem>> -> memref<128x16xf32, #tpu.memory_space<vmem>>
      %dma_wait3A_443 = arith.constant 128 : i32
      %dma_wait3A_444 = tpu.memref_slice %arg6[%dma_wait3A_443] : memref<640xi32, #tpu.memory_space<vmem>> -> memref<128xi32, #tpu.memory_space<vmem>>
      %dma_wait3A_445 = arith.constant 0 : i32
      %dma_wait3A_446 = arith.constant 0 : i32
      %dma_wait3A_447 = tpu.memref_slice %arg13[%dma_wait3A_445, %dma_wait3A_446] : memref<100352x16xf32, #tpu.memory_space<vmem_shared>> -> memref<100352x16xf32, #tpu.memory_space<vmem_shared>>
      tpu.wait_indirect_dma semaphore(%arg16 : memref<!tpu.dma_semaphore, #tpu.memory_space<semaphore_mem>>) src(%dma_wait3A_442 : memref<128x16xf32, #tpu.memory_space<vmem>>) dst(%dma_wait3A_447 : memref<100352x16xf32, #tpu.memory_space<vmem_shared>>)
      %dma_wait3A_448 = arith.constant 256 : i32
      %dma_wait3A_449 = arith.constant 0 : i32
      %dma_wait3A_450 = tpu.memref_slice %arg8[%dma_wait3A_448, %dma_wait3A_449] : memref<640x16xf32, #tpu.memory_space<vmem>> -> memref<128x16xf32, #tpu.memory_space<vmem>>
      %dma_wait3A_451 = arith.constant 256 : i32
      %dma_wait3A_452 = tpu.memref_slice %arg6[%dma_wait3A_451] : memref<640xi32, #tpu.memory_space<vmem>> -> memref<128xi32, #tpu.memory_space<vmem>>
      %dma_wait3A_453 = arith.constant 0 : i32
      %dma_wait3A_454 = arith.constant 0 : i32
      %dma_wait3A_455 = tpu.memref_slice %arg13[%dma_wait3A_453, %dma_wait3A_454] : memref<100352x16xf32, #tpu.memory_space<vmem_shared>> -> memref<100352x16xf32, #tpu.memory_space<vmem_shared>>
      tpu.wait_indirect_dma semaphore(%arg16 : memref<!tpu.dma_semaphore, #tpu.memory_space<semaphore_mem>>) src(%dma_wait3A_450 : memref<128x16xf32, #tpu.memory_space<vmem>>) dst(%dma_wait3A_455 : memref<100352x16xf32, #tpu.memory_space<vmem_shared>>)
      %dma_wait3A_456 = arith.constant 384 : i32
      %dma_wait3A_457 = arith.constant 0 : i32
      %dma_wait3A_458 = tpu.memref_slice %arg8[%dma_wait3A_456, %dma_wait3A_457] : memref<640x16xf32, #tpu.memory_space<vmem>> -> memref<128x16xf32, #tpu.memory_space<vmem>>
      %dma_wait3A_459 = arith.constant 384 : i32
      %dma_wait3A_460 = tpu.memref_slice %arg6[%dma_wait3A_459] : memref<640xi32, #tpu.memory_space<vmem>> -> memref<128xi32, #tpu.memory_space<vmem>>
      %dma_wait3A_461 = arith.constant 0 : i32
      %dma_wait3A_462 = arith.constant 0 : i32
      %dma_wait3A_463 = tpu.memref_slice %arg13[%dma_wait3A_461, %dma_wait3A_462] : memref<100352x16xf32, #tpu.memory_space<vmem_shared>> -> memref<100352x16xf32, #tpu.memory_space<vmem_shared>>
      tpu.wait_indirect_dma semaphore(%arg16 : memref<!tpu.dma_semaphore, #tpu.memory_space<semaphore_mem>>) src(%dma_wait3A_458 : memref<128x16xf32, #tpu.memory_space<vmem>>) dst(%dma_wait3A_463 : memref<100352x16xf32, #tpu.memory_space<vmem_shared>>)
      %dma_wait3A_464 = arith.constant 512 : i32
      %dma_wait3A_465 = arith.constant 0 : i32
      %dma_wait3A_466 = tpu.memref_slice %arg8[%dma_wait3A_464, %dma_wait3A_465] : memref<640x16xf32, #tpu.memory_space<vmem>> -> memref<128x16xf32, #tpu.memory_space<vmem>>
      %dma_wait3A_467 = arith.constant 512 : i32
      %dma_wait3A_468 = tpu.memref_slice %arg6[%dma_wait3A_467] : memref<640xi32, #tpu.memory_space<vmem>> -> memref<128xi32, #tpu.memory_space<vmem>>
      %dma_wait3A_469 = arith.constant 0 : i32
      %dma_wait3A_470 = arith.constant 0 : i32
      %dma_wait3A_471 = tpu.memref_slice %arg13[%dma_wait3A_469, %dma_wait3A_470] : memref<100352x16xf32, #tpu.memory_space<vmem_shared>> -> memref<100352x16xf32, #tpu.memory_space<vmem_shared>>
      tpu.wait_indirect_dma semaphore(%arg16 : memref<!tpu.dma_semaphore, #tpu.memory_space<semaphore_mem>>) src(%dma_wait3A_466 : memref<128x16xf32, #tpu.memory_space<vmem>>) dst(%dma_wait3A_471 : memref<100352x16xf32, #tpu.memory_space<vmem_shared>>)
      %add3A_472 = arith.constant 1 : i32
      %add3A_473 = arith.addi %add3A_370, %add3A_472 : i32
      %min3A_474 = arith.constant 155 : i32
      %min3A_475 = arith.minsi %add3A_473, %min3A_474 : i32
      %mul3A_476 = arith.constant 16 : i32
      %mul3A_477 = arith.muli %min3A_475, %mul3A_476 : i32
      %add3A_478 = arith.addi %mul3A_477, %arg1 : i32
      %mul3A_479 = arith.constant 640 : i32
      %mul3A_480 = arith.muli %add3A_478, %mul3A_479 : i32
      %dma_start3A_481 = arith.constant 0 : i32
      %dma_start3A_482 = tpu.memref_slice %arg3[%dma_start3A_481, %mul3A_480] : memref<2x1600000xi32, #tpu.memory_space<hbm>> -> memref<1x640xi32, #tpu.memory_space<hbm>>
      %dma_start3A_483 = tpu.memref_squeeze %dma_start3A_482 : memref<1x640xi32, #tpu.memory_space<hbm>> -> memref<640xi32, #tpu.memory_space<hbm>>
      %dma_start3A_484 = tpu.memref_slice %arg3[%dma_start3A_481, %mul3A_480] : memref<2x1600000xi32, #tpu.memory_space<hbm>> -> memref<1x640xi32, #tpu.memory_space<hbm>>
      %dma_start3A_485 = tpu.memref_squeeze %dma_start3A_484 : memref<1x640xi32, #tpu.memory_space<hbm>> -> memref<640xi32, #tpu.memory_space<hbm>>
      tpu.enqueue_dma source(%dma_start3A_485 : memref<640xi32, #tpu.memory_space<hbm>>) target(%arg5 : memref<640xi32, #tpu.memory_space<vmem>>) target_semaphore(%arg14 : memref<!tpu.dma_semaphore, #tpu.memory_space<semaphore_mem>>)
      %dma_start3A_486 = arith.constant 1 : i32
      %dma_start3A_487 = tpu.memref_slice %arg3[%dma_start3A_486, %mul3A_480] : memref<2x1600000xi32, #tpu.memory_space<hbm>> -> memref<1x640xi32, #tpu.memory_space<hbm>>
      %dma_start3A_488 = tpu.memref_squeeze %dma_start3A_487 : memref<1x640xi32, #tpu.memory_space<hbm>> -> memref<640xi32, #tpu.memory_space<hbm>>
      %dma_start3A_489 = tpu.memref_slice %arg3[%dma_start3A_486, %mul3A_480] : memref<2x1600000xi32, #tpu.memory_space<hbm>> -> memref<1x640xi32, #tpu.memory_space<hbm>>
      %dma_start3A_490 = tpu.memref_squeeze %dma_start3A_489 : memref<1x640xi32, #tpu.memory_space<hbm>> -> memref<640xi32, #tpu.memory_space<hbm>>
      tpu.enqueue_dma source(%dma_start3A_490 : memref<640xi32, #tpu.memory_space<hbm>>) target(%arg6 : memref<640xi32, #tpu.memory_space<vmem>>) target_semaphore(%arg14 : memref<!tpu.dma_semaphore, #tpu.memory_space<semaphore_mem>>)
      %dma_wait3A_491 = arith.constant 0 : i32
      %dma_wait3A_492 = arith.constant 0 : i32
      %dma_wait3A_493 = tpu.memref_slice %arg12[%dma_wait3A_491, %dma_wait3A_492] : memref<640x16xf32, #tpu.memory_space<vmem>> -> memref<128x16xf32, #tpu.memory_space<vmem>>
      %dma_wait3A_494 = arith.constant 0 : i32
      %dma_wait3A_495 = tpu.memref_slice %arg11[%dma_wait3A_494] : memref<640xi32, #tpu.memory_space<vmem>> -> memref<128xi32, #tpu.memory_space<vmem>>
      %dma_wait3A_496 = arith.constant 0 : i32
      %dma_wait3A_497 = arith.constant 0 : i32
      %dma_wait3A_498 = tpu.memref_slice %arg2[%dma_wait3A_496, %dma_wait3A_497] : memref<200000x16xf32, #tpu.memory_space<hbm>> -> memref<200000x16xf32, #tpu.memory_space<hbm>>
      tpu.wait_indirect_dma semaphore(%arg15 : memref<!tpu.dma_semaphore, #tpu.memory_space<semaphore_mem>>) src(%dma_wait3A_498 : memref<200000x16xf32, #tpu.memory_space<hbm>>) dst(%dma_wait3A_493 : memref<128x16xf32, #tpu.memory_space<vmem>>)
      %dma_wait3A_499 = arith.constant 128 : i32
      %dma_wait3A_500 = arith.constant 0 : i32
      %dma_wait3A_501 = tpu.memref_slice %arg12[%dma_wait3A_499, %dma_wait3A_500] : memref<640x16xf32, #tpu.memory_space<vmem>> -> memref<128x16xf32, #tpu.memory_space<vmem>>
      %dma_wait3A_502 = arith.constant 128 : i32
      %dma_wait3A_503 = tpu.memref_slice %arg11[%dma_wait3A_502] : memref<640xi32, #tpu.memory_space<vmem>> -> memref<128xi32, #tpu.memory_space<vmem>>
      %dma_wait3A_504 = arith.constant 0 : i32
      %dma_wait3A_505 = arith.constant 0 : i32
      %dma_wait3A_506 = tpu.memref_slice %arg2[%dma_wait3A_504, %dma_wait3A_505] : memref<200000x16xf32, #tpu.memory_space<hbm>> -> memref<200000x16xf32, #tpu.memory_space<hbm>>
      tpu.wait_indirect_dma semaphore(%arg15 : memref<!tpu.dma_semaphore, #tpu.memory_space<semaphore_mem>>) src(%dma_wait3A_506 : memref<200000x16xf32, #tpu.memory_space<hbm>>) dst(%dma_wait3A_501 : memref<128x16xf32, #tpu.memory_space<vmem>>)
      %dma_wait3A_507 = arith.constant 256 : i32
      %dma_wait3A_508 = arith.constant 0 : i32
      %dma_wait3A_509 = tpu.memref_slice %arg12[%dma_wait3A_507, %dma_wait3A_508] : memref<640x16xf32, #tpu.memory_space<vmem>> -> memref<128x16xf32, #tpu.memory_space<vmem>>
      %dma_wait3A_510 = arith.constant 256 : i32
      %dma_wait3A_511 = tpu.memref_slice %arg11[%dma_wait3A_510] : memref<640xi32, #tpu.memory_space<vmem>> -> memref<128xi32, #tpu.memory_space<vmem>>
      %dma_wait3A_512 = arith.constant 0 : i32
      %dma_wait3A_513 = arith.constant 0 : i32
      %dma_wait3A_514 = tpu.memref_slice %arg2[%dma_wait3A_512, %dma_wait3A_513] : memref<200000x16xf32, #tpu.memory_space<hbm>> -> memref<200000x16xf32, #tpu.memory_space<hbm>>
      tpu.wait_indirect_dma semaphore(%arg15 : memref<!tpu.dma_semaphore, #tpu.memory_space<semaphore_mem>>) src(%dma_wait3A_514 : memref<200000x16xf32, #tpu.memory_space<hbm>>) dst(%dma_wait3A_509 : memref<128x16xf32, #tpu.memory_space<vmem>>)
      %dma_wait3A_515 = arith.constant 384 : i32
      %dma_wait3A_516 = arith.constant 0 : i32
      %dma_wait3A_517 = tpu.memref_slice %arg12[%dma_wait3A_515, %dma_wait3A_516] : memref<640x16xf32, #tpu.memory_space<vmem>> -> memref<128x16xf32, #tpu.memory_space<vmem>>
      %dma_wait3A_518 = arith.constant 384 : i32
      %dma_wait3A_519 = tpu.memref_slice %arg11[%dma_wait3A_518] : memref<640xi32, #tpu.memory_space<vmem>> -> memref<128xi32, #tpu.memory_space<vmem>>
      %dma_wait3A_520 = arith.constant 0 : i32
      %dma_wait3A_521 = arith.constant 0 : i32
      %dma_wait3A_522 = tpu.memref_slice %arg2[%dma_wait3A_520, %dma_wait3A_521] : memref<200000x16xf32, #tpu.memory_space<hbm>> -> memref<200000x16xf32, #tpu.memory_space<hbm>>
      tpu.wait_indirect_dma semaphore(%arg15 : memref<!tpu.dma_semaphore, #tpu.memory_space<semaphore_mem>>) src(%dma_wait3A_522 : memref<200000x16xf32, #tpu.memory_space<hbm>>) dst(%dma_wait3A_517 : memref<128x16xf32, #tpu.memory_space<vmem>>)
      %dma_wait3A_523 = arith.constant 512 : i32
      %dma_wait3A_524 = arith.constant 0 : i32
      %dma_wait3A_525 = tpu.memref_slice %arg12[%dma_wait3A_523, %dma_wait3A_524] : memref<640x16xf32, #tpu.memory_space<vmem>> -> memref<128x16xf32, #tpu.memory_space<vmem>>
      %dma_wait3A_526 = arith.constant 512 : i32
      %dma_wait3A_527 = tpu.memref_slice %arg11[%dma_wait3A_526] : memref<640xi32, #tpu.memory_space<vmem>> -> memref<128xi32, #tpu.memory_space<vmem>>
      %dma_wait3A_528 = arith.constant 0 : i32
      %dma_wait3A_529 = arith.constant 0 : i32
      %dma_wait3A_530 = tpu.memref_slice %arg2[%dma_wait3A_528, %dma_wait3A_529] : memref<200000x16xf32, #tpu.memory_space<hbm>> -> memref<200000x16xf32, #tpu.memory_space<hbm>>
      tpu.wait_indirect_dma semaphore(%arg15 : memref<!tpu.dma_semaphore, #tpu.memory_space<semaphore_mem>>) src(%dma_wait3A_530 : memref<200000x16xf32, #tpu.memory_space<hbm>>) dst(%dma_wait3A_525 : memref<128x16xf32, #tpu.memory_space<vmem>>)
      %dma_start3A_531 = arith.constant 0 : i32
      %dma_start3A_532 = arith.constant 0 : i32
      %dma_start3A_533 = tpu.memref_slice %arg12[%dma_start3A_531, %dma_start3A_532] : memref<640x16xf32, #tpu.memory_space<vmem>> -> memref<128x16xf32, #tpu.memory_space<vmem>>
      %dma_start3A_534 = arith.constant 0 : i32
      %dma_start3A_535 = tpu.memref_slice %arg10[%dma_start3A_534] : memref<640xi32, #tpu.memory_space<vmem>> -> memref<128xi32, #tpu.memory_space<vmem>>
      %dma_start3A_536 = arith.constant 0 : i32
      %dma_start3A_537 = arith.constant 0 : i32
      %dma_start3A_538 = tpu.memref_slice %arg13[%dma_start3A_536, %dma_start3A_537] : memref<100352x16xf32, #tpu.memory_space<vmem_shared>> -> memref<100352x16xf32, #tpu.memory_space<vmem_shared>>
      tpu.enqueue_indirect_dma source(%dma_start3A_533 : memref<128x16xf32, #tpu.memory_space<vmem>>) target(%dma_start3A_538 : memref<100352x16xf32, #tpu.memory_space<vmem_shared>>) offsets(%dma_start3A_535 : memref<128xi32, #tpu.memory_space<vmem>>) semaphore(%arg16 : memref<!tpu.dma_semaphore, #tpu.memory_space<semaphore_mem>>) {add = true}
      %dma_start3A_539 = arith.constant 128 : i32
      %dma_start3A_540 = arith.constant 0 : i32
      %dma_start3A_541 = tpu.memref_slice %arg12[%dma_start3A_539, %dma_start3A_540] : memref<640x16xf32, #tpu.memory_space<vmem>> -> memref<128x16xf32, #tpu.memory_space<vmem>>
      %dma_start3A_542 = arith.constant 128 : i32
      %dma_start3A_543 = tpu.memref_slice %arg10[%dma_start3A_542] : memref<640xi32, #tpu.memory_space<vmem>> -> memref<128xi32, #tpu.memory_space<vmem>>
      %dma_start3A_544 = arith.constant 0 : i32
      %dma_start3A_545 = arith.constant 0 : i32
      %dma_start3A_546 = tpu.memref_slice %arg13[%dma_start3A_544, %dma_start3A_545] : memref<100352x16xf32, #tpu.memory_space<vmem_shared>> -> memref<100352x16xf32, #tpu.memory_space<vmem_shared>>
      tpu.enqueue_indirect_dma source(%dma_start3A_541 : memref<128x16xf32, #tpu.memory_space<vmem>>) target(%dma_start3A_546 : memref<100352x16xf32, #tpu.memory_space<vmem_shared>>) offsets(%dma_start3A_543 : memref<128xi32, #tpu.memory_space<vmem>>) semaphore(%arg16 : memref<!tpu.dma_semaphore, #tpu.memory_space<semaphore_mem>>) {add = true}
      %dma_start3A_547 = arith.constant 256 : i32
      %dma_start3A_548 = arith.constant 0 : i32
      %dma_start3A_549 = tpu.memref_slice %arg12[%dma_start3A_547, %dma_start3A_548] : memref<640x16xf32, #tpu.memory_space<vmem>> -> memref<128x16xf32, #tpu.memory_space<vmem>>
      %dma_start3A_550 = arith.constant 256 : i32
      %dma_start3A_551 = tpu.memref_slice %arg10[%dma_start3A_550] : memref<640xi32, #tpu.memory_space<vmem>> -> memref<128xi32, #tpu.memory_space<vmem>>
      %dma_start3A_552 = arith.constant 0 : i32
      %dma_start3A_553 = arith.constant 0 : i32
      %dma_start3A_554 = tpu.memref_slice %arg13[%dma_start3A_552, %dma_start3A_553] : memref<100352x16xf32, #tpu.memory_space<vmem_shared>> -> memref<100352x16xf32, #tpu.memory_space<vmem_shared>>
      tpu.enqueue_indirect_dma source(%dma_start3A_549 : memref<128x16xf32, #tpu.memory_space<vmem>>) target(%dma_start3A_554 : memref<100352x16xf32, #tpu.memory_space<vmem_shared>>) offsets(%dma_start3A_551 : memref<128xi32, #tpu.memory_space<vmem>>) semaphore(%arg16 : memref<!tpu.dma_semaphore, #tpu.memory_space<semaphore_mem>>) {add = true}
      %dma_start3A_555 = arith.constant 384 : i32
      %dma_start3A_556 = arith.constant 0 : i32
      %dma_start3A_557 = tpu.memref_slice %arg12[%dma_start3A_555, %dma_start3A_556] : memref<640x16xf32, #tpu.memory_space<vmem>> -> memref<128x16xf32, #tpu.memory_space<vmem>>
      %dma_start3A_558 = arith.constant 384 : i32
      %dma_start3A_559 = tpu.memref_slice %arg10[%dma_start3A_558] : memref<640xi32, #tpu.memory_space<vmem>> -> memref<128xi32, #tpu.memory_space<vmem>>
      %dma_start3A_560 = arith.constant 0 : i32
      %dma_start3A_561 = arith.constant 0 : i32
      %dma_start3A_562 = tpu.memref_slice %arg13[%dma_start3A_560, %dma_start3A_561] : memref<100352x16xf32, #tpu.memory_space<vmem_shared>> -> memref<100352x16xf32, #tpu.memory_space<vmem_shared>>
      tpu.enqueue_indirect_dma source(%dma_start3A_557 : memref<128x16xf32, #tpu.memory_space<vmem>>) target(%dma_start3A_562 : memref<100352x16xf32, #tpu.memory_space<vmem_shared>>) offsets(%dma_start3A_559 : memref<128xi32, #tpu.memory_space<vmem>>) semaphore(%arg16 : memref<!tpu.dma_semaphore, #tpu.memory_space<semaphore_mem>>) {add = true}
      %dma_start3A_563 = arith.constant 512 : i32
      %dma_start3A_564 = arith.constant 0 : i32
      %dma_start3A_565 = tpu.memref_slice %arg12[%dma_start3A_563, %dma_start3A_564] : memref<640x16xf32, #tpu.memory_space<vmem>> -> memref<128x16xf32, #tpu.memory_space<vmem>>
      %dma_start3A_566 = arith.constant 512 : i32
      %dma_start3A_567 = tpu.memref_slice %arg10[%dma_start3A_566] : memref<640xi32, #tpu.memory_space<vmem>> -> memref<128xi32, #tpu.memory_space<vmem>>
      %dma_start3A_568 = arith.constant 0 : i32
      %dma_start3A_569 = arith.constant 0 : i32
      %dma_start3A_570 = tpu.memref_slice %arg13[%dma_start3A_568, %dma_start3A_569] : memref<100352x16xf32, #tpu.memory_space<vmem_shared>> -> memref<100352x16xf32, #tpu.memory_space<vmem_shared>>
      tpu.enqueue_indirect_dma source(%dma_start3A_565 : memref<128x16xf32, #tpu.memory_space<vmem>>) target(%dma_start3A_570 : memref<100352x16xf32, #tpu.memory_space<vmem_shared>>) offsets(%dma_start3A_567 : memref<128xi32, #tpu.memory_space<vmem>>) semaphore(%arg16 : memref<!tpu.dma_semaphore, #tpu.memory_space<semaphore_mem>>) {add = true}
    }
    %scan3A_81 = arith.constant 78 : i32
    %dma_wait3A = arith.constant 0 : i32
    %dma_wait3A_82 = arith.constant 0 : i32
    %dma_wait3A_83 = tpu.memref_slice %arg12[%dma_wait3A, %dma_wait3A_82] : memref<640x16xf32, #tpu.memory_space<vmem>> -> memref<128x16xf32, #tpu.memory_space<vmem>>
    %dma_wait3A_84 = arith.constant 0 : i32
    %dma_wait3A_85 = tpu.memref_slice %arg10[%dma_wait3A_84] : memref<640xi32, #tpu.memory_space<vmem>> -> memref<128xi32, #tpu.memory_space<vmem>>
    %dma_wait3A_86 = arith.constant 0 : i32
    %dma_wait3A_87 = arith.constant 0 : i32
    %dma_wait3A_88 = tpu.memref_slice %arg13[%dma_wait3A_86, %dma_wait3A_87] : memref<100352x16xf32, #tpu.memory_space<vmem_shared>> -> memref<100352x16xf32, #tpu.memory_space<vmem_shared>>
    tpu.wait_indirect_dma semaphore(%arg16 : memref<!tpu.dma_semaphore, #tpu.memory_space<semaphore_mem>>) src(%dma_wait3A_83 : memref<128x16xf32, #tpu.memory_space<vmem>>) dst(%dma_wait3A_88 : memref<100352x16xf32, #tpu.memory_space<vmem_shared>>)
    %dma_wait3A_89 = arith.constant 128 : i32
    %dma_wait3A_90 = arith.constant 0 : i32
    %dma_wait3A_91 = tpu.memref_slice %arg12[%dma_wait3A_89, %dma_wait3A_90] : memref<640x16xf32, #tpu.memory_space<vmem>> -> memref<128x16xf32, #tpu.memory_space<vmem>>
    %dma_wait3A_92 = arith.constant 128 : i32
    %dma_wait3A_93 = tpu.memref_slice %arg10[%dma_wait3A_92] : memref<640xi32, #tpu.memory_space<vmem>> -> memref<128xi32, #tpu.memory_space<vmem>>
    %dma_wait3A_94 = arith.constant 0 : i32
    %dma_wait3A_95 = arith.constant 0 : i32
    %dma_wait3A_96 = tpu.memref_slice %arg13[%dma_wait3A_94, %dma_wait3A_95] : memref<100352x16xf32, #tpu.memory_space<vmem_shared>> -> memref<100352x16xf32, #tpu.memory_space<vmem_shared>>
    tpu.wait_indirect_dma semaphore(%arg16 : memref<!tpu.dma_semaphore, #tpu.memory_space<semaphore_mem>>) src(%dma_wait3A_91 : memref<128x16xf32, #tpu.memory_space<vmem>>) dst(%dma_wait3A_96 : memref<100352x16xf32, #tpu.memory_space<vmem_shared>>)
    %dma_wait3A_97 = arith.constant 256 : i32
    %dma_wait3A_98 = arith.constant 0 : i32
    %dma_wait3A_99 = tpu.memref_slice %arg12[%dma_wait3A_97, %dma_wait3A_98] : memref<640x16xf32, #tpu.memory_space<vmem>> -> memref<128x16xf32, #tpu.memory_space<vmem>>
    %dma_wait3A_100 = arith.constant 256 : i32
    %dma_wait3A_101 = tpu.memref_slice %arg10[%dma_wait3A_100] : memref<640xi32, #tpu.memory_space<vmem>> -> memref<128xi32, #tpu.memory_space<vmem>>
    %dma_wait3A_102 = arith.constant 0 : i32
    %dma_wait3A_103 = arith.constant 0 : i32
    %dma_wait3A_104 = tpu.memref_slice %arg13[%dma_wait3A_102, %dma_wait3A_103] : memref<100352x16xf32, #tpu.memory_space<vmem_shared>> -> memref<100352x16xf32, #tpu.memory_space<vmem_shared>>
    tpu.wait_indirect_dma semaphore(%arg16 : memref<!tpu.dma_semaphore, #tpu.memory_space<semaphore_mem>>) src(%dma_wait3A_99 : memref<128x16xf32, #tpu.memory_space<vmem>>) dst(%dma_wait3A_104 : memref<100352x16xf32, #tpu.memory_space<vmem_shared>>)
    %dma_wait3A_105 = arith.constant 384 : i32
    %dma_wait3A_106 = arith.constant 0 : i32
    %dma_wait3A_107 = tpu.memref_slice %arg12[%dma_wait3A_105, %dma_wait3A_106] : memref<640x16xf32, #tpu.memory_space<vmem>> -> memref<128x16xf32, #tpu.memory_space<vmem>>
    %dma_wait3A_108 = arith.constant 384 : i32
    %dma_wait3A_109 = tpu.memref_slice %arg10[%dma_wait3A_108] : memref<640xi32, #tpu.memory_space<vmem>> -> memref<128xi32, #tpu.memory_space<vmem>>
    %dma_wait3A_110 = arith.constant 0 : i32
    %dma_wait3A_111 = arith.constant 0 : i32
    %dma_wait3A_112 = tpu.memref_slice %arg13[%dma_wait3A_110, %dma_wait3A_111] : memref<100352x16xf32, #tpu.memory_space<vmem_shared>> -> memref<100352x16xf32, #tpu.memory_space<vmem_shared>>
    tpu.wait_indirect_dma semaphore(%arg16 : memref<!tpu.dma_semaphore, #tpu.memory_space<semaphore_mem>>) src(%dma_wait3A_107 : memref<128x16xf32, #tpu.memory_space<vmem>>) dst(%dma_wait3A_112 : memref<100352x16xf32, #tpu.memory_space<vmem_shared>>)
    %dma_wait3A_113 = arith.constant 512 : i32
    %dma_wait3A_114 = arith.constant 0 : i32
    %dma_wait3A_115 = tpu.memref_slice %arg12[%dma_wait3A_113, %dma_wait3A_114] : memref<640x16xf32, #tpu.memory_space<vmem>> -> memref<128x16xf32, #tpu.memory_space<vmem>>
    %dma_wait3A_116 = arith.constant 512 : i32
    %dma_wait3A_117 = tpu.memref_slice %arg10[%dma_wait3A_116] : memref<640xi32, #tpu.memory_space<vmem>> -> memref<128xi32, #tpu.memory_space<vmem>>
    %dma_wait3A_118 = arith.constant 0 : i32
    %dma_wait3A_119 = arith.constant 0 : i32
    %dma_wait3A_120 = tpu.memref_slice %arg13[%dma_wait3A_118, %dma_wait3A_119] : memref<100352x16xf32, #tpu.memory_space<vmem_shared>> -> memref<100352x16xf32, #tpu.memory_space<vmem_shared>>
    tpu.wait_indirect_dma semaphore(%arg16 : memref<!tpu.dma_semaphore, #tpu.memory_space<semaphore_mem>>) src(%dma_wait3A_115 : memref<128x16xf32, #tpu.memory_space<vmem>>) dst(%dma_wait3A_120 : memref<100352x16xf32, #tpu.memory_space<vmem_shared>>)
    %add3A_121 = arith.constant 2480 : i32
    %add3A_122 = arith.addi %add3A_121, %arg1 : i32
    %mul3A_123 = arith.constant 640 : i32
    %mul3A_124 = arith.muli %add3A_122, %mul3A_123 : i32
    %dma_wait3A_125 = arith.constant 0 : i32
    %dma_wait3A_126 = tpu.memref_slice %arg3[%dma_wait3A_125, %mul3A_124] : memref<2x1600000xi32, #tpu.memory_space<hbm>> -> memref<1x640xi32, #tpu.memory_space<hbm>>
    %dma_wait3A_127 = tpu.memref_squeeze %dma_wait3A_126 : memref<1x640xi32, #tpu.memory_space<hbm>> -> memref<640xi32, #tpu.memory_space<hbm>>
    %dma_wait3A_128 = tpu.memref_slice %arg3[%dma_wait3A_125, %mul3A_124] : memref<2x1600000xi32, #tpu.memory_space<hbm>> -> memref<1x640xi32, #tpu.memory_space<hbm>>
    %dma_wait3A_129 = tpu.memref_squeeze %dma_wait3A_128 : memref<1x640xi32, #tpu.memory_space<hbm>> -> memref<640xi32, #tpu.memory_space<hbm>>
    tpu.wait_dma2 semaphore(%arg14 : memref<!tpu.dma_semaphore, #tpu.memory_space<semaphore_mem>>) src(%dma_wait3A_129 : memref<640xi32, #tpu.memory_space<hbm>>) dst(%arg5 : memref<640xi32, #tpu.memory_space<vmem>>)
    %dma_wait3A_130 = arith.constant 1 : i32
    %dma_wait3A_131 = tpu.memref_slice %arg3[%dma_wait3A_130, %mul3A_124] : memref<2x1600000xi32, #tpu.memory_space<hbm>> -> memref<1x640xi32, #tpu.memory_space<hbm>>
    %dma_wait3A_132 = tpu.memref_squeeze %dma_wait3A_131 : memref<1x640xi32, #tpu.memory_space<hbm>> -> memref<640xi32, #tpu.memory_space<hbm>>
    %dma_wait3A_133 = tpu.memref_slice %arg3[%dma_wait3A_130, %mul3A_124] : memref<2x1600000xi32, #tpu.memory_space<hbm>> -> memref<1x640xi32, #tpu.memory_space<hbm>>
    %dma_wait3A_134 = tpu.memref_squeeze %dma_wait3A_133 : memref<1x640xi32, #tpu.memory_space<hbm>> -> memref<640xi32, #tpu.memory_space<hbm>>
    tpu.wait_dma2 semaphore(%arg14 : memref<!tpu.dma_semaphore, #tpu.memory_space<semaphore_mem>>) src(%dma_wait3A_134 : memref<640xi32, #tpu.memory_space<hbm>>) dst(%arg6 : memref<640xi32, #tpu.memory_space<vmem>>)
    %lt3A = arith.constant 4 : i32
    %lt3A_135 = arith.cmpi slt, %arg1, %lt3A : i32
    %convert_element_type3A = arith.extui %lt3A_135 : i1 to i32
    %cond3A = arith.constant 0 : i32
    %cond3A_136 = arith.cmpi ne, %convert_element_type3A, %cond3A : i32
    scf.if %cond3A_136 {
      %add3A_163 = arith.constant 2496 : i32
      %add3A_164 = arith.addi %add3A_163, %arg1 : i32
      %mul3A_165 = arith.constant 640 : i32
      %mul3A_166 = arith.muli %add3A_164, %mul3A_165 : i32
      %run_scoped3A = arith.constant 0 : i32
      "tpu.region"() ({
        %run_scoped3A_334 = tpu.sem_alloc : memref<!tpu.dma_semaphore, #tpu.memory_space<semaphore_mem>>
        %dma_start3A_335 = tpu.memref_slice %arg3[%run_scoped3A, %mul3A_166] : memref<2x1600000xi32, #tpu.memory_space<hbm>> -> memref<1x640xi32, #tpu.memory_space<hbm>>
        %dma_start3A_336 = tpu.memref_squeeze %dma_start3A_335 : memref<1x640xi32, #tpu.memory_space<hbm>> -> memref<640xi32, #tpu.memory_space<hbm>>
        %dma_start3A_337 = tpu.memref_slice %arg3[%run_scoped3A, %mul3A_166] : memref<2x1600000xi32, #tpu.memory_space<hbm>> -> memref<1x640xi32, #tpu.memory_space<hbm>>
        %dma_start3A_338 = tpu.memref_squeeze %dma_start3A_337 : memref<1x640xi32, #tpu.memory_space<hbm>> -> memref<640xi32, #tpu.memory_space<hbm>>
        tpu.enqueue_dma source(%dma_start3A_338 : memref<640xi32, #tpu.memory_space<hbm>>) target(%arg5 : memref<640xi32, #tpu.memory_space<vmem>>) target_semaphore(%run_scoped3A_334 : memref<!tpu.dma_semaphore, #tpu.memory_space<semaphore_mem>>)
        %dma_wait3A_339 = tpu.memref_slice %arg3[%run_scoped3A, %mul3A_166] : memref<2x1600000xi32, #tpu.memory_space<hbm>> -> memref<1x640xi32, #tpu.memory_space<hbm>>
        %dma_wait3A_340 = tpu.memref_squeeze %dma_wait3A_339 : memref<1x640xi32, #tpu.memory_space<hbm>> -> memref<640xi32, #tpu.memory_space<hbm>>
        %dma_wait3A_341 = tpu.memref_slice %arg3[%run_scoped3A, %mul3A_166] : memref<2x1600000xi32, #tpu.memory_space<hbm>> -> memref<1x640xi32, #tpu.memory_space<hbm>>
        %dma_wait3A_342 = tpu.memref_squeeze %dma_wait3A_341 : memref<1x640xi32, #tpu.memory_space<hbm>> -> memref<640xi32, #tpu.memory_space<hbm>>
        tpu.wait_dma2 semaphore(%run_scoped3A_334 : memref<!tpu.dma_semaphore, #tpu.memory_space<semaphore_mem>>) src(%dma_wait3A_342 : memref<640xi32, #tpu.memory_space<hbm>>) dst(%arg5 : memref<640xi32, #tpu.memory_space<vmem>>)
        tpu.yield
      }) : () -> ()
      %run_scoped3A_167 = arith.constant 1 : i32
      "tpu.region"() ({
        %run_scoped3A_334 = tpu.sem_alloc : memref<!tpu.dma_semaphore, #tpu.memory_space<semaphore_mem>>
        %dma_start3A_335 = tpu.memref_slice %arg3[%run_scoped3A_167, %mul3A_166] : memref<2x1600000xi32, #tpu.memory_space<hbm>> -> memref<1x640xi32, #tpu.memory_space<hbm>>
        %dma_start3A_336 = tpu.memref_squeeze %dma_start3A_335 : memref<1x640xi32, #tpu.memory_space<hbm>> -> memref<640xi32, #tpu.memory_space<hbm>>
        %dma_start3A_337 = tpu.memref_slice %arg3[%run_scoped3A_167, %mul3A_166] : memref<2x1600000xi32, #tpu.memory_space<hbm>> -> memref<1x640xi32, #tpu.memory_space<hbm>>
        %dma_start3A_338 = tpu.memref_squeeze %dma_start3A_337 : memref<1x640xi32, #tpu.memory_space<hbm>> -> memref<640xi32, #tpu.memory_space<hbm>>
        tpu.enqueue_dma source(%dma_start3A_338 : memref<640xi32, #tpu.memory_space<hbm>>) target(%arg6 : memref<640xi32, #tpu.memory_space<vmem>>) target_semaphore(%run_scoped3A_334 : memref<!tpu.dma_semaphore, #tpu.memory_space<semaphore_mem>>)
        %dma_wait3A_339 = tpu.memref_slice %arg3[%run_scoped3A_167, %mul3A_166] : memref<2x1600000xi32, #tpu.memory_space<hbm>> -> memref<1x640xi32, #tpu.memory_space<hbm>>
        %dma_wait3A_340 = tpu.memref_squeeze %dma_wait3A_339 : memref<1x640xi32, #tpu.memory_space<hbm>> -> memref<640xi32, #tpu.memory_space<hbm>>
        %dma_wait3A_341 = tpu.memref_slice %arg3[%run_scoped3A_167, %mul3A_166] : memref<2x1600000xi32, #tpu.memory_space<hbm>> -> memref<1x640xi32, #tpu.memory_space<hbm>>
        %dma_wait3A_342 = tpu.memref_squeeze %dma_wait3A_341 : memref<1x640xi32, #tpu.memory_space<hbm>> -> memref<640xi32, #tpu.memory_space<hbm>>
        tpu.wait_dma2 semaphore(%run_scoped3A_334 : memref<!tpu.dma_semaphore, #tpu.memory_space<semaphore_mem>>) src(%dma_wait3A_342 : memref<640xi32, #tpu.memory_space<hbm>>) dst(%arg6 : memref<640xi32, #tpu.memory_space<vmem>>)
        tpu.yield
      }) : () -> ()
      %scan3A_168 = arith.constant 0 : i32
      %scan3A_169 = arith.constant 0 : i32
      %scan3A_170 = arith.constant 40 : i32
      %scan3A_171 = arith.addi %scan3A_169, %scan3A_170 : i32
      %scan3A_172 = arith.constant 1 : i32
      scf.for %scan3A_334 = %scan3A_169 to %scan3A_171 step %scan3A_172  : i32 {
        %mul3A_335 = arith.constant 16 : i32
        %mul3A_336 = arith.muli %scan3A_334, %mul3A_335 : i32
        %get3A = arith.index_cast %mul3A_336 : i32 to index
        %get3A_337 = tpu.vector_load %arg5[%get3A] {strides = array<i32>} : memref<640xi32, #tpu.memory_space<vmem>>, vector<16xi32>,
        %get3A_338 = vector.shape_cast %get3A_337 : vector<16xi32> to vector<16xi32>
        %mul3A_339 = arith.constant 2 : i32
        %mul3A_340 = vector.broadcast %mul3A_339 : i32 to vector<16xi32>
        %mul3A_341 = arith.muli %get3A_338, %mul3A_340 : vector<16xi32>
        %add3A_342 = vector.broadcast %arg0 : i32 to vector<16xi32>
        %add3A_343 = arith.addi %mul3A_341, %add3A_342 : vector<16xi32>
        %mul3A_344 = arith.constant 16 : i32
        %mul3A_345 = arith.muli %scan3A_334, %mul3A_344 : i32
        %swap3A = arith.index_cast %mul3A_345 : i32 to index
        %swap3A_346 = tpu.vector_load %arg7[%swap3A] {strides = array<i32>} : memref<640xi32, #tpu.memory_space<vmem>>, vector<16xi32>,
        %swap3A_347 = vector.shape_cast %swap3A_346 : vector<16xi32> to vector<16xi32>
        %swap3A_348 = vector.shape_cast %add3A_343 : vector<16xi32> to vector<16xi32>
        tpu.vector_store %arg7[%swap3A], %swap3A_348 {strides = array<i32>} : memref<640xi32, #tpu.memory_space<vmem>>, vector<16xi32>,
      }
      %scan3A_173 = arith.constant 40 : i32
      %dma_start3A_174 = arith.constant 0 : i32
      %dma_start3A_175 = arith.constant 0 : i32
      %dma_start3A_176 = tpu.memref_slice %arg8[%dma_start3A_174, %dma_start3A_175] : memref<640x16xf32, #tpu.memory_space<vmem>> -> memref<128x16xf32, #tpu.memory_space<vmem>>
      %dma_start3A_177 = arith.constant 0 : i32
      %dma_start3A_178 = tpu.memref_slice %arg7[%dma_start3A_177] : memref<640xi32, #tpu.memory_space<vmem>> -> memref<128xi32, #tpu.memory_space<vmem>>
      %dma_start3A_179 = arith.constant 0 : i32
      %dma_start3A_180 = arith.constant 0 : i32
      %dma_start3A_181 = tpu.memref_slice %arg2[%dma_start3A_179, %dma_start3A_180] : memref<200000x16xf32, #tpu.memory_space<hbm>> -> memref<200000x16xf32, #tpu.memory_space<hbm>>
      tpu.enqueue_indirect_dma source(%dma_start3A_181 : memref<200000x16xf32, #tpu.memory_space<hbm>>) target(%dma_start3A_176 : memref<128x16xf32, #tpu.memory_space<vmem>>) offsets(%dma_start3A_178 : memref<128xi32, #tpu.memory_space<vmem>>) semaphore(%arg15 : memref<!tpu.dma_semaphore, #tpu.memory_space<semaphore_mem>>)
      %dma_start3A_182 = arith.constant 128 : i32
      %dma_start3A_183 = arith.constant 0 : i32
      %dma_start3A_184 = tpu.memref_slice %arg8[%dma_start3A_182, %dma_start3A_183] : memref<640x16xf32, #tpu.memory_space<vmem>> -> memref<128x16xf32, #tpu.memory_space<vmem>>
      %dma_start3A_185 = arith.constant 128 : i32
      %dma_start3A_186 = tpu.memref_slice %arg7[%dma_start3A_185] : memref<640xi32, #tpu.memory_space<vmem>> -> memref<128xi32, #tpu.memory_space<vmem>>
      %dma_start3A_187 = arith.constant 0 : i32
      %dma_start3A_188 = arith.constant 0 : i32
      %dma_start3A_189 = tpu.memref_slice %arg2[%dma_start3A_187, %dma_start3A_188] : memref<200000x16xf32, #tpu.memory_space<hbm>> -> memref<200000x16xf32, #tpu.memory_space<hbm>>
      tpu.enqueue_indirect_dma source(%dma_start3A_189 : memref<200000x16xf32, #tpu.memory_space<hbm>>) target(%dma_start3A_184 : memref<128x16xf32, #tpu.memory_space<vmem>>) offsets(%dma_start3A_186 : memref<128xi32, #tpu.memory_space<vmem>>) semaphore(%arg15 : memref<!tpu.dma_semaphore, #tpu.memory_space<semaphore_mem>>)
      %dma_start3A_190 = arith.constant 256 : i32
      %dma_start3A_191 = arith.constant 0 : i32
      %dma_start3A_192 = tpu.memref_slice %arg8[%dma_start3A_190, %dma_start3A_191] : memref<640x16xf32, #tpu.memory_space<vmem>> -> memref<128x16xf32, #tpu.memory_space<vmem>>
      %dma_start3A_193 = arith.constant 256 : i32
      %dma_start3A_194 = tpu.memref_slice %arg7[%dma_start3A_193] : memref<640xi32, #tpu.memory_space<vmem>> -> memref<128xi32, #tpu.memory_space<vmem>>
      %dma_start3A_195 = arith.constant 0 : i32
      %dma_start3A_196 = arith.constant 0 : i32
      %dma_start3A_197 = tpu.memref_slice %arg2[%dma_start3A_195, %dma_start3A_196] : memref<200000x16xf32, #tpu.memory_space<hbm>> -> memref<200000x16xf32, #tpu.memory_space<hbm>>
      tpu.enqueue_indirect_dma source(%dma_start3A_197 : memref<200000x16xf32, #tpu.memory_space<hbm>>) target(%dma_start3A_192 : memref<128x16xf32, #tpu.memory_space<vmem>>) offsets(%dma_start3A_194 : memref<128xi32, #tpu.memory_space<vmem>>) semaphore(%arg15 : memref<!tpu.dma_semaphore, #tpu.memory_space<semaphore_mem>>)
      %dma_start3A_198 = arith.constant 384 : i32
      %dma_start3A_199 = arith.constant 0 : i32
      %dma_start3A_200 = tpu.memref_slice %arg8[%dma_start3A_198, %dma_start3A_199] : memref<640x16xf32, #tpu.memory_space<vmem>> -> memref<128x16xf32, #tpu.memory_space<vmem>>
      %dma_start3A_201 = arith.constant 384 : i32
      %dma_start3A_202 = tpu.memref_slice %arg7[%dma_start3A_201] : memref<640xi32, #tpu.memory_space<vmem>> -> memref<128xi32, #tpu.memory_space<vmem>>
      %dma_start3A_203 = arith.constant 0 : i32
      %dma_start3A_204 = arith.constant 0 : i32
      %dma_start3A_205 = tpu.memref_slice %arg2[%dma_start3A_203, %dma_start3A_204] : memref<200000x16xf32, #tpu.memory_space<hbm>> -> memref<200000x16xf32, #tpu.memory_space<hbm>>
      tpu.enqueue_indirect_dma source(%dma_start3A_205 : memref<200000x16xf32, #tpu.memory_space<hbm>>) target(%dma_start3A_200 : memref<128x16xf32, #tpu.memory_space<vmem>>) offsets(%dma_start3A_202 : memref<128xi32, #tpu.memory_space<vmem>>) semaphore(%arg15 : memref<!tpu.dma_semaphore, #tpu.memory_space<semaphore_mem>>)
      %dma_start3A_206 = arith.constant 512 : i32
      %dma_start3A_207 = arith.constant 0 : i32
      %dma_start3A_208 = tpu.memref_slice %arg8[%dma_start3A_206, %dma_start3A_207] : memref<640x16xf32, #tpu.memory_space<vmem>> -> memref<128x16xf32, #tpu.memory_space<vmem>>
      %dma_start3A_209 = arith.constant 512 : i32
      %dma_start3A_210 = tpu.memref_slice %arg7[%dma_start3A_209] : memref<640xi32, #tpu.memory_space<vmem>> -> memref<128xi32, #tpu.memory_space<vmem>>
      %dma_start3A_211 = arith.constant 0 : i32
      %dma_start3A_212 = arith.constant 0 : i32
      %dma_start3A_213 = tpu.memref_slice %arg2[%dma_start3A_211, %dma_start3A_212] : memref<200000x16xf32, #tpu.memory_space<hbm>> -> memref<200000x16xf32, #tpu.memory_space<hbm>>
      tpu.enqueue_indirect_dma source(%dma_start3A_213 : memref<200000x16xf32, #tpu.memory_space<hbm>>) target(%dma_start3A_208 : memref<128x16xf32, #tpu.memory_space<vmem>>) offsets(%dma_start3A_210 : memref<128xi32, #tpu.memory_space<vmem>>) semaphore(%arg15 : memref<!tpu.dma_semaphore, #tpu.memory_space<semaphore_mem>>)
      %dma_wait3A_214 = arith.constant 0 : i32
      %dma_wait3A_215 = arith.constant 0 : i32
      %dma_wait3A_216 = tpu.memref_slice %arg8[%dma_wait3A_214, %dma_wait3A_215] : memref<640x16xf32, #tpu.memory_space<vmem>> -> memref<128x16xf32, #tpu.memory_space<vmem>>
      %dma_wait3A_217 = arith.constant 0 : i32
      %dma_wait3A_218 = tpu.memref_slice %arg7[%dma_wait3A_217] : memref<640xi32, #tpu.memory_space<vmem>> -> memref<128xi32, #tpu.memory_space<vmem>>
      %dma_wait3A_219 = arith.constant 0 : i32
      %dma_wait3A_220 = arith.constant 0 : i32
      %dma_wait3A_221 = tpu.memref_slice %arg2[%dma_wait3A_219, %dma_wait3A_220] : memref<200000x16xf32, #tpu.memory_space<hbm>> -> memref<200000x16xf32, #tpu.memory_space<hbm>>
      tpu.wait_indirect_dma semaphore(%arg15 : memref<!tpu.dma_semaphore, #tpu.memory_space<semaphore_mem>>) src(%dma_wait3A_221 : memref<200000x16xf32, #tpu.memory_space<hbm>>) dst(%dma_wait3A_216 : memref<128x16xf32, #tpu.memory_space<vmem>>)
      %dma_wait3A_222 = arith.constant 128 : i32
      %dma_wait3A_223 = arith.constant 0 : i32
      %dma_wait3A_224 = tpu.memref_slice %arg8[%dma_wait3A_222, %dma_wait3A_223] : memref<640x16xf32, #tpu.memory_space<vmem>> -> memref<128x16xf32, #tpu.memory_space<vmem>>
      %dma_wait3A_225 = arith.constant 128 : i32
      %dma_wait3A_226 = tpu.memref_slice %arg7[%dma_wait3A_225] : memref<640xi32, #tpu.memory_space<vmem>> -> memref<128xi32, #tpu.memory_space<vmem>>
      %dma_wait3A_227 = arith.constant 0 : i32
      %dma_wait3A_228 = arith.constant 0 : i32
      %dma_wait3A_229 = tpu.memref_slice %arg2[%dma_wait3A_227, %dma_wait3A_228] : memref<200000x16xf32, #tpu.memory_space<hbm>> -> memref<200000x16xf32, #tpu.memory_space<hbm>>
      tpu.wait_indirect_dma semaphore(%arg15 : memref<!tpu.dma_semaphore, #tpu.memory_space<semaphore_mem>>) src(%dma_wait3A_229 : memref<200000x16xf32, #tpu.memory_space<hbm>>) dst(%dma_wait3A_224 : memref<128x16xf32, #tpu.memory_space<vmem>>)
      %dma_wait3A_230 = arith.constant 256 : i32
      %dma_wait3A_231 = arith.constant 0 : i32
      %dma_wait3A_232 = tpu.memref_slice %arg8[%dma_wait3A_230, %dma_wait3A_231] : memref<640x16xf32, #tpu.memory_space<vmem>> -> memref<128x16xf32, #tpu.memory_space<vmem>>
      %dma_wait3A_233 = arith.constant 256 : i32
      %dma_wait3A_234 = tpu.memref_slice %arg7[%dma_wait3A_233] : memref<640xi32, #tpu.memory_space<vmem>> -> memref<128xi32, #tpu.memory_space<vmem>>
      %dma_wait3A_235 = arith.constant 0 : i32
      %dma_wait3A_236 = arith.constant 0 : i32
      %dma_wait3A_237 = tpu.memref_slice %arg2[%dma_wait3A_235, %dma_wait3A_236] : memref<200000x16xf32, #tpu.memory_space<hbm>> -> memref<200000x16xf32, #tpu.memory_space<hbm>>
      tpu.wait_indirect_dma semaphore(%arg15 : memref<!tpu.dma_semaphore, #tpu.memory_space<semaphore_mem>>) src(%dma_wait3A_237 : memref<200000x16xf32, #tpu.memory_space<hbm>>) dst(%dma_wait3A_232 : memref<128x16xf32, #tpu.memory_space<vmem>>)
      %dma_wait3A_238 = arith.constant 384 : i32
      %dma_wait3A_239 = arith.constant 0 : i32
      %dma_wait3A_240 = tpu.memref_slice %arg8[%dma_wait3A_238, %dma_wait3A_239] : memref<640x16xf32, #tpu.memory_space<vmem>> -> memref<128x16xf32, #tpu.memory_space<vmem>>
      %dma_wait3A_241 = arith.constant 384 : i32
      %dma_wait3A_242 = tpu.memref_slice %arg7[%dma_wait3A_241] : memref<640xi32, #tpu.memory_space<vmem>> -> memref<128xi32, #tpu.memory_space<vmem>>
      %dma_wait3A_243 = arith.constant 0 : i32
      %dma_wait3A_244 = arith.constant 0 : i32
      %dma_wait3A_245 = tpu.memref_slice %arg2[%dma_wait3A_243, %dma_wait3A_244] : memref<200000x16xf32, #tpu.memory_space<hbm>> -> memref<200000x16xf32, #tpu.memory_space<hbm>>
      tpu.wait_indirect_dma semaphore(%arg15 : memref<!tpu.dma_semaphore, #tpu.memory_space<semaphore_mem>>) src(%dma_wait3A_245 : memref<200000x16xf32, #tpu.memory_space<hbm>>) dst(%dma_wait3A_240 : memref<128x16xf32, #tpu.memory_space<vmem>>)
      %dma_wait3A_246 = arith.constant 512 : i32
      %dma_wait3A_247 = arith.constant 0 : i32
      %dma_wait3A_248 = tpu.memref_slice %arg8[%dma_wait3A_246, %dma_wait3A_247] : memref<640x16xf32, #tpu.memory_space<vmem>> -> memref<128x16xf32, #tpu.memory_space<vmem>>
      %dma_wait3A_249 = arith.constant 512 : i32
      %dma_wait3A_250 = tpu.memref_slice %arg7[%dma_wait3A_249] : memref<640xi32, #tpu.memory_space<vmem>> -> memref<128xi32, #tpu.memory_space<vmem>>
      %dma_wait3A_251 = arith.constant 0 : i32
      %dma_wait3A_252 = arith.constant 0 : i32
      %dma_wait3A_253 = tpu.memref_slice %arg2[%dma_wait3A_251, %dma_wait3A_252] : memref<200000x16xf32, #tpu.memory_space<hbm>> -> memref<200000x16xf32, #tpu.memory_space<hbm>>
      tpu.wait_indirect_dma semaphore(%arg15 : memref<!tpu.dma_semaphore, #tpu.memory_space<semaphore_mem>>) src(%dma_wait3A_253 : memref<200000x16xf32, #tpu.memory_space<hbm>>) dst(%dma_wait3A_248 : memref<128x16xf32, #tpu.memory_space<vmem>>)
      %dma_start3A_254 = arith.constant 0 : i32
      %dma_start3A_255 = arith.constant 0 : i32
      %dma_start3A_256 = tpu.memref_slice %arg8[%dma_start3A_254, %dma_start3A_255] : memref<640x16xf32, #tpu.memory_space<vmem>> -> memref<128x16xf32, #tpu.memory_space<vmem>>
      %dma_start3A_257 = arith.constant 0 : i32
      %dma_start3A_258 = tpu.memref_slice %arg6[%dma_start3A_257] : memref<640xi32, #tpu.memory_space<vmem>> -> memref<128xi32, #tpu.memory_space<vmem>>
      %dma_start3A_259 = arith.constant 0 : i32
      %dma_start3A_260 = arith.constant 0 : i32
      %dma_start3A_261 = tpu.memref_slice %arg13[%dma_start3A_259, %dma_start3A_260] : memref<100352x16xf32, #tpu.memory_space<vmem_shared>> -> memref<100352x16xf32, #tpu.memory_space<vmem_shared>>
      tpu.enqueue_indirect_dma source(%dma_start3A_256 : memref<128x16xf32, #tpu.memory_space<vmem>>) target(%dma_start3A_261 : memref<100352x16xf32, #tpu.memory_space<vmem_shared>>) offsets(%dma_start3A_258 : memref<128xi32, #tpu.memory_space<vmem>>) semaphore(%arg16 : memref<!tpu.dma_semaphore, #tpu.memory_space<semaphore_mem>>) {add = true}
      %dma_start3A_262 = arith.constant 128 : i32
      %dma_start3A_263 = arith.constant 0 : i32
      %dma_start3A_264 = tpu.memref_slice %arg8[%dma_start3A_262, %dma_start3A_263] : memref<640x16xf32, #tpu.memory_space<vmem>> -> memref<128x16xf32, #tpu.memory_space<vmem>>
      %dma_start3A_265 = arith.constant 128 : i32
      %dma_start3A_266 = tpu.memref_slice %arg6[%dma_start3A_265] : memref<640xi32, #tpu.memory_space<vmem>> -> memref<128xi32, #tpu.memory_space<vmem>>
      %dma_start3A_267 = arith.constant 0 : i32
      %dma_start3A_268 = arith.constant 0 : i32
      %dma_start3A_269 = tpu.memref_slice %arg13[%dma_start3A_267, %dma_start3A_268] : memref<100352x16xf32, #tpu.memory_space<vmem_shared>> -> memref<100352x16xf32, #tpu.memory_space<vmem_shared>>
      tpu.enqueue_indirect_dma source(%dma_start3A_264 : memref<128x16xf32, #tpu.memory_space<vmem>>) target(%dma_start3A_269 : memref<100352x16xf32, #tpu.memory_space<vmem_shared>>) offsets(%dma_start3A_266 : memref<128xi32, #tpu.memory_space<vmem>>) semaphore(%arg16 : memref<!tpu.dma_semaphore, #tpu.memory_space<semaphore_mem>>) {add = true}
      %dma_start3A_270 = arith.constant 256 : i32
      %dma_start3A_271 = arith.constant 0 : i32
      %dma_start3A_272 = tpu.memref_slice %arg8[%dma_start3A_270, %dma_start3A_271] : memref<640x16xf32, #tpu.memory_space<vmem>> -> memref<128x16xf32, #tpu.memory_space<vmem>>
      %dma_start3A_273 = arith.constant 256 : i32
      %dma_start3A_274 = tpu.memref_slice %arg6[%dma_start3A_273] : memref<640xi32, #tpu.memory_space<vmem>> -> memref<128xi32, #tpu.memory_space<vmem>>
      %dma_start3A_275 = arith.constant 0 : i32
      %dma_start3A_276 = arith.constant 0 : i32
      %dma_start3A_277 = tpu.memref_slice %arg13[%dma_start3A_275, %dma_start3A_276] : memref<100352x16xf32, #tpu.memory_space<vmem_shared>> -> memref<100352x16xf32, #tpu.memory_space<vmem_shared>>
      tpu.enqueue_indirect_dma source(%dma_start3A_272 : memref<128x16xf32, #tpu.memory_space<vmem>>) target(%dma_start3A_277 : memref<100352x16xf32, #tpu.memory_space<vmem_shared>>) offsets(%dma_start3A_274 : memref<128xi32, #tpu.memory_space<vmem>>) semaphore(%arg16 : memref<!tpu.dma_semaphore, #tpu.memory_space<semaphore_mem>>) {add = true}
      %dma_start3A_278 = arith.constant 384 : i32
      %dma_start3A_279 = arith.constant 0 : i32
      %dma_start3A_280 = tpu.memref_slice %arg8[%dma_start3A_278, %dma_start3A_279] : memref<640x16xf32, #tpu.memory_space<vmem>> -> memref<128x16xf32, #tpu.memory_space<vmem>>
      %dma_start3A_281 = arith.constant 384 : i32
      %dma_start3A_282 = tpu.memref_slice %arg6[%dma_start3A_281] : memref<640xi32, #tpu.memory_space<vmem>> -> memref<128xi32, #tpu.memory_space<vmem>>
      %dma_start3A_283 = arith.constant 0 : i32
      %dma_start3A_284 = arith.constant 0 : i32
      %dma_start3A_285 = tpu.memref_slice %arg13[%dma_start3A_283, %dma_start3A_284] : memref<100352x16xf32, #tpu.memory_space<vmem_shared>> -> memref<100352x16xf32, #tpu.memory_space<vmem_shared>>
      tpu.enqueue_indirect_dma source(%dma_start3A_280 : memref<128x16xf32, #tpu.memory_space<vmem>>) target(%dma_start3A_285 : memref<100352x16xf32, #tpu.memory_space<vmem_shared>>) offsets(%dma_start3A_282 : memref<128xi32, #tpu.memory_space<vmem>>) semaphore(%arg16 : memref<!tpu.dma_semaphore, #tpu.memory_space<semaphore_mem>>) {add = true}
      %dma_start3A_286 = arith.constant 512 : i32
      %dma_start3A_287 = arith.constant 0 : i32
      %dma_start3A_288 = tpu.memref_slice %arg8[%dma_start3A_286, %dma_start3A_287] : memref<640x16xf32, #tpu.memory_space<vmem>> -> memref<128x16xf32, #tpu.memory_space<vmem>>
      %dma_start3A_289 = arith.constant 512 : i32
      %dma_start3A_290 = tpu.memref_slice %arg6[%dma_start3A_289] : memref<640xi32, #tpu.memory_space<vmem>> -> memref<128xi32, #tpu.memory_space<vmem>>
      %dma_start3A_291 = arith.constant 0 : i32
      %dma_start3A_292 = arith.constant 0 : i32
      %dma_start3A_293 = tpu.memref_slice %arg13[%dma_start3A_291, %dma_start3A_292] : memref<100352x16xf32, #tpu.memory_space<vmem_shared>> -> memref<100352x16xf32, #tpu.memory_space<vmem_shared>>
      tpu.enqueue_indirect_dma source(%dma_start3A_288 : memref<128x16xf32, #tpu.memory_space<vmem>>) target(%dma_start3A_293 : memref<100352x16xf32, #tpu.memory_space<vmem_shared>>) offsets(%dma_start3A_290 : memref<128xi32, #tpu.memory_space<vmem>>) semaphore(%arg16 : memref<!tpu.dma_semaphore, #tpu.memory_space<semaphore_mem>>) {add = true}
      %dma_wait3A_294 = arith.constant 0 : i32
      %dma_wait3A_295 = arith.constant 0 : i32
      %dma_wait3A_296 = tpu.memref_slice %arg8[%dma_wait3A_294, %dma_wait3A_295] : memref<640x16xf32, #tpu.memory_space<vmem>> -> memref<128x16xf32, #tpu.memory_space<vmem>>
      %dma_wait3A_297 = arith.constant 0 : i32
      %dma_wait3A_298 = tpu.memref_slice %arg6[%dma_wait3A_297] : memref<640xi32, #tpu.memory_space<vmem>> -> memref<128xi32, #tpu.memory_space<vmem>>
      %dma_wait3A_299 = arith.constant 0 : i32
      %dma_wait3A_300 = arith.constant 0 : i32
      %dma_wait3A_301 = tpu.memref_slice %arg13[%dma_wait3A_299, %dma_wait3A_300] : memref<100352x16xf32, #tpu.memory_space<vmem_shared>> -> memref<100352x16xf32, #tpu.memory_space<vmem_shared>>
      tpu.wait_indirect_dma semaphore(%arg16 : memref<!tpu.dma_semaphore, #tpu.memory_space<semaphore_mem>>) src(%dma_wait3A_296 : memref<128x16xf32, #tpu.memory_space<vmem>>) dst(%dma_wait3A_301 : memref<100352x16xf32, #tpu.memory_space<vmem_shared>>)
      %dma_wait3A_302 = arith.constant 128 : i32
      %dma_wait3A_303 = arith.constant 0 : i32
      %dma_wait3A_304 = tpu.memref_slice %arg8[%dma_wait3A_302, %dma_wait3A_303] : memref<640x16xf32, #tpu.memory_space<vmem>> -> memref<128x16xf32, #tpu.memory_space<vmem>>
      %dma_wait3A_305 = arith.constant 128 : i32
      %dma_wait3A_306 = tpu.memref_slice %arg6[%dma_wait3A_305] : memref<640xi32, #tpu.memory_space<vmem>> -> memref<128xi32, #tpu.memory_space<vmem>>
      %dma_wait3A_307 = arith.constant 0 : i32
      %dma_wait3A_308 = arith.constant 0 : i32
      %dma_wait3A_309 = tpu.memref_slice %arg13[%dma_wait3A_307, %dma_wait3A_308] : memref<100352x16xf32, #tpu.memory_space<vmem_shared>> -> memref<100352x16xf32, #tpu.memory_space<vmem_shared>>
      tpu.wait_indirect_dma semaphore(%arg16 : memref<!tpu.dma_semaphore, #tpu.memory_space<semaphore_mem>>) src(%dma_wait3A_304 : memref<128x16xf32, #tpu.memory_space<vmem>>) dst(%dma_wait3A_309 : memref<100352x16xf32, #tpu.memory_space<vmem_shared>>)
      %dma_wait3A_310 = arith.constant 256 : i32
      %dma_wait3A_311 = arith.constant 0 : i32
      %dma_wait3A_312 = tpu.memref_slice %arg8[%dma_wait3A_310, %dma_wait3A_311] : memref<640x16xf32, #tpu.memory_space<vmem>> -> memref<128x16xf32, #tpu.memory_space<vmem>>
      %dma_wait3A_313 = arith.constant 256 : i32
      %dma_wait3A_314 = tpu.memref_slice %arg6[%dma_wait3A_313] : memref<640xi32, #tpu.memory_space<vmem>> -> memref<128xi32, #tpu.memory_space<vmem>>
      %dma_wait3A_315 = arith.constant 0 : i32
      %dma_wait3A_316 = arith.constant 0 : i32
      %dma_wait3A_317 = tpu.memref_slice %arg13[%dma_wait3A_315, %dma_wait3A_316] : memref<100352x16xf32, #tpu.memory_space<vmem_shared>> -> memref<100352x16xf32, #tpu.memory_space<vmem_shared>>
      tpu.wait_indirect_dma semaphore(%arg16 : memref<!tpu.dma_semaphore, #tpu.memory_space<semaphore_mem>>) src(%dma_wait3A_312 : memref<128x16xf32, #tpu.memory_space<vmem>>) dst(%dma_wait3A_317 : memref<100352x16xf32, #tpu.memory_space<vmem_shared>>)
      %dma_wait3A_318 = arith.constant 384 : i32
      %dma_wait3A_319 = arith.constant 0 : i32
      %dma_wait3A_320 = tpu.memref_slice %arg8[%dma_wait3A_318, %dma_wait3A_319] : memref<640x16xf32, #tpu.memory_space<vmem>> -> memref<128x16xf32, #tpu.memory_space<vmem>>
      %dma_wait3A_321 = arith.constant 384 : i32
      %dma_wait3A_322 = tpu.memref_slice %arg6[%dma_wait3A_321] : memref<640xi32, #tpu.memory_space<vmem>> -> memref<128xi32, #tpu.memory_space<vmem>>
      %dma_wait3A_323 = arith.constant 0 : i32
      %dma_wait3A_324 = arith.constant 0 : i32
      %dma_wait3A_325 = tpu.memref_slice %arg13[%dma_wait3A_323, %dma_wait3A_324] : memref<100352x16xf32, #tpu.memory_space<vmem_shared>> -> memref<100352x16xf32, #tpu.memory_space<vmem_shared>>
      tpu.wait_indirect_dma semaphore(%arg16 : memref<!tpu.dma_semaphore, #tpu.memory_space<semaphore_mem>>) src(%dma_wait3A_320 : memref<128x16xf32, #tpu.memory_space<vmem>>) dst(%dma_wait3A_325 : memref<100352x16xf32, #tpu.memory_space<vmem_shared>>)
      %dma_wait3A_326 = arith.constant 512 : i32
      %dma_wait3A_327 = arith.constant 0 : i32
      %dma_wait3A_328 = tpu.memref_slice %arg8[%dma_wait3A_326, %dma_wait3A_327] : memref<640x16xf32, #tpu.memory_space<vmem>> -> memref<128x16xf32, #tpu.memory_space<vmem>>
      %dma_wait3A_329 = arith.constant 512 : i32
      %dma_wait3A_330 = tpu.memref_slice %arg6[%dma_wait3A_329] : memref<640xi32, #tpu.memory_space<vmem>> -> memref<128xi32, #tpu.memory_space<vmem>>
      %dma_wait3A_331 = arith.constant 0 : i32
      %dma_wait3A_332 = arith.constant 0 : i32
      %dma_wait3A_333 = tpu.memref_slice %arg13[%dma_wait3A_331, %dma_wait3A_332] : memref<100352x16xf32, #tpu.memory_space<vmem_shared>> -> memref<100352x16xf32, #tpu.memory_space<vmem_shared>>
      tpu.wait_indirect_dma semaphore(%arg16 : memref<!tpu.dma_semaphore, #tpu.memory_space<semaphore_mem>>) src(%dma_wait3A_328 : memref<128x16xf32, #tpu.memory_space<vmem>>) dst(%dma_wait3A_333 : memref<100352x16xf32, #tpu.memory_space<vmem_shared>>)
    } else {
    }
    %barrier3A_137 = arith.constant 0 : index
    tpu.barrier barrier_id(%barrier3A_137)
    %mul3A_138 = arith.constant 6272 : i32
    %mul3A_139 = arith.muli %arg1, %mul3A_138 : i32
    %lt3A_140 = arith.constant 15 : i32
    %lt3A_141 = arith.cmpi slt, %arg1, %lt3A_140 : i32
    %jit3A = arith.constant 9 : i32
    %jit3A_142 = arith.constant 9 : i32
    %select_n3A = arith.select %lt3A_141, %jit3A, %jit3A_142 : i32
    %mul3A_143 = arith.constant 16 : i32
    %mul3A_144 = arith.muli %arg0, %mul3A_143 : i32
    %while3A = arith.constant 0 : i32
    %while3A_145 = arith.constant 0 : i32
    %while3A_146 = arith.subi %select_n3A, %while3A_145 : i32
    %while3A_147 = arith.addi %while3A_145, %while3A_146 : i32
    %while3A_148 = arith.constant 1 : i32
    %while3A_149 = arith.divsi %while3A_146, %while3A_148 : i32
    %while3A_150 = arith.muli %while3A_149, %while3A_148 : i32
    %while3A_151 = arith.addi %while3A_145, %while3A_150 : i32
    %while3A_152 = arith.constant 1 : i32
    scf.for %while3A_163 = %while3A_145 to %while3A_151 step %while3A_152  : i32 {
      %mul3A_164 = arith.constant 640 : i32
      %mul3A_165 = arith.muli %while3A_163, %mul3A_164 : i32
      %add3A_166 = arith.addi %mul3A_139, %mul3A_165 : i32
      "tpu.region"() ({
        %run_scoped3A = tpu.sem_alloc : memref<!tpu.dma_semaphore, #tpu.memory_space<semaphore_mem>>
        %dma_start3A_170 = arith.constant 0 : i32
        %dma_start3A_171 = tpu.memref_slice %arg13[%add3A_166, %dma_start3A_170] : memref<100352x16xf32, #tpu.memory_space<vmem_shared>> -> memref<640x16xf32, #tpu.memory_space<vmem_shared>>
        %dma_start3A_172 = arith.constant 0 : i32
        %dma_start3A_173 = tpu.memref_slice %arg13[%add3A_166, %dma_start3A_172] : memref<100352x16xf32, #tpu.memory_space<vmem_shared>> -> memref<640x16xf32, #tpu.memory_space<vmem_shared>>
        tpu.enqueue_dma source(%dma_start3A_173 : memref<640x16xf32, #tpu.memory_space<vmem_shared>>) target(%arg8 : memref<640x16xf32, #tpu.memory_space<vmem>>) target_semaphore(%run_scoped3A : memref<!tpu.dma_semaphore, #tpu.memory_space<semaphore_mem>>)
        %dma_wait3A_174 = arith.constant 0 : i32
        %dma_wait3A_175 = tpu.memref_slice %arg13[%add3A_166, %dma_wait3A_174] : memref<100352x16xf32, #tpu.memory_space<vmem_shared>> -> memref<640x16xf32, #tpu.memory_space<vmem_shared>>
        %dma_wait3A_176 = arith.constant 0 : i32
        %dma_wait3A_177 = tpu.memref_slice %arg13[%add3A_166, %dma_wait3A_176] : memref<100352x16xf32, #tpu.memory_space<vmem_shared>> -> memref<640x16xf32, #tpu.memory_space<vmem_shared>>
        tpu.wait_dma2 semaphore(%run_scoped3A : memref<!tpu.dma_semaphore, #tpu.memory_space<semaphore_mem>>) src(%dma_wait3A_177 : memref<640x16xf32, #tpu.memory_space<vmem_shared>>) dst(%arg8 : memref<640x16xf32, #tpu.memory_space<vmem>>)
        tpu.yield
      }) : () -> ()
      %mul3A_167 = arith.constant 640 : i32
      %mul3A_168 = arith.muli %while3A_163, %mul3A_167 : i32
      %add3A_169 = arith.addi %mul3A_139, %mul3A_168 : i32
      "tpu.region"() ({
        %run_scoped3A = tpu.sem_alloc : memref<!tpu.dma_semaphore, #tpu.memory_space<semaphore_mem>>
        %dma_start3A_170 = tpu.memref_slice %arg4[%add3A_169, %mul3A_144] : memref<100000x32xf32, #tpu.memory_space<hbm>> -> memref<640x16xf32, #tpu.memory_space<hbm>>
        %dma_start3A_171 = tpu.memref_slice %arg4[%add3A_169, %mul3A_144] : memref<100000x32xf32, #tpu.memory_space<hbm>> -> memref<640x16xf32, #tpu.memory_space<hbm>>
        tpu.enqueue_dma source(%arg8 : memref<640x16xf32, #tpu.memory_space<vmem>>) target(%dma_start3A_171 : memref<640x16xf32, #tpu.memory_space<hbm>>) target_semaphore(%run_scoped3A : memref<!tpu.dma_semaphore, #tpu.memory_space<semaphore_mem>>)
        %dma_wait3A_172 = tpu.memref_slice %arg4[%add3A_169, %mul3A_144] : memref<100000x32xf32, #tpu.memory_space<hbm>> -> memref<640x16xf32, #tpu.memory_space<hbm>>
        %dma_wait3A_173 = tpu.memref_slice %arg4[%add3A_169, %mul3A_144] : memref<100000x32xf32, #tpu.memory_space<hbm>> -> memref<640x16xf32, #tpu.memory_space<hbm>>
        tpu.wait_dma2 semaphore(%run_scoped3A : memref<!tpu.dma_semaphore, #tpu.memory_space<semaphore_mem>>) src(%arg8 : memref<640x16xf32, #tpu.memory_space<vmem>>) dst(%dma_wait3A_173 : memref<640x16xf32, #tpu.memory_space<hbm>>)
        tpu.yield
      }) : () -> ()
    }
    %while3A_153 = arith.constant 1 : i32
    scf.for %while3A_163 = %while3A_151 to %while3A_147 step %while3A_153  : i32 {
      %mul3A_164 = arith.constant 640 : i32
      %mul3A_165 = arith.muli %while3A_163, %mul3A_164 : i32
      %add3A_166 = arith.addi %mul3A_139, %mul3A_165 : i32
      "tpu.region"() ({
        %run_scoped3A = tpu.sem_alloc : memref<!tpu.dma_semaphore, #tpu.memory_space<semaphore_mem>>
        %dma_start3A_170 = arith.constant 0 : i32
        %dma_start3A_171 = tpu.memref_slice %arg13[%add3A_166, %dma_start3A_170] : memref<100352x16xf32, #tpu.memory_space<vmem_shared>> -> memref<640x16xf32, #tpu.memory_space<vmem_shared>>
        %dma_start3A_172 = arith.constant 0 : i32
        %dma_start3A_173 = tpu.memref_slice %arg13[%add3A_166, %dma_start3A_172] : memref<100352x16xf32, #tpu.memory_space<vmem_shared>> -> memref<640x16xf32, #tpu.memory_space<vmem_shared>>
        tpu.enqueue_dma source(%dma_start3A_173 : memref<640x16xf32, #tpu.memory_space<vmem_shared>>) target(%arg8 : memref<640x16xf32, #tpu.memory_space<vmem>>) target_semaphore(%run_scoped3A : memref<!tpu.dma_semaphore, #tpu.memory_space<semaphore_mem>>)
        %dma_wait3A_174 = arith.constant 0 : i32
        %dma_wait3A_175 = tpu.memref_slice %arg13[%add3A_166, %dma_wait3A_174] : memref<100352x16xf32, #tpu.memory_space<vmem_shared>> -> memref<640x16xf32, #tpu.memory_space<vmem_shared>>
        %dma_wait3A_176 = arith.constant 0 : i32
        %dma_wait3A_177 = tpu.memref_slice %arg13[%add3A_166, %dma_wait3A_176] : memref<100352x16xf32, #tpu.memory_space<vmem_shared>> -> memref<640x16xf32, #tpu.memory_space<vmem_shared>>
        tpu.wait_dma2 semaphore(%run_scoped3A : memref<!tpu.dma_semaphore, #tpu.memory_space<semaphore_mem>>) src(%dma_wait3A_177 : memref<640x16xf32, #tpu.memory_space<vmem_shared>>) dst(%arg8 : memref<640x16xf32, #tpu.memory_space<vmem>>)
        tpu.yield
      }) : () -> ()
      %mul3A_167 = arith.constant 640 : i32
      %mul3A_168 = arith.muli %while3A_163, %mul3A_167 : i32
      %add3A_169 = arith.addi %mul3A_139, %mul3A_168 : i32
      "tpu.region"() ({
        %run_scoped3A = tpu.sem_alloc : memref<!tpu.dma_semaphore, #tpu.memory_space<semaphore_mem>>
        %dma_start3A_170 = tpu.memref_slice %arg4[%add3A_169, %mul3A_144] : memref<100000x32xf32, #tpu.memory_space<hbm>> -> memref<640x16xf32, #tpu.memory_space<hbm>>
        %dma_start3A_171 = tpu.memref_slice %arg4[%add3A_169, %mul3A_144] : memref<100000x32xf32, #tpu.memory_space<hbm>> -> memref<640x16xf32, #tpu.memory_space<hbm>>
        tpu.enqueue_dma source(%arg8 : memref<640x16xf32, #tpu.memory_space<vmem>>) target(%dma_start3A_171 : memref<640x16xf32, #tpu.memory_space<hbm>>) target_semaphore(%run_scoped3A : memref<!tpu.dma_semaphore, #tpu.memory_space<semaphore_mem>>)
        %dma_wait3A_172 = tpu.memref_slice %arg4[%add3A_169, %mul3A_144] : memref<100000x32xf32, #tpu.memory_space<hbm>> -> memref<640x16xf32, #tpu.memory_space<hbm>>
        %dma_wait3A_173 = tpu.memref_slice %arg4[%add3A_169, %mul3A_144] : memref<100000x32xf32, #tpu.memory_space<hbm>> -> memref<640x16xf32, #tpu.memory_space<hbm>>
        tpu.wait_dma2 semaphore(%run_scoped3A : memref<!tpu.dma_semaphore, #tpu.memory_space<semaphore_mem>>) src(%arg8 : memref<640x16xf32, #tpu.memory_space<vmem>>) dst(%dma_wait3A_173 : memref<640x16xf32, #tpu.memory_space<hbm>>)
        tpu.yield
      }) : () -> ()
    }
    %lt3A_154 = arith.constant 15 : i32
    %lt3A_155 = arith.cmpi slt, %arg1, %lt3A_154 : i32
    %convert_element_type3A_156 = arith.extui %lt3A_155 : i1 to i32
    %cond3A_157 = arith.constant 0 : i32
    %cond3A_158 = arith.cmpi ne, %convert_element_type3A_156, %cond3A_157 : i32
    scf.if %cond3A_158 {
      %add3A_163 = arith.constant 5760 : i32
      %add3A_164 = arith.addi %mul3A_139, %add3A_163 : i32
      "tpu.region"() ({
        %run_scoped3A = tpu.sem_alloc : memref<!tpu.dma_semaphore, #tpu.memory_space<semaphore_mem>>
        %dma_start3A_167 = arith.constant 0 : i32
        %dma_start3A_168 = arith.constant 0 : i32
        %dma_start3A_169 = tpu.memref_slice %arg8[%dma_start3A_167, %dma_start3A_168] : memref<640x16xf32, #tpu.memory_space<vmem>> -> memref<512x16xf32, #tpu.memory_space<vmem>>
        %dma_start3A_170 = arith.constant 0 : i32
        %dma_start3A_171 = tpu.memref_slice %arg13[%add3A_164, %dma_start3A_170] : memref<100352x16xf32, #tpu.memory_space<vmem_shared>> -> memref<512x16xf32, #tpu.memory_space<vmem_shared>>
        %dma_start3A_172 = arith.constant 0 : i32
        %dma_start3A_173 = arith.constant 0 : i32
        %dma_start3A_174 = tpu.memref_slice %arg8[%dma_start3A_172, %dma_start3A_173] : memref<640x16xf32, #tpu.memory_space<vmem>> -> memref<512x16xf32, #tpu.memory_space<vmem>>
        %dma_start3A_175 = arith.constant 0 : i32
        %dma_start3A_176 = tpu.memref_slice %arg13[%add3A_164, %dma_start3A_175] : memref<100352x16xf32, #tpu.memory_space<vmem_shared>> -> memref<512x16xf32, #tpu.memory_space<vmem_shared>>
        tpu.enqueue_dma source(%dma_start3A_176 : memref<512x16xf32, #tpu.memory_space<vmem_shared>>) target(%dma_start3A_174 : memref<512x16xf32, #tpu.memory_space<vmem>>) target_semaphore(%run_scoped3A : memref<!tpu.dma_semaphore, #tpu.memory_space<semaphore_mem>>)
        %dma_wait3A_177 = arith.constant 0 : i32
        %dma_wait3A_178 = arith.constant 0 : i32
        %dma_wait3A_179 = tpu.memref_slice %arg8[%dma_wait3A_177, %dma_wait3A_178] : memref<640x16xf32, #tpu.memory_space<vmem>> -> memref<512x16xf32, #tpu.memory_space<vmem>>
        %dma_wait3A_180 = arith.constant 0 : i32
        %dma_wait3A_181 = tpu.memref_slice %arg13[%add3A_164, %dma_wait3A_180] : memref<100352x16xf32, #tpu.memory_space<vmem_shared>> -> memref<512x16xf32, #tpu.memory_space<vmem_shared>>
        %dma_wait3A_182 = arith.constant 0 : i32
        %dma_wait3A_183 = arith.constant 0 : i32
        %dma_wait3A_184 = tpu.memref_slice %arg8[%dma_wait3A_182, %dma_wait3A_183] : memref<640x16xf32, #tpu.memory_space<vmem>> -> memref<512x16xf32, #tpu.memory_space<vmem>>
        %dma_wait3A_185 = arith.constant 0 : i32
        %dma_wait3A_186 = tpu.memref_slice %arg13[%add3A_164, %dma_wait3A_185] : memref<100352x16xf32, #tpu.memory_space<vmem_shared>> -> memref<512x16xf32, #tpu.memory_space<vmem_shared>>
        tpu.wait_dma2 semaphore(%run_scoped3A : memref<!tpu.dma_semaphore, #tpu.memory_space<semaphore_mem>>) src(%dma_wait3A_186 : memref<512x16xf32, #tpu.memory_space<vmem_shared>>) dst(%dma_wait3A_184 : memref<512x16xf32, #tpu.memory_space<vmem>>)
        tpu.yield
      }) : () -> ()
      %add3A_165 = arith.constant 5760 : i32
      %add3A_166 = arith.addi %mul3A_139, %add3A_165 : i32
      "tpu.region"() ({
        %run_scoped3A = tpu.sem_alloc : memref<!tpu.dma_semaphore, #tpu.memory_space<semaphore_mem>>
        %dma_start3A_167 = arith.constant 0 : i32
        %dma_start3A_168 = arith.constant 0 : i32
        %dma_start3A_169 = tpu.memref_slice %arg8[%dma_start3A_167, %dma_start3A_168] : memref<640x16xf32, #tpu.memory_space<vmem>> -> memref<512x16xf32, #tpu.memory_space<vmem>>
        %dma_start3A_170 = tpu.memref_slice %arg4[%add3A_166, %mul3A_144] : memref<100000x32xf32, #tpu.memory_space<hbm>> -> memref<512x16xf32, #tpu.memory_space<hbm>>
        %dma_start3A_171 = tpu.memref_slice %arg4[%add3A_166, %mul3A_144] : memref<100000x32xf32, #tpu.memory_space<hbm>> -> memref<512x16xf32, #tpu.memory_space<hbm>>
        %dma_start3A_172 = arith.constant 0 : i32
        %dma_start3A_173 = arith.constant 0 : i32
        %dma_start3A_174 = tpu.memref_slice %arg8[%dma_start3A_172, %dma_start3A_173] : memref<640x16xf32, #tpu.memory_space<vmem>> -> memref<512x16xf32, #tpu.memory_space<vmem>>
        tpu.enqueue_dma source(%dma_start3A_174 : memref<512x16xf32, #tpu.memory_space<vmem>>) target(%dma_start3A_171 : memref<512x16xf32, #tpu.memory_space<hbm>>) target_semaphore(%run_scoped3A : memref<!tpu.dma_semaphore, #tpu.memory_space<semaphore_mem>>)
        %dma_wait3A_175 = arith.constant 0 : i32
        %dma_wait3A_176 = arith.constant 0 : i32
        %dma_wait3A_177 = tpu.memref_slice %arg8[%dma_wait3A_175, %dma_wait3A_176] : memref<640x16xf32, #tpu.memory_space<vmem>> -> memref<512x16xf32, #tpu.memory_space<vmem>>
        %dma_wait3A_178 = tpu.memref_slice %arg4[%add3A_166, %mul3A_144] : memref<100000x32xf32, #tpu.memory_space<hbm>> -> memref<512x16xf32, #tpu.memory_space<hbm>>
        %dma_wait3A_179 = tpu.memref_slice %arg4[%add3A_166, %mul3A_144] : memref<100000x32xf32, #tpu.memory_space<hbm>> -> memref<512x16xf32, #tpu.memory_space<hbm>>
        %dma_wait3A_180 = arith.constant 0 : i32
        %dma_wait3A_181 = arith.constant 0 : i32
        %dma_wait3A_182 = tpu.memref_slice %arg8[%dma_wait3A_180, %dma_wait3A_181] : memref<640x16xf32, #tpu.memory_space<vmem>> -> memref<512x16xf32, #tpu.memory_space<vmem>>
        tpu.wait_dma2 semaphore(%run_scoped3A : memref<!tpu.dma_semaphore, #tpu.memory_space<semaphore_mem>>) src(%dma_wait3A_182 : memref<512x16xf32, #tpu.memory_space<vmem>>) dst(%dma_wait3A_179 : memref<512x16xf32, #tpu.memory_space<hbm>>)
        tpu.yield
      }) : () -> ()
    } else {
    }
    %eq3A = arith.constant 15 : i32
    %eq3A_159 = arith.cmpi eq, %arg1, %eq3A : i32
    %convert_element_type3A_160 = arith.extui %eq3A_159 : i1 to i32
    %cond3A_161 = arith.constant 0 : i32
    %cond3A_162 = arith.cmpi ne, %convert_element_type3A_160, %cond3A_161 : i32
    scf.if %cond3A_162 {
      "tpu.region"() ({
        %run_scoped3A = tpu.sem_alloc : memref<!tpu.dma_semaphore, #tpu.memory_space<semaphore_mem>>
        %dma_start3A_163 = arith.constant 0 : i32
        %dma_start3A_164 = arith.constant 0 : i32
        %dma_start3A_165 = tpu.memref_slice %arg8[%dma_start3A_163, %dma_start3A_164] : memref<640x16xf32, #tpu.memory_space<vmem>> -> memref<160x16xf32, #tpu.memory_space<vmem>>
        %dma_start3A_166 = arith.constant 99840 : i32
        %dma_start3A_167 = arith.constant 0 : i32
        %dma_start3A_168 = tpu.memref_slice %arg13[%dma_start3A_166, %dma_start3A_167] : memref<100352x16xf32, #tpu.memory_space<vmem_shared>> -> memref<160x16xf32, #tpu.memory_space<vmem_shared>>
        %dma_start3A_169 = arith.constant 0 : i32
        %dma_start3A_170 = arith.constant 0 : i32
        %dma_start3A_171 = tpu.memref_slice %arg8[%dma_start3A_169, %dma_start3A_170] : memref<640x16xf32, #tpu.memory_space<vmem>> -> memref<160x16xf32, #tpu.memory_space<vmem>>
        %dma_start3A_172 = arith.constant 99840 : i32
        %dma_start3A_173 = arith.constant 0 : i32
        %dma_start3A_174 = tpu.memref_slice %arg13[%dma_start3A_172, %dma_start3A_173] : memref<100352x16xf32, #tpu.memory_space<vmem_shared>> -> memref<160x16xf32, #tpu.memory_space<vmem_shared>>
        tpu.enqueue_dma source(%dma_start3A_174 : memref<160x16xf32, #tpu.memory_space<vmem_shared>>) target(%dma_start3A_171 : memref<160x16xf32, #tpu.memory_space<vmem>>) target_semaphore(%run_scoped3A : memref<!tpu.dma_semaphore, #tpu.memory_space<semaphore_mem>>)
        %dma_wait3A_175 = arith.constant 0 : i32
        %dma_wait3A_176 = arith.constant 0 : i32
        %dma_wait3A_177 = tpu.memref_slice %arg8[%dma_wait3A_175, %dma_wait3A_176] : memref<640x16xf32, #tpu.memory_space<vmem>> -> memref<160x16xf32, #tpu.memory_space<vmem>>
        %dma_wait3A_178 = arith.constant 99840 : i32
        %dma_wait3A_179 = arith.constant 0 : i32
        %dma_wait3A_180 = tpu.memref_slice %arg13[%dma_wait3A_178, %dma_wait3A_179] : memref<100352x16xf32, #tpu.memory_space<vmem_shared>> -> memref<160x16xf32, #tpu.memory_space<vmem_shared>>
        %dma_wait3A_181 = arith.constant 0 : i32
        %dma_wait3A_182 = arith.constant 0 : i32
        %dma_wait3A_183 = tpu.memref_slice %arg8[%dma_wait3A_181, %dma_wait3A_182] : memref<640x16xf32, #tpu.memory_space<vmem>> -> memref<160x16xf32, #tpu.memory_space<vmem>>
        %dma_wait3A_184 = arith.constant 99840 : i32
        %dma_wait3A_185 = arith.constant 0 : i32
        %dma_wait3A_186 = tpu.memref_slice %arg13[%dma_wait3A_184, %dma_wait3A_185] : memref<100352x16xf32, #tpu.memory_space<vmem_shared>> -> memref<160x16xf32, #tpu.memory_space<vmem_shared>>
        tpu.wait_dma2 semaphore(%run_scoped3A : memref<!tpu.dma_semaphore, #tpu.memory_space<semaphore_mem>>) src(%dma_wait3A_186 : memref<160x16xf32, #tpu.memory_space<vmem_shared>>) dst(%dma_wait3A_183 : memref<160x16xf32, #tpu.memory_space<vmem>>)
        tpu.yield
      }) : () -> ()
      "tpu.region"() ({
        %run_scoped3A = tpu.sem_alloc : memref<!tpu.dma_semaphore, #tpu.memory_space<semaphore_mem>>
        %dma_start3A_163 = arith.constant 0 : i32
        %dma_start3A_164 = arith.constant 0 : i32
        %dma_start3A_165 = tpu.memref_slice %arg8[%dma_start3A_163, %dma_start3A_164] : memref<640x16xf32, #tpu.memory_space<vmem>> -> memref<160x16xf32, #tpu.memory_space<vmem>>
        %dma_start3A_166 = arith.constant 99840 : i32
        %dma_start3A_167 = tpu.memref_slice %arg4[%dma_start3A_166, %mul3A_144] : memref<100000x32xf32, #tpu.memory_space<hbm>> -> memref<160x16xf32, #tpu.memory_space<hbm>>
        %dma_start3A_168 = arith.constant 99840 : i32
        %dma_start3A_169 = tpu.memref_slice %arg4[%dma_start3A_168, %mul3A_144] : memref<100000x32xf32, #tpu.memory_space<hbm>> -> memref<160x16xf32, #tpu.memory_space<hbm>>
        %dma_start3A_170 = arith.constant 0 : i32
        %dma_start3A_171 = arith.constant 0 : i32
        %dma_start3A_172 = tpu.memref_slice %arg8[%dma_start3A_170, %dma_start3A_171] : memref<640x16xf32, #tpu.memory_space<vmem>> -> memref<160x16xf32, #tpu.memory_space<vmem>>
        tpu.enqueue_dma source(%dma_start3A_172 : memref<160x16xf32, #tpu.memory_space<vmem>>) target(%dma_start3A_169 : memref<160x16xf32, #tpu.memory_space<hbm>>) target_semaphore(%run_scoped3A : memref<!tpu.dma_semaphore, #tpu.memory_space<semaphore_mem>>)
        %dma_wait3A_173 = arith.constant 0 : i32
        %dma_wait3A_174 = arith.constant 0 : i32
        %dma_wait3A_175 = tpu.memref_slice %arg8[%dma_wait3A_173, %dma_wait3A_174] : memref<640x16xf32, #tpu.memory_space<vmem>> -> memref<160x16xf32, #tpu.memory_space<vmem>>
        %dma_wait3A_176 = arith.constant 99840 : i32
        %dma_wait3A_177 = tpu.memref_slice %arg4[%dma_wait3A_176, %mul3A_144] : memref<100000x32xf32, #tpu.memory_space<hbm>> -> memref<160x16xf32, #tpu.memory_space<hbm>>
        %dma_wait3A_178 = arith.constant 99840 : i32
        %dma_wait3A_179 = tpu.memref_slice %arg4[%dma_wait3A_178, %mul3A_144] : memref<100000x32xf32, #tpu.memory_space<hbm>> -> memref<160x16xf32, #tpu.memory_space<hbm>>
        %dma_wait3A_180 = arith.constant 0 : i32
        %dma_wait3A_181 = arith.constant 0 : i32
        %dma_wait3A_182 = tpu.memref_slice %arg8[%dma_wait3A_180, %dma_wait3A_181] : memref<640x16xf32, #tpu.memory_space<vmem>> -> memref<160x16xf32, #tpu.memory_space<vmem>>
        tpu.wait_dma2 semaphore(%run_scoped3A : memref<!tpu.dma_semaphore, #tpu.memory_space<semaphore_mem>>) src(%dma_wait3A_182 : memref<160x16xf32, #tpu.memory_space<vmem>>) dst(%dma_wait3A_179 : memref<160x16xf32, #tpu.memory_space<hbm>>)
        tpu.yield
      }) : () -> ()
    } else {
    }
    return
  }
}

#map = affine_map<(d0, d1) -> (0, 0)>
module attributes {stable_mosaic.version = 14 : i64} {
  func.func @_seg_body(%arg0: i32, %arg1: i32, %arg2: memref<200000x16xf32, #tpu.memory_space<hbm>>, %arg3: memref<2x1600000xi32, #tpu.memory_space<hbm>>, %arg4: memref<100000x16xf32, #tpu.memory_space<hbm>>, %arg5: memref<100000x16xf32, #tpu.memory_space<hbm>>, %arg6: memref<640xi32, #tpu.memory_space<vmem>>, %arg7: memref<640xi32, #tpu.memory_space<vmem>>, %arg8: memref<640xi32, #tpu.memory_space<vmem>>, %arg9: memref<640x16xf32, #tpu.memory_space<vmem>>, %arg10: memref<640xi32, #tpu.memory_space<vmem>>, %arg11: memref<640xi32, #tpu.memory_space<vmem>>, %arg12: memref<640xi32, #tpu.memory_space<vmem>>, %arg13: memref<640x16xf32, #tpu.memory_space<vmem>>, %arg14: memref<100352x16xf32, #tpu.memory_space<vmem_shared>>, %arg15: memref<!tpu.dma_semaphore, #tpu.memory_space<semaphore_mem>>, %arg16: memref<!tpu.dma_semaphore, #tpu.memory_space<semaphore_mem>>, %arg17: memref<!tpu.dma_semaphore, #tpu.memory_space<semaphore_mem>>) attributes {dimension_semantics = [#tpu.dimension_semantics<core_parallel>, #tpu.dimension_semantics<subcore_parallel>], iteration_bounds = array<i64: 2, 16>, scalar_prefetch = 0 : i64, scratch_operands = 12 : i64, tpu.core_type = #tpu.core_type<sc_vector_subcore>, window_params = [{transform_indices = #map}, {transform_indices = #map}, {transform_indices = #map}, {transform_indices = #map}]} {
    %scan3A = arith.constant 0 : i32
    %scan3A_0 = arith.constant 0 : i32
    %scan3A_1 = arith.constant 640 : i32
    %scan3A_2 = arith.addi %scan3A_0, %scan3A_1 : i32
    %scan3A_3 = arith.constant 1 : i32
    scf.for %scan3A_154 = %scan3A_0 to %scan3A_2 step %scan3A_3  : i32 {
      %broadcast_in_dim3A = arith.constant 0.000000e+00 : f32
      %broadcast_in_dim3A_155 = vector.broadcast %broadcast_in_dim3A : f32 to vector<16xf32>
      %swap3A = arith.index_cast %scan3A_154 : i32 to index
      %swap3A_156 = arith.constant 0 : index
      %swap3A_157 = tpu.vector_load %arg9[%swap3A, %swap3A_156] {strides = array<i32>} : memref<640x16xf32, #tpu.memory_space<vmem>>, vector<1x16xf32>,
      %swap3A_158 = vector.shape_cast %swap3A_157 : vector<1x16xf32> to vector<16xf32>
      %swap3A_159 = vector.shape_cast %broadcast_in_dim3A_155 : vector<16xf32> to vector<1x16xf32>
      tpu.vector_store %arg9[%swap3A, %swap3A_156], %swap3A_159 {strides = array<i32>} : memref<640x16xf32, #tpu.memory_space<vmem>>, vector<1x16xf32>,
      %broadcast_in_dim3A_160 = arith.constant 0.000000e+00 : f32
      %broadcast_in_dim3A_161 = vector.broadcast %broadcast_in_dim3A_160 : f32 to vector<16xf32>
      %swap3A_162 = arith.index_cast %scan3A_154 : i32 to index
      %swap3A_163 = arith.constant 0 : index
      %swap3A_164 = tpu.vector_load %arg13[%swap3A_162, %swap3A_163] {strides = array<i32>} : memref<640x16xf32, #tpu.memory_space<vmem>>, vector<1x16xf32>,
      %swap3A_165 = vector.shape_cast %swap3A_164 : vector<1x16xf32> to vector<16xf32>
      %swap3A_166 = vector.shape_cast %broadcast_in_dim3A_161 : vector<16xf32> to vector<1x16xf32>
      tpu.vector_store %arg13[%swap3A_162, %swap3A_163], %swap3A_166 {strides = array<i32>} : memref<640x16xf32, #tpu.memory_space<vmem>>, vector<1x16xf32>,
    }
    %scan3A_4 = arith.constant 640 : i32
    %iota3A = tpu.iota {dimensions = array<i32: 0>} : vector<16xi32>
    %scan3A_5 = arith.constant 0 : i32
    %scan3A_6 = arith.constant 0 : i32
    %scan3A_7 = arith.constant 40 : i32
    %scan3A_8 = arith.addi %scan3A_6, %scan3A_7 : i32
    %scan3A_9 = arith.constant 1 : i32
    scf.for %scan3A_154 = %scan3A_6 to %scan3A_8 step %scan3A_9  : i32 {
      %add3A_155 = arith.constant 100000 : i32
      %add3A_156 = vector.broadcast %add3A_155 : i32 to vector<16xi32>
      %add3A_157 = arith.addi %add3A_156, %iota3A : vector<16xi32>
      %jit3A_158 = arith.constant 8 : i32
      %eq3A_159 = arith.constant 0 : i32
      %eq3A_160 = arith.cmpi eq, %jit3A_158, %eq3A_159 : i32
      %jit3A_161 = arith.constant 1 : i32
      %select_n3A_162 = arith.select %eq3A_160, %jit3A_161, %jit3A_158 : i32
      %rem3A = arith.remsi %scan3A_154, %select_n3A_162 : i32
      %ne3A = arith.constant 0 : i32
      %ne3A_163 = arith.cmpi ne, %rem3A, %ne3A : i32
      %lt3A_164 = arith.constant 0 : i32
      %lt3A_165 = arith.cmpi slt, %rem3A, %lt3A_164 : i32
      %lt3A_166 = arith.constant 0 : i32
      %lt3A_167 = arith.cmpi slt, %select_n3A_162, %lt3A_166 : i32
      %ne3A_168 = arith.xori %lt3A_165, %lt3A_167 : i1
      %and3A = arith.andi %ne3A_168, %ne3A_163 : i1
      %add3A_169 = arith.addi %rem3A, %select_n3A_162 : i32
      %select_n3A_170 = arith.select %and3A, %add3A_169, %rem3A : i32
      %mul3A_171 = arith.constant 16 : i32
      %mul3A_172 = arith.muli %select_n3A_170, %mul3A_171 : i32
      %add3A_173 = vector.broadcast %mul3A_172 : i32 to vector<16xi32>
      %add3A_174 = arith.addi %add3A_157, %add3A_173 : vector<16xi32>
      %mul3A_175 = arith.constant 16 : i32
      %mul3A_176 = arith.muli %scan3A_154, %mul3A_175 : i32
      %swap3A = arith.index_cast %mul3A_176 : i32 to index
      %swap3A_177 = tpu.vector_load %arg7[%swap3A] {strides = array<i32>} : memref<640xi32, #tpu.memory_space<vmem>>, vector<16xi32>,
      %swap3A_178 = vector.shape_cast %swap3A_177 : vector<16xi32> to vector<16xi32>
      %swap3A_179 = vector.shape_cast %add3A_174 : vector<16xi32> to vector<16xi32>
      tpu.vector_store %arg7[%swap3A], %swap3A_179 {strides = array<i32>} : memref<640xi32, #tpu.memory_space<vmem>>, vector<16xi32>,
      %mul3A_180 = arith.constant 16 : i32
      %mul3A_181 = arith.muli %scan3A_154, %mul3A_180 : i32
      %swap3A_182 = arith.index_cast %mul3A_181 : i32 to index
      %swap3A_183 = tpu.vector_load %arg11[%swap3A_182] {strides = array<i32>} : memref<640xi32, #tpu.memory_space<vmem>>, vector<16xi32>,
      %swap3A_184 = vector.shape_cast %swap3A_183 : vector<16xi32> to vector<16xi32>
      %swap3A_185 = vector.shape_cast %add3A_174 : vector<16xi32> to vector<16xi32>
      tpu.vector_store %arg11[%swap3A_182], %swap3A_185 {strides = array<i32>} : memref<640xi32, #tpu.memory_space<vmem>>, vector<16xi32>,
    }
    %scan3A_10 = arith.constant 40 : i32
    %mul3A = arith.constant 6272 : i32
    %mul3A_11 = arith.muli %arg1, %mul3A : i32
    %scan3A_12 = arith.constant 0 : i32
    %scan3A_13 = arith.constant 0 : i32
    %scan3A_14 = arith.constant 9 : i32
    %scan3A_15 = arith.addi %scan3A_13, %scan3A_14 : i32
    %scan3A_16 = arith.constant 1 : i32
    scf.for %scan3A_154 = %scan3A_13 to %scan3A_15 step %scan3A_16  : i32 {
      %mul3A_155 = arith.constant 640 : i32
      %mul3A_156 = arith.muli %scan3A_154, %mul3A_155 : i32
      %add3A_157 = arith.addi %mul3A_11, %mul3A_156 : i32
      "tpu.region"() ({
        %run_scoped3A = tpu.sem_alloc : memref<!tpu.dma_semaphore, #tpu.memory_space<semaphore_mem>>
        %dma_start3A_158 = arith.constant 0 : i32
        %dma_start3A_159 = tpu.memref_slice %arg14[%add3A_157, %dma_start3A_158] : memref<100352x16xf32, #tpu.memory_space<vmem_shared>> -> memref<640x16xf32, #tpu.memory_space<vmem_shared>>
        %dma_start3A_160 = arith.constant 0 : i32
        %dma_start3A_161 = tpu.memref_slice %arg14[%add3A_157, %dma_start3A_160] : memref<100352x16xf32, #tpu.memory_space<vmem_shared>> -> memref<640x16xf32, #tpu.memory_space<vmem_shared>>
        tpu.enqueue_dma source(%arg9 : memref<640x16xf32, #tpu.memory_space<vmem>>) target(%dma_start3A_161 : memref<640x16xf32, #tpu.memory_space<vmem_shared>>) target_semaphore(%run_scoped3A : memref<!tpu.dma_semaphore, #tpu.memory_space<semaphore_mem>>)
        %dma_wait3A_162 = arith.constant 0 : i32
        %dma_wait3A_163 = tpu.memref_slice %arg14[%add3A_157, %dma_wait3A_162] : memref<100352x16xf32, #tpu.memory_space<vmem_shared>> -> memref<640x16xf32, #tpu.memory_space<vmem_shared>>
        %dma_wait3A_164 = arith.constant 0 : i32
        %dma_wait3A_165 = tpu.memref_slice %arg14[%add3A_157, %dma_wait3A_164] : memref<100352x16xf32, #tpu.memory_space<vmem_shared>> -> memref<640x16xf32, #tpu.memory_space<vmem_shared>>
        tpu.wait_dma2 semaphore(%run_scoped3A : memref<!tpu.dma_semaphore, #tpu.memory_space<semaphore_mem>>) src(%arg9 : memref<640x16xf32, #tpu.memory_space<vmem>>) dst(%dma_wait3A_165 : memref<640x16xf32, #tpu.memory_space<vmem_shared>>)
        tpu.yield
      }) : () -> ()
    }
    %scan3A_17 = arith.constant 9 : i32
    %add3A = arith.constant 5760 : i32
    %add3A_18 = arith.addi %mul3A_11, %add3A : i32
    "tpu.region"() ({
      %run_scoped3A = tpu.sem_alloc : memref<!tpu.dma_semaphore, #tpu.memory_space<semaphore_mem>>
      %dma_start3A_154 = arith.constant 0 : i32
      %dma_start3A_155 = arith.constant 0 : i32
      %dma_start3A_156 = tpu.memref_slice %arg9[%dma_start3A_154, %dma_start3A_155] : memref<640x16xf32, #tpu.memory_space<vmem>> -> memref<512x16xf32, #tpu.memory_space<vmem>>
      %dma_start3A_157 = arith.constant 0 : i32
      %dma_start3A_158 = tpu.memref_slice %arg14[%add3A_18, %dma_start3A_157] : memref<100352x16xf32, #tpu.memory_space<vmem_shared>> -> memref<512x16xf32, #tpu.memory_space<vmem_shared>>
      %dma_start3A_159 = arith.constant 0 : i32
      %dma_start3A_160 = tpu.memref_slice %arg14[%add3A_18, %dma_start3A_159] : memref<100352x16xf32, #tpu.memory_space<vmem_shared>> -> memref<512x16xf32, #tpu.memory_space<vmem_shared>>
      %dma_start3A_161 = arith.constant 0 : i32
      %dma_start3A_162 = arith.constant 0 : i32
      %dma_start3A_163 = tpu.memref_slice %arg9[%dma_start3A_161, %dma_start3A_162] : memref<640x16xf32, #tpu.memory_space<vmem>> -> memref<512x16xf32, #tpu.memory_space<vmem>>
      tpu.enqueue_dma source(%dma_start3A_163 : memref<512x16xf32, #tpu.memory_space<vmem>>) target(%dma_start3A_160 : memref<512x16xf32, #tpu.memory_space<vmem_shared>>) target_semaphore(%run_scoped3A : memref<!tpu.dma_semaphore, #tpu.memory_space<semaphore_mem>>)
      %dma_wait3A_164 = arith.constant 0 : i32
      %dma_wait3A_165 = arith.constant 0 : i32
      %dma_wait3A_166 = tpu.memref_slice %arg9[%dma_wait3A_164, %dma_wait3A_165] : memref<640x16xf32, #tpu.memory_space<vmem>> -> memref<512x16xf32, #tpu.memory_space<vmem>>
      %dma_wait3A_167 = arith.constant 0 : i32
      %dma_wait3A_168 = tpu.memref_slice %arg14[%add3A_18, %dma_wait3A_167] : memref<100352x16xf32, #tpu.memory_space<vmem_shared>> -> memref<512x16xf32, #tpu.memory_space<vmem_shared>>
      %dma_wait3A_169 = arith.constant 0 : i32
      %dma_wait3A_170 = tpu.memref_slice %arg14[%add3A_18, %dma_wait3A_169] : memref<100352x16xf32, #tpu.memory_space<vmem_shared>> -> memref<512x16xf32, #tpu.memory_space<vmem_shared>>
      %dma_wait3A_171 = arith.constant 0 : i32
      %dma_wait3A_172 = arith.constant 0 : i32
      %dma_wait3A_173 = tpu.memref_slice %arg9[%dma_wait3A_171, %dma_wait3A_172] : memref<640x16xf32, #tpu.memory_space<vmem>> -> memref<512x16xf32, #tpu.memory_space<vmem>>
      tpu.wait_dma2 semaphore(%run_scoped3A : memref<!tpu.dma_semaphore, #tpu.memory_space<semaphore_mem>>) src(%dma_wait3A_173 : memref<512x16xf32, #tpu.memory_space<vmem>>) dst(%dma_wait3A_170 : memref<512x16xf32, #tpu.memory_space<vmem_shared>>)
      tpu.yield
    }) : () -> ()
    %barrier3A = arith.constant 0 : index
    tpu.barrier barrier_id(%barrier3A)
    %add3A_19 = arith.constant 0 : i32
    %add3A_20 = arith.addi %add3A_19, %arg1 : i32
    %mul3A_21 = arith.constant 640 : i32
    %mul3A_22 = arith.muli %add3A_20, %mul3A_21 : i32
    %dma_start3A = arith.constant 0 : i32
    %dma_start3A_23 = tpu.memref_slice %arg3[%dma_start3A, %mul3A_22] : memref<2x1600000xi32, #tpu.memory_space<hbm>> -> memref<1x640xi32, #tpu.memory_space<hbm>>
    %dma_start3A_24 = tpu.memref_squeeze %dma_start3A_23 : memref<1x640xi32, #tpu.memory_space<hbm>> -> memref<640xi32, #tpu.memory_space<hbm>>
    %dma_start3A_25 = tpu.memref_slice %arg3[%dma_start3A, %mul3A_22] : memref<2x1600000xi32, #tpu.memory_space<hbm>> -> memref<1x640xi32, #tpu.memory_space<hbm>>
    %dma_start3A_26 = tpu.memref_squeeze %dma_start3A_25 : memref<1x640xi32, #tpu.memory_space<hbm>> -> memref<640xi32, #tpu.memory_space<hbm>>
    tpu.enqueue_dma source(%dma_start3A_26 : memref<640xi32, #tpu.memory_space<hbm>>) target(%arg6 : memref<640xi32, #tpu.memory_space<vmem>>) target_semaphore(%arg15 : memref<!tpu.dma_semaphore, #tpu.memory_space<semaphore_mem>>)
    %add3A_27 = arith.constant 0 : i32
    %add3A_28 = arith.addi %add3A_27, %arg1 : i32
    %mul3A_29 = arith.constant 640 : i32
    %mul3A_30 = arith.muli %add3A_28, %mul3A_29 : i32
    %dma_start3A_31 = arith.constant 1 : i32
    %dma_start3A_32 = tpu.memref_slice %arg3[%dma_start3A_31, %mul3A_30] : memref<2x1600000xi32, #tpu.memory_space<hbm>> -> memref<1x640xi32, #tpu.memory_space<hbm>>
    %dma_start3A_33 = tpu.memref_squeeze %dma_start3A_32 : memref<1x640xi32, #tpu.memory_space<hbm>> -> memref<640xi32, #tpu.memory_space<hbm>>
    %dma_start3A_34 = tpu.memref_slice %arg3[%dma_start3A_31, %mul3A_30] : memref<2x1600000xi32, #tpu.memory_space<hbm>> -> memref<1x640xi32, #tpu.memory_space<hbm>>
    %dma_start3A_35 = tpu.memref_squeeze %dma_start3A_34 : memref<1x640xi32, #tpu.memory_space<hbm>> -> memref<640xi32, #tpu.memory_space<hbm>>
    tpu.enqueue_dma source(%dma_start3A_35 : memref<640xi32, #tpu.memory_space<hbm>>) target(%arg7 : memref<640xi32, #tpu.memory_space<vmem>>) target_semaphore(%arg15 : memref<!tpu.dma_semaphore, #tpu.memory_space<semaphore_mem>>)
    %dma_start3A_36 = arith.constant 0 : i32
    %dma_start3A_37 = arith.constant 0 : i32
    %dma_start3A_38 = tpu.memref_slice %arg13[%dma_start3A_36, %dma_start3A_37] : memref<640x16xf32, #tpu.memory_space<vmem>> -> memref<128x16xf32, #tpu.memory_space<vmem>>
    %dma_start3A_39 = arith.constant 0 : i32
    %dma_start3A_40 = tpu.memref_slice %arg11[%dma_start3A_39] : memref<640xi32, #tpu.memory_space<vmem>> -> memref<128xi32, #tpu.memory_space<vmem>>
    %dma_start3A_41 = arith.constant 0 : i32
    %dma_start3A_42 = arith.constant 0 : i32
    %dma_start3A_43 = tpu.memref_slice %arg14[%dma_start3A_41, %dma_start3A_42] : memref<100352x16xf32, #tpu.memory_space<vmem_shared>> -> memref<100352x16xf32, #tpu.memory_space<vmem_shared>>
    tpu.enqueue_indirect_dma source(%dma_start3A_38 : memref<128x16xf32, #tpu.memory_space<vmem>>) target(%dma_start3A_43 : memref<100352x16xf32, #tpu.memory_space<vmem_shared>>) offsets(%dma_start3A_40 : memref<128xi32, #tpu.memory_space<vmem>>) semaphore(%arg17 : memref<!tpu.dma_semaphore, #tpu.memory_space<semaphore_mem>>) {add = true}
    %dma_start3A_44 = arith.constant 128 : i32
    %dma_start3A_45 = arith.constant 0 : i32
    %dma_start3A_46 = tpu.memref_slice %arg13[%dma_start3A_44, %dma_start3A_45] : memref<640x16xf32, #tpu.memory_space<vmem>> -> memref<128x16xf32, #tpu.memory_space<vmem>>
    %dma_start3A_47 = arith.constant 128 : i32
    %dma_start3A_48 = tpu.memref_slice %arg11[%dma_start3A_47] : memref<640xi32, #tpu.memory_space<vmem>> -> memref<128xi32, #tpu.memory_space<vmem>>
    %dma_start3A_49 = arith.constant 0 : i32
    %dma_start3A_50 = arith.constant 0 : i32
    %dma_start3A_51 = tpu.memref_slice %arg14[%dma_start3A_49, %dma_start3A_50] : memref<100352x16xf32, #tpu.memory_space<vmem_shared>> -> memref<100352x16xf32, #tpu.memory_space<vmem_shared>>
    tpu.enqueue_indirect_dma source(%dma_start3A_46 : memref<128x16xf32, #tpu.memory_space<vmem>>) target(%dma_start3A_51 : memref<100352x16xf32, #tpu.memory_space<vmem_shared>>) offsets(%dma_start3A_48 : memref<128xi32, #tpu.memory_space<vmem>>) semaphore(%arg17 : memref<!tpu.dma_semaphore, #tpu.memory_space<semaphore_mem>>) {add = true}
    %dma_start3A_52 = arith.constant 256 : i32
    %dma_start3A_53 = arith.constant 0 : i32
    %dma_start3A_54 = tpu.memref_slice %arg13[%dma_start3A_52, %dma_start3A_53] : memref<640x16xf32, #tpu.memory_space<vmem>> -> memref<128x16xf32, #tpu.memory_space<vmem>>
    %dma_start3A_55 = arith.constant 256 : i32
    %dma_start3A_56 = tpu.memref_slice %arg11[%dma_start3A_55] : memref<640xi32, #tpu.memory_space<vmem>> -> memref<128xi32, #tpu.memory_space<vmem>>
    %dma_start3A_57 = arith.constant 0 : i32
    %dma_start3A_58 = arith.constant 0 : i32
    %dma_start3A_59 = tpu.memref_slice %arg14[%dma_start3A_57, %dma_start3A_58] : memref<100352x16xf32, #tpu.memory_space<vmem_shared>> -> memref<100352x16xf32, #tpu.memory_space<vmem_shared>>
    tpu.enqueue_indirect_dma source(%dma_start3A_54 : memref<128x16xf32, #tpu.memory_space<vmem>>) target(%dma_start3A_59 : memref<100352x16xf32, #tpu.memory_space<vmem_shared>>) offsets(%dma_start3A_56 : memref<128xi32, #tpu.memory_space<vmem>>) semaphore(%arg17 : memref<!tpu.dma_semaphore, #tpu.memory_space<semaphore_mem>>) {add = true}
    %dma_start3A_60 = arith.constant 384 : i32
    %dma_start3A_61 = arith.constant 0 : i32
    %dma_start3A_62 = tpu.memref_slice %arg13[%dma_start3A_60, %dma_start3A_61] : memref<640x16xf32, #tpu.memory_space<vmem>> -> memref<128x16xf32, #tpu.memory_space<vmem>>
    %dma_start3A_63 = arith.constant 384 : i32
    %dma_start3A_64 = tpu.memref_slice %arg11[%dma_start3A_63] : memref<640xi32, #tpu.memory_space<vmem>> -> memref<128xi32, #tpu.memory_space<vmem>>
    %dma_start3A_65 = arith.constant 0 : i32
    %dma_start3A_66 = arith.constant 0 : i32
    %dma_start3A_67 = tpu.memref_slice %arg14[%dma_start3A_65, %dma_start3A_66] : memref<100352x16xf32, #tpu.memory_space<vmem_shared>> -> memref<100352x16xf32, #tpu.memory_space<vmem_shared>>
    tpu.enqueue_indirect_dma source(%dma_start3A_62 : memref<128x16xf32, #tpu.memory_space<vmem>>) target(%dma_start3A_67 : memref<100352x16xf32, #tpu.memory_space<vmem_shared>>) offsets(%dma_start3A_64 : memref<128xi32, #tpu.memory_space<vmem>>) semaphore(%arg17 : memref<!tpu.dma_semaphore, #tpu.memory_space<semaphore_mem>>) {add = true}
    %dma_start3A_68 = arith.constant 512 : i32
    %dma_start3A_69 = arith.constant 0 : i32
    %dma_start3A_70 = tpu.memref_slice %arg13[%dma_start3A_68, %dma_start3A_69] : memref<640x16xf32, #tpu.memory_space<vmem>> -> memref<128x16xf32, #tpu.memory_space<vmem>>
    %dma_start3A_71 = arith.constant 512 : i32
    %dma_start3A_72 = tpu.memref_slice %arg11[%dma_start3A_71] : memref<640xi32, #tpu.memory_space<vmem>> -> memref<128xi32, #tpu.memory_space<vmem>>
    %dma_start3A_73 = arith.constant 0 : i32
    %dma_start3A_74 = arith.constant 0 : i32
    %dma_start3A_75 = tpu.memref_slice %arg14[%dma_start3A_73, %dma_start3A_74] : memref<100352x16xf32, #tpu.memory_space<vmem_shared>> -> memref<100352x16xf32, #tpu.memory_space<vmem_shared>>
    tpu.enqueue_indirect_dma source(%dma_start3A_70 : memref<128x16xf32, #tpu.memory_space<vmem>>) target(%dma_start3A_75 : memref<100352x16xf32, #tpu.memory_space<vmem_shared>>) offsets(%dma_start3A_72 : memref<128xi32, #tpu.memory_space<vmem>>) semaphore(%arg17 : memref<!tpu.dma_semaphore, #tpu.memory_space<semaphore_mem>>) {add = true}
    %scan3A_76 = arith.constant 0 : i32
    %scan3A_77 = arith.constant 0 : i32
    %scan3A_78 = arith.constant 78 : i32
    %scan3A_79 = arith.addi %scan3A_77, %scan3A_78 : i32
    %scan3A_80 = arith.constant 1 : i32
    scf.for %scan3A_154 = %scan3A_77 to %scan3A_79 step %scan3A_80  : i32 {
      %mul3A_155 = arith.constant 2 : i32
      %mul3A_156 = arith.muli %mul3A_155, %scan3A_154 : i32
      %add3A_157 = arith.constant 0 : i32
      %add3A_158 = arith.addi %mul3A_156, %add3A_157 : i32
      %mul3A_159 = arith.constant 16 : i32
      %mul3A_160 = arith.muli %add3A_158, %mul3A_159 : i32
      %add3A_161 = arith.addi %mul3A_160, %arg1 : i32
      %mul3A_162 = arith.constant 640 : i32
      %mul3A_163 = arith.muli %add3A_161, %mul3A_162 : i32
      %dma_wait3A_164 = arith.constant 0 : i32
      %dma_wait3A_165 = tpu.memref_slice %arg3[%dma_wait3A_164, %mul3A_163] : memref<2x1600000xi32, #tpu.memory_space<hbm>> -> memref<1x640xi32, #tpu.memory_space<hbm>>
      %dma_wait3A_166 = tpu.memref_squeeze %dma_wait3A_165 : memref<1x640xi32, #tpu.memory_space<hbm>> -> memref<640xi32, #tpu.memory_space<hbm>>
      %dma_wait3A_167 = tpu.memref_slice %arg3[%dma_wait3A_164, %mul3A_163] : memref<2x1600000xi32, #tpu.memory_space<hbm>> -> memref<1x640xi32, #tpu.memory_space<hbm>>
      %dma_wait3A_168 = tpu.memref_squeeze %dma_wait3A_167 : memref<1x640xi32, #tpu.memory_space<hbm>> -> memref<640xi32, #tpu.memory_space<hbm>>
      tpu.wait_dma2 semaphore(%arg15 : memref<!tpu.dma_semaphore, #tpu.memory_space<semaphore_mem>>) src(%dma_wait3A_168 : memref<640xi32, #tpu.memory_space<hbm>>) dst(%arg6 : memref<640xi32, #tpu.memory_space<vmem>>)
      %dma_wait3A_169 = arith.constant 1 : i32
      %dma_wait3A_170 = tpu.memref_slice %arg3[%dma_wait3A_169, %mul3A_163] : memref<2x1600000xi32, #tpu.memory_space<hbm>> -> memref<1x640xi32, #tpu.memory_space<hbm>>
      %dma_wait3A_171 = tpu.memref_squeeze %dma_wait3A_170 : memref<1x640xi32, #tpu.memory_space<hbm>> -> memref<640xi32, #tpu.memory_space<hbm>>
      %dma_wait3A_172 = tpu.memref_slice %arg3[%dma_wait3A_169, %mul3A_163] : memref<2x1600000xi32, #tpu.memory_space<hbm>> -> memref<1x640xi32, #tpu.memory_space<hbm>>
      %dma_wait3A_173 = tpu.memref_squeeze %dma_wait3A_172 : memref<1x640xi32, #tpu.memory_space<hbm>> -> memref<640xi32, #tpu.memory_space<hbm>>
      tpu.wait_dma2 semaphore(%arg15 : memref<!tpu.dma_semaphore, #tpu.memory_space<semaphore_mem>>) src(%dma_wait3A_173 : memref<640xi32, #tpu.memory_space<hbm>>) dst(%arg7 : memref<640xi32, #tpu.memory_space<vmem>>)
      %scan3A_174 = arith.constant 0 : i32
      %scan3A_175 = arith.constant 0 : i32
      %scan3A_176 = arith.constant 40 : i32
      %scan3A_177 = arith.addi %scan3A_175, %scan3A_176 : i32
      %scan3A_178 = arith.constant 1 : i32
      scf.for %scan3A_562 = %scan3A_175 to %scan3A_177 step %scan3A_178  : i32 {
        %mul3A_563 = arith.constant 16 : i32
        %mul3A_564 = arith.muli %scan3A_562, %mul3A_563 : i32
        %get3A = arith.index_cast %mul3A_564 : i32 to index
        %get3A_565 = tpu.vector_load %arg6[%get3A] {strides = array<i32>} : memref<640xi32, #tpu.memory_space<vmem>>, vector<16xi32>,
        %get3A_566 = vector.shape_cast %get3A_565 : vector<16xi32> to vector<16xi32>
        %mul3A_567 = arith.constant 2 : i32
        %mul3A_568 = vector.broadcast %mul3A_567 : i32 to vector<16xi32>
        %mul3A_569 = arith.muli %get3A_566, %mul3A_568 : vector<16xi32>
        %add3A_570 = vector.broadcast %arg0 : i32 to vector<16xi32>
        %add3A_571 = arith.addi %mul3A_569, %add3A_570 : vector<16xi32>
        %mul3A_572 = arith.constant 16 : i32
        %mul3A_573 = arith.muli %scan3A_562, %mul3A_572 : i32
        %swap3A = arith.index_cast %mul3A_573 : i32 to index
        %swap3A_574 = tpu.vector_load %arg8[%swap3A] {strides = array<i32>} : memref<640xi32, #tpu.memory_space<vmem>>, vector<16xi32>,
        %swap3A_575 = vector.shape_cast %swap3A_574 : vector<16xi32> to vector<16xi32>
        %swap3A_576 = vector.shape_cast %add3A_571 : vector<16xi32> to vector<16xi32>
        tpu.vector_store %arg8[%swap3A], %swap3A_576 {strides = array<i32>} : memref<640xi32, #tpu.memory_space<vmem>>, vector<16xi32>,
      }
      %scan3A_179 = arith.constant 40 : i32
      %dma_start3A_180 = arith.constant 0 : i32
      %dma_start3A_181 = arith.constant 0 : i32
      %dma_start3A_182 = tpu.memref_slice %arg9[%dma_start3A_180, %dma_start3A_181] : memref<640x16xf32, #tpu.memory_space<vmem>> -> memref<128x16xf32, #tpu.memory_space<vmem>>
      %dma_start3A_183 = arith.constant 0 : i32
      %dma_start3A_184 = tpu.memref_slice %arg8[%dma_start3A_183] : memref<640xi32, #tpu.memory_space<vmem>> -> memref<128xi32, #tpu.memory_space<vmem>>
      %dma_start3A_185 = arith.constant 0 : i32
      %dma_start3A_186 = arith.constant 0 : i32
      %dma_start3A_187 = tpu.memref_slice %arg2[%dma_start3A_185, %dma_start3A_186] : memref<200000x16xf32, #tpu.memory_space<hbm>> -> memref<200000x16xf32, #tpu.memory_space<hbm>>
      tpu.enqueue_indirect_dma source(%dma_start3A_187 : memref<200000x16xf32, #tpu.memory_space<hbm>>) target(%dma_start3A_182 : memref<128x16xf32, #tpu.memory_space<vmem>>) offsets(%dma_start3A_184 : memref<128xi32, #tpu.memory_space<vmem>>) semaphore(%arg16 : memref<!tpu.dma_semaphore, #tpu.memory_space<semaphore_mem>>)
      %dma_start3A_188 = arith.constant 128 : i32
      %dma_start3A_189 = arith.constant 0 : i32
      %dma_start3A_190 = tpu.memref_slice %arg9[%dma_start3A_188, %dma_start3A_189] : memref<640x16xf32, #tpu.memory_space<vmem>> -> memref<128x16xf32, #tpu.memory_space<vmem>>
      %dma_start3A_191 = arith.constant 128 : i32
      %dma_start3A_192 = tpu.memref_slice %arg8[%dma_start3A_191] : memref<640xi32, #tpu.memory_space<vmem>> -> memref<128xi32, #tpu.memory_space<vmem>>
      %dma_start3A_193 = arith.constant 0 : i32
      %dma_start3A_194 = arith.constant 0 : i32
      %dma_start3A_195 = tpu.memref_slice %arg2[%dma_start3A_193, %dma_start3A_194] : memref<200000x16xf32, #tpu.memory_space<hbm>> -> memref<200000x16xf32, #tpu.memory_space<hbm>>
      tpu.enqueue_indirect_dma source(%dma_start3A_195 : memref<200000x16xf32, #tpu.memory_space<hbm>>) target(%dma_start3A_190 : memref<128x16xf32, #tpu.memory_space<vmem>>) offsets(%dma_start3A_192 : memref<128xi32, #tpu.memory_space<vmem>>) semaphore(%arg16 : memref<!tpu.dma_semaphore, #tpu.memory_space<semaphore_mem>>)
      %dma_start3A_196 = arith.constant 256 : i32
      %dma_start3A_197 = arith.constant 0 : i32
      %dma_start3A_198 = tpu.memref_slice %arg9[%dma_start3A_196, %dma_start3A_197] : memref<640x16xf32, #tpu.memory_space<vmem>> -> memref<128x16xf32, #tpu.memory_space<vmem>>
      %dma_start3A_199 = arith.constant 256 : i32
      %dma_start3A_200 = tpu.memref_slice %arg8[%dma_start3A_199] : memref<640xi32, #tpu.memory_space<vmem>> -> memref<128xi32, #tpu.memory_space<vmem>>
      %dma_start3A_201 = arith.constant 0 : i32
      %dma_start3A_202 = arith.constant 0 : i32
      %dma_start3A_203 = tpu.memref_slice %arg2[%dma_start3A_201, %dma_start3A_202] : memref<200000x16xf32, #tpu.memory_space<hbm>> -> memref<200000x16xf32, #tpu.memory_space<hbm>>
      tpu.enqueue_indirect_dma source(%dma_start3A_203 : memref<200000x16xf32, #tpu.memory_space<hbm>>) target(%dma_start3A_198 : memref<128x16xf32, #tpu.memory_space<vmem>>) offsets(%dma_start3A_200 : memref<128xi32, #tpu.memory_space<vmem>>) semaphore(%arg16 : memref<!tpu.dma_semaphore, #tpu.memory_space<semaphore_mem>>)
      %dma_start3A_204 = arith.constant 384 : i32
      %dma_start3A_205 = arith.constant 0 : i32
      %dma_start3A_206 = tpu.memref_slice %arg9[%dma_start3A_204, %dma_start3A_205] : memref<640x16xf32, #tpu.memory_space<vmem>> -> memref<128x16xf32, #tpu.memory_space<vmem>>
      %dma_start3A_207 = arith.constant 384 : i32
      %dma_start3A_208 = tpu.memref_slice %arg8[%dma_start3A_207] : memref<640xi32, #tpu.memory_space<vmem>> -> memref<128xi32, #tpu.memory_space<vmem>>
      %dma_start3A_209 = arith.constant 0 : i32
      %dma_start3A_210 = arith.constant 0 : i32
      %dma_start3A_211 = tpu.memref_slice %arg2[%dma_start3A_209, %dma_start3A_210] : memref<200000x16xf32, #tpu.memory_space<hbm>> -> memref<200000x16xf32, #tpu.memory_space<hbm>>
      tpu.enqueue_indirect_dma source(%dma_start3A_211 : memref<200000x16xf32, #tpu.memory_space<hbm>>) target(%dma_start3A_206 : memref<128x16xf32, #tpu.memory_space<vmem>>) offsets(%dma_start3A_208 : memref<128xi32, #tpu.memory_space<vmem>>) semaphore(%arg16 : memref<!tpu.dma_semaphore, #tpu.memory_space<semaphore_mem>>)
      %dma_start3A_212 = arith.constant 512 : i32
      %dma_start3A_213 = arith.constant 0 : i32
      %dma_start3A_214 = tpu.memref_slice %arg9[%dma_start3A_212, %dma_start3A_213] : memref<640x16xf32, #tpu.memory_space<vmem>> -> memref<128x16xf32, #tpu.memory_space<vmem>>
      %dma_start3A_215 = arith.constant 512 : i32
      %dma_start3A_216 = tpu.memref_slice %arg8[%dma_start3A_215] : memref<640xi32, #tpu.memory_space<vmem>> -> memref<128xi32, #tpu.memory_space<vmem>>
      %dma_start3A_217 = arith.constant 0 : i32
      %dma_start3A_218 = arith.constant 0 : i32
      %dma_start3A_219 = tpu.memref_slice %arg2[%dma_start3A_217, %dma_start3A_218] : memref<200000x16xf32, #tpu.memory_space<hbm>> -> memref<200000x16xf32, #tpu.memory_space<hbm>>
      tpu.enqueue_indirect_dma source(%dma_start3A_219 : memref<200000x16xf32, #tpu.memory_space<hbm>>) target(%dma_start3A_214 : memref<128x16xf32, #tpu.memory_space<vmem>>) offsets(%dma_start3A_216 : memref<128xi32, #tpu.memory_space<vmem>>) semaphore(%arg16 : memref<!tpu.dma_semaphore, #tpu.memory_space<semaphore_mem>>)
      %dma_wait3A_220 = arith.constant 0 : i32
      %dma_wait3A_221 = arith.constant 0 : i32
      %dma_wait3A_222 = tpu.memref_slice %arg13[%dma_wait3A_220, %dma_wait3A_221] : memref<640x16xf32, #tpu.memory_space<vmem>> -> memref<128x16xf32, #tpu.memory_space<vmem>>
      %dma_wait3A_223 = arith.constant 0 : i32
      %dma_wait3A_224 = tpu.memref_slice %arg11[%dma_wait3A_223] : memref<640xi32, #tpu.memory_space<vmem>> -> memref<128xi32, #tpu.memory_space<vmem>>
      %dma_wait3A_225 = arith.constant 0 : i32
      %dma_wait3A_226 = arith.constant 0 : i32
      %dma_wait3A_227 = tpu.memref_slice %arg14[%dma_wait3A_225, %dma_wait3A_226] : memref<100352x16xf32, #tpu.memory_space<vmem_shared>> -> memref<100352x16xf32, #tpu.memory_space<vmem_shared>>
      tpu.wait_indirect_dma semaphore(%arg17 : memref<!tpu.dma_semaphore, #tpu.memory_space<semaphore_mem>>) src(%dma_wait3A_222 : memref<128x16xf32, #tpu.memory_space<vmem>>) dst(%dma_wait3A_227 : memref<100352x16xf32, #tpu.memory_space<vmem_shared>>)
      %dma_wait3A_228 = arith.constant 128 : i32
      %dma_wait3A_229 = arith.constant 0 : i32
      %dma_wait3A_230 = tpu.memref_slice %arg13[%dma_wait3A_228, %dma_wait3A_229] : memref<640x16xf32, #tpu.memory_space<vmem>> -> memref<128x16xf32, #tpu.memory_space<vmem>>
      %dma_wait3A_231 = arith.constant 128 : i32
      %dma_wait3A_232 = tpu.memref_slice %arg11[%dma_wait3A_231] : memref<640xi32, #tpu.memory_space<vmem>> -> memref<128xi32, #tpu.memory_space<vmem>>
      %dma_wait3A_233 = arith.constant 0 : i32
      %dma_wait3A_234 = arith.constant 0 : i32
      %dma_wait3A_235 = tpu.memref_slice %arg14[%dma_wait3A_233, %dma_wait3A_234] : memref<100352x16xf32, #tpu.memory_space<vmem_shared>> -> memref<100352x16xf32, #tpu.memory_space<vmem_shared>>
      tpu.wait_indirect_dma semaphore(%arg17 : memref<!tpu.dma_semaphore, #tpu.memory_space<semaphore_mem>>) src(%dma_wait3A_230 : memref<128x16xf32, #tpu.memory_space<vmem>>) dst(%dma_wait3A_235 : memref<100352x16xf32, #tpu.memory_space<vmem_shared>>)
      %dma_wait3A_236 = arith.constant 256 : i32
      %dma_wait3A_237 = arith.constant 0 : i32
      %dma_wait3A_238 = tpu.memref_slice %arg13[%dma_wait3A_236, %dma_wait3A_237] : memref<640x16xf32, #tpu.memory_space<vmem>> -> memref<128x16xf32, #tpu.memory_space<vmem>>
      %dma_wait3A_239 = arith.constant 256 : i32
      %dma_wait3A_240 = tpu.memref_slice %arg11[%dma_wait3A_239] : memref<640xi32, #tpu.memory_space<vmem>> -> memref<128xi32, #tpu.memory_space<vmem>>
      %dma_wait3A_241 = arith.constant 0 : i32
      %dma_wait3A_242 = arith.constant 0 : i32
      %dma_wait3A_243 = tpu.memref_slice %arg14[%dma_wait3A_241, %dma_wait3A_242] : memref<100352x16xf32, #tpu.memory_space<vmem_shared>> -> memref<100352x16xf32, #tpu.memory_space<vmem_shared>>
      tpu.wait_indirect_dma semaphore(%arg17 : memref<!tpu.dma_semaphore, #tpu.memory_space<semaphore_mem>>) src(%dma_wait3A_238 : memref<128x16xf32, #tpu.memory_space<vmem>>) dst(%dma_wait3A_243 : memref<100352x16xf32, #tpu.memory_space<vmem_shared>>)
      %dma_wait3A_244 = arith.constant 384 : i32
      %dma_wait3A_245 = arith.constant 0 : i32
      %dma_wait3A_246 = tpu.memref_slice %arg13[%dma_wait3A_244, %dma_wait3A_245] : memref<640x16xf32, #tpu.memory_space<vmem>> -> memref<128x16xf32, #tpu.memory_space<vmem>>
      %dma_wait3A_247 = arith.constant 384 : i32
      %dma_wait3A_248 = tpu.memref_slice %arg11[%dma_wait3A_247] : memref<640xi32, #tpu.memory_space<vmem>> -> memref<128xi32, #tpu.memory_space<vmem>>
      %dma_wait3A_249 = arith.constant 0 : i32
      %dma_wait3A_250 = arith.constant 0 : i32
      %dma_wait3A_251 = tpu.memref_slice %arg14[%dma_wait3A_249, %dma_wait3A_250] : memref<100352x16xf32, #tpu.memory_space<vmem_shared>> -> memref<100352x16xf32, #tpu.memory_space<vmem_shared>>
      tpu.wait_indirect_dma semaphore(%arg17 : memref<!tpu.dma_semaphore, #tpu.memory_space<semaphore_mem>>) src(%dma_wait3A_246 : memref<128x16xf32, #tpu.memory_space<vmem>>) dst(%dma_wait3A_251 : memref<100352x16xf32, #tpu.memory_space<vmem_shared>>)
      %dma_wait3A_252 = arith.constant 512 : i32
      %dma_wait3A_253 = arith.constant 0 : i32
      %dma_wait3A_254 = tpu.memref_slice %arg13[%dma_wait3A_252, %dma_wait3A_253] : memref<640x16xf32, #tpu.memory_space<vmem>> -> memref<128x16xf32, #tpu.memory_space<vmem>>
      %dma_wait3A_255 = arith.constant 512 : i32
      %dma_wait3A_256 = tpu.memref_slice %arg11[%dma_wait3A_255] : memref<640xi32, #tpu.memory_space<vmem>> -> memref<128xi32, #tpu.memory_space<vmem>>
      %dma_wait3A_257 = arith.constant 0 : i32
      %dma_wait3A_258 = arith.constant 0 : i32
      %dma_wait3A_259 = tpu.memref_slice %arg14[%dma_wait3A_257, %dma_wait3A_258] : memref<100352x16xf32, #tpu.memory_space<vmem_shared>> -> memref<100352x16xf32, #tpu.memory_space<vmem_shared>>
      tpu.wait_indirect_dma semaphore(%arg17 : memref<!tpu.dma_semaphore, #tpu.memory_space<semaphore_mem>>) src(%dma_wait3A_254 : memref<128x16xf32, #tpu.memory_space<vmem>>) dst(%dma_wait3A_259 : memref<100352x16xf32, #tpu.memory_space<vmem_shared>>)
      %add3A_260 = arith.constant 1 : i32
      %add3A_261 = arith.addi %add3A_158, %add3A_260 : i32
      %min3A = arith.constant 155 : i32
      %min3A_262 = arith.minsi %add3A_261, %min3A : i32
      %mul3A_263 = arith.constant 16 : i32
      %mul3A_264 = arith.muli %min3A_262, %mul3A_263 : i32
      %add3A_265 = arith.addi %mul3A_264, %arg1 : i32
      %mul3A_266 = arith.constant 640 : i32
      %mul3A_267 = arith.muli %add3A_265, %mul3A_266 : i32
      %dma_start3A_268 = arith.constant 0 : i32
      %dma_start3A_269 = tpu.memref_slice %arg3[%dma_start3A_268, %mul3A_267] : memref<2x1600000xi32, #tpu.memory_space<hbm>> -> memref<1x640xi32, #tpu.memory_space<hbm>>
      %dma_start3A_270 = tpu.memref_squeeze %dma_start3A_269 : memref<1x640xi32, #tpu.memory_space<hbm>> -> memref<640xi32, #tpu.memory_space<hbm>>
      %dma_start3A_271 = tpu.memref_slice %arg3[%dma_start3A_268, %mul3A_267] : memref<2x1600000xi32, #tpu.memory_space<hbm>> -> memref<1x640xi32, #tpu.memory_space<hbm>>
      %dma_start3A_272 = tpu.memref_squeeze %dma_start3A_271 : memref<1x640xi32, #tpu.memory_space<hbm>> -> memref<640xi32, #tpu.memory_space<hbm>>
      tpu.enqueue_dma source(%dma_start3A_272 : memref<640xi32, #tpu.memory_space<hbm>>) target(%arg10 : memref<640xi32, #tpu.memory_space<vmem>>) target_semaphore(%arg15 : memref<!tpu.dma_semaphore, #tpu.memory_space<semaphore_mem>>)
      %dma_start3A_273 = arith.constant 1 : i32
      %dma_start3A_274 = tpu.memref_slice %arg3[%dma_start3A_273, %mul3A_267] : memref<2x1600000xi32, #tpu.memory_space<hbm>> -> memref<1x640xi32, #tpu.memory_space<hbm>>
      %dma_start3A_275 = tpu.memref_squeeze %dma_start3A_274 : memref<1x640xi32, #tpu.memory_space<hbm>> -> memref<640xi32, #tpu.memory_space<hbm>>
      %dma_start3A_276 = tpu.memref_slice %arg3[%dma_start3A_273, %mul3A_267] : memref<2x1600000xi32, #tpu.memory_space<hbm>> -> memref<1x640xi32, #tpu.memory_space<hbm>>
      %dma_start3A_277 = tpu.memref_squeeze %dma_start3A_276 : memref<1x640xi32, #tpu.memory_space<hbm>> -> memref<640xi32, #tpu.memory_space<hbm>>
      tpu.enqueue_dma source(%dma_start3A_277 : memref<640xi32, #tpu.memory_space<hbm>>) target(%arg11 : memref<640xi32, #tpu.memory_space<vmem>>) target_semaphore(%arg15 : memref<!tpu.dma_semaphore, #tpu.memory_space<semaphore_mem>>)
      %dma_wait3A_278 = arith.constant 0 : i32
      %dma_wait3A_279 = arith.constant 0 : i32
      %dma_wait3A_280 = tpu.memref_slice %arg9[%dma_wait3A_278, %dma_wait3A_279] : memref<640x16xf32, #tpu.memory_space<vmem>> -> memref<128x16xf32, #tpu.memory_space<vmem>>
      %dma_wait3A_281 = arith.constant 0 : i32
      %dma_wait3A_282 = tpu.memref_slice %arg8[%dma_wait3A_281] : memref<640xi32, #tpu.memory_space<vmem>> -> memref<128xi32, #tpu.memory_space<vmem>>
      %dma_wait3A_283 = arith.constant 0 : i32
      %dma_wait3A_284 = arith.constant 0 : i32
      %dma_wait3A_285 = tpu.memref_slice %arg2[%dma_wait3A_283, %dma_wait3A_284] : memref<200000x16xf32, #tpu.memory_space<hbm>> -> memref<200000x16xf32, #tpu.memory_space<hbm>>
      tpu.wait_indirect_dma semaphore(%arg16 : memref<!tpu.dma_semaphore, #tpu.memory_space<semaphore_mem>>) src(%dma_wait3A_285 : memref<200000x16xf32, #tpu.memory_space<hbm>>) dst(%dma_wait3A_280 : memref<128x16xf32, #tpu.memory_space<vmem>>)
      %dma_wait3A_286 = arith.constant 128 : i32
      %dma_wait3A_287 = arith.constant 0 : i32
      %dma_wait3A_288 = tpu.memref_slice %arg9[%dma_wait3A_286, %dma_wait3A_287] : memref<640x16xf32, #tpu.memory_space<vmem>> -> memref<128x16xf32, #tpu.memory_space<vmem>>
      %dma_wait3A_289 = arith.constant 128 : i32
      %dma_wait3A_290 = tpu.memref_slice %arg8[%dma_wait3A_289] : memref<640xi32, #tpu.memory_space<vmem>> -> memref<128xi32, #tpu.memory_space<vmem>>
      %dma_wait3A_291 = arith.constant 0 : i32
      %dma_wait3A_292 = arith.constant 0 : i32
      %dma_wait3A_293 = tpu.memref_slice %arg2[%dma_wait3A_291, %dma_wait3A_292] : memref<200000x16xf32, #tpu.memory_space<hbm>> -> memref<200000x16xf32, #tpu.memory_space<hbm>>
      tpu.wait_indirect_dma semaphore(%arg16 : memref<!tpu.dma_semaphore, #tpu.memory_space<semaphore_mem>>) src(%dma_wait3A_293 : memref<200000x16xf32, #tpu.memory_space<hbm>>) dst(%dma_wait3A_288 : memref<128x16xf32, #tpu.memory_space<vmem>>)
      %dma_wait3A_294 = arith.constant 256 : i32
      %dma_wait3A_295 = arith.constant 0 : i32
      %dma_wait3A_296 = tpu.memref_slice %arg9[%dma_wait3A_294, %dma_wait3A_295] : memref<640x16xf32, #tpu.memory_space<vmem>> -> memref<128x16xf32, #tpu.memory_space<vmem>>
      %dma_wait3A_297 = arith.constant 256 : i32
      %dma_wait3A_298 = tpu.memref_slice %arg8[%dma_wait3A_297] : memref<640xi32, #tpu.memory_space<vmem>> -> memref<128xi32, #tpu.memory_space<vmem>>
      %dma_wait3A_299 = arith.constant 0 : i32
      %dma_wait3A_300 = arith.constant 0 : i32
      %dma_wait3A_301 = tpu.memref_slice %arg2[%dma_wait3A_299, %dma_wait3A_300] : memref<200000x16xf32, #tpu.memory_space<hbm>> -> memref<200000x16xf32, #tpu.memory_space<hbm>>
      tpu.wait_indirect_dma semaphore(%arg16 : memref<!tpu.dma_semaphore, #tpu.memory_space<semaphore_mem>>) src(%dma_wait3A_301 : memref<200000x16xf32, #tpu.memory_space<hbm>>) dst(%dma_wait3A_296 : memref<128x16xf32, #tpu.memory_space<vmem>>)
      %dma_wait3A_302 = arith.constant 384 : i32
      %dma_wait3A_303 = arith.constant 0 : i32
      %dma_wait3A_304 = tpu.memref_slice %arg9[%dma_wait3A_302, %dma_wait3A_303] : memref<640x16xf32, #tpu.memory_space<vmem>> -> memref<128x16xf32, #tpu.memory_space<vmem>>
      %dma_wait3A_305 = arith.constant 384 : i32
      %dma_wait3A_306 = tpu.memref_slice %arg8[%dma_wait3A_305] : memref<640xi32, #tpu.memory_space<vmem>> -> memref<128xi32, #tpu.memory_space<vmem>>
      %dma_wait3A_307 = arith.constant 0 : i32
      %dma_wait3A_308 = arith.constant 0 : i32
      %dma_wait3A_309 = tpu.memref_slice %arg2[%dma_wait3A_307, %dma_wait3A_308] : memref<200000x16xf32, #tpu.memory_space<hbm>> -> memref<200000x16xf32, #tpu.memory_space<hbm>>
      tpu.wait_indirect_dma semaphore(%arg16 : memref<!tpu.dma_semaphore, #tpu.memory_space<semaphore_mem>>) src(%dma_wait3A_309 : memref<200000x16xf32, #tpu.memory_space<hbm>>) dst(%dma_wait3A_304 : memref<128x16xf32, #tpu.memory_space<vmem>>)
      %dma_wait3A_310 = arith.constant 512 : i32
      %dma_wait3A_311 = arith.constant 0 : i32
      %dma_wait3A_312 = tpu.memref_slice %arg9[%dma_wait3A_310, %dma_wait3A_311] : memref<640x16xf32, #tpu.memory_space<vmem>> -> memref<128x16xf32, #tpu.memory_space<vmem>>
      %dma_wait3A_313 = arith.constant 512 : i32
      %dma_wait3A_314 = tpu.memref_slice %arg8[%dma_wait3A_313] : memref<640xi32, #tpu.memory_space<vmem>> -> memref<128xi32, #tpu.memory_space<vmem>>
      %dma_wait3A_315 = arith.constant 0 : i32
      %dma_wait3A_316 = arith.constant 0 : i32
      %dma_wait3A_317 = tpu.memref_slice %arg2[%dma_wait3A_315, %dma_wait3A_316] : memref<200000x16xf32, #tpu.memory_space<hbm>> -> memref<200000x16xf32, #tpu.memory_space<hbm>>
      tpu.wait_indirect_dma semaphore(%arg16 : memref<!tpu.dma_semaphore, #tpu.memory_space<semaphore_mem>>) src(%dma_wait3A_317 : memref<200000x16xf32, #tpu.memory_space<hbm>>) dst(%dma_wait3A_312 : memref<128x16xf32, #tpu.memory_space<vmem>>)
      %dma_start3A_318 = arith.constant 0 : i32
      %dma_start3A_319 = arith.constant 0 : i32
      %dma_start3A_320 = tpu.memref_slice %arg9[%dma_start3A_318, %dma_start3A_319] : memref<640x16xf32, #tpu.memory_space<vmem>> -> memref<128x16xf32, #tpu.memory_space<vmem>>
      %dma_start3A_321 = arith.constant 0 : i32
      %dma_start3A_322 = tpu.memref_slice %arg7[%dma_start3A_321] : memref<640xi32, #tpu.memory_space<vmem>> -> memref<128xi32, #tpu.memory_space<vmem>>
      %dma_start3A_323 = arith.constant 0 : i32
      %dma_start3A_324 = arith.constant 0 : i32
      %dma_start3A_325 = tpu.memref_slice %arg14[%dma_start3A_323, %dma_start3A_324] : memref<100352x16xf32, #tpu.memory_space<vmem_shared>> -> memref<100352x16xf32, #tpu.memory_space<vmem_shared>>
      tpu.enqueue_indirect_dma source(%dma_start3A_320 : memref<128x16xf32, #tpu.memory_space<vmem>>) target(%dma_start3A_325 : memref<100352x16xf32, #tpu.memory_space<vmem_shared>>) offsets(%dma_start3A_322 : memref<128xi32, #tpu.memory_space<vmem>>) semaphore(%arg17 : memref<!tpu.dma_semaphore, #tpu.memory_space<semaphore_mem>>) {add = true}
      %dma_start3A_326 = arith.constant 128 : i32
      %dma_start3A_327 = arith.constant 0 : i32
      %dma_start3A_328 = tpu.memref_slice %arg9[%dma_start3A_326, %dma_start3A_327] : memref<640x16xf32, #tpu.memory_space<vmem>> -> memref<128x16xf32, #tpu.memory_space<vmem>>
      %dma_start3A_329 = arith.constant 128 : i32
      %dma_start3A_330 = tpu.memref_slice %arg7[%dma_start3A_329] : memref<640xi32, #tpu.memory_space<vmem>> -> memref<128xi32, #tpu.memory_space<vmem>>
      %dma_start3A_331 = arith.constant 0 : i32
      %dma_start3A_332 = arith.constant 0 : i32
      %dma_start3A_333 = tpu.memref_slice %arg14[%dma_start3A_331, %dma_start3A_332] : memref<100352x16xf32, #tpu.memory_space<vmem_shared>> -> memref<100352x16xf32, #tpu.memory_space<vmem_shared>>
      tpu.enqueue_indirect_dma source(%dma_start3A_328 : memref<128x16xf32, #tpu.memory_space<vmem>>) target(%dma_start3A_333 : memref<100352x16xf32, #tpu.memory_space<vmem_shared>>) offsets(%dma_start3A_330 : memref<128xi32, #tpu.memory_space<vmem>>) semaphore(%arg17 : memref<!tpu.dma_semaphore, #tpu.memory_space<semaphore_mem>>) {add = true}
      %dma_start3A_334 = arith.constant 256 : i32
      %dma_start3A_335 = arith.constant 0 : i32
      %dma_start3A_336 = tpu.memref_slice %arg9[%dma_start3A_334, %dma_start3A_335] : memref<640x16xf32, #tpu.memory_space<vmem>> -> memref<128x16xf32, #tpu.memory_space<vmem>>
      %dma_start3A_337 = arith.constant 256 : i32
      %dma_start3A_338 = tpu.memref_slice %arg7[%dma_start3A_337] : memref<640xi32, #tpu.memory_space<vmem>> -> memref<128xi32, #tpu.memory_space<vmem>>
      %dma_start3A_339 = arith.constant 0 : i32
      %dma_start3A_340 = arith.constant 0 : i32
      %dma_start3A_341 = tpu.memref_slice %arg14[%dma_start3A_339, %dma_start3A_340] : memref<100352x16xf32, #tpu.memory_space<vmem_shared>> -> memref<100352x16xf32, #tpu.memory_space<vmem_shared>>
      tpu.enqueue_indirect_dma source(%dma_start3A_336 : memref<128x16xf32, #tpu.memory_space<vmem>>) target(%dma_start3A_341 : memref<100352x16xf32, #tpu.memory_space<vmem_shared>>) offsets(%dma_start3A_338 : memref<128xi32, #tpu.memory_space<vmem>>) semaphore(%arg17 : memref<!tpu.dma_semaphore, #tpu.memory_space<semaphore_mem>>) {add = true}
      %dma_start3A_342 = arith.constant 384 : i32
      %dma_start3A_343 = arith.constant 0 : i32
      %dma_start3A_344 = tpu.memref_slice %arg9[%dma_start3A_342, %dma_start3A_343] : memref<640x16xf32, #tpu.memory_space<vmem>> -> memref<128x16xf32, #tpu.memory_space<vmem>>
      %dma_start3A_345 = arith.constant 384 : i32
      %dma_start3A_346 = tpu.memref_slice %arg7[%dma_start3A_345] : memref<640xi32, #tpu.memory_space<vmem>> -> memref<128xi32, #tpu.memory_space<vmem>>
      %dma_start3A_347 = arith.constant 0 : i32
      %dma_start3A_348 = arith.constant 0 : i32
      %dma_start3A_349 = tpu.memref_slice %arg14[%dma_start3A_347, %dma_start3A_348] : memref<100352x16xf32, #tpu.memory_space<vmem_shared>> -> memref<100352x16xf32, #tpu.memory_space<vmem_shared>>
      tpu.enqueue_indirect_dma source(%dma_start3A_344 : memref<128x16xf32, #tpu.memory_space<vmem>>) target(%dma_start3A_349 : memref<100352x16xf32, #tpu.memory_space<vmem_shared>>) offsets(%dma_start3A_346 : memref<128xi32, #tpu.memory_space<vmem>>) semaphore(%arg17 : memref<!tpu.dma_semaphore, #tpu.memory_space<semaphore_mem>>) {add = true}
      %dma_start3A_350 = arith.constant 512 : i32
      %dma_start3A_351 = arith.constant 0 : i32
      %dma_start3A_352 = tpu.memref_slice %arg9[%dma_start3A_350, %dma_start3A_351] : memref<640x16xf32, #tpu.memory_space<vmem>> -> memref<128x16xf32, #tpu.memory_space<vmem>>
      %dma_start3A_353 = arith.constant 512 : i32
      %dma_start3A_354 = tpu.memref_slice %arg7[%dma_start3A_353] : memref<640xi32, #tpu.memory_space<vmem>> -> memref<128xi32, #tpu.memory_space<vmem>>
      %dma_start3A_355 = arith.constant 0 : i32
      %dma_start3A_356 = arith.constant 0 : i32
      %dma_start3A_357 = tpu.memref_slice %arg14[%dma_start3A_355, %dma_start3A_356] : memref<100352x16xf32, #tpu.memory_space<vmem_shared>> -> memref<100352x16xf32, #tpu.memory_space<vmem_shared>>
      tpu.enqueue_indirect_dma source(%dma_start3A_352 : memref<128x16xf32, #tpu.memory_space<vmem>>) target(%dma_start3A_357 : memref<100352x16xf32, #tpu.memory_space<vmem_shared>>) offsets(%dma_start3A_354 : memref<128xi32, #tpu.memory_space<vmem>>) semaphore(%arg17 : memref<!tpu.dma_semaphore, #tpu.memory_space<semaphore_mem>>) {add = true}
      %mul3A_358 = arith.constant 2 : i32
      %mul3A_359 = arith.muli %mul3A_358, %scan3A_154 : i32
      %add3A_360 = arith.constant 1 : i32
      %add3A_361 = arith.addi %mul3A_359, %add3A_360 : i32
      %mul3A_362 = arith.constant 16 : i32
      %mul3A_363 = arith.muli %add3A_361, %mul3A_362 : i32
      %add3A_364 = arith.addi %mul3A_363, %arg1 : i32
      %mul3A_365 = arith.constant 640 : i32
      %mul3A_366 = arith.muli %add3A_364, %mul3A_365 : i32
      %dma_wait3A_367 = arith.constant 0 : i32
      %dma_wait3A_368 = tpu.memref_slice %arg3[%dma_wait3A_367, %mul3A_366] : memref<2x1600000xi32, #tpu.memory_space<hbm>> -> memref<1x640xi32, #tpu.memory_space<hbm>>
      %dma_wait3A_369 = tpu.memref_squeeze %dma_wait3A_368 : memref<1x640xi32, #tpu.memory_space<hbm>> -> memref<640xi32, #tpu.memory_space<hbm>>
      %dma_wait3A_370 = tpu.memref_slice %arg3[%dma_wait3A_367, %mul3A_366] : memref<2x1600000xi32, #tpu.memory_space<hbm>> -> memref<1x640xi32, #tpu.memory_space<hbm>>
      %dma_wait3A_371 = tpu.memref_squeeze %dma_wait3A_370 : memref<1x640xi32, #tpu.memory_space<hbm>> -> memref<640xi32, #tpu.memory_space<hbm>>
      tpu.wait_dma2 semaphore(%arg15 : memref<!tpu.dma_semaphore, #tpu.memory_space<semaphore_mem>>) src(%dma_wait3A_371 : memref<640xi32, #tpu.memory_space<hbm>>) dst(%arg10 : memref<640xi32, #tpu.memory_space<vmem>>)
      %dma_wait3A_372 = arith.constant 1 : i32
      %dma_wait3A_373 = tpu.memref_slice %arg3[%dma_wait3A_372, %mul3A_366] : memref<2x1600000xi32, #tpu.memory_space<hbm>> -> memref<1x640xi32, #tpu.memory_space<hbm>>
      %dma_wait3A_374 = tpu.memref_squeeze %dma_wait3A_373 : memref<1x640xi32, #tpu.memory_space<hbm>> -> memref<640xi32, #tpu.memory_space<hbm>>
      %dma_wait3A_375 = tpu.memref_slice %arg3[%dma_wait3A_372, %mul3A_366] : memref<2x1600000xi32, #tpu.memory_space<hbm>> -> memref<1x640xi32, #tpu.memory_space<hbm>>
      %dma_wait3A_376 = tpu.memref_squeeze %dma_wait3A_375 : memref<1x640xi32, #tpu.memory_space<hbm>> -> memref<640xi32, #tpu.memory_space<hbm>>
      tpu.wait_dma2 semaphore(%arg15 : memref<!tpu.dma_semaphore, #tpu.memory_space<semaphore_mem>>) src(%dma_wait3A_376 : memref<640xi32, #tpu.memory_space<hbm>>) dst(%arg11 : memref<640xi32, #tpu.memory_space<vmem>>)
      %scan3A_377 = arith.constant 0 : i32
      %scan3A_378 = arith.constant 0 : i32
      %scan3A_379 = arith.constant 40 : i32
      %scan3A_380 = arith.addi %scan3A_378, %scan3A_379 : i32
      %scan3A_381 = arith.constant 1 : i32
      scf.for %scan3A_562 = %scan3A_378 to %scan3A_380 step %scan3A_381  : i32 {
        %mul3A_563 = arith.constant 16 : i32
        %mul3A_564 = arith.muli %scan3A_562, %mul3A_563 : i32
        %get3A = arith.index_cast %mul3A_564 : i32 to index
        %get3A_565 = tpu.vector_load %arg10[%get3A] {strides = array<i32>} : memref<640xi32, #tpu.memory_space<vmem>>, vector<16xi32>,
        %get3A_566 = vector.shape_cast %get3A_565 : vector<16xi32> to vector<16xi32>
        %mul3A_567 = arith.constant 2 : i32
        %mul3A_568 = vector.broadcast %mul3A_567 : i32 to vector<16xi32>
        %mul3A_569 = arith.muli %get3A_566, %mul3A_568 : vector<16xi32>
        %add3A_570 = vector.broadcast %arg0 : i32 to vector<16xi32>
        %add3A_571 = arith.addi %mul3A_569, %add3A_570 : vector<16xi32>
        %mul3A_572 = arith.constant 16 : i32
        %mul3A_573 = arith.muli %scan3A_562, %mul3A_572 : i32
        %swap3A = arith.index_cast %mul3A_573 : i32 to index
        %swap3A_574 = tpu.vector_load %arg12[%swap3A] {strides = array<i32>} : memref<640xi32, #tpu.memory_space<vmem>>, vector<16xi32>,
        %swap3A_575 = vector.shape_cast %swap3A_574 : vector<16xi32> to vector<16xi32>
        %swap3A_576 = vector.shape_cast %add3A_571 : vector<16xi32> to vector<16xi32>
        tpu.vector_store %arg12[%swap3A], %swap3A_576 {strides = array<i32>} : memref<640xi32, #tpu.memory_space<vmem>>, vector<16xi32>,
      }
      %scan3A_382 = arith.constant 40 : i32
      %dma_start3A_383 = arith.constant 0 : i32
      %dma_start3A_384 = arith.constant 0 : i32
      %dma_start3A_385 = tpu.memref_slice %arg13[%dma_start3A_383, %dma_start3A_384] : memref<640x16xf32, #tpu.memory_space<vmem>> -> memref<128x16xf32, #tpu.memory_space<vmem>>
      %dma_start3A_386 = arith.constant 0 : i32
      %dma_start3A_387 = tpu.memref_slice %arg12[%dma_start3A_386] : memref<640xi32, #tpu.memory_space<vmem>> -> memref<128xi32, #tpu.memory_space<vmem>>
      %dma_start3A_388 = arith.constant 0 : i32
      %dma_start3A_389 = arith.constant 0 : i32
      %dma_start3A_390 = tpu.memref_slice %arg2[%dma_start3A_388, %dma_start3A_389] : memref<200000x16xf32, #tpu.memory_space<hbm>> -> memref<200000x16xf32, #tpu.memory_space<hbm>>
      tpu.enqueue_indirect_dma source(%dma_start3A_390 : memref<200000x16xf32, #tpu.memory_space<hbm>>) target(%dma_start3A_385 : memref<128x16xf32, #tpu.memory_space<vmem>>) offsets(%dma_start3A_387 : memref<128xi32, #tpu.memory_space<vmem>>) semaphore(%arg16 : memref<!tpu.dma_semaphore, #tpu.memory_space<semaphore_mem>>)
      %dma_start3A_391 = arith.constant 128 : i32
      %dma_start3A_392 = arith.constant 0 : i32
      %dma_start3A_393 = tpu.memref_slice %arg13[%dma_start3A_391, %dma_start3A_392] : memref<640x16xf32, #tpu.memory_space<vmem>> -> memref<128x16xf32, #tpu.memory_space<vmem>>
      %dma_start3A_394 = arith.constant 128 : i32
      %dma_start3A_395 = tpu.memref_slice %arg12[%dma_start3A_394] : memref<640xi32, #tpu.memory_space<vmem>> -> memref<128xi32, #tpu.memory_space<vmem>>
      %dma_start3A_396 = arith.constant 0 : i32
      %dma_start3A_397 = arith.constant 0 : i32
      %dma_start3A_398 = tpu.memref_slice %arg2[%dma_start3A_396, %dma_start3A_397] : memref<200000x16xf32, #tpu.memory_space<hbm>> -> memref<200000x16xf32, #tpu.memory_space<hbm>>
      tpu.enqueue_indirect_dma source(%dma_start3A_398 : memref<200000x16xf32, #tpu.memory_space<hbm>>) target(%dma_start3A_393 : memref<128x16xf32, #tpu.memory_space<vmem>>) offsets(%dma_start3A_395 : memref<128xi32, #tpu.memory_space<vmem>>) semaphore(%arg16 : memref<!tpu.dma_semaphore, #tpu.memory_space<semaphore_mem>>)
      %dma_start3A_399 = arith.constant 256 : i32
      %dma_start3A_400 = arith.constant 0 : i32
      %dma_start3A_401 = tpu.memref_slice %arg13[%dma_start3A_399, %dma_start3A_400] : memref<640x16xf32, #tpu.memory_space<vmem>> -> memref<128x16xf32, #tpu.memory_space<vmem>>
      %dma_start3A_402 = arith.constant 256 : i32
      %dma_start3A_403 = tpu.memref_slice %arg12[%dma_start3A_402] : memref<640xi32, #tpu.memory_space<vmem>> -> memref<128xi32, #tpu.memory_space<vmem>>
      %dma_start3A_404 = arith.constant 0 : i32
      %dma_start3A_405 = arith.constant 0 : i32
      %dma_start3A_406 = tpu.memref_slice %arg2[%dma_start3A_404, %dma_start3A_405] : memref<200000x16xf32, #tpu.memory_space<hbm>> -> memref<200000x16xf32, #tpu.memory_space<hbm>>
      tpu.enqueue_indirect_dma source(%dma_start3A_406 : memref<200000x16xf32, #tpu.memory_space<hbm>>) target(%dma_start3A_401 : memref<128x16xf32, #tpu.memory_space<vmem>>) offsets(%dma_start3A_403 : memref<128xi32, #tpu.memory_space<vmem>>) semaphore(%arg16 : memref<!tpu.dma_semaphore, #tpu.memory_space<semaphore_mem>>)
      %dma_start3A_407 = arith.constant 384 : i32
      %dma_start3A_408 = arith.constant 0 : i32
      %dma_start3A_409 = tpu.memref_slice %arg13[%dma_start3A_407, %dma_start3A_408] : memref<640x16xf32, #tpu.memory_space<vmem>> -> memref<128x16xf32, #tpu.memory_space<vmem>>
      %dma_start3A_410 = arith.constant 384 : i32
      %dma_start3A_411 = tpu.memref_slice %arg12[%dma_start3A_410] : memref<640xi32, #tpu.memory_space<vmem>> -> memref<128xi32, #tpu.memory_space<vmem>>
      %dma_start3A_412 = arith.constant 0 : i32
      %dma_start3A_413 = arith.constant 0 : i32
      %dma_start3A_414 = tpu.memref_slice %arg2[%dma_start3A_412, %dma_start3A_413] : memref<200000x16xf32, #tpu.memory_space<hbm>> -> memref<200000x16xf32, #tpu.memory_space<hbm>>
      tpu.enqueue_indirect_dma source(%dma_start3A_414 : memref<200000x16xf32, #tpu.memory_space<hbm>>) target(%dma_start3A_409 : memref<128x16xf32, #tpu.memory_space<vmem>>) offsets(%dma_start3A_411 : memref<128xi32, #tpu.memory_space<vmem>>) semaphore(%arg16 : memref<!tpu.dma_semaphore, #tpu.memory_space<semaphore_mem>>)
      %dma_start3A_415 = arith.constant 512 : i32
      %dma_start3A_416 = arith.constant 0 : i32
      %dma_start3A_417 = tpu.memref_slice %arg13[%dma_start3A_415, %dma_start3A_416] : memref<640x16xf32, #tpu.memory_space<vmem>> -> memref<128x16xf32, #tpu.memory_space<vmem>>
      %dma_start3A_418 = arith.constant 512 : i32
      %dma_start3A_419 = tpu.memref_slice %arg12[%dma_start3A_418] : memref<640xi32, #tpu.memory_space<vmem>> -> memref<128xi32, #tpu.memory_space<vmem>>
      %dma_start3A_420 = arith.constant 0 : i32
      %dma_start3A_421 = arith.constant 0 : i32
      %dma_start3A_422 = tpu.memref_slice %arg2[%dma_start3A_420, %dma_start3A_421] : memref<200000x16xf32, #tpu.memory_space<hbm>> -> memref<200000x16xf32, #tpu.memory_space<hbm>>
      tpu.enqueue_indirect_dma source(%dma_start3A_422 : memref<200000x16xf32, #tpu.memory_space<hbm>>) target(%dma_start3A_417 : memref<128x16xf32, #tpu.memory_space<vmem>>) offsets(%dma_start3A_419 : memref<128xi32, #tpu.memory_space<vmem>>) semaphore(%arg16 : memref<!tpu.dma_semaphore, #tpu.memory_space<semaphore_mem>>)
      %dma_wait3A_423 = arith.constant 0 : i32
      %dma_wait3A_424 = arith.constant 0 : i32
      %dma_wait3A_425 = tpu.memref_slice %arg9[%dma_wait3A_423, %dma_wait3A_424] : memref<640x16xf32, #tpu.memory_space<vmem>> -> memref<128x16xf32, #tpu.memory_space<vmem>>
      %dma_wait3A_426 = arith.constant 0 : i32
      %dma_wait3A_427 = tpu.memref_slice %arg7[%dma_wait3A_426] : memref<640xi32, #tpu.memory_space<vmem>> -> memref<128xi32, #tpu.memory_space<vmem>>
      %dma_wait3A_428 = arith.constant 0 : i32
      %dma_wait3A_429 = arith.constant 0 : i32
      %dma_wait3A_430 = tpu.memref_slice %arg14[%dma_wait3A_428, %dma_wait3A_429] : memref<100352x16xf32, #tpu.memory_space<vmem_shared>> -> memref<100352x16xf32, #tpu.memory_space<vmem_shared>>
      tpu.wait_indirect_dma semaphore(%arg17 : memref<!tpu.dma_semaphore, #tpu.memory_space<semaphore_mem>>) src(%dma_wait3A_425 : memref<128x16xf32, #tpu.memory_space<vmem>>) dst(%dma_wait3A_430 : memref<100352x16xf32, #tpu.memory_space<vmem_shared>>)
      %dma_wait3A_431 = arith.constant 128 : i32
      %dma_wait3A_432 = arith.constant 0 : i32
      %dma_wait3A_433 = tpu.memref_slice %arg9[%dma_wait3A_431, %dma_wait3A_432] : memref<640x16xf32, #tpu.memory_space<vmem>> -> memref<128x16xf32, #tpu.memory_space<vmem>>
      %dma_wait3A_434 = arith.constant 128 : i32
      %dma_wait3A_435 = tpu.memref_slice %arg7[%dma_wait3A_434] : memref<640xi32, #tpu.memory_space<vmem>> -> memref<128xi32, #tpu.memory_space<vmem>>
      %dma_wait3A_436 = arith.constant 0 : i32
      %dma_wait3A_437 = arith.constant 0 : i32
      %dma_wait3A_438 = tpu.memref_slice %arg14[%dma_wait3A_436, %dma_wait3A_437] : memref<100352x16xf32, #tpu.memory_space<vmem_shared>> -> memref<100352x16xf32, #tpu.memory_space<vmem_shared>>
      tpu.wait_indirect_dma semaphore(%arg17 : memref<!tpu.dma_semaphore, #tpu.memory_space<semaphore_mem>>) src(%dma_wait3A_433 : memref<128x16xf32, #tpu.memory_space<vmem>>) dst(%dma_wait3A_438 : memref<100352x16xf32, #tpu.memory_space<vmem_shared>>)
      %dma_wait3A_439 = arith.constant 256 : i32
      %dma_wait3A_440 = arith.constant 0 : i32
      %dma_wait3A_441 = tpu.memref_slice %arg9[%dma_wait3A_439, %dma_wait3A_440] : memref<640x16xf32, #tpu.memory_space<vmem>> -> memref<128x16xf32, #tpu.memory_space<vmem>>
      %dma_wait3A_442 = arith.constant 256 : i32
      %dma_wait3A_443 = tpu.memref_slice %arg7[%dma_wait3A_442] : memref<640xi32, #tpu.memory_space<vmem>> -> memref<128xi32, #tpu.memory_space<vmem>>
      %dma_wait3A_444 = arith.constant 0 : i32
      %dma_wait3A_445 = arith.constant 0 : i32
      %dma_wait3A_446 = tpu.memref_slice %arg14[%dma_wait3A_444, %dma_wait3A_445] : memref<100352x16xf32, #tpu.memory_space<vmem_shared>> -> memref<100352x16xf32, #tpu.memory_space<vmem_shared>>
      tpu.wait_indirect_dma semaphore(%arg17 : memref<!tpu.dma_semaphore, #tpu.memory_space<semaphore_mem>>) src(%dma_wait3A_441 : memref<128x16xf32, #tpu.memory_space<vmem>>) dst(%dma_wait3A_446 : memref<100352x16xf32, #tpu.memory_space<vmem_shared>>)
      %dma_wait3A_447 = arith.constant 384 : i32
      %dma_wait3A_448 = arith.constant 0 : i32
      %dma_wait3A_449 = tpu.memref_slice %arg9[%dma_wait3A_447, %dma_wait3A_448] : memref<640x16xf32, #tpu.memory_space<vmem>> -> memref<128x16xf32, #tpu.memory_space<vmem>>
      %dma_wait3A_450 = arith.constant 384 : i32
      %dma_wait3A_451 = tpu.memref_slice %arg7[%dma_wait3A_450] : memref<640xi32, #tpu.memory_space<vmem>> -> memref<128xi32, #tpu.memory_space<vmem>>
      %dma_wait3A_452 = arith.constant 0 : i32
      %dma_wait3A_453 = arith.constant 0 : i32
      %dma_wait3A_454 = tpu.memref_slice %arg14[%dma_wait3A_452, %dma_wait3A_453] : memref<100352x16xf32, #tpu.memory_space<vmem_shared>> -> memref<100352x16xf32, #tpu.memory_space<vmem_shared>>
      tpu.wait_indirect_dma semaphore(%arg17 : memref<!tpu.dma_semaphore, #tpu.memory_space<semaphore_mem>>) src(%dma_wait3A_449 : memref<128x16xf32, #tpu.memory_space<vmem>>) dst(%dma_wait3A_454 : memref<100352x16xf32, #tpu.memory_space<vmem_shared>>)
      %dma_wait3A_455 = arith.constant 512 : i32
      %dma_wait3A_456 = arith.constant 0 : i32
      %dma_wait3A_457 = tpu.memref_slice %arg9[%dma_wait3A_455, %dma_wait3A_456] : memref<640x16xf32, #tpu.memory_space<vmem>> -> memref<128x16xf32, #tpu.memory_space<vmem>>
      %dma_wait3A_458 = arith.constant 512 : i32
      %dma_wait3A_459 = tpu.memref_slice %arg7[%dma_wait3A_458] : memref<640xi32, #tpu.memory_space<vmem>> -> memref<128xi32, #tpu.memory_space<vmem>>
      %dma_wait3A_460 = arith.constant 0 : i32
      %dma_wait3A_461 = arith.constant 0 : i32
      %dma_wait3A_462 = tpu.memref_slice %arg14[%dma_wait3A_460, %dma_wait3A_461] : memref<100352x16xf32, #tpu.memory_space<vmem_shared>> -> memref<100352x16xf32, #tpu.memory_space<vmem_shared>>
      tpu.wait_indirect_dma semaphore(%arg17 : memref<!tpu.dma_semaphore, #tpu.memory_space<semaphore_mem>>) src(%dma_wait3A_457 : memref<128x16xf32, #tpu.memory_space<vmem>>) dst(%dma_wait3A_462 : memref<100352x16xf32, #tpu.memory_space<vmem_shared>>)
      %add3A_463 = arith.constant 1 : i32
      %add3A_464 = arith.addi %add3A_361, %add3A_463 : i32
      %min3A_465 = arith.constant 155 : i32
      %min3A_466 = arith.minsi %add3A_464, %min3A_465 : i32
      %mul3A_467 = arith.constant 16 : i32
      %mul3A_468 = arith.muli %min3A_466, %mul3A_467 : i32
      %add3A_469 = arith.addi %mul3A_468, %arg1 : i32
      %mul3A_470 = arith.constant 640 : i32
      %mul3A_471 = arith.muli %add3A_469, %mul3A_470 : i32
      %dma_start3A_472 = arith.constant 0 : i32
      %dma_start3A_473 = tpu.memref_slice %arg3[%dma_start3A_472, %mul3A_471] : memref<2x1600000xi32, #tpu.memory_space<hbm>> -> memref<1x640xi32, #tpu.memory_space<hbm>>
      %dma_start3A_474 = tpu.memref_squeeze %dma_start3A_473 : memref<1x640xi32, #tpu.memory_space<hbm>> -> memref<640xi32, #tpu.memory_space<hbm>>
      %dma_start3A_475 = tpu.memref_slice %arg3[%dma_start3A_472, %mul3A_471] : memref<2x1600000xi32, #tpu.memory_space<hbm>> -> memref<1x640xi32, #tpu.memory_space<hbm>>
      %dma_start3A_476 = tpu.memref_squeeze %dma_start3A_475 : memref<1x640xi32, #tpu.memory_space<hbm>> -> memref<640xi32, #tpu.memory_space<hbm>>
      tpu.enqueue_dma source(%dma_start3A_476 : memref<640xi32, #tpu.memory_space<hbm>>) target(%arg6 : memref<640xi32, #tpu.memory_space<vmem>>) target_semaphore(%arg15 : memref<!tpu.dma_semaphore, #tpu.memory_space<semaphore_mem>>)
      %dma_start3A_477 = arith.constant 1 : i32
      %dma_start3A_478 = tpu.memref_slice %arg3[%dma_start3A_477, %mul3A_471] : memref<2x1600000xi32, #tpu.memory_space<hbm>> -> memref<1x640xi32, #tpu.memory_space<hbm>>
      %dma_start3A_479 = tpu.memref_squeeze %dma_start3A_478 : memref<1x640xi32, #tpu.memory_space<hbm>> -> memref<640xi32, #tpu.memory_space<hbm>>
      %dma_start3A_480 = tpu.memref_slice %arg3[%dma_start3A_477, %mul3A_471] : memref<2x1600000xi32, #tpu.memory_space<hbm>> -> memref<1x640xi32, #tpu.memory_space<hbm>>
      %dma_start3A_481 = tpu.memref_squeeze %dma_start3A_480 : memref<1x640xi32, #tpu.memory_space<hbm>> -> memref<640xi32, #tpu.memory_space<hbm>>
      tpu.enqueue_dma source(%dma_start3A_481 : memref<640xi32, #tpu.memory_space<hbm>>) target(%arg7 : memref<640xi32, #tpu.memory_space<vmem>>) target_semaphore(%arg15 : memref<!tpu.dma_semaphore, #tpu.memory_space<semaphore_mem>>)
      %dma_wait3A_482 = arith.constant 0 : i32
      %dma_wait3A_483 = arith.constant 0 : i32
      %dma_wait3A_484 = tpu.memref_slice %arg13[%dma_wait3A_482, %dma_wait3A_483] : memref<640x16xf32, #tpu.memory_space<vmem>> -> memref<128x16xf32, #tpu.memory_space<vmem>>
      %dma_wait3A_485 = arith.constant 0 : i32
      %dma_wait3A_486 = tpu.memref_slice %arg12[%dma_wait3A_485] : memref<640xi32, #tpu.memory_space<vmem>> -> memref<128xi32, #tpu.memory_space<vmem>>
      %dma_wait3A_487 = arith.constant 0 : i32
      %dma_wait3A_488 = arith.constant 0 : i32
      %dma_wait3A_489 = tpu.memref_slice %arg2[%dma_wait3A_487, %dma_wait3A_488] : memref<200000x16xf32, #tpu.memory_space<hbm>> -> memref<200000x16xf32, #tpu.memory_space<hbm>>
      tpu.wait_indirect_dma semaphore(%arg16 : memref<!tpu.dma_semaphore, #tpu.memory_space<semaphore_mem>>) src(%dma_wait3A_489 : memref<200000x16xf32, #tpu.memory_space<hbm>>) dst(%dma_wait3A_484 : memref<128x16xf32, #tpu.memory_space<vmem>>)
      %dma_wait3A_490 = arith.constant 128 : i32
      %dma_wait3A_491 = arith.constant 0 : i32
      %dma_wait3A_492 = tpu.memref_slice %arg13[%dma_wait3A_490, %dma_wait3A_491] : memref<640x16xf32, #tpu.memory_space<vmem>> -> memref<128x16xf32, #tpu.memory_space<vmem>>
      %dma_wait3A_493 = arith.constant 128 : i32
      %dma_wait3A_494 = tpu.memref_slice %arg12[%dma_wait3A_493] : memref<640xi32, #tpu.memory_space<vmem>> -> memref<128xi32, #tpu.memory_space<vmem>>
      %dma_wait3A_495 = arith.constant 0 : i32
      %dma_wait3A_496 = arith.constant 0 : i32
      %dma_wait3A_497 = tpu.memref_slice %arg2[%dma_wait3A_495, %dma_wait3A_496] : memref<200000x16xf32, #tpu.memory_space<hbm>> -> memref<200000x16xf32, #tpu.memory_space<hbm>>
      tpu.wait_indirect_dma semaphore(%arg16 : memref<!tpu.dma_semaphore, #tpu.memory_space<semaphore_mem>>) src(%dma_wait3A_497 : memref<200000x16xf32, #tpu.memory_space<hbm>>) dst(%dma_wait3A_492 : memref<128x16xf32, #tpu.memory_space<vmem>>)
      %dma_wait3A_498 = arith.constant 256 : i32
      %dma_wait3A_499 = arith.constant 0 : i32
      %dma_wait3A_500 = tpu.memref_slice %arg13[%dma_wait3A_498, %dma_wait3A_499] : memref<640x16xf32, #tpu.memory_space<vmem>> -> memref<128x16xf32, #tpu.memory_space<vmem>>
      %dma_wait3A_501 = arith.constant 256 : i32
      %dma_wait3A_502 = tpu.memref_slice %arg12[%dma_wait3A_501] : memref<640xi32, #tpu.memory_space<vmem>> -> memref<128xi32, #tpu.memory_space<vmem>>
      %dma_wait3A_503 = arith.constant 0 : i32
      %dma_wait3A_504 = arith.constant 0 : i32
      %dma_wait3A_505 = tpu.memref_slice %arg2[%dma_wait3A_503, %dma_wait3A_504] : memref<200000x16xf32, #tpu.memory_space<hbm>> -> memref<200000x16xf32, #tpu.memory_space<hbm>>
      tpu.wait_indirect_dma semaphore(%arg16 : memref<!tpu.dma_semaphore, #tpu.memory_space<semaphore_mem>>) src(%dma_wait3A_505 : memref<200000x16xf32, #tpu.memory_space<hbm>>) dst(%dma_wait3A_500 : memref<128x16xf32, #tpu.memory_space<vmem>>)
      %dma_wait3A_506 = arith.constant 384 : i32
      %dma_wait3A_507 = arith.constant 0 : i32
      %dma_wait3A_508 = tpu.memref_slice %arg13[%dma_wait3A_506, %dma_wait3A_507] : memref<640x16xf32, #tpu.memory_space<vmem>> -> memref<128x16xf32, #tpu.memory_space<vmem>>
      %dma_wait3A_509 = arith.constant 384 : i32
      %dma_wait3A_510 = tpu.memref_slice %arg12[%dma_wait3A_509] : memref<640xi32, #tpu.memory_space<vmem>> -> memref<128xi32, #tpu.memory_space<vmem>>
      %dma_wait3A_511 = arith.constant 0 : i32
      %dma_wait3A_512 = arith.constant 0 : i32
      %dma_wait3A_513 = tpu.memref_slice %arg2[%dma_wait3A_511, %dma_wait3A_512] : memref<200000x16xf32, #tpu.memory_space<hbm>> -> memref<200000x16xf32, #tpu.memory_space<hbm>>
      tpu.wait_indirect_dma semaphore(%arg16 : memref<!tpu.dma_semaphore, #tpu.memory_space<semaphore_mem>>) src(%dma_wait3A_513 : memref<200000x16xf32, #tpu.memory_space<hbm>>) dst(%dma_wait3A_508 : memref<128x16xf32, #tpu.memory_space<vmem>>)
      %dma_wait3A_514 = arith.constant 512 : i32
      %dma_wait3A_515 = arith.constant 0 : i32
      %dma_wait3A_516 = tpu.memref_slice %arg13[%dma_wait3A_514, %dma_wait3A_515] : memref<640x16xf32, #tpu.memory_space<vmem>> -> memref<128x16xf32, #tpu.memory_space<vmem>>
      %dma_wait3A_517 = arith.constant 512 : i32
      %dma_wait3A_518 = tpu.memref_slice %arg12[%dma_wait3A_517] : memref<640xi32, #tpu.memory_space<vmem>> -> memref<128xi32, #tpu.memory_space<vmem>>
      %dma_wait3A_519 = arith.constant 0 : i32
      %dma_wait3A_520 = arith.constant 0 : i32
      %dma_wait3A_521 = tpu.memref_slice %arg2[%dma_wait3A_519, %dma_wait3A_520] : memref<200000x16xf32, #tpu.memory_space<hbm>> -> memref<200000x16xf32, #tpu.memory_space<hbm>>
      tpu.wait_indirect_dma semaphore(%arg16 : memref<!tpu.dma_semaphore, #tpu.memory_space<semaphore_mem>>) src(%dma_wait3A_521 : memref<200000x16xf32, #tpu.memory_space<hbm>>) dst(%dma_wait3A_516 : memref<128x16xf32, #tpu.memory_space<vmem>>)
      %dma_start3A_522 = arith.constant 0 : i32
      %dma_start3A_523 = arith.constant 0 : i32
      %dma_start3A_524 = tpu.memref_slice %arg13[%dma_start3A_522, %dma_start3A_523] : memref<640x16xf32, #tpu.memory_space<vmem>> -> memref<128x16xf32, #tpu.memory_space<vmem>>
      %dma_start3A_525 = arith.constant 0 : i32
      %dma_start3A_526 = tpu.memref_slice %arg11[%dma_start3A_525] : memref<640xi32, #tpu.memory_space<vmem>> -> memref<128xi32, #tpu.memory_space<vmem>>
      %dma_start3A_527 = arith.constant 0 : i32
      %dma_start3A_528 = arith.constant 0 : i32
      %dma_start3A_529 = tpu.memref_slice %arg14[%dma_start3A_527, %dma_start3A_528] : memref<100352x16xf32, #tpu.memory_space<vmem_shared>> -> memref<100352x16xf32, #tpu.memory_space<vmem_shared>>
      tpu.enqueue_indirect_dma source(%dma_start3A_524 : memref<128x16xf32, #tpu.memory_space<vmem>>) target(%dma_start3A_529 : memref<100352x16xf32, #tpu.memory_space<vmem_shared>>) offsets(%dma_start3A_526 : memref<128xi32, #tpu.memory_space<vmem>>) semaphore(%arg17 : memref<!tpu.dma_semaphore, #tpu.memory_space<semaphore_mem>>) {add = true}
      %dma_start3A_530 = arith.constant 128 : i32
      %dma_start3A_531 = arith.constant 0 : i32
      %dma_start3A_532 = tpu.memref_slice %arg13[%dma_start3A_530, %dma_start3A_531] : memref<640x16xf32, #tpu.memory_space<vmem>> -> memref<128x16xf32, #tpu.memory_space<vmem>>
      %dma_start3A_533 = arith.constant 128 : i32
      %dma_start3A_534 = tpu.memref_slice %arg11[%dma_start3A_533] : memref<640xi32, #tpu.memory_space<vmem>> -> memref<128xi32, #tpu.memory_space<vmem>>
      %dma_start3A_535 = arith.constant 0 : i32
      %dma_start3A_536 = arith.constant 0 : i32
      %dma_start3A_537 = tpu.memref_slice %arg14[%dma_start3A_535, %dma_start3A_536] : memref<100352x16xf32, #tpu.memory_space<vmem_shared>> -> memref<100352x16xf32, #tpu.memory_space<vmem_shared>>
      tpu.enqueue_indirect_dma source(%dma_start3A_532 : memref<128x16xf32, #tpu.memory_space<vmem>>) target(%dma_start3A_537 : memref<100352x16xf32, #tpu.memory_space<vmem_shared>>) offsets(%dma_start3A_534 : memref<128xi32, #tpu.memory_space<vmem>>) semaphore(%arg17 : memref<!tpu.dma_semaphore, #tpu.memory_space<semaphore_mem>>) {add = true}
      %dma_start3A_538 = arith.constant 256 : i32
      %dma_start3A_539 = arith.constant 0 : i32
      %dma_start3A_540 = tpu.memref_slice %arg13[%dma_start3A_538, %dma_start3A_539] : memref<640x16xf32, #tpu.memory_space<vmem>> -> memref<128x16xf32, #tpu.memory_space<vmem>>
      %dma_start3A_541 = arith.constant 256 : i32
      %dma_start3A_542 = tpu.memref_slice %arg11[%dma_start3A_541] : memref<640xi32, #tpu.memory_space<vmem>> -> memref<128xi32, #tpu.memory_space<vmem>>
      %dma_start3A_543 = arith.constant 0 : i32
      %dma_start3A_544 = arith.constant 0 : i32
      %dma_start3A_545 = tpu.memref_slice %arg14[%dma_start3A_543, %dma_start3A_544] : memref<100352x16xf32, #tpu.memory_space<vmem_shared>> -> memref<100352x16xf32, #tpu.memory_space<vmem_shared>>
      tpu.enqueue_indirect_dma source(%dma_start3A_540 : memref<128x16xf32, #tpu.memory_space<vmem>>) target(%dma_start3A_545 : memref<100352x16xf32, #tpu.memory_space<vmem_shared>>) offsets(%dma_start3A_542 : memref<128xi32, #tpu.memory_space<vmem>>) semaphore(%arg17 : memref<!tpu.dma_semaphore, #tpu.memory_space<semaphore_mem>>) {add = true}
      %dma_start3A_546 = arith.constant 384 : i32
      %dma_start3A_547 = arith.constant 0 : i32
      %dma_start3A_548 = tpu.memref_slice %arg13[%dma_start3A_546, %dma_start3A_547] : memref<640x16xf32, #tpu.memory_space<vmem>> -> memref<128x16xf32, #tpu.memory_space<vmem>>
      %dma_start3A_549 = arith.constant 384 : i32
      %dma_start3A_550 = tpu.memref_slice %arg11[%dma_start3A_549] : memref<640xi32, #tpu.memory_space<vmem>> -> memref<128xi32, #tpu.memory_space<vmem>>
      %dma_start3A_551 = arith.constant 0 : i32
      %dma_start3A_552 = arith.constant 0 : i32
      %dma_start3A_553 = tpu.memref_slice %arg14[%dma_start3A_551, %dma_start3A_552] : memref<100352x16xf32, #tpu.memory_space<vmem_shared>> -> memref<100352x16xf32, #tpu.memory_space<vmem_shared>>
      tpu.enqueue_indirect_dma source(%dma_start3A_548 : memref<128x16xf32, #tpu.memory_space<vmem>>) target(%dma_start3A_553 : memref<100352x16xf32, #tpu.memory_space<vmem_shared>>) offsets(%dma_start3A_550 : memref<128xi32, #tpu.memory_space<vmem>>) semaphore(%arg17 : memref<!tpu.dma_semaphore, #tpu.memory_space<semaphore_mem>>) {add = true}
      %dma_start3A_554 = arith.constant 512 : i32
      %dma_start3A_555 = arith.constant 0 : i32
      %dma_start3A_556 = tpu.memref_slice %arg13[%dma_start3A_554, %dma_start3A_555] : memref<640x16xf32, #tpu.memory_space<vmem>> -> memref<128x16xf32, #tpu.memory_space<vmem>>
      %dma_start3A_557 = arith.constant 512 : i32
      %dma_start3A_558 = tpu.memref_slice %arg11[%dma_start3A_557] : memref<640xi32, #tpu.memory_space<vmem>> -> memref<128xi32, #tpu.memory_space<vmem>>
      %dma_start3A_559 = arith.constant 0 : i32
      %dma_start3A_560 = arith.constant 0 : i32
      %dma_start3A_561 = tpu.memref_slice %arg14[%dma_start3A_559, %dma_start3A_560] : memref<100352x16xf32, #tpu.memory_space<vmem_shared>> -> memref<100352x16xf32, #tpu.memory_space<vmem_shared>>
      tpu.enqueue_indirect_dma source(%dma_start3A_556 : memref<128x16xf32, #tpu.memory_space<vmem>>) target(%dma_start3A_561 : memref<100352x16xf32, #tpu.memory_space<vmem_shared>>) offsets(%dma_start3A_558 : memref<128xi32, #tpu.memory_space<vmem>>) semaphore(%arg17 : memref<!tpu.dma_semaphore, #tpu.memory_space<semaphore_mem>>) {add = true}
    }
    %scan3A_81 = arith.constant 78 : i32
    %dma_wait3A = arith.constant 0 : i32
    %dma_wait3A_82 = arith.constant 0 : i32
    %dma_wait3A_83 = tpu.memref_slice %arg13[%dma_wait3A, %dma_wait3A_82] : memref<640x16xf32, #tpu.memory_space<vmem>> -> memref<128x16xf32, #tpu.memory_space<vmem>>
    %dma_wait3A_84 = arith.constant 0 : i32
    %dma_wait3A_85 = tpu.memref_slice %arg11[%dma_wait3A_84] : memref<640xi32, #tpu.memory_space<vmem>> -> memref<128xi32, #tpu.memory_space<vmem>>
    %dma_wait3A_86 = arith.constant 0 : i32
    %dma_wait3A_87 = arith.constant 0 : i32
    %dma_wait3A_88 = tpu.memref_slice %arg14[%dma_wait3A_86, %dma_wait3A_87] : memref<100352x16xf32, #tpu.memory_space<vmem_shared>> -> memref<100352x16xf32, #tpu.memory_space<vmem_shared>>
    tpu.wait_indirect_dma semaphore(%arg17 : memref<!tpu.dma_semaphore, #tpu.memory_space<semaphore_mem>>) src(%dma_wait3A_83 : memref<128x16xf32, #tpu.memory_space<vmem>>) dst(%dma_wait3A_88 : memref<100352x16xf32, #tpu.memory_space<vmem_shared>>)
    %dma_wait3A_89 = arith.constant 128 : i32
    %dma_wait3A_90 = arith.constant 0 : i32
    %dma_wait3A_91 = tpu.memref_slice %arg13[%dma_wait3A_89, %dma_wait3A_90] : memref<640x16xf32, #tpu.memory_space<vmem>> -> memref<128x16xf32, #tpu.memory_space<vmem>>
    %dma_wait3A_92 = arith.constant 128 : i32
    %dma_wait3A_93 = tpu.memref_slice %arg11[%dma_wait3A_92] : memref<640xi32, #tpu.memory_space<vmem>> -> memref<128xi32, #tpu.memory_space<vmem>>
    %dma_wait3A_94 = arith.constant 0 : i32
    %dma_wait3A_95 = arith.constant 0 : i32
    %dma_wait3A_96 = tpu.memref_slice %arg14[%dma_wait3A_94, %dma_wait3A_95] : memref<100352x16xf32, #tpu.memory_space<vmem_shared>> -> memref<100352x16xf32, #tpu.memory_space<vmem_shared>>
    tpu.wait_indirect_dma semaphore(%arg17 : memref<!tpu.dma_semaphore, #tpu.memory_space<semaphore_mem>>) src(%dma_wait3A_91 : memref<128x16xf32, #tpu.memory_space<vmem>>) dst(%dma_wait3A_96 : memref<100352x16xf32, #tpu.memory_space<vmem_shared>>)
    %dma_wait3A_97 = arith.constant 256 : i32
    %dma_wait3A_98 = arith.constant 0 : i32
    %dma_wait3A_99 = tpu.memref_slice %arg13[%dma_wait3A_97, %dma_wait3A_98] : memref<640x16xf32, #tpu.memory_space<vmem>> -> memref<128x16xf32, #tpu.memory_space<vmem>>
    %dma_wait3A_100 = arith.constant 256 : i32
    %dma_wait3A_101 = tpu.memref_slice %arg11[%dma_wait3A_100] : memref<640xi32, #tpu.memory_space<vmem>> -> memref<128xi32, #tpu.memory_space<vmem>>
    %dma_wait3A_102 = arith.constant 0 : i32
    %dma_wait3A_103 = arith.constant 0 : i32
    %dma_wait3A_104 = tpu.memref_slice %arg14[%dma_wait3A_102, %dma_wait3A_103] : memref<100352x16xf32, #tpu.memory_space<vmem_shared>> -> memref<100352x16xf32, #tpu.memory_space<vmem_shared>>
    tpu.wait_indirect_dma semaphore(%arg17 : memref<!tpu.dma_semaphore, #tpu.memory_space<semaphore_mem>>) src(%dma_wait3A_99 : memref<128x16xf32, #tpu.memory_space<vmem>>) dst(%dma_wait3A_104 : memref<100352x16xf32, #tpu.memory_space<vmem_shared>>)
    %dma_wait3A_105 = arith.constant 384 : i32
    %dma_wait3A_106 = arith.constant 0 : i32
    %dma_wait3A_107 = tpu.memref_slice %arg13[%dma_wait3A_105, %dma_wait3A_106] : memref<640x16xf32, #tpu.memory_space<vmem>> -> memref<128x16xf32, #tpu.memory_space<vmem>>
    %dma_wait3A_108 = arith.constant 384 : i32
    %dma_wait3A_109 = tpu.memref_slice %arg11[%dma_wait3A_108] : memref<640xi32, #tpu.memory_space<vmem>> -> memref<128xi32, #tpu.memory_space<vmem>>
    %dma_wait3A_110 = arith.constant 0 : i32
    %dma_wait3A_111 = arith.constant 0 : i32
    %dma_wait3A_112 = tpu.memref_slice %arg14[%dma_wait3A_110, %dma_wait3A_111] : memref<100352x16xf32, #tpu.memory_space<vmem_shared>> -> memref<100352x16xf32, #tpu.memory_space<vmem_shared>>
    tpu.wait_indirect_dma semaphore(%arg17 : memref<!tpu.dma_semaphore, #tpu.memory_space<semaphore_mem>>) src(%dma_wait3A_107 : memref<128x16xf32, #tpu.memory_space<vmem>>) dst(%dma_wait3A_112 : memref<100352x16xf32, #tpu.memory_space<vmem_shared>>)
    %dma_wait3A_113 = arith.constant 512 : i32
    %dma_wait3A_114 = arith.constant 0 : i32
    %dma_wait3A_115 = tpu.memref_slice %arg13[%dma_wait3A_113, %dma_wait3A_114] : memref<640x16xf32, #tpu.memory_space<vmem>> -> memref<128x16xf32, #tpu.memory_space<vmem>>
    %dma_wait3A_116 = arith.constant 512 : i32
    %dma_wait3A_117 = tpu.memref_slice %arg11[%dma_wait3A_116] : memref<640xi32, #tpu.memory_space<vmem>> -> memref<128xi32, #tpu.memory_space<vmem>>
    %dma_wait3A_118 = arith.constant 0 : i32
    %dma_wait3A_119 = arith.constant 0 : i32
    %dma_wait3A_120 = tpu.memref_slice %arg14[%dma_wait3A_118, %dma_wait3A_119] : memref<100352x16xf32, #tpu.memory_space<vmem_shared>> -> memref<100352x16xf32, #tpu.memory_space<vmem_shared>>
    tpu.wait_indirect_dma semaphore(%arg17 : memref<!tpu.dma_semaphore, #tpu.memory_space<semaphore_mem>>) src(%dma_wait3A_115 : memref<128x16xf32, #tpu.memory_space<vmem>>) dst(%dma_wait3A_120 : memref<100352x16xf32, #tpu.memory_space<vmem_shared>>)
    %add3A_121 = arith.constant 2480 : i32
    %add3A_122 = arith.addi %add3A_121, %arg1 : i32
    %mul3A_123 = arith.constant 640 : i32
    %mul3A_124 = arith.muli %add3A_122, %mul3A_123 : i32
    %dma_wait3A_125 = arith.constant 0 : i32
    %dma_wait3A_126 = tpu.memref_slice %arg3[%dma_wait3A_125, %mul3A_124] : memref<2x1600000xi32, #tpu.memory_space<hbm>> -> memref<1x640xi32, #tpu.memory_space<hbm>>
    %dma_wait3A_127 = tpu.memref_squeeze %dma_wait3A_126 : memref<1x640xi32, #tpu.memory_space<hbm>> -> memref<640xi32, #tpu.memory_space<hbm>>
    %dma_wait3A_128 = tpu.memref_slice %arg3[%dma_wait3A_125, %mul3A_124] : memref<2x1600000xi32, #tpu.memory_space<hbm>> -> memref<1x640xi32, #tpu.memory_space<hbm>>
    %dma_wait3A_129 = tpu.memref_squeeze %dma_wait3A_128 : memref<1x640xi32, #tpu.memory_space<hbm>> -> memref<640xi32, #tpu.memory_space<hbm>>
    tpu.wait_dma2 semaphore(%arg15 : memref<!tpu.dma_semaphore, #tpu.memory_space<semaphore_mem>>) src(%dma_wait3A_129 : memref<640xi32, #tpu.memory_space<hbm>>) dst(%arg6 : memref<640xi32, #tpu.memory_space<vmem>>)
    %dma_wait3A_130 = arith.constant 1 : i32
    %dma_wait3A_131 = tpu.memref_slice %arg3[%dma_wait3A_130, %mul3A_124] : memref<2x1600000xi32, #tpu.memory_space<hbm>> -> memref<1x640xi32, #tpu.memory_space<hbm>>
    %dma_wait3A_132 = tpu.memref_squeeze %dma_wait3A_131 : memref<1x640xi32, #tpu.memory_space<hbm>> -> memref<640xi32, #tpu.memory_space<hbm>>
    %dma_wait3A_133 = tpu.memref_slice %arg3[%dma_wait3A_130, %mul3A_124] : memref<2x1600000xi32, #tpu.memory_space<hbm>> -> memref<1x640xi32, #tpu.memory_space<hbm>>
    %dma_wait3A_134 = tpu.memref_squeeze %dma_wait3A_133 : memref<1x640xi32, #tpu.memory_space<hbm>> -> memref<640xi32, #tpu.memory_space<hbm>>
    tpu.wait_dma2 semaphore(%arg15 : memref<!tpu.dma_semaphore, #tpu.memory_space<semaphore_mem>>) src(%dma_wait3A_134 : memref<640xi32, #tpu.memory_space<hbm>>) dst(%arg7 : memref<640xi32, #tpu.memory_space<vmem>>)
    %lt3A = arith.constant 4 : i32
    %lt3A_135 = arith.cmpi slt, %arg1, %lt3A : i32
    %convert_element_type3A = arith.extui %lt3A_135 : i1 to i32
    %cond3A = arith.constant 0 : i32
    %cond3A_136 = arith.cmpi ne, %convert_element_type3A, %cond3A : i32
    scf.if %cond3A_136 {
      %add3A_154 = arith.constant 2496 : i32
      %add3A_155 = arith.addi %add3A_154, %arg1 : i32
      %mul3A_156 = arith.constant 640 : i32
      %mul3A_157 = arith.muli %add3A_155, %mul3A_156 : i32
      %run_scoped3A = arith.constant 0 : i32
      "tpu.region"() ({
        %run_scoped3A_325 = tpu.sem_alloc : memref<!tpu.dma_semaphore, #tpu.memory_space<semaphore_mem>>
        %dma_start3A_326 = tpu.memref_slice %arg3[%run_scoped3A, %mul3A_157] : memref<2x1600000xi32, #tpu.memory_space<hbm>> -> memref<1x640xi32, #tpu.memory_space<hbm>>
        %dma_start3A_327 = tpu.memref_squeeze %dma_start3A_326 : memref<1x640xi32, #tpu.memory_space<hbm>> -> memref<640xi32, #tpu.memory_space<hbm>>
        %dma_start3A_328 = tpu.memref_slice %arg3[%run_scoped3A, %mul3A_157] : memref<2x1600000xi32, #tpu.memory_space<hbm>> -> memref<1x640xi32, #tpu.memory_space<hbm>>
        %dma_start3A_329 = tpu.memref_squeeze %dma_start3A_328 : memref<1x640xi32, #tpu.memory_space<hbm>> -> memref<640xi32, #tpu.memory_space<hbm>>
        tpu.enqueue_dma source(%dma_start3A_329 : memref<640xi32, #tpu.memory_space<hbm>>) target(%arg6 : memref<640xi32, #tpu.memory_space<vmem>>) target_semaphore(%run_scoped3A_325 : memref<!tpu.dma_semaphore, #tpu.memory_space<semaphore_mem>>)
        %dma_wait3A_330 = tpu.memref_slice %arg3[%run_scoped3A, %mul3A_157] : memref<2x1600000xi32, #tpu.memory_space<hbm>> -> memref<1x640xi32, #tpu.memory_space<hbm>>
        %dma_wait3A_331 = tpu.memref_squeeze %dma_wait3A_330 : memref<1x640xi32, #tpu.memory_space<hbm>> -> memref<640xi32, #tpu.memory_space<hbm>>
        %dma_wait3A_332 = tpu.memref_slice %arg3[%run_scoped3A, %mul3A_157] : memref<2x1600000xi32, #tpu.memory_space<hbm>> -> memref<1x640xi32, #tpu.memory_space<hbm>>
        %dma_wait3A_333 = tpu.memref_squeeze %dma_wait3A_332 : memref<1x640xi32, #tpu.memory_space<hbm>> -> memref<640xi32, #tpu.memory_space<hbm>>
        tpu.wait_dma2 semaphore(%run_scoped3A_325 : memref<!tpu.dma_semaphore, #tpu.memory_space<semaphore_mem>>) src(%dma_wait3A_333 : memref<640xi32, #tpu.memory_space<hbm>>) dst(%arg6 : memref<640xi32, #tpu.memory_space<vmem>>)
        tpu.yield
      }) : () -> ()
      %run_scoped3A_158 = arith.constant 1 : i32
      "tpu.region"() ({
        %run_scoped3A_325 = tpu.sem_alloc : memref<!tpu.dma_semaphore, #tpu.memory_space<semaphore_mem>>
        %dma_start3A_326 = tpu.memref_slice %arg3[%run_scoped3A_158, %mul3A_157] : memref<2x1600000xi32, #tpu.memory_space<hbm>> -> memref<1x640xi32, #tpu.memory_space<hbm>>
        %dma_start3A_327 = tpu.memref_squeeze %dma_start3A_326 : memref<1x640xi32, #tpu.memory_space<hbm>> -> memref<640xi32, #tpu.memory_space<hbm>>
        %dma_start3A_328 = tpu.memref_slice %arg3[%run_scoped3A_158, %mul3A_157] : memref<2x1600000xi32, #tpu.memory_space<hbm>> -> memref<1x640xi32, #tpu.memory_space<hbm>>
        %dma_start3A_329 = tpu.memref_squeeze %dma_start3A_328 : memref<1x640xi32, #tpu.memory_space<hbm>> -> memref<640xi32, #tpu.memory_space<hbm>>
        tpu.enqueue_dma source(%dma_start3A_329 : memref<640xi32, #tpu.memory_space<hbm>>) target(%arg7 : memref<640xi32, #tpu.memory_space<vmem>>) target_semaphore(%run_scoped3A_325 : memref<!tpu.dma_semaphore, #tpu.memory_space<semaphore_mem>>)
        %dma_wait3A_330 = tpu.memref_slice %arg3[%run_scoped3A_158, %mul3A_157] : memref<2x1600000xi32, #tpu.memory_space<hbm>> -> memref<1x640xi32, #tpu.memory_space<hbm>>
        %dma_wait3A_331 = tpu.memref_squeeze %dma_wait3A_330 : memref<1x640xi32, #tpu.memory_space<hbm>> -> memref<640xi32, #tpu.memory_space<hbm>>
        %dma_wait3A_332 = tpu.memref_slice %arg3[%run_scoped3A_158, %mul3A_157] : memref<2x1600000xi32, #tpu.memory_space<hbm>> -> memref<1x640xi32, #tpu.memory_space<hbm>>
        %dma_wait3A_333 = tpu.memref_squeeze %dma_wait3A_332 : memref<1x640xi32, #tpu.memory_space<hbm>> -> memref<640xi32, #tpu.memory_space<hbm>>
        tpu.wait_dma2 semaphore(%run_scoped3A_325 : memref<!tpu.dma_semaphore, #tpu.memory_space<semaphore_mem>>) src(%dma_wait3A_333 : memref<640xi32, #tpu.memory_space<hbm>>) dst(%arg7 : memref<640xi32, #tpu.memory_space<vmem>>)
        tpu.yield
      }) : () -> ()
      %scan3A_159 = arith.constant 0 : i32
      %scan3A_160 = arith.constant 0 : i32
      %scan3A_161 = arith.constant 40 : i32
      %scan3A_162 = arith.addi %scan3A_160, %scan3A_161 : i32
      %scan3A_163 = arith.constant 1 : i32
      scf.for %scan3A_325 = %scan3A_160 to %scan3A_162 step %scan3A_163  : i32 {
        %mul3A_326 = arith.constant 16 : i32
        %mul3A_327 = arith.muli %scan3A_325, %mul3A_326 : i32
        %get3A = arith.index_cast %mul3A_327 : i32 to index
        %get3A_328 = tpu.vector_load %arg6[%get3A] {strides = array<i32>} : memref<640xi32, #tpu.memory_space<vmem>>, vector<16xi32>,
        %get3A_329 = vector.shape_cast %get3A_328 : vector<16xi32> to vector<16xi32>
        %mul3A_330 = arith.constant 2 : i32
        %mul3A_331 = vector.broadcast %mul3A_330 : i32 to vector<16xi32>
        %mul3A_332 = arith.muli %get3A_329, %mul3A_331 : vector<16xi32>
        %add3A_333 = vector.broadcast %arg0 : i32 to vector<16xi32>
        %add3A_334 = arith.addi %mul3A_332, %add3A_333 : vector<16xi32>
        %mul3A_335 = arith.constant 16 : i32
        %mul3A_336 = arith.muli %scan3A_325, %mul3A_335 : i32
        %swap3A = arith.index_cast %mul3A_336 : i32 to index
        %swap3A_337 = tpu.vector_load %arg8[%swap3A] {strides = array<i32>} : memref<640xi32, #tpu.memory_space<vmem>>, vector<16xi32>,
        %swap3A_338 = vector.shape_cast %swap3A_337 : vector<16xi32> to vector<16xi32>
        %swap3A_339 = vector.shape_cast %add3A_334 : vector<16xi32> to vector<16xi32>
        tpu.vector_store %arg8[%swap3A], %swap3A_339 {strides = array<i32>} : memref<640xi32, #tpu.memory_space<vmem>>, vector<16xi32>,
      }
      %scan3A_164 = arith.constant 40 : i32
      %dma_start3A_165 = arith.constant 0 : i32
      %dma_start3A_166 = arith.constant 0 : i32
      %dma_start3A_167 = tpu.memref_slice %arg9[%dma_start3A_165, %dma_start3A_166] : memref<640x16xf32, #tpu.memory_space<vmem>> -> memref<128x16xf32, #tpu.memory_space<vmem>>
      %dma_start3A_168 = arith.constant 0 : i32
      %dma_start3A_169 = tpu.memref_slice %arg8[%dma_start3A_168] : memref<640xi32, #tpu.memory_space<vmem>> -> memref<128xi32, #tpu.memory_space<vmem>>
      %dma_start3A_170 = arith.constant 0 : i32
      %dma_start3A_171 = arith.constant 0 : i32
      %dma_start3A_172 = tpu.memref_slice %arg2[%dma_start3A_170, %dma_start3A_171] : memref<200000x16xf32, #tpu.memory_space<hbm>> -> memref<200000x16xf32, #tpu.memory_space<hbm>>
      tpu.enqueue_indirect_dma source(%dma_start3A_172 : memref<200000x16xf32, #tpu.memory_space<hbm>>) target(%dma_start3A_167 : memref<128x16xf32, #tpu.memory_space<vmem>>) offsets(%dma_start3A_169 : memref<128xi32, #tpu.memory_space<vmem>>) semaphore(%arg16 : memref<!tpu.dma_semaphore, #tpu.memory_space<semaphore_mem>>)
      %dma_start3A_173 = arith.constant 128 : i32
      %dma_start3A_174 = arith.constant 0 : i32
      %dma_start3A_175 = tpu.memref_slice %arg9[%dma_start3A_173, %dma_start3A_174] : memref<640x16xf32, #tpu.memory_space<vmem>> -> memref<128x16xf32, #tpu.memory_space<vmem>>
      %dma_start3A_176 = arith.constant 128 : i32
      %dma_start3A_177 = tpu.memref_slice %arg8[%dma_start3A_176] : memref<640xi32, #tpu.memory_space<vmem>> -> memref<128xi32, #tpu.memory_space<vmem>>
      %dma_start3A_178 = arith.constant 0 : i32
      %dma_start3A_179 = arith.constant 0 : i32
      %dma_start3A_180 = tpu.memref_slice %arg2[%dma_start3A_178, %dma_start3A_179] : memref<200000x16xf32, #tpu.memory_space<hbm>> -> memref<200000x16xf32, #tpu.memory_space<hbm>>
      tpu.enqueue_indirect_dma source(%dma_start3A_180 : memref<200000x16xf32, #tpu.memory_space<hbm>>) target(%dma_start3A_175 : memref<128x16xf32, #tpu.memory_space<vmem>>) offsets(%dma_start3A_177 : memref<128xi32, #tpu.memory_space<vmem>>) semaphore(%arg16 : memref<!tpu.dma_semaphore, #tpu.memory_space<semaphore_mem>>)
      %dma_start3A_181 = arith.constant 256 : i32
      %dma_start3A_182 = arith.constant 0 : i32
      %dma_start3A_183 = tpu.memref_slice %arg9[%dma_start3A_181, %dma_start3A_182] : memref<640x16xf32, #tpu.memory_space<vmem>> -> memref<128x16xf32, #tpu.memory_space<vmem>>
      %dma_start3A_184 = arith.constant 256 : i32
      %dma_start3A_185 = tpu.memref_slice %arg8[%dma_start3A_184] : memref<640xi32, #tpu.memory_space<vmem>> -> memref<128xi32, #tpu.memory_space<vmem>>
      %dma_start3A_186 = arith.constant 0 : i32
      %dma_start3A_187 = arith.constant 0 : i32
      %dma_start3A_188 = tpu.memref_slice %arg2[%dma_start3A_186, %dma_start3A_187] : memref<200000x16xf32, #tpu.memory_space<hbm>> -> memref<200000x16xf32, #tpu.memory_space<hbm>>
      tpu.enqueue_indirect_dma source(%dma_start3A_188 : memref<200000x16xf32, #tpu.memory_space<hbm>>) target(%dma_start3A_183 : memref<128x16xf32, #tpu.memory_space<vmem>>) offsets(%dma_start3A_185 : memref<128xi32, #tpu.memory_space<vmem>>) semaphore(%arg16 : memref<!tpu.dma_semaphore, #tpu.memory_space<semaphore_mem>>)
      %dma_start3A_189 = arith.constant 384 : i32
      %dma_start3A_190 = arith.constant 0 : i32
      %dma_start3A_191 = tpu.memref_slice %arg9[%dma_start3A_189, %dma_start3A_190] : memref<640x16xf32, #tpu.memory_space<vmem>> -> memref<128x16xf32, #tpu.memory_space<vmem>>
      %dma_start3A_192 = arith.constant 384 : i32
      %dma_start3A_193 = tpu.memref_slice %arg8[%dma_start3A_192] : memref<640xi32, #tpu.memory_space<vmem>> -> memref<128xi32, #tpu.memory_space<vmem>>
      %dma_start3A_194 = arith.constant 0 : i32
      %dma_start3A_195 = arith.constant 0 : i32
      %dma_start3A_196 = tpu.memref_slice %arg2[%dma_start3A_194, %dma_start3A_195] : memref<200000x16xf32, #tpu.memory_space<hbm>> -> memref<200000x16xf32, #tpu.memory_space<hbm>>
      tpu.enqueue_indirect_dma source(%dma_start3A_196 : memref<200000x16xf32, #tpu.memory_space<hbm>>) target(%dma_start3A_191 : memref<128x16xf32, #tpu.memory_space<vmem>>) offsets(%dma_start3A_193 : memref<128xi32, #tpu.memory_space<vmem>>) semaphore(%arg16 : memref<!tpu.dma_semaphore, #tpu.memory_space<semaphore_mem>>)
      %dma_start3A_197 = arith.constant 512 : i32
      %dma_start3A_198 = arith.constant 0 : i32
      %dma_start3A_199 = tpu.memref_slice %arg9[%dma_start3A_197, %dma_start3A_198] : memref<640x16xf32, #tpu.memory_space<vmem>> -> memref<128x16xf32, #tpu.memory_space<vmem>>
      %dma_start3A_200 = arith.constant 512 : i32
      %dma_start3A_201 = tpu.memref_slice %arg8[%dma_start3A_200] : memref<640xi32, #tpu.memory_space<vmem>> -> memref<128xi32, #tpu.memory_space<vmem>>
      %dma_start3A_202 = arith.constant 0 : i32
      %dma_start3A_203 = arith.constant 0 : i32
      %dma_start3A_204 = tpu.memref_slice %arg2[%dma_start3A_202, %dma_start3A_203] : memref<200000x16xf32, #tpu.memory_space<hbm>> -> memref<200000x16xf32, #tpu.memory_space<hbm>>
      tpu.enqueue_indirect_dma source(%dma_start3A_204 : memref<200000x16xf32, #tpu.memory_space<hbm>>) target(%dma_start3A_199 : memref<128x16xf32, #tpu.memory_space<vmem>>) offsets(%dma_start3A_201 : memref<128xi32, #tpu.memory_space<vmem>>) semaphore(%arg16 : memref<!tpu.dma_semaphore, #tpu.memory_space<semaphore_mem>>)
      %dma_wait3A_205 = arith.constant 0 : i32
      %dma_wait3A_206 = arith.constant 0 : i32
      %dma_wait3A_207 = tpu.memref_slice %arg9[%dma_wait3A_205, %dma_wait3A_206] : memref<640x16xf32, #tpu.memory_space<vmem>> -> memref<128x16xf32, #tpu.memory_space<vmem>>
      %dma_wait3A_208 = arith.constant 0 : i32
      %dma_wait3A_209 = tpu.memref_slice %arg8[%dma_wait3A_208] : memref<640xi32, #tpu.memory_space<vmem>> -> memref<128xi32, #tpu.memory_space<vmem>>
      %dma_wait3A_210 = arith.constant 0 : i32
      %dma_wait3A_211 = arith.constant 0 : i32
      %dma_wait3A_212 = tpu.memref_slice %arg2[%dma_wait3A_210, %dma_wait3A_211] : memref<200000x16xf32, #tpu.memory_space<hbm>> -> memref<200000x16xf32, #tpu.memory_space<hbm>>
      tpu.wait_indirect_dma semaphore(%arg16 : memref<!tpu.dma_semaphore, #tpu.memory_space<semaphore_mem>>) src(%dma_wait3A_212 : memref<200000x16xf32, #tpu.memory_space<hbm>>) dst(%dma_wait3A_207 : memref<128x16xf32, #tpu.memory_space<vmem>>)
      %dma_wait3A_213 = arith.constant 128 : i32
      %dma_wait3A_214 = arith.constant 0 : i32
      %dma_wait3A_215 = tpu.memref_slice %arg9[%dma_wait3A_213, %dma_wait3A_214] : memref<640x16xf32, #tpu.memory_space<vmem>> -> memref<128x16xf32, #tpu.memory_space<vmem>>
      %dma_wait3A_216 = arith.constant 128 : i32
      %dma_wait3A_217 = tpu.memref_slice %arg8[%dma_wait3A_216] : memref<640xi32, #tpu.memory_space<vmem>> -> memref<128xi32, #tpu.memory_space<vmem>>
      %dma_wait3A_218 = arith.constant 0 : i32
      %dma_wait3A_219 = arith.constant 0 : i32
      %dma_wait3A_220 = tpu.memref_slice %arg2[%dma_wait3A_218, %dma_wait3A_219] : memref<200000x16xf32, #tpu.memory_space<hbm>> -> memref<200000x16xf32, #tpu.memory_space<hbm>>
      tpu.wait_indirect_dma semaphore(%arg16 : memref<!tpu.dma_semaphore, #tpu.memory_space<semaphore_mem>>) src(%dma_wait3A_220 : memref<200000x16xf32, #tpu.memory_space<hbm>>) dst(%dma_wait3A_215 : memref<128x16xf32, #tpu.memory_space<vmem>>)
      %dma_wait3A_221 = arith.constant 256 : i32
      %dma_wait3A_222 = arith.constant 0 : i32
      %dma_wait3A_223 = tpu.memref_slice %arg9[%dma_wait3A_221, %dma_wait3A_222] : memref<640x16xf32, #tpu.memory_space<vmem>> -> memref<128x16xf32, #tpu.memory_space<vmem>>
      %dma_wait3A_224 = arith.constant 256 : i32
      %dma_wait3A_225 = tpu.memref_slice %arg8[%dma_wait3A_224] : memref<640xi32, #tpu.memory_space<vmem>> -> memref<128xi32, #tpu.memory_space<vmem>>
      %dma_wait3A_226 = arith.constant 0 : i32
      %dma_wait3A_227 = arith.constant 0 : i32
      %dma_wait3A_228 = tpu.memref_slice %arg2[%dma_wait3A_226, %dma_wait3A_227] : memref<200000x16xf32, #tpu.memory_space<hbm>> -> memref<200000x16xf32, #tpu.memory_space<hbm>>
      tpu.wait_indirect_dma semaphore(%arg16 : memref<!tpu.dma_semaphore, #tpu.memory_space<semaphore_mem>>) src(%dma_wait3A_228 : memref<200000x16xf32, #tpu.memory_space<hbm>>) dst(%dma_wait3A_223 : memref<128x16xf32, #tpu.memory_space<vmem>>)
      %dma_wait3A_229 = arith.constant 384 : i32
      %dma_wait3A_230 = arith.constant 0 : i32
      %dma_wait3A_231 = tpu.memref_slice %arg9[%dma_wait3A_229, %dma_wait3A_230] : memref<640x16xf32, #tpu.memory_space<vmem>> -> memref<128x16xf32, #tpu.memory_space<vmem>>
      %dma_wait3A_232 = arith.constant 384 : i32
      %dma_wait3A_233 = tpu.memref_slice %arg8[%dma_wait3A_232] : memref<640xi32, #tpu.memory_space<vmem>> -> memref<128xi32, #tpu.memory_space<vmem>>
      %dma_wait3A_234 = arith.constant 0 : i32
      %dma_wait3A_235 = arith.constant 0 : i32
      %dma_wait3A_236 = tpu.memref_slice %arg2[%dma_wait3A_234, %dma_wait3A_235] : memref<200000x16xf32, #tpu.memory_space<hbm>> -> memref<200000x16xf32, #tpu.memory_space<hbm>>
      tpu.wait_indirect_dma semaphore(%arg16 : memref<!tpu.dma_semaphore, #tpu.memory_space<semaphore_mem>>) src(%dma_wait3A_236 : memref<200000x16xf32, #tpu.memory_space<hbm>>) dst(%dma_wait3A_231 : memref<128x16xf32, #tpu.memory_space<vmem>>)
      %dma_wait3A_237 = arith.constant 512 : i32
      %dma_wait3A_238 = arith.constant 0 : i32
      %dma_wait3A_239 = tpu.memref_slice %arg9[%dma_wait3A_237, %dma_wait3A_238] : memref<640x16xf32, #tpu.memory_space<vmem>> -> memref<128x16xf32, #tpu.memory_space<vmem>>
      %dma_wait3A_240 = arith.constant 512 : i32
      %dma_wait3A_241 = tpu.memref_slice %arg8[%dma_wait3A_240] : memref<640xi32, #tpu.memory_space<vmem>> -> memref<128xi32, #tpu.memory_space<vmem>>
      %dma_wait3A_242 = arith.constant 0 : i32
      %dma_wait3A_243 = arith.constant 0 : i32
      %dma_wait3A_244 = tpu.memref_slice %arg2[%dma_wait3A_242, %dma_wait3A_243] : memref<200000x16xf32, #tpu.memory_space<hbm>> -> memref<200000x16xf32, #tpu.memory_space<hbm>>
      tpu.wait_indirect_dma semaphore(%arg16 : memref<!tpu.dma_semaphore, #tpu.memory_space<semaphore_mem>>) src(%dma_wait3A_244 : memref<200000x16xf32, #tpu.memory_space<hbm>>) dst(%dma_wait3A_239 : memref<128x16xf32, #tpu.memory_space<vmem>>)
      %dma_start3A_245 = arith.constant 0 : i32
      %dma_start3A_246 = arith.constant 0 : i32
      %dma_start3A_247 = tpu.memref_slice %arg9[%dma_start3A_245, %dma_start3A_246] : memref<640x16xf32, #tpu.memory_space<vmem>> -> memref<128x16xf32, #tpu.memory_space<vmem>>
      %dma_start3A_248 = arith.constant 0 : i32
      %dma_start3A_249 = tpu.memref_slice %arg7[%dma_start3A_248] : memref<640xi32, #tpu.memory_space<vmem>> -> memref<128xi32, #tpu.memory_space<vmem>>
      %dma_start3A_250 = arith.constant 0 : i32
      %dma_start3A_251 = arith.constant 0 : i32
      %dma_start3A_252 = tpu.memref_slice %arg14[%dma_start3A_250, %dma_start3A_251] : memref<100352x16xf32, #tpu.memory_space<vmem_shared>> -> memref<100352x16xf32, #tpu.memory_space<vmem_shared>>
      tpu.enqueue_indirect_dma source(%dma_start3A_247 : memref<128x16xf32, #tpu.memory_space<vmem>>) target(%dma_start3A_252 : memref<100352x16xf32, #tpu.memory_space<vmem_shared>>) offsets(%dma_start3A_249 : memref<128xi32, #tpu.memory_space<vmem>>) semaphore(%arg17 : memref<!tpu.dma_semaphore, #tpu.memory_space<semaphore_mem>>) {add = true}
      %dma_start3A_253 = arith.constant 128 : i32
      %dma_start3A_254 = arith.constant 0 : i32
      %dma_start3A_255 = tpu.memref_slice %arg9[%dma_start3A_253, %dma_start3A_254] : memref<640x16xf32, #tpu.memory_space<vmem>> -> memref<128x16xf32, #tpu.memory_space<vmem>>
      %dma_start3A_256 = arith.constant 128 : i32
      %dma_start3A_257 = tpu.memref_slice %arg7[%dma_start3A_256] : memref<640xi32, #tpu.memory_space<vmem>> -> memref<128xi32, #tpu.memory_space<vmem>>
      %dma_start3A_258 = arith.constant 0 : i32
      %dma_start3A_259 = arith.constant 0 : i32
      %dma_start3A_260 = tpu.memref_slice %arg14[%dma_start3A_258, %dma_start3A_259] : memref<100352x16xf32, #tpu.memory_space<vmem_shared>> -> memref<100352x16xf32, #tpu.memory_space<vmem_shared>>
      tpu.enqueue_indirect_dma source(%dma_start3A_255 : memref<128x16xf32, #tpu.memory_space<vmem>>) target(%dma_start3A_260 : memref<100352x16xf32, #tpu.memory_space<vmem_shared>>) offsets(%dma_start3A_257 : memref<128xi32, #tpu.memory_space<vmem>>) semaphore(%arg17 : memref<!tpu.dma_semaphore, #tpu.memory_space<semaphore_mem>>) {add = true}
      %dma_start3A_261 = arith.constant 256 : i32
      %dma_start3A_262 = arith.constant 0 : i32
      %dma_start3A_263 = tpu.memref_slice %arg9[%dma_start3A_261, %dma_start3A_262] : memref<640x16xf32, #tpu.memory_space<vmem>> -> memref<128x16xf32, #tpu.memory_space<vmem>>
      %dma_start3A_264 = arith.constant 256 : i32
      %dma_start3A_265 = tpu.memref_slice %arg7[%dma_start3A_264] : memref<640xi32, #tpu.memory_space<vmem>> -> memref<128xi32, #tpu.memory_space<vmem>>
      %dma_start3A_266 = arith.constant 0 : i32
      %dma_start3A_267 = arith.constant 0 : i32
      %dma_start3A_268 = tpu.memref_slice %arg14[%dma_start3A_266, %dma_start3A_267] : memref<100352x16xf32, #tpu.memory_space<vmem_shared>> -> memref<100352x16xf32, #tpu.memory_space<vmem_shared>>
      tpu.enqueue_indirect_dma source(%dma_start3A_263 : memref<128x16xf32, #tpu.memory_space<vmem>>) target(%dma_start3A_268 : memref<100352x16xf32, #tpu.memory_space<vmem_shared>>) offsets(%dma_start3A_265 : memref<128xi32, #tpu.memory_space<vmem>>) semaphore(%arg17 : memref<!tpu.dma_semaphore, #tpu.memory_space<semaphore_mem>>) {add = true}
      %dma_start3A_269 = arith.constant 384 : i32
      %dma_start3A_270 = arith.constant 0 : i32
      %dma_start3A_271 = tpu.memref_slice %arg9[%dma_start3A_269, %dma_start3A_270] : memref<640x16xf32, #tpu.memory_space<vmem>> -> memref<128x16xf32, #tpu.memory_space<vmem>>
      %dma_start3A_272 = arith.constant 384 : i32
      %dma_start3A_273 = tpu.memref_slice %arg7[%dma_start3A_272] : memref<640xi32, #tpu.memory_space<vmem>> -> memref<128xi32, #tpu.memory_space<vmem>>
      %dma_start3A_274 = arith.constant 0 : i32
      %dma_start3A_275 = arith.constant 0 : i32
      %dma_start3A_276 = tpu.memref_slice %arg14[%dma_start3A_274, %dma_start3A_275] : memref<100352x16xf32, #tpu.memory_space<vmem_shared>> -> memref<100352x16xf32, #tpu.memory_space<vmem_shared>>
      tpu.enqueue_indirect_dma source(%dma_start3A_271 : memref<128x16xf32, #tpu.memory_space<vmem>>) target(%dma_start3A_276 : memref<100352x16xf32, #tpu.memory_space<vmem_shared>>) offsets(%dma_start3A_273 : memref<128xi32, #tpu.memory_space<vmem>>) semaphore(%arg17 : memref<!tpu.dma_semaphore, #tpu.memory_space<semaphore_mem>>) {add = true}
      %dma_start3A_277 = arith.constant 512 : i32
      %dma_start3A_278 = arith.constant 0 : i32
      %dma_start3A_279 = tpu.memref_slice %arg9[%dma_start3A_277, %dma_start3A_278] : memref<640x16xf32, #tpu.memory_space<vmem>> -> memref<128x16xf32, #tpu.memory_space<vmem>>
      %dma_start3A_280 = arith.constant 512 : i32
      %dma_start3A_281 = tpu.memref_slice %arg7[%dma_start3A_280] : memref<640xi32, #tpu.memory_space<vmem>> -> memref<128xi32, #tpu.memory_space<vmem>>
      %dma_start3A_282 = arith.constant 0 : i32
      %dma_start3A_283 = arith.constant 0 : i32
      %dma_start3A_284 = tpu.memref_slice %arg14[%dma_start3A_282, %dma_start3A_283] : memref<100352x16xf32, #tpu.memory_space<vmem_shared>> -> memref<100352x16xf32, #tpu.memory_space<vmem_shared>>
      tpu.enqueue_indirect_dma source(%dma_start3A_279 : memref<128x16xf32, #tpu.memory_space<vmem>>) target(%dma_start3A_284 : memref<100352x16xf32, #tpu.memory_space<vmem_shared>>) offsets(%dma_start3A_281 : memref<128xi32, #tpu.memory_space<vmem>>) semaphore(%arg17 : memref<!tpu.dma_semaphore, #tpu.memory_space<semaphore_mem>>) {add = true}
      %dma_wait3A_285 = arith.constant 0 : i32
      %dma_wait3A_286 = arith.constant 0 : i32
      %dma_wait3A_287 = tpu.memref_slice %arg9[%dma_wait3A_285, %dma_wait3A_286] : memref<640x16xf32, #tpu.memory_space<vmem>> -> memref<128x16xf32, #tpu.memory_space<vmem>>
      %dma_wait3A_288 = arith.constant 0 : i32
      %dma_wait3A_289 = tpu.memref_slice %arg7[%dma_wait3A_288] : memref<640xi32, #tpu.memory_space<vmem>> -> memref<128xi32, #tpu.memory_space<vmem>>
      %dma_wait3A_290 = arith.constant 0 : i32
      %dma_wait3A_291 = arith.constant 0 : i32
      %dma_wait3A_292 = tpu.memref_slice %arg14[%dma_wait3A_290, %dma_wait3A_291] : memref<100352x16xf32, #tpu.memory_space<vmem_shared>> -> memref<100352x16xf32, #tpu.memory_space<vmem_shared>>
      tpu.wait_indirect_dma semaphore(%arg17 : memref<!tpu.dma_semaphore, #tpu.memory_space<semaphore_mem>>) src(%dma_wait3A_287 : memref<128x16xf32, #tpu.memory_space<vmem>>) dst(%dma_wait3A_292 : memref<100352x16xf32, #tpu.memory_space<vmem_shared>>)
      %dma_wait3A_293 = arith.constant 128 : i32
      %dma_wait3A_294 = arith.constant 0 : i32
      %dma_wait3A_295 = tpu.memref_slice %arg9[%dma_wait3A_293, %dma_wait3A_294] : memref<640x16xf32, #tpu.memory_space<vmem>> -> memref<128x16xf32, #tpu.memory_space<vmem>>
      %dma_wait3A_296 = arith.constant 128 : i32
      %dma_wait3A_297 = tpu.memref_slice %arg7[%dma_wait3A_296] : memref<640xi32, #tpu.memory_space<vmem>> -> memref<128xi32, #tpu.memory_space<vmem>>
      %dma_wait3A_298 = arith.constant 0 : i32
      %dma_wait3A_299 = arith.constant 0 : i32
      %dma_wait3A_300 = tpu.memref_slice %arg14[%dma_wait3A_298, %dma_wait3A_299] : memref<100352x16xf32, #tpu.memory_space<vmem_shared>> -> memref<100352x16xf32, #tpu.memory_space<vmem_shared>>
      tpu.wait_indirect_dma semaphore(%arg17 : memref<!tpu.dma_semaphore, #tpu.memory_space<semaphore_mem>>) src(%dma_wait3A_295 : memref<128x16xf32, #tpu.memory_space<vmem>>) dst(%dma_wait3A_300 : memref<100352x16xf32, #tpu.memory_space<vmem_shared>>)
      %dma_wait3A_301 = arith.constant 256 : i32
      %dma_wait3A_302 = arith.constant 0 : i32
      %dma_wait3A_303 = tpu.memref_slice %arg9[%dma_wait3A_301, %dma_wait3A_302] : memref<640x16xf32, #tpu.memory_space<vmem>> -> memref<128x16xf32, #tpu.memory_space<vmem>>
      %dma_wait3A_304 = arith.constant 256 : i32
      %dma_wait3A_305 = tpu.memref_slice %arg7[%dma_wait3A_304] : memref<640xi32, #tpu.memory_space<vmem>> -> memref<128xi32, #tpu.memory_space<vmem>>
      %dma_wait3A_306 = arith.constant 0 : i32
      %dma_wait3A_307 = arith.constant 0 : i32
      %dma_wait3A_308 = tpu.memref_slice %arg14[%dma_wait3A_306, %dma_wait3A_307] : memref<100352x16xf32, #tpu.memory_space<vmem_shared>> -> memref<100352x16xf32, #tpu.memory_space<vmem_shared>>
      tpu.wait_indirect_dma semaphore(%arg17 : memref<!tpu.dma_semaphore, #tpu.memory_space<semaphore_mem>>) src(%dma_wait3A_303 : memref<128x16xf32, #tpu.memory_space<vmem>>) dst(%dma_wait3A_308 : memref<100352x16xf32, #tpu.memory_space<vmem_shared>>)
      %dma_wait3A_309 = arith.constant 384 : i32
      %dma_wait3A_310 = arith.constant 0 : i32
      %dma_wait3A_311 = tpu.memref_slice %arg9[%dma_wait3A_309, %dma_wait3A_310] : memref<640x16xf32, #tpu.memory_space<vmem>> -> memref<128x16xf32, #tpu.memory_space<vmem>>
      %dma_wait3A_312 = arith.constant 384 : i32
      %dma_wait3A_313 = tpu.memref_slice %arg7[%dma_wait3A_312] : memref<640xi32, #tpu.memory_space<vmem>> -> memref<128xi32, #tpu.memory_space<vmem>>
      %dma_wait3A_314 = arith.constant 0 : i32
      %dma_wait3A_315 = arith.constant 0 : i32
      %dma_wait3A_316 = tpu.memref_slice %arg14[%dma_wait3A_314, %dma_wait3A_315] : memref<100352x16xf32, #tpu.memory_space<vmem_shared>> -> memref<100352x16xf32, #tpu.memory_space<vmem_shared>>
      tpu.wait_indirect_dma semaphore(%arg17 : memref<!tpu.dma_semaphore, #tpu.memory_space<semaphore_mem>>) src(%dma_wait3A_311 : memref<128x16xf32, #tpu.memory_space<vmem>>) dst(%dma_wait3A_316 : memref<100352x16xf32, #tpu.memory_space<vmem_shared>>)
      %dma_wait3A_317 = arith.constant 512 : i32
      %dma_wait3A_318 = arith.constant 0 : i32
      %dma_wait3A_319 = tpu.memref_slice %arg9[%dma_wait3A_317, %dma_wait3A_318] : memref<640x16xf32, #tpu.memory_space<vmem>> -> memref<128x16xf32, #tpu.memory_space<vmem>>
      %dma_wait3A_320 = arith.constant 512 : i32
      %dma_wait3A_321 = tpu.memref_slice %arg7[%dma_wait3A_320] : memref<640xi32, #tpu.memory_space<vmem>> -> memref<128xi32, #tpu.memory_space<vmem>>
      %dma_wait3A_322 = arith.constant 0 : i32
      %dma_wait3A_323 = arith.constant 0 : i32
      %dma_wait3A_324 = tpu.memref_slice %arg14[%dma_wait3A_322, %dma_wait3A_323] : memref<100352x16xf32, #tpu.memory_space<vmem_shared>> -> memref<100352x16xf32, #tpu.memory_space<vmem_shared>>
      tpu.wait_indirect_dma semaphore(%arg17 : memref<!tpu.dma_semaphore, #tpu.memory_space<semaphore_mem>>) src(%dma_wait3A_319 : memref<128x16xf32, #tpu.memory_space<vmem>>) dst(%dma_wait3A_324 : memref<100352x16xf32, #tpu.memory_space<vmem_shared>>)
    } else {
    }
    %barrier3A_137 = arith.constant 0 : index
    tpu.barrier barrier_id(%barrier3A_137)
    %mul3A_138 = arith.constant 6272 : i32
    %mul3A_139 = arith.muli %arg1, %mul3A_138 : i32
    %lt3A_140 = arith.constant 15 : i32
    %lt3A_141 = arith.cmpi slt, %arg1, %lt3A_140 : i32
    %jit3A = arith.constant 9 : i32
    %jit3A_142 = arith.constant 9 : i32
    %select_n3A = arith.select %lt3A_141, %jit3A, %jit3A_142 : i32
    %mul3A_143 = arith.constant 16 : i32
    %mul3A_144 = arith.muli %arg0, %mul3A_143 : i32
    %eq3A = arith.constant 0 : i32
    %eq3A_145 = arith.cmpi eq, %arg0, %eq3A : i32
    %convert_element_type3A_146 = arith.extui %eq3A_145 : i1 to i32
    %cond3A_147 = arith.constant 0 : i32
    %cond3A_148 = arith.cmpi ne, %convert_element_type3A_146, %cond3A_147 : i32
    scf.if %cond3A_148 {
      %while3A = arith.constant 0 : i32
      %while3A_154 = arith.constant 0 : i32
      %while3A_155 = arith.subi %select_n3A, %while3A_154 : i32
      %while3A_156 = arith.addi %while3A_154, %while3A_155 : i32
      %while3A_157 = arith.constant 1 : i32
      %while3A_158 = arith.divsi %while3A_155, %while3A_157 : i32
      %while3A_159 = arith.muli %while3A_158, %while3A_157 : i32
      %while3A_160 = arith.addi %while3A_154, %while3A_159 : i32
      %while3A_161 = arith.constant 1 : i32
      scf.for %while3A_173 = %while3A_154 to %while3A_160 step %while3A_161  : i32 {
        %mul3A_174 = arith.constant 640 : i32
        %mul3A_175 = arith.muli %while3A_173, %mul3A_174 : i32
        %add3A_176 = arith.addi %mul3A_139, %mul3A_175 : i32
        "tpu.region"() ({
          %run_scoped3A = tpu.sem_alloc : memref<!tpu.dma_semaphore, #tpu.memory_space<semaphore_mem>>
          %dma_start3A_180 = arith.constant 0 : i32
          %dma_start3A_181 = tpu.memref_slice %arg14[%add3A_176, %dma_start3A_180] : memref<100352x16xf32, #tpu.memory_space<vmem_shared>> -> memref<640x16xf32, #tpu.memory_space<vmem_shared>>
          %dma_start3A_182 = arith.constant 0 : i32
          %dma_start3A_183 = tpu.memref_slice %arg14[%add3A_176, %dma_start3A_182] : memref<100352x16xf32, #tpu.memory_space<vmem_shared>> -> memref<640x16xf32, #tpu.memory_space<vmem_shared>>
          tpu.enqueue_dma source(%dma_start3A_183 : memref<640x16xf32, #tpu.memory_space<vmem_shared>>) target(%arg9 : memref<640x16xf32, #tpu.memory_space<vmem>>) target_semaphore(%run_scoped3A : memref<!tpu.dma_semaphore, #tpu.memory_space<semaphore_mem>>)
          %dma_wait3A_184 = arith.constant 0 : i32
          %dma_wait3A_185 = tpu.memref_slice %arg14[%add3A_176, %dma_wait3A_184] : memref<100352x16xf32, #tpu.memory_space<vmem_shared>> -> memref<640x16xf32, #tpu.memory_space<vmem_shared>>
          %dma_wait3A_186 = arith.constant 0 : i32
          %dma_wait3A_187 = tpu.memref_slice %arg14[%add3A_176, %dma_wait3A_186] : memref<100352x16xf32, #tpu.memory_space<vmem_shared>> -> memref<640x16xf32, #tpu.memory_space<vmem_shared>>
          tpu.wait_dma2 semaphore(%run_scoped3A : memref<!tpu.dma_semaphore, #tpu.memory_space<semaphore_mem>>) src(%dma_wait3A_187 : memref<640x16xf32, #tpu.memory_space<vmem_shared>>) dst(%arg9 : memref<640x16xf32, #tpu.memory_space<vmem>>)
          tpu.yield
        }) : () -> ()
        %mul3A_177 = arith.constant 640 : i32
        %mul3A_178 = arith.muli %while3A_173, %mul3A_177 : i32
        %add3A_179 = arith.addi %mul3A_139, %mul3A_178 : i32
        "tpu.region"() ({
          %run_scoped3A = tpu.sem_alloc : memref<!tpu.dma_semaphore, #tpu.memory_space<semaphore_mem>>
          %dma_start3A_180 = arith.constant 0 : i32
          %dma_start3A_181 = tpu.memref_slice %arg4[%add3A_179, %dma_start3A_180] : memref<100000x16xf32, #tpu.memory_space<hbm>> -> memref<640x16xf32, #tpu.memory_space<hbm>>
          %dma_start3A_182 = arith.constant 0 : i32
          %dma_start3A_183 = tpu.memref_slice %arg4[%add3A_179, %dma_start3A_182] : memref<100000x16xf32, #tpu.memory_space<hbm>> -> memref<640x16xf32, #tpu.memory_space<hbm>>
          tpu.enqueue_dma source(%arg9 : memref<640x16xf32, #tpu.memory_space<vmem>>) target(%dma_start3A_183 : memref<640x16xf32, #tpu.memory_space<hbm>>) target_semaphore(%run_scoped3A : memref<!tpu.dma_semaphore, #tpu.memory_space<semaphore_mem>>)
          %dma_wait3A_184 = arith.constant 0 : i32
          %dma_wait3A_185 = tpu.memref_slice %arg4[%add3A_179, %dma_wait3A_184] : memref<100000x16xf32, #tpu.memory_space<hbm>> -> memref<640x16xf32, #tpu.memory_space<hbm>>
          %dma_wait3A_186 = arith.constant 0 : i32
          %dma_wait3A_187 = tpu.memref_slice %arg4[%add3A_179, %dma_wait3A_186] : memref<100000x16xf32, #tpu.memory_space<hbm>> -> memref<640x16xf32, #tpu.memory_space<hbm>>
          tpu.wait_dma2 semaphore(%run_scoped3A : memref<!tpu.dma_semaphore, #tpu.memory_space<semaphore_mem>>) src(%arg9 : memref<640x16xf32, #tpu.memory_space<vmem>>) dst(%dma_wait3A_187 : memref<640x16xf32, #tpu.memory_space<hbm>>)
          tpu.yield
        }) : () -> ()
      }
      %while3A_162 = arith.constant 1 : i32
      scf.for %while3A_173 = %while3A_160 to %while3A_156 step %while3A_162  : i32 {
        %mul3A_174 = arith.constant 640 : i32
        %mul3A_175 = arith.muli %while3A_173, %mul3A_174 : i32
        %add3A_176 = arith.addi %mul3A_139, %mul3A_175 : i32
        "tpu.region"() ({
          %run_scoped3A = tpu.sem_alloc : memref<!tpu.dma_semaphore, #tpu.memory_space<semaphore_mem>>
          %dma_start3A_180 = arith.constant 0 : i32
          %dma_start3A_181 = tpu.memref_slice %arg14[%add3A_176, %dma_start3A_180] : memref<100352x16xf32, #tpu.memory_space<vmem_shared>> -> memref<640x16xf32, #tpu.memory_space<vmem_shared>>
          %dma_start3A_182 = arith.constant 0 : i32
          %dma_start3A_183 = tpu.memref_slice %arg14[%add3A_176, %dma_start3A_182] : memref<100352x16xf32, #tpu.memory_space<vmem_shared>> -> memref<640x16xf32, #tpu.memory_space<vmem_shared>>
          tpu.enqueue_dma source(%dma_start3A_183 : memref<640x16xf32, #tpu.memory_space<vmem_shared>>) target(%arg9 : memref<640x16xf32, #tpu.memory_space<vmem>>) target_semaphore(%run_scoped3A : memref<!tpu.dma_semaphore, #tpu.memory_space<semaphore_mem>>)
          %dma_wait3A_184 = arith.constant 0 : i32
          %dma_wait3A_185 = tpu.memref_slice %arg14[%add3A_176, %dma_wait3A_184] : memref<100352x16xf32, #tpu.memory_space<vmem_shared>> -> memref<640x16xf32, #tpu.memory_space<vmem_shared>>
          %dma_wait3A_186 = arith.constant 0 : i32
          %dma_wait3A_187 = tpu.memref_slice %arg14[%add3A_176, %dma_wait3A_186] : memref<100352x16xf32, #tpu.memory_space<vmem_shared>> -> memref<640x16xf32, #tpu.memory_space<vmem_shared>>
          tpu.wait_dma2 semaphore(%run_scoped3A : memref<!tpu.dma_semaphore, #tpu.memory_space<semaphore_mem>>) src(%dma_wait3A_187 : memref<640x16xf32, #tpu.memory_space<vmem_shared>>) dst(%arg9 : memref<640x16xf32, #tpu.memory_space<vmem>>)
          tpu.yield
        }) : () -> ()
        %mul3A_177 = arith.constant 640 : i32
        %mul3A_178 = arith.muli %while3A_173, %mul3A_177 : i32
        %add3A_179 = arith.addi %mul3A_139, %mul3A_178 : i32
        "tpu.region"() ({
          %run_scoped3A = tpu.sem_alloc : memref<!tpu.dma_semaphore, #tpu.memory_space<semaphore_mem>>
          %dma_start3A_180 = arith.constant 0 : i32
          %dma_start3A_181 = tpu.memref_slice %arg4[%add3A_179, %dma_start3A_180] : memref<100000x16xf32, #tpu.memory_space<hbm>> -> memref<640x16xf32, #tpu.memory_space<hbm>>
          %dma_start3A_182 = arith.constant 0 : i32
          %dma_start3A_183 = tpu.memref_slice %arg4[%add3A_179, %dma_start3A_182] : memref<100000x16xf32, #tpu.memory_space<hbm>> -> memref<640x16xf32, #tpu.memory_space<hbm>>
          tpu.enqueue_dma source(%arg9 : memref<640x16xf32, #tpu.memory_space<vmem>>) target(%dma_start3A_183 : memref<640x16xf32, #tpu.memory_space<hbm>>) target_semaphore(%run_scoped3A : memref<!tpu.dma_semaphore, #tpu.memory_space<semaphore_mem>>)
          %dma_wait3A_184 = arith.constant 0 : i32
          %dma_wait3A_185 = tpu.memref_slice %arg4[%add3A_179, %dma_wait3A_184] : memref<100000x16xf32, #tpu.memory_space<hbm>> -> memref<640x16xf32, #tpu.memory_space<hbm>>
          %dma_wait3A_186 = arith.constant 0 : i32
          %dma_wait3A_187 = tpu.memref_slice %arg4[%add3A_179, %dma_wait3A_186] : memref<100000x16xf32, #tpu.memory_space<hbm>> -> memref<640x16xf32, #tpu.memory_space<hbm>>
          tpu.wait_dma2 semaphore(%run_scoped3A : memref<!tpu.dma_semaphore, #tpu.memory_space<semaphore_mem>>) src(%arg9 : memref<640x16xf32, #tpu.memory_space<vmem>>) dst(%dma_wait3A_187 : memref<640x16xf32, #tpu.memory_space<hbm>>)
          tpu.yield
        }) : () -> ()
      }
      %lt3A_163 = arith.constant 15 : i32
      %lt3A_164 = arith.cmpi slt, %arg1, %lt3A_163 : i32
      %convert_element_type3A_165 = arith.extui %lt3A_164 : i1 to i32
      %cond3A_166 = arith.constant 0 : i32
      %cond3A_167 = arith.cmpi ne, %convert_element_type3A_165, %cond3A_166 : i32
      scf.if %cond3A_167 {
        %add3A_173 = arith.constant 5760 : i32
        %add3A_174 = arith.addi %mul3A_139, %add3A_173 : i32
        "tpu.region"() ({
          %run_scoped3A = tpu.sem_alloc : memref<!tpu.dma_semaphore, #tpu.memory_space<semaphore_mem>>
          %dma_start3A_177 = arith.constant 0 : i32
          %dma_start3A_178 = arith.constant 0 : i32
          %dma_start3A_179 = tpu.memref_slice %arg9[%dma_start3A_177, %dma_start3A_178] : memref<640x16xf32, #tpu.memory_space<vmem>> -> memref<512x16xf32, #tpu.memory_space<vmem>>
          %dma_start3A_180 = arith.constant 0 : i32
          %dma_start3A_181 = tpu.memref_slice %arg14[%add3A_174, %dma_start3A_180] : memref<100352x16xf32, #tpu.memory_space<vmem_shared>> -> memref<512x16xf32, #tpu.memory_space<vmem_shared>>
          %dma_start3A_182 = arith.constant 0 : i32
          %dma_start3A_183 = arith.constant 0 : i32
          %dma_start3A_184 = tpu.memref_slice %arg9[%dma_start3A_182, %dma_start3A_183] : memref<640x16xf32, #tpu.memory_space<vmem>> -> memref<512x16xf32, #tpu.memory_space<vmem>>
          %dma_start3A_185 = arith.constant 0 : i32
          %dma_start3A_186 = tpu.memref_slice %arg14[%add3A_174, %dma_start3A_185] : memref<100352x16xf32, #tpu.memory_space<vmem_shared>> -> memref<512x16xf32, #tpu.memory_space<vmem_shared>>
          tpu.enqueue_dma source(%dma_start3A_186 : memref<512x16xf32, #tpu.memory_space<vmem_shared>>) target(%dma_start3A_184 : memref<512x16xf32, #tpu.memory_space<vmem>>) target_semaphore(%run_scoped3A : memref<!tpu.dma_semaphore, #tpu.memory_space<semaphore_mem>>)
          %dma_wait3A_187 = arith.constant 0 : i32
          %dma_wait3A_188 = arith.constant 0 : i32
          %dma_wait3A_189 = tpu.memref_slice %arg9[%dma_wait3A_187, %dma_wait3A_188] : memref<640x16xf32, #tpu.memory_space<vmem>> -> memref<512x16xf32, #tpu.memory_space<vmem>>
          %dma_wait3A_190 = arith.constant 0 : i32
          %dma_wait3A_191 = tpu.memref_slice %arg14[%add3A_174, %dma_wait3A_190] : memref<100352x16xf32, #tpu.memory_space<vmem_shared>> -> memref<512x16xf32, #tpu.memory_space<vmem_shared>>
          %dma_wait3A_192 = arith.constant 0 : i32
          %dma_wait3A_193 = arith.constant 0 : i32
          %dma_wait3A_194 = tpu.memref_slice %arg9[%dma_wait3A_192, %dma_wait3A_193] : memref<640x16xf32, #tpu.memory_space<vmem>> -> memref<512x16xf32, #tpu.memory_space<vmem>>
          %dma_wait3A_195 = arith.constant 0 : i32
          %dma_wait3A_196 = tpu.memref_slice %arg14[%add3A_174, %dma_wait3A_195] : memref<100352x16xf32, #tpu.memory_space<vmem_shared>> -> memref<512x16xf32, #tpu.memory_space<vmem_shared>>
          tpu.wait_dma2 semaphore(%run_scoped3A : memref<!tpu.dma_semaphore, #tpu.memory_space<semaphore_mem>>) src(%dma_wait3A_196 : memref<512x16xf32, #tpu.memory_space<vmem_shared>>) dst(%dma_wait3A_194 : memref<512x16xf32, #tpu.memory_space<vmem>>)
          tpu.yield
        }) : () -> ()
        %add3A_175 = arith.constant 5760 : i32
        %add3A_176 = arith.addi %mul3A_139, %add3A_175 : i32
        "tpu.region"() ({
          %run_scoped3A = tpu.sem_alloc : memref<!tpu.dma_semaphore, #tpu.memory_space<semaphore_mem>>
          %dma_start3A_177 = arith.constant 0 : i32
          %dma_start3A_178 = arith.constant 0 : i32
          %dma_start3A_179 = tpu.memref_slice %arg9[%dma_start3A_177, %dma_start3A_178] : memref<640x16xf32, #tpu.memory_space<vmem>> -> memref<512x16xf32, #tpu.memory_space<vmem>>
          %dma_start3A_180 = arith.constant 0 : i32
          %dma_start3A_181 = tpu.memref_slice %arg4[%add3A_176, %dma_start3A_180] : memref<100000x16xf32, #tpu.memory_space<hbm>> -> memref<512x16xf32, #tpu.memory_space<hbm>>
          %dma_start3A_182 = arith.constant 0 : i32
          %dma_start3A_183 = tpu.memref_slice %arg4[%add3A_176, %dma_start3A_182] : memref<100000x16xf32, #tpu.memory_space<hbm>> -> memref<512x16xf32, #tpu.memory_space<hbm>>
          %dma_start3A_184 = arith.constant 0 : i32
          %dma_start3A_185 = arith.constant 0 : i32
          %dma_start3A_186 = tpu.memref_slice %arg9[%dma_start3A_184, %dma_start3A_185] : memref<640x16xf32, #tpu.memory_space<vmem>> -> memref<512x16xf32, #tpu.memory_space<vmem>>
          tpu.enqueue_dma source(%dma_start3A_186 : memref<512x16xf32, #tpu.memory_space<vmem>>) target(%dma_start3A_183 : memref<512x16xf32, #tpu.memory_space<hbm>>) target_semaphore(%run_scoped3A : memref<!tpu.dma_semaphore, #tpu.memory_space<semaphore_mem>>)
          %dma_wait3A_187 = arith.constant 0 : i32
          %dma_wait3A_188 = arith.constant 0 : i32
          %dma_wait3A_189 = tpu.memref_slice %arg9[%dma_wait3A_187, %dma_wait3A_188] : memref<640x16xf32, #tpu.memory_space<vmem>> -> memref<512x16xf32, #tpu.memory_space<vmem>>
          %dma_wait3A_190 = arith.constant 0 : i32
          %dma_wait3A_191 = tpu.memref_slice %arg4[%add3A_176, %dma_wait3A_190] : memref<100000x16xf32, #tpu.memory_space<hbm>> -> memref<512x16xf32, #tpu.memory_space<hbm>>
          %dma_wait3A_192 = arith.constant 0 : i32
          %dma_wait3A_193 = tpu.memref_slice %arg4[%add3A_176, %dma_wait3A_192] : memref<100000x16xf32, #tpu.memory_space<hbm>> -> memref<512x16xf32, #tpu.memory_space<hbm>>
          %dma_wait3A_194 = arith.constant 0 : i32
          %dma_wait3A_195 = arith.constant 0 : i32
          %dma_wait3A_196 = tpu.memref_slice %arg9[%dma_wait3A_194, %dma_wait3A_195] : memref<640x16xf32, #tpu.memory_space<vmem>> -> memref<512x16xf32, #tpu.memory_space<vmem>>
          tpu.wait_dma2 semaphore(%run_scoped3A : memref<!tpu.dma_semaphore, #tpu.memory_space<semaphore_mem>>) src(%dma_wait3A_196 : memref<512x16xf32, #tpu.memory_space<vmem>>) dst(%dma_wait3A_193 : memref<512x16xf32, #tpu.memory_space<hbm>>)
          tpu.yield
        }) : () -> ()
      } else {
      }
      %eq3A_168 = arith.constant 15 : i32
      %eq3A_169 = arith.cmpi eq, %arg1, %eq3A_168 : i32
      %convert_element_type3A_170 = arith.extui %eq3A_169 : i1 to i32
      %cond3A_171 = arith.constant 0 : i32
      %cond3A_172 = arith.cmpi ne, %convert_element_type3A_170, %cond3A_171 : i32
      scf.if %cond3A_172 {
        "tpu.region"() ({
          %run_scoped3A = tpu.sem_alloc : memref<!tpu.dma_semaphore, #tpu.memory_space<semaphore_mem>>
          %dma_start3A_173 = arith.constant 0 : i32
          %dma_start3A_174 = arith.constant 0 : i32
          %dma_start3A_175 = tpu.memref_slice %arg9[%dma_start3A_173, %dma_start3A_174] : memref<640x16xf32, #tpu.memory_space<vmem>> -> memref<160x16xf32, #tpu.memory_space<vmem>>
          %dma_start3A_176 = arith.constant 99840 : i32
          %dma_start3A_177 = arith.constant 0 : i32
          %dma_start3A_178 = tpu.memref_slice %arg14[%dma_start3A_176, %dma_start3A_177] : memref<100352x16xf32, #tpu.memory_space<vmem_shared>> -> memref<160x16xf32, #tpu.memory_space<vmem_shared>>
          %dma_start3A_179 = arith.constant 0 : i32
          %dma_start3A_180 = arith.constant 0 : i32
          %dma_start3A_181 = tpu.memref_slice %arg9[%dma_start3A_179, %dma_start3A_180] : memref<640x16xf32, #tpu.memory_space<vmem>> -> memref<160x16xf32, #tpu.memory_space<vmem>>
          %dma_start3A_182 = arith.constant 99840 : i32
          %dma_start3A_183 = arith.constant 0 : i32
          %dma_start3A_184 = tpu.memref_slice %arg14[%dma_start3A_182, %dma_start3A_183] : memref<100352x16xf32, #tpu.memory_space<vmem_shared>> -> memref<160x16xf32, #tpu.memory_space<vmem_shared>>
          tpu.enqueue_dma source(%dma_start3A_184 : memref<160x16xf32, #tpu.memory_space<vmem_shared>>) target(%dma_start3A_181 : memref<160x16xf32, #tpu.memory_space<vmem>>) target_semaphore(%run_scoped3A : memref<!tpu.dma_semaphore, #tpu.memory_space<semaphore_mem>>)
          %dma_wait3A_185 = arith.constant 0 : i32
          %dma_wait3A_186 = arith.constant 0 : i32
          %dma_wait3A_187 = tpu.memref_slice %arg9[%dma_wait3A_185, %dma_wait3A_186] : memref<640x16xf32, #tpu.memory_space<vmem>> -> memref<160x16xf32, #tpu.memory_space<vmem>>
          %dma_wait3A_188 = arith.constant 99840 : i32
          %dma_wait3A_189 = arith.constant 0 : i32
          %dma_wait3A_190 = tpu.memref_slice %arg14[%dma_wait3A_188, %dma_wait3A_189] : memref<100352x16xf32, #tpu.memory_space<vmem_shared>> -> memref<160x16xf32, #tpu.memory_space<vmem_shared>>
          %dma_wait3A_191 = arith.constant 0 : i32
          %dma_wait3A_192 = arith.constant 0 : i32
          %dma_wait3A_193 = tpu.memref_slice %arg9[%dma_wait3A_191, %dma_wait3A_192] : memref<640x16xf32, #tpu.memory_space<vmem>> -> memref<160x16xf32, #tpu.memory_space<vmem>>
          %dma_wait3A_194 = arith.constant 99840 : i32
          %dma_wait3A_195 = arith.constant 0 : i32
          %dma_wait3A_196 = tpu.memref_slice %arg14[%dma_wait3A_194, %dma_wait3A_195] : memref<100352x16xf32, #tpu.memory_space<vmem_shared>> -> memref<160x16xf32, #tpu.memory_space<vmem_shared>>
          tpu.wait_dma2 semaphore(%run_scoped3A : memref<!tpu.dma_semaphore, #tpu.memory_space<semaphore_mem>>) src(%dma_wait3A_196 : memref<160x16xf32, #tpu.memory_space<vmem_shared>>) dst(%dma_wait3A_193 : memref<160x16xf32, #tpu.memory_space<vmem>>)
          tpu.yield
        }) : () -> ()
        "tpu.region"() ({
          %run_scoped3A = tpu.sem_alloc : memref<!tpu.dma_semaphore, #tpu.memory_space<semaphore_mem>>
          %dma_start3A_173 = arith.constant 0 : i32
          %dma_start3A_174 = arith.constant 0 : i32
          %dma_start3A_175 = tpu.memref_slice %arg9[%dma_start3A_173, %dma_start3A_174] : memref<640x16xf32, #tpu.memory_space<vmem>> -> memref<160x16xf32, #tpu.memory_space<vmem>>
          %dma_start3A_176 = arith.constant 99840 : i32
          %dma_start3A_177 = arith.constant 0 : i32
          %dma_start3A_178 = tpu.memref_slice %arg4[%dma_start3A_176, %dma_start3A_177] : memref<100000x16xf32, #tpu.memory_space<hbm>> -> memref<160x16xf32, #tpu.memory_space<hbm>>
          %dma_start3A_179 = arith.constant 99840 : i32
          %dma_start3A_180 = arith.constant 0 : i32
          %dma_start3A_181 = tpu.memref_slice %arg4[%dma_start3A_179, %dma_start3A_180] : memref<100000x16xf32, #tpu.memory_space<hbm>> -> memref<160x16xf32, #tpu.memory_space<hbm>>
          %dma_start3A_182 = arith.constant 0 : i32
          %dma_start3A_183 = arith.constant 0 : i32
          %dma_start3A_184 = tpu.memref_slice %arg9[%dma_start3A_182, %dma_start3A_183] : memref<640x16xf32, #tpu.memory_space<vmem>> -> memref<160x16xf32, #tpu.memory_space<vmem>>
          tpu.enqueue_dma source(%dma_start3A_184 : memref<160x16xf32, #tpu.memory_space<vmem>>) target(%dma_start3A_181 : memref<160x16xf32, #tpu.memory_space<hbm>>) target_semaphore(%run_scoped3A : memref<!tpu.dma_semaphore, #tpu.memory_space<semaphore_mem>>)
          %dma_wait3A_185 = arith.constant 0 : i32
          %dma_wait3A_186 = arith.constant 0 : i32
          %dma_wait3A_187 = tpu.memref_slice %arg9[%dma_wait3A_185, %dma_wait3A_186] : memref<640x16xf32, #tpu.memory_space<vmem>> -> memref<160x16xf32, #tpu.memory_space<vmem>>
          %dma_wait3A_188 = arith.constant 99840 : i32
          %dma_wait3A_189 = arith.constant 0 : i32
          %dma_wait3A_190 = tpu.memref_slice %arg4[%dma_wait3A_188, %dma_wait3A_189] : memref<100000x16xf32, #tpu.memory_space<hbm>> -> memref<160x16xf32, #tpu.memory_space<hbm>>
          %dma_wait3A_191 = arith.constant 99840 : i32
          %dma_wait3A_192 = arith.constant 0 : i32
          %dma_wait3A_193 = tpu.memref_slice %arg4[%dma_wait3A_191, %dma_wait3A_192] : memref<100000x16xf32, #tpu.memory_space<hbm>> -> memref<160x16xf32, #tpu.memory_space<hbm>>
          %dma_wait3A_194 = arith.constant 0 : i32
          %dma_wait3A_195 = arith.constant 0 : i32
          %dma_wait3A_196 = tpu.memref_slice %arg9[%dma_wait3A_194, %dma_wait3A_195] : memref<640x16xf32, #tpu.memory_space<vmem>> -> memref<160x16xf32, #tpu.memory_space<vmem>>
          tpu.wait_dma2 semaphore(%run_scoped3A : memref<!tpu.dma_semaphore, #tpu.memory_space<semaphore_mem>>) src(%dma_wait3A_196 : memref<160x16xf32, #tpu.memory_space<vmem>>) dst(%dma_wait3A_193 : memref<160x16xf32, #tpu.memory_space<hbm>>)
          tpu.yield
        }) : () -> ()
      } else {
      }
    } else {
    }
    %eq3A_149 = arith.constant 1 : i32
    %eq3A_150 = arith.cmpi eq, %arg0, %eq3A_149 : i32
    %convert_element_type3A_151 = arith.extui %eq3A_150 : i1 to i32
    %cond3A_152 = arith.constant 0 : i32
    %cond3A_153 = arith.cmpi ne, %convert_element_type3A_151, %cond3A_152 : i32
    scf.if %cond3A_153 {
      %while3A = arith.constant 0 : i32
      %while3A_154 = arith.constant 0 : i32
      %while3A_155 = arith.subi %select_n3A, %while3A_154 : i32
      %while3A_156 = arith.addi %while3A_154, %while3A_155 : i32
      %while3A_157 = arith.constant 1 : i32
      %while3A_158 = arith.divsi %while3A_155, %while3A_157 : i32
      %while3A_159 = arith.muli %while3A_158, %while3A_157 : i32
      %while3A_160 = arith.addi %while3A_154, %while3A_159 : i32
      %while3A_161 = arith.constant 1 : i32
      scf.for %while3A_173 = %while3A_154 to %while3A_160 step %while3A_161  : i32 {
        %mul3A_174 = arith.constant 640 : i32
        %mul3A_175 = arith.muli %while3A_173, %mul3A_174 : i32
        %add3A_176 = arith.addi %mul3A_139, %mul3A_175 : i32
        "tpu.region"() ({
          %run_scoped3A = tpu.sem_alloc : memref<!tpu.dma_semaphore, #tpu.memory_space<semaphore_mem>>
          %dma_start3A_180 = arith.constant 0 : i32
          %dma_start3A_181 = tpu.memref_slice %arg14[%add3A_176, %dma_start3A_180] : memref<100352x16xf32, #tpu.memory_space<vmem_shared>> -> memref<640x16xf32, #tpu.memory_space<vmem_shared>>
          %dma_start3A_182 = arith.constant 0 : i32
          %dma_start3A_183 = tpu.memref_slice %arg14[%add3A_176, %dma_start3A_182] : memref<100352x16xf32, #tpu.memory_space<vmem_shared>> -> memref<640x16xf32, #tpu.memory_space<vmem_shared>>
          tpu.enqueue_dma source(%dma_start3A_183 : memref<640x16xf32, #tpu.memory_space<vmem_shared>>) target(%arg9 : memref<640x16xf32, #tpu.memory_space<vmem>>) target_semaphore(%run_scoped3A : memref<!tpu.dma_semaphore, #tpu.memory_space<semaphore_mem>>)
          %dma_wait3A_184 = arith.constant 0 : i32
          %dma_wait3A_185 = tpu.memref_slice %arg14[%add3A_176, %dma_wait3A_184] : memref<100352x16xf32, #tpu.memory_space<vmem_shared>> -> memref<640x16xf32, #tpu.memory_space<vmem_shared>>
          %dma_wait3A_186 = arith.constant 0 : i32
          %dma_wait3A_187 = tpu.memref_slice %arg14[%add3A_176, %dma_wait3A_186] : memref<100352x16xf32, #tpu.memory_space<vmem_shared>> -> memref<640x16xf32, #tpu.memory_space<vmem_shared>>
          tpu.wait_dma2 semaphore(%run_scoped3A : memref<!tpu.dma_semaphore, #tpu.memory_space<semaphore_mem>>) src(%dma_wait3A_187 : memref<640x16xf32, #tpu.memory_space<vmem_shared>>) dst(%arg9 : memref<640x16xf32, #tpu.memory_space<vmem>>)
          tpu.yield
        }) : () -> ()
        %mul3A_177 = arith.constant 640 : i32
        %mul3A_178 = arith.muli %while3A_173, %mul3A_177 : i32
        %add3A_179 = arith.addi %mul3A_139, %mul3A_178 : i32
        "tpu.region"() ({
          %run_scoped3A = tpu.sem_alloc : memref<!tpu.dma_semaphore, #tpu.memory_space<semaphore_mem>>
          %dma_start3A_180 = arith.constant 0 : i32
          %dma_start3A_181 = tpu.memref_slice %arg5[%add3A_179, %dma_start3A_180] : memref<100000x16xf32, #tpu.memory_space<hbm>> -> memref<640x16xf32, #tpu.memory_space<hbm>>
          %dma_start3A_182 = arith.constant 0 : i32
          %dma_start3A_183 = tpu.memref_slice %arg5[%add3A_179, %dma_start3A_182] : memref<100000x16xf32, #tpu.memory_space<hbm>> -> memref<640x16xf32, #tpu.memory_space<hbm>>
          tpu.enqueue_dma source(%arg9 : memref<640x16xf32, #tpu.memory_space<vmem>>) target(%dma_start3A_183 : memref<640x16xf32, #tpu.memory_space<hbm>>) target_semaphore(%run_scoped3A : memref<!tpu.dma_semaphore, #tpu.memory_space<semaphore_mem>>)
          %dma_wait3A_184 = arith.constant 0 : i32
          %dma_wait3A_185 = tpu.memref_slice %arg5[%add3A_179, %dma_wait3A_184] : memref<100000x16xf32, #tpu.memory_space<hbm>> -> memref<640x16xf32, #tpu.memory_space<hbm>>
          %dma_wait3A_186 = arith.constant 0 : i32
          %dma_wait3A_187 = tpu.memref_slice %arg5[%add3A_179, %dma_wait3A_186] : memref<100000x16xf32, #tpu.memory_space<hbm>> -> memref<640x16xf32, #tpu.memory_space<hbm>>
          tpu.wait_dma2 semaphore(%run_scoped3A : memref<!tpu.dma_semaphore, #tpu.memory_space<semaphore_mem>>) src(%arg9 : memref<640x16xf32, #tpu.memory_space<vmem>>) dst(%dma_wait3A_187 : memref<640x16xf32, #tpu.memory_space<hbm>>)
          tpu.yield
        }) : () -> ()
      }
      %while3A_162 = arith.constant 1 : i32
      scf.for %while3A_173 = %while3A_160 to %while3A_156 step %while3A_162  : i32 {
        %mul3A_174 = arith.constant 640 : i32
        %mul3A_175 = arith.muli %while3A_173, %mul3A_174 : i32
        %add3A_176 = arith.addi %mul3A_139, %mul3A_175 : i32
        "tpu.region"() ({
          %run_scoped3A = tpu.sem_alloc : memref<!tpu.dma_semaphore, #tpu.memory_space<semaphore_mem>>
          %dma_start3A_180 = arith.constant 0 : i32
          %dma_start3A_181 = tpu.memref_slice %arg14[%add3A_176, %dma_start3A_180] : memref<100352x16xf32, #tpu.memory_space<vmem_shared>> -> memref<640x16xf32, #tpu.memory_space<vmem_shared>>
          %dma_start3A_182 = arith.constant 0 : i32
          %dma_start3A_183 = tpu.memref_slice %arg14[%add3A_176, %dma_start3A_182] : memref<100352x16xf32, #tpu.memory_space<vmem_shared>> -> memref<640x16xf32, #tpu.memory_space<vmem_shared>>
          tpu.enqueue_dma source(%dma_start3A_183 : memref<640x16xf32, #tpu.memory_space<vmem_shared>>) target(%arg9 : memref<640x16xf32, #tpu.memory_space<vmem>>) target_semaphore(%run_scoped3A : memref<!tpu.dma_semaphore, #tpu.memory_space<semaphore_mem>>)
          %dma_wait3A_184 = arith.constant 0 : i32
          %dma_wait3A_185 = tpu.memref_slice %arg14[%add3A_176, %dma_wait3A_184] : memref<100352x16xf32, #tpu.memory_space<vmem_shared>> -> memref<640x16xf32, #tpu.memory_space<vmem_shared>>
          %dma_wait3A_186 = arith.constant 0 : i32
          %dma_wait3A_187 = tpu.memref_slice %arg14[%add3A_176, %dma_wait3A_186] : memref<100352x16xf32, #tpu.memory_space<vmem_shared>> -> memref<640x16xf32, #tpu.memory_space<vmem_shared>>
          tpu.wait_dma2 semaphore(%run_scoped3A : memref<!tpu.dma_semaphore, #tpu.memory_space<semaphore_mem>>) src(%dma_wait3A_187 : memref<640x16xf32, #tpu.memory_space<vmem_shared>>) dst(%arg9 : memref<640x16xf32, #tpu.memory_space<vmem>>)
          tpu.yield
        }) : () -> ()
        %mul3A_177 = arith.constant 640 : i32
        %mul3A_178 = arith.muli %while3A_173, %mul3A_177 : i32
        %add3A_179 = arith.addi %mul3A_139, %mul3A_178 : i32
        "tpu.region"() ({
          %run_scoped3A = tpu.sem_alloc : memref<!tpu.dma_semaphore, #tpu.memory_space<semaphore_mem>>
          %dma_start3A_180 = arith.constant 0 : i32
          %dma_start3A_181 = tpu.memref_slice %arg5[%add3A_179, %dma_start3A_180] : memref<100000x16xf32, #tpu.memory_space<hbm>> -> memref<640x16xf32, #tpu.memory_space<hbm>>
          %dma_start3A_182 = arith.constant 0 : i32
          %dma_start3A_183 = tpu.memref_slice %arg5[%add3A_179, %dma_start3A_182] : memref<100000x16xf32, #tpu.memory_space<hbm>> -> memref<640x16xf32, #tpu.memory_space<hbm>>
          tpu.enqueue_dma source(%arg9 : memref<640x16xf32, #tpu.memory_space<vmem>>) target(%dma_start3A_183 : memref<640x16xf32, #tpu.memory_space<hbm>>) target_semaphore(%run_scoped3A : memref<!tpu.dma_semaphore, #tpu.memory_space<semaphore_mem>>)
          %dma_wait3A_184 = arith.constant 0 : i32
          %dma_wait3A_185 = tpu.memref_slice %arg5[%add3A_179, %dma_wait3A_184] : memref<100000x16xf32, #tpu.memory_space<hbm>> -> memref<640x16xf32, #tpu.memory_space<hbm>>
          %dma_wait3A_186 = arith.constant 0 : i32
          %dma_wait3A_187 = tpu.memref_slice %arg5[%add3A_179, %dma_wait3A_186] : memref<100000x16xf32, #tpu.memory_space<hbm>> -> memref<640x16xf32, #tpu.memory_space<hbm>>
          tpu.wait_dma2 semaphore(%run_scoped3A : memref<!tpu.dma_semaphore, #tpu.memory_space<semaphore_mem>>) src(%arg9 : memref<640x16xf32, #tpu.memory_space<vmem>>) dst(%dma_wait3A_187 : memref<640x16xf32, #tpu.memory_space<hbm>>)
          tpu.yield
        }) : () -> ()
      }
      %lt3A_163 = arith.constant 15 : i32
      %lt3A_164 = arith.cmpi slt, %arg1, %lt3A_163 : i32
      %convert_element_type3A_165 = arith.extui %lt3A_164 : i1 to i32
      %cond3A_166 = arith.constant 0 : i32
      %cond3A_167 = arith.cmpi ne, %convert_element_type3A_165, %cond3A_166 : i32
      scf.if %cond3A_167 {
        %add3A_173 = arith.constant 5760 : i32
        %add3A_174 = arith.addi %mul3A_139, %add3A_173 : i32
        "tpu.region"() ({
          %run_scoped3A = tpu.sem_alloc : memref<!tpu.dma_semaphore, #tpu.memory_space<semaphore_mem>>
          %dma_start3A_177 = arith.constant 0 : i32
          %dma_start3A_178 = arith.constant 0 : i32
          %dma_start3A_179 = tpu.memref_slice %arg9[%dma_start3A_177, %dma_start3A_178] : memref<640x16xf32, #tpu.memory_space<vmem>> -> memref<512x16xf32, #tpu.memory_space<vmem>>
          %dma_start3A_180 = arith.constant 0 : i32
          %dma_start3A_181 = tpu.memref_slice %arg14[%add3A_174, %dma_start3A_180] : memref<100352x16xf32, #tpu.memory_space<vmem_shared>> -> memref<512x16xf32, #tpu.memory_space<vmem_shared>>
          %dma_start3A_182 = arith.constant 0 : i32
          %dma_start3A_183 = arith.constant 0 : i32
          %dma_start3A_184 = tpu.memref_slice %arg9[%dma_start3A_182, %dma_start3A_183] : memref<640x16xf32, #tpu.memory_space<vmem>> -> memref<512x16xf32, #tpu.memory_space<vmem>>
          %dma_start3A_185 = arith.constant 0 : i32
          %dma_start3A_186 = tpu.memref_slice %arg14[%add3A_174, %dma_start3A_185] : memref<100352x16xf32, #tpu.memory_space<vmem_shared>> -> memref<512x16xf32, #tpu.memory_space<vmem_shared>>
          tpu.enqueue_dma source(%dma_start3A_186 : memref<512x16xf32, #tpu.memory_space<vmem_shared>>) target(%dma_start3A_184 : memref<512x16xf32, #tpu.memory_space<vmem>>) target_semaphore(%run_scoped3A : memref<!tpu.dma_semaphore, #tpu.memory_space<semaphore_mem>>)
          %dma_wait3A_187 = arith.constant 0 : i32
          %dma_wait3A_188 = arith.constant 0 : i32
          %dma_wait3A_189 = tpu.memref_slice %arg9[%dma_wait3A_187, %dma_wait3A_188] : memref<640x16xf32, #tpu.memory_space<vmem>> -> memref<512x16xf32, #tpu.memory_space<vmem>>
          %dma_wait3A_190 = arith.constant 0 : i32
          %dma_wait3A_191 = tpu.memref_slice %arg14[%add3A_174, %dma_wait3A_190] : memref<100352x16xf32, #tpu.memory_space<vmem_shared>> -> memref<512x16xf32, #tpu.memory_space<vmem_shared>>
          %dma_wait3A_192 = arith.constant 0 : i32
          %dma_wait3A_193 = arith.constant 0 : i32
          %dma_wait3A_194 = tpu.memref_slice %arg9[%dma_wait3A_192, %dma_wait3A_193] : memref<640x16xf32, #tpu.memory_space<vmem>> -> memref<512x16xf32, #tpu.memory_space<vmem>>
          %dma_wait3A_195 = arith.constant 0 : i32
          %dma_wait3A_196 = tpu.memref_slice %arg14[%add3A_174, %dma_wait3A_195] : memref<100352x16xf32, #tpu.memory_space<vmem_shared>> -> memref<512x16xf32, #tpu.memory_space<vmem_shared>>
          tpu.wait_dma2 semaphore(%run_scoped3A : memref<!tpu.dma_semaphore, #tpu.memory_space<semaphore_mem>>) src(%dma_wait3A_196 : memref<512x16xf32, #tpu.memory_space<vmem_shared>>) dst(%dma_wait3A_194 : memref<512x16xf32, #tpu.memory_space<vmem>>)
          tpu.yield
        }) : () -> ()
        %add3A_175 = arith.constant 5760 : i32
        %add3A_176 = arith.addi %mul3A_139, %add3A_175 : i32
        "tpu.region"() ({
          %run_scoped3A = tpu.sem_alloc : memref<!tpu.dma_semaphore, #tpu.memory_space<semaphore_mem>>
          %dma_start3A_177 = arith.constant 0 : i32
          %dma_start3A_178 = arith.constant 0 : i32
          %dma_start3A_179 = tpu.memref_slice %arg9[%dma_start3A_177, %dma_start3A_178] : memref<640x16xf32, #tpu.memory_space<vmem>> -> memref<512x16xf32, #tpu.memory_space<vmem>>
          %dma_start3A_180 = arith.constant 0 : i32
          %dma_start3A_181 = tpu.memref_slice %arg5[%add3A_176, %dma_start3A_180] : memref<100000x16xf32, #tpu.memory_space<hbm>> -> memref<512x16xf32, #tpu.memory_space<hbm>>
          %dma_start3A_182 = arith.constant 0 : i32
          %dma_start3A_183 = tpu.memref_slice %arg5[%add3A_176, %dma_start3A_182] : memref<100000x16xf32, #tpu.memory_space<hbm>> -> memref<512x16xf32, #tpu.memory_space<hbm>>
          %dma_start3A_184 = arith.constant 0 : i32
          %dma_start3A_185 = arith.constant 0 : i32
          %dma_start3A_186 = tpu.memref_slice %arg9[%dma_start3A_184, %dma_start3A_185] : memref<640x16xf32, #tpu.memory_space<vmem>> -> memref<512x16xf32, #tpu.memory_space<vmem>>
          tpu.enqueue_dma source(%dma_start3A_186 : memref<512x16xf32, #tpu.memory_space<vmem>>) target(%dma_start3A_183 : memref<512x16xf32, #tpu.memory_space<hbm>>) target_semaphore(%run_scoped3A : memref<!tpu.dma_semaphore, #tpu.memory_space<semaphore_mem>>)
          %dma_wait3A_187 = arith.constant 0 : i32
          %dma_wait3A_188 = arith.constant 0 : i32
          %dma_wait3A_189 = tpu.memref_slice %arg9[%dma_wait3A_187, %dma_wait3A_188] : memref<640x16xf32, #tpu.memory_space<vmem>> -> memref<512x16xf32, #tpu.memory_space<vmem>>
          %dma_wait3A_190 = arith.constant 0 : i32
          %dma_wait3A_191 = tpu.memref_slice %arg5[%add3A_176, %dma_wait3A_190] : memref<100000x16xf32, #tpu.memory_space<hbm>> -> memref<512x16xf32, #tpu.memory_space<hbm>>
          %dma_wait3A_192 = arith.constant 0 : i32
          %dma_wait3A_193 = tpu.memref_slice %arg5[%add3A_176, %dma_wait3A_192] : memref<100000x16xf32, #tpu.memory_space<hbm>> -> memref<512x16xf32, #tpu.memory_space<hbm>>
          %dma_wait3A_194 = arith.constant 0 : i32
          %dma_wait3A_195 = arith.constant 0 : i32
          %dma_wait3A_196 = tpu.memref_slice %arg9[%dma_wait3A_194, %dma_wait3A_195] : memref<640x16xf32, #tpu.memory_space<vmem>> -> memref<512x16xf32, #tpu.memory_space<vmem>>
          tpu.wait_dma2 semaphore(%run_scoped3A : memref<!tpu.dma_semaphore, #tpu.memory_space<semaphore_mem>>) src(%dma_wait3A_196 : memref<512x16xf32, #tpu.memory_space<vmem>>) dst(%dma_wait3A_193 : memref<512x16xf32, #tpu.memory_space<hbm>>)
          tpu.yield
        }) : () -> ()
      } else {
      }
      %eq3A_168 = arith.constant 15 : i32
      %eq3A_169 = arith.cmpi eq, %arg1, %eq3A_168 : i32
      %convert_element_type3A_170 = arith.extui %eq3A_169 : i1 to i32
      %cond3A_171 = arith.constant 0 : i32
      %cond3A_172 = arith.cmpi ne, %convert_element_type3A_170, %cond3A_171 : i32
      scf.if %cond3A_172 {
        "tpu.region"() ({
          %run_scoped3A = tpu.sem_alloc : memref<!tpu.dma_semaphore, #tpu.memory_space<semaphore_mem>>
          %dma_start3A_173 = arith.constant 0 : i32
          %dma_start3A_174 = arith.constant 0 : i32
          %dma_start3A_175 = tpu.memref_slice %arg9[%dma_start3A_173, %dma_start3A_174] : memref<640x16xf32, #tpu.memory_space<vmem>> -> memref<160x16xf32, #tpu.memory_space<vmem>>
          %dma_start3A_176 = arith.constant 99840 : i32
          %dma_start3A_177 = arith.constant 0 : i32
          %dma_start3A_178 = tpu.memref_slice %arg14[%dma_start3A_176, %dma_start3A_177] : memref<100352x16xf32, #tpu.memory_space<vmem_shared>> -> memref<160x16xf32, #tpu.memory_space<vmem_shared>>
          %dma_start3A_179 = arith.constant 0 : i32
          %dma_start3A_180 = arith.constant 0 : i32
          %dma_start3A_181 = tpu.memref_slice %arg9[%dma_start3A_179, %dma_start3A_180] : memref<640x16xf32, #tpu.memory_space<vmem>> -> memref<160x16xf32, #tpu.memory_space<vmem>>
          %dma_start3A_182 = arith.constant 99840 : i32
          %dma_start3A_183 = arith.constant 0 : i32
          %dma_start3A_184 = tpu.memref_slice %arg14[%dma_start3A_182, %dma_start3A_183] : memref<100352x16xf32, #tpu.memory_space<vmem_shared>> -> memref<160x16xf32, #tpu.memory_space<vmem_shared>>
          tpu.enqueue_dma source(%dma_start3A_184 : memref<160x16xf32, #tpu.memory_space<vmem_shared>>) target(%dma_start3A_181 : memref<160x16xf32, #tpu.memory_space<vmem>>) target_semaphore(%run_scoped3A : memref<!tpu.dma_semaphore, #tpu.memory_space<semaphore_mem>>)
          %dma_wait3A_185 = arith.constant 0 : i32
          %dma_wait3A_186 = arith.constant 0 : i32
          %dma_wait3A_187 = tpu.memref_slice %arg9[%dma_wait3A_185, %dma_wait3A_186] : memref<640x16xf32, #tpu.memory_space<vmem>> -> memref<160x16xf32, #tpu.memory_space<vmem>>
          %dma_wait3A_188 = arith.constant 99840 : i32
          %dma_wait3A_189 = arith.constant 0 : i32
          %dma_wait3A_190 = tpu.memref_slice %arg14[%dma_wait3A_188, %dma_wait3A_189] : memref<100352x16xf32, #tpu.memory_space<vmem_shared>> -> memref<160x16xf32, #tpu.memory_space<vmem_shared>>
          %dma_wait3A_191 = arith.constant 0 : i32
          %dma_wait3A_192 = arith.constant 0 : i32
          %dma_wait3A_193 = tpu.memref_slice %arg9[%dma_wait3A_191, %dma_wait3A_192] : memref<640x16xf32, #tpu.memory_space<vmem>> -> memref<160x16xf32, #tpu.memory_space<vmem>>
          %dma_wait3A_194 = arith.constant 99840 : i32
          %dma_wait3A_195 = arith.constant 0 : i32
          %dma_wait3A_196 = tpu.memref_slice %arg14[%dma_wait3A_194, %dma_wait3A_195] : memref<100352x16xf32, #tpu.memory_space<vmem_shared>> -> memref<160x16xf32, #tpu.memory_space<vmem_shared>>
          tpu.wait_dma2 semaphore(%run_scoped3A : memref<!tpu.dma_semaphore, #tpu.memory_space<semaphore_mem>>) src(%dma_wait3A_196 : memref<160x16xf32, #tpu.memory_space<vmem_shared>>) dst(%dma_wait3A_193 : memref<160x16xf32, #tpu.memory_space<vmem>>)
          tpu.yield
        }) : () -> ()
        "tpu.region"() ({
          %run_scoped3A = tpu.sem_alloc : memref<!tpu.dma_semaphore, #tpu.memory_space<semaphore_mem>>
          %dma_start3A_173 = arith.constant 0 : i32
          %dma_start3A_174 = arith.constant 0 : i32
          %dma_start3A_175 = tpu.memref_slice %arg9[%dma_start3A_173, %dma_start3A_174] : memref<640x16xf32, #tpu.memory_space<vmem>> -> memref<160x16xf32, #tpu.memory_space<vmem>>
          %dma_start3A_176 = arith.constant 99840 : i32
          %dma_start3A_177 = arith.constant 0 : i32
          %dma_start3A_178 = tpu.memref_slice %arg5[%dma_start3A_176, %dma_start3A_177] : memref<100000x16xf32, #tpu.memory_space<hbm>> -> memref<160x16xf32, #tpu.memory_space<hbm>>
          %dma_start3A_179 = arith.constant 99840 : i32
          %dma_start3A_180 = arith.constant 0 : i32
          %dma_start3A_181 = tpu.memref_slice %arg5[%dma_start3A_179, %dma_start3A_180] : memref<100000x16xf32, #tpu.memory_space<hbm>> -> memref<160x16xf32, #tpu.memory_space<hbm>>
          %dma_start3A_182 = arith.constant 0 : i32
          %dma_start3A_183 = arith.constant 0 : i32
          %dma_start3A_184 = tpu.memref_slice %arg9[%dma_start3A_182, %dma_start3A_183] : memref<640x16xf32, #tpu.memory_space<vmem>> -> memref<160x16xf32, #tpu.memory_space<vmem>>
          tpu.enqueue_dma source(%dma_start3A_184 : memref<160x16xf32, #tpu.memory_space<vmem>>) target(%dma_start3A_181 : memref<160x16xf32, #tpu.memory_space<hbm>>) target_semaphore(%run_scoped3A : memref<!tpu.dma_semaphore, #tpu.memory_space<semaphore_mem>>)
          %dma_wait3A_185 = arith.constant 0 : i32
          %dma_wait3A_186 = arith.constant 0 : i32
          %dma_wait3A_187 = tpu.memref_slice %arg9[%dma_wait3A_185, %dma_wait3A_186] : memref<640x16xf32, #tpu.memory_space<vmem>> -> memref<160x16xf32, #tpu.memory_space<vmem>>
          %dma_wait3A_188 = arith.constant 99840 : i32
          %dma_wait3A_189 = arith.constant 0 : i32
          %dma_wait3A_190 = tpu.memref_slice %arg5[%dma_wait3A_188, %dma_wait3A_189] : memref<100000x16xf32, #tpu.memory_space<hbm>> -> memref<160x16xf32, #tpu.memory_space<hbm>>
          %dma_wait3A_191 = arith.constant 99840 : i32
          %dma_wait3A_192 = arith.constant 0 : i32
          %dma_wait3A_193 = tpu.memref_slice %arg5[%dma_wait3A_191, %dma_wait3A_192] : memref<100000x16xf32, #tpu.memory_space<hbm>> -> memref<160x16xf32, #tpu.memory_space<hbm>>
          %dma_wait3A_194 = arith.constant 0 : i32
          %dma_wait3A_195 = arith.constant 0 : i32
          %dma_wait3A_196 = tpu.memref_slice %arg9[%dma_wait3A_194, %dma_wait3A_195] : memref<640x16xf32, #tpu.memory_space<vmem>> -> memref<160x16xf32, #tpu.memory_space<vmem>>
          tpu.wait_dma2 semaphore(%run_scoped3A : memref<!tpu.dma_semaphore, #tpu.memory_space<semaphore_mem>>) src(%dma_wait3A_196 : memref<160x16xf32, #tpu.memory_space<vmem>>) dst(%dma_wait3A_193 : memref<160x16xf32, #tpu.memory_space<hbm>>)
          tpu.yield
        }) : () -> ()
      } else {
      }
    } else {
    }
    return
  }
}

module attributes {stable_mosaic.version = 14 : i64} {
  func.func @_mid_body(%arg0: i32, %arg1: memref<12500x128xf32, #tpu.memory_space<vmem>>, %arg2: memref<12500x128xf32, #tpu.memory_space<vmem>>, %arg3: memref<128x256xf32, #tpu.memory_space<vmem>>, %arg4: memref<128x256xf32, #tpu.memory_space<vmem>>, %arg5: memref<256x256xf32, #tpu.memory_space<vmem>>, %arg6: memref<1x256xf32, #tpu.memory_space<vmem>>, %arg7: memref<1x256xf32, #tpu.memory_space<vmem>>, %arg8: memref<12500x256xf32, #tpu.memory_space<vmem>>) attributes {dimension_semantics = [#tpu.dimension_semantics<arbitrary>], iteration_bounds = array<i64: 1>, scalar_prefetch = 0 : i64, scratch_operands = 0 : i64, tpu.core_type = #tpu.core_type<tc>, window_params = [{transform_indices = @transform_0, window_bounds = array<i64: 12500, 128>}, {transform_indices = @transform_1, window_bounds = array<i64: 12500, 128>}, {pipeline_mode = #tpu.pipeline_mode<synchronous>, transform_indices = @transform_2, window_bounds = array<i64: 128, 256>}, {pipeline_mode = #tpu.pipeline_mode<synchronous>, transform_indices = @transform_3, window_bounds = array<i64: 128, 256>}, {pipeline_mode = #tpu.pipeline_mode<synchronous>, transform_indices = @transform_4, window_bounds = array<i64: 256, 256>}, {pipeline_mode = #tpu.pipeline_mode<synchronous>, transform_indices = @transform_5, window_bounds = array<i64: 1, 256>}, {pipeline_mode = #tpu.pipeline_mode<synchronous>, transform_indices = @transform_6, window_bounds = array<i64: 1, 256>}, {transform_indices = @transform_7, window_bounds = array<i64: 12500, 256>}]} {
    %get3A = arith.constant 0 : index
    %get3A_0 = arith.constant 0 : index
    %get3A_1 = vector.load %arg1[%get3A, %get3A_0] : memref<12500x128xf32, #tpu.memory_space<vmem>>, vector<12500x128xf32>
    %get3A_2 = arith.constant 0 : index
    %get3A_3 = arith.constant 0 : index
    %get3A_4 = vector.load %arg3[%get3A_2, %get3A_3] : memref<128x256xf32, #tpu.memory_space<vmem>>, vector<128x256xf32>
    %dot_general3A = arith.constant dense<0.000000e+00> : vector<12500x256xf32>
    %dot_general3A_5 = tpu.matmul %get3A_1, %get3A_4, %dot_general3A {dimension_numbers = #tpu.dot_dimension_numbers<[1], [0], [0], [1], [0, 0, 1, 1], [], []>, transpose_lhs_hint = false} : vector<12500x128xf32>, vector<128x256xf32>, vector<12500x256xf32> -> vector<12500x256xf32>
    %get3A_6 = arith.constant 0 : index
    %get3A_7 = arith.constant 0 : index
    %get3A_8 = vector.load %arg2[%get3A_6, %get3A_7] : memref<12500x128xf32, #tpu.memory_space<vmem>>, vector<12500x128xf32>
    %get3A_9 = arith.constant 0 : index
    %get3A_10 = arith.constant 0 : index
    %get3A_11 = vector.load %arg4[%get3A_9, %get3A_10] : memref<128x256xf32, #tpu.memory_space<vmem>>, vector<128x256xf32>
    %dot_general3A_12 = arith.constant dense<0.000000e+00> : vector<12500x256xf32>
    %dot_general3A_13 = tpu.matmul %get3A_8, %get3A_11, %dot_general3A_12 {dimension_numbers = #tpu.dot_dimension_numbers<[1], [0], [0], [1], [0, 0, 1, 1], [], []>, transpose_lhs_hint = false} : vector<12500x128xf32>, vector<128x256xf32>, vector<12500x256xf32> -> vector<12500x256xf32>
    %add3A = arith.addf %dot_general3A_5, %dot_general3A_13 : vector<12500x256xf32>
    %get3A_14 = arith.constant 0 : index
    %get3A_15 = arith.constant 0 : index
    %get3A_16 = vector.load %arg6[%get3A_14, %get3A_15] : memref<1x256xf32, #tpu.memory_space<vmem>>, vector<1x256xf32>
    %add3A_17 = vector.broadcast %get3A_16 : vector<1x256xf32> to vector<12500x256xf32>
    %add3A_18 = arith.addf %add3A, %add3A_17 : vector<12500x256xf32>
    %max3A = arith.constant 0.000000e+00 : f32
    %max3A_19 = vector.broadcast %max3A : f32 to vector<12500x256xf32>
    %max3A_20 = arith.maximumf %add3A_18, %max3A_19 : vector<12500x256xf32>
    %get3A_21 = arith.constant 0 : index
    %get3A_22 = arith.constant 0 : index
    %get3A_23 = vector.load %arg5[%get3A_21, %get3A_22] : memref<256x256xf32, #tpu.memory_space<vmem>>, vector<256x256xf32>
    %dot_general3A_24 = arith.constant dense<0.000000e+00> : vector<12500x256xf32>
    %dot_general3A_25 = tpu.matmul %max3A_20, %get3A_23, %dot_general3A_24 {dimension_numbers = #tpu.dot_dimension_numbers<[1], [0], [0], [1], [0, 0, 1, 1], [], []>, transpose_lhs_hint = false} : vector<12500x256xf32>, vector<256x256xf32>, vector<12500x256xf32> -> vector<12500x256xf32>
    %get3A_26 = arith.constant 0 : index
    %get3A_27 = arith.constant 0 : index
    %get3A_28 = vector.load %arg7[%get3A_26, %get3A_27] : memref<1x256xf32, #tpu.memory_space<vmem>>, vector<1x256xf32>
    %add3A_29 = vector.broadcast %get3A_28 : vector<1x256xf32> to vector<12500x256xf32>
    %add3A_30 = arith.addf %dot_general3A_25, %add3A_29 : vector<12500x256xf32>
    %swap3A = arith.constant 0 : index
    %swap3A_31 = arith.constant 0 : index
    %swap3A_32 = vector.load %arg8[%swap3A, %swap3A_31] : memref<12500x256xf32, #tpu.memory_space<vmem>>, vector<12500x256xf32>
    tpu.vector_store %arg8[%swap3A, %swap3A_31], %add3A_30 {strides = array<i32>} : memref<12500x256xf32, #tpu.memory_space<vmem>>, vector<12500x256xf32>,
    return
  }
  func.func @transform_0(%arg0: i32) -> (i32, i32) {
    %c0_i32 = arith.constant 0 : i32
    %c0_i32_0 = arith.constant 0 : i32
    return %arg0, %c0_i32 : i32, i32
  }
  func.func @transform_1(%arg0: i32) -> (i32, i32) {
    %c0_i32 = arith.constant 0 : i32
    %c0_i32_0 = arith.constant 0 : i32
    return %arg0, %c0_i32 : i32, i32
  }
  func.func @transform_2(%arg0: i32) -> (i32, i32) {
    %c0_i32 = arith.constant 0 : i32
    %c0_i32_0 = arith.constant 0 : i32
    %c0_i32_1 = arith.constant 0 : i32
    return %c0_i32, %c0_i32_0 : i32, i32
  }
  func.func @transform_3(%arg0: i32) -> (i32, i32) {
    %c0_i32 = arith.constant 0 : i32
    %c0_i32_0 = arith.constant 0 : i32
    %c0_i32_1 = arith.constant 0 : i32
    return %c0_i32, %c0_i32_0 : i32, i32
  }
  func.func @transform_4(%arg0: i32) -> (i32, i32) {
    %c0_i32 = arith.constant 0 : i32
    %c0_i32_0 = arith.constant 0 : i32
    %c0_i32_1 = arith.constant 0 : i32
    return %c0_i32, %c0_i32_0 : i32, i32
  }
  func.func @transform_5(%arg0: i32) -> (i32, i32) {
    %c0_i32 = arith.constant 0 : i32
    %c0_i32_0 = arith.constant 0 : i32
    %c0_i32_1 = arith.constant 0 : i32
    return %c0_i32, %c0_i32_0 : i32, i32
  }
  func.func @transform_6(%arg0: i32) -> (i32, i32) {
    %c0_i32 = arith.constant 0 : i32
    %c0_i32_0 = arith.constant 0 : i32
    %c0_i32_1 = arith.constant 0 : i32
    return %c0_i32, %c0_i32_0 : i32, i32
  }
  func.func @transform_7(%arg0: i32) -> (i32, i32) {
    %c0_i32 = arith.constant 0 : i32
    %c0_i32_0 = arith.constant 0 : i32
    return %arg0, %c0_i32 : i32, i32
  }
}

</mosaic_0001>

<sc_bundles>
// kernel: kernel.5.cloned.1.call-start
scs
__scs_entry_jumppad:
0x0: {  	(pc) =	sbr.rel $0x88, $3  }
0x1: {  	(tag) =	ssettag $0x0;
	lr =	simm.s32 $0x1  }
0x2: {  	[smem:$0x3F9B] =	sst lr;
	_ =	strace $0xD0000000  }
0x3: {  	_ = 	snop  }
0x4: {  	_ = 	snop  }
0x5: {  	_ = 	snop  }
0x6: {  	_ = 	snop  }
0x7: {  	_ = 	snop  }
__scs_overlays_trampoline_lowered:
0x8: {  	[smem:$0x3FAA] =	sst s0  }
0x9: {  	[smem:$0x3FAB] =	sst s1  }
0xa: {  	[smem:$0x3FAC] =	sst s2  }
0xb: {  	[smem:$0x3FAD] =	sst s3  }
0xc: {  	[smem:$0x3FAE] =	sst s4  }
0xd: {  	[smem:$0x3FAF] =	sst s5  }
0xe: {  	[smem:$0x3FB0] =	sst s6  }
0xf: {  	[smem:$0x3FB1] =	sst s7  }
0x10: {  	[smem:$0x3FB2] =	sst s8  }
0x11: {  	[smem:$0x3FB3] =	sst s9;
	s0 =	simm.s32 @!p0 $0x0  }
0x12: {  	s1 =	sld [smem:$0x3F99];
	s0 =	simm.s32 @p0 $0x1  }
0x13: {  	[smem:$0x3FB4] =	sst s0;
	s0 =	simm.s32 @!p1 $0x0  }
0x14: {  	s2 =	sld [smem:$0x3F98];
	s0 =	simm.s32 @p1 $0x1  }
0x15: {  	[smem:$0x3FB5] =	sst s0;
	s0 =	simm.s32 @!p2 $0x0  }
0x16: {  	s3 =	sld [smem:$0x3FDB];
	s0 =	simm.s32 @p2 $0x1  }
0x17: {  	s4 =	simm.s32 $0x1BF5;
	[smem:$0x3FB7] =	sst s0  }
0x18: {  	s0 =	sld [smem:$0x3F9A];
	_ =	swait.ge [sflag:s4], $0x0  }
0x19: {  	s7 =	sld [smem:$0x3F9B]  }
0x1a: {  	s8 =	sadd.s32 $0xFFFFE003, lr  }
0x1b: {  	s9 =	sadd.s32 $0xFFFFFEF7, lr;
	s5 =	simm.s32 $0xFFFFFFFF;
	p2 =	slt.u32 s8, $0xFFFFF086  }
0x1c: {  	p1 =	slt.u32 s9, $0xF7A;
	s5 =	simm.s32 @!p2 $0x0  }
0x1d: {  	s5 =	simm.s32 @p1 $0x1;
	p0 =	seq.s32 s7, s2  }
0x1e: {  	s7 =	smul.u32 @!p0 $0xF7A, s2;
	p2 =	seq.s32 @!p0 s5, $0x0  }
0x1f: {  	s9 =	smul.u32 $0xF7A, s1;
	s8 =	simm.s32 @!p0 $0x1BF5;
	p2 =	por !p2, p0  }
0x20: {  	[sflag:s8] =	ssyncset.s32 @!p0 $0xFFFFF086;
	s6 =	sadd.s32 @!p0 s3, s7;
	s7 =	simm.s32 @!p0 $0x108  }
0x21: {  	s3 =	sadd.s32 s3, s9;
	s6 =	sadd.s32 @!p0 $0x88, s6;
	s7 =	simm.s32 @p2 $0x1082  }
0x22: {  	[simem:s7], [sflag:s8] =	dma.local @!p0 [hbm:s6], $0xF7A  }
0x23: {  	s9 =	sor.u32 $0xD0000000, s2;
	s6 =	simm.s32 $0x108;
	_ =	swait.ge @!p0 [sflag:s8], $0x0  }
0x24: {  	s3 =	sadd.s32 $0x88, s3;
	s6 =	simm.s32 @!p1 $0x1082;
	[sflag:s4] =	ssyncset.s32 $0xFFFFF086  }
0x25: {  	[simem:s6], [sflag:s4] =	dma.local [hbm:s3], $0xF7A  }
0x26: {  	[smem:$0x3F9B] =	sst s1;
	(tag) =	ssettag s2;
	_ =	strace s9  }
0x27: {  	s1 =	sld [smem:$0x3FAB]  }
0x28: {  	s2 =	sld [smem:$0x3FAC]  }
0x29: {  	s4 =	sld [smem:$0x3FAE]  }
0x2a: {  	p0 =	seq.s32 s5, $0x0;
	s5 =	sld [smem:$0x3FAF]  }
0x2b: {  	s6 =	sld [smem:$0x3FB0]  }
0x2c: {  	s7 =	sld [smem:$0x3FB1]  }
0x2d: {  	s3 =	simm.s32 $0x108;
	s8 =	sld [smem:$0x3FB2]  }
0x2e: {  	s3 =	simm.s32 @!p0 $0x1082;
	s9 =	sld [smem:$0x3FB3]  }
0x2f: {  	lr =	sadd.s32 s0, s3;
	s0 =	sld [smem:$0x3FAA]  }
0x30: {  	s3 =	sld [smem:$0x3FAD]  }
0x31: {  	[smem:$0x3FB6] =	sst s10  }
0x32: {  	s10 =	sld [smem:$0x3FB4];
	_ =	sdelay $0x3  }
0x33: {  	p0 =	seq.s32 s10, $0x1;
	s10 =	sld [smem:$0x3FB6];
	_ =	sdelay $0x3  }
0x34: {  	[smem:$0x3FB6] =	sst s10  }
0x35: {  	s10 =	sld [smem:$0x3FB5];
	_ =	sdelay $0x3  }
0x36: {  	p1 =	seq.s32 s10, $0x1;
	s10 =	sld [smem:$0x3FB6];
	_ =	sdelay $0x3  }
0x37: {  	[smem:$0x3FB6] =	sst s10  }
0x38: {  	s10 =	sld [smem:$0x3FB7]  }
0x39: {  	_ = 	snop;
	(pc) =	sbr.ind lr, $3  }
0x3a: {  	_ = 	snop  }
0x3b: {  	_ = 	snop  }
0x3c: {  	p2 =	seq.s32 s10, $0x1;
	s10 =	sld [smem:$0x3FB6]  }
0x3d: {  	_ =	shalt  }
0x3e: {  	_ =	shalt  }
0x3f: {  	_ =	shalt  }
0x40: {  	_ =	shalt  }
0x41: {  	_ =	shalt  }
0x42: {  	_ =	shalt  }
0x43: {  	_ =	shalt  }
0x44: {  	_ =	shalt  }
0x45: {  	_ =	shalt  }
0x46: {  	_ =	shalt  }
0x47: {  	_ =	shalt  }
0x48: {  	_ =	shalt  }
0x49: {  	_ =	shalt  }
0x4a: {  	_ =	shalt  }
0x4b: {  	_ =	shalt  }
0x4c: {  	_ =	shalt  }
0x4d: {  	_ =	shalt  }
0x4e: {  	_ =	shalt  }
0x4f: {  	_ =	shalt  }
0x50: {  	_ =	shalt  }
0x51: {  	_ =	shalt  }
0x52: {  	_ =	shalt  }
0x53: {  	_ =	shalt  }
0x54: {  	_ =	shalt  }
0x55: {  	_ =	shalt  }
0x56: {  	_ =	shalt  }
0x57: {  	_ =	shalt  }
0x58: {  	_ =	shalt  }
0x59: {  	_ =	shalt  }
0x5a: {  	_ =	shalt  }
0x5b: {  	_ =	shalt  }
0x5c: {  	_ =	shalt  }
0x5d: {  	_ =	shalt  }
0x5e: {  	_ =	shalt  }
0x5f: {  	_ =	shalt  }
0x60: {  	_ =	shalt  }
0x61: {  	_ =	shalt  }
0x62: {  	_ =	shalt  }
0x63: {  	_ =	shalt  }
0x64: {  	_ =	shalt  }
0x65: {  	_ =	shalt  }
0x66: {  	_ =	shalt  }
0x67: {  	_ =	shalt  }
0x68: {  	_ =	shalt  }
0x69: {  	_ =	shalt  }
0x6a: {  	_ =	shalt  }
0x6b: {  	_ =	shalt  }
0x6c: {  	_ =	shalt  }
0x6d: {  	_ =	shalt  }
0x6e: {  	_ =	shalt  }
0x6f: {  	_ =	shalt  }
0x70: {  	_ =	shalt  }
0x71: {  	_ =	shalt  }
0x72: {  	_ =	shalt  }
0x73: {  	_ =	shalt  }
0x74: {  	_ =	shalt  }
0x75: {  	_ =	shalt  }
0x76: {  	_ =	shalt  }
0x77: {  	_ =	shalt  }
0x78: {  	_ =	shalt  }
0x79: {  	_ =	shalt  }
0x7a: {  	_ =	shalt  }
0x7b: {  	_ =	shalt  }
0x7c: {  	_ =	shalt  }
0x7d: {  	_ =	shalt  }
0x7e: {  	_ =	shalt  }
0x7f: {  	_ =	shalt  }
0x80: {  	_ =	shalt  }
0x81: {  	_ =	shalt  }
0x82: {  	_ =	shalt  }
0x83: {  	_ =	shalt  }
0x84: {  	_ =	shalt  }
0x85: {  	_ =	shalt  }
0x86: {  	_ =	shalt  }
0x87: {  	_ =	shalt  }
.Lfunc_end0:
.L_simem_size_0:
called_computation_lowered:
.L_overlay_start_0:
0x88: {  	s2 =	sld [smem:$0x3FD9]  }
0x89: {  	s3 =	sld [smem:$0x3FFE];
	_ =	sdelay $0x1  }
0x8a: {  	s1 =	srdreg.scid  }
0x8b: {  	s0 =	sand.u32 $0x1, s1  }
0x8c: {  	s17 =	sshll.u32 s0, $0xA;
	s2 =	sadd.s32 s3, s2  }
0x8d: {  	s2 =	sadd.s32 s2, s17  }
0x8e: {  	[smem:$0x3FC2] =	sst s2  }
0x8f: {  	_ = 	snop  }
0x90: {  	s2 =	sld [smem:$0x3FD0];
	(tm) =	ssettm $0x1  }
0x91: {  	s18 =	sld [smem:$0x3FFB];
	_ =	sdelay $0x3  }
0x92: {  	_ =	strace s18  }
0x93: {  	s3 =	sld [smem:$0x3FFC];
	_ =	sdelay $0x3  }
0x94: {  	_ =	strace s3  }
0x95: {  	s3 =	sld [smem:$0x3FFD];
	_ =	sdelay $0x3  }
0x96: {  	_ =	strace s3  }
0x97: {  	_ =	strace $0x8FFFFFFF  }
0x98: {  	s19 =	sld [smem:$0x3FDB];
	_ =	sdelay $0x1  }
0x99: {  	s4 =	simm.s32 $_scs_section_size  }
0x9a: {  	s5 =	simm.s32 $_size__tile_overlayer_lowered;
	s6 =	simm.s32 $_tile_overlayer_lowered  }
0x9b: {  	s22 =	simm.s32 $0x1BFF;
	s21 =	sshll.u32 s6, $0x1;
	s3 =	sadd.s32 s4, s19  }
0x9c: {  	s7 =	simm.s32 $0x0;
	s20 =	sshll.u32 s5, $0x1;
	s5 =	sadd.s32 s21, s3  }
0x9d: {  	[timem:s7], [sflag:s22] =	dma.local [hbm:s5], s20  }
0x9e: {  	_ =	swait.ge [sflag:s22], s20  }
0x9f: {  	s4 =	ssub.s32 $0x0, s20;
	[sflag:s22] =	ssyncset.done $0x0  }
0xa0: {  	[sflag:s22] =	ssyncadd.s32 s4;
	_ =	sdelay $0x1  }
0xa1: {  	s23 =	simm.s32 $0x1B8B  }
0xa2: {  	_ =	swait.ge [sflag:s23], $0x1  }
0xa3: {  	[sflag:s23] =	ssyncset.done $0x0  }
0xa4: {  	s25 =	simm.s32 $0x1B8E;
	s24 =	sld [smem:$0x3FFE];
	[sflag:s23] =	ssyncadd.s32 $0xFFFFFFFF  }
0xa5: {  	s26 =	simm.s32 $execute0_lowered;
	[smem:$0x3FD2] =	sst s25  }
0xa6: {  	s5 =	sshll.u32 s26, $0x1;
	_ =	strace $0x80000046;
	[dreg:$0x1] =	wrdreg $0xFFFFFFFF  }
0xa7: {  	s28 =	simm.s32 $_size_execute0_lowered;
	s3 =	sadd.s32 s3, s5;
	[dreg:$0x0] =	wrdreg $0x0  }
0xa8: {  	s5 =	sshll.u32 s28, $0x1;
	[dreg:$0x2] =	wrdreg s3  }
0xa9: {  	[dreg:$0x3] =	wrdreg s5  }
0xaa: {  	[dreg:$0x4] =	wrdreg $0xC0  }
0xab: {  	_ =	task [dreg:s7], $0x5FFFF  }
0xac: {  	[dreg:$0x1] =	wrdreg $0xFFFFFFFF  }
0xad: {  	[dreg:$0x0] =	wrdreg $0x60  }
0xae: {  	[dreg:$0x2] =	wrdreg s2  }
0xaf: {  	[dreg:$0x3] =	wrdreg s24  }
0xb0: {  	[dreg:$0x4] =	wrdreg $0x5F000  }
0xb1: {  	[dreg:$0x5] =	wrdreg $0x9  }
0xb2: {  	_ =	task.clear_ibuf [dreg:s7], $0x6FFFF;
	_ =	strace $0x90000046  }
0xb3: {  	s29 =	simm.s32 $0x9;
	_ =	strace $0x80000048  }
0xb4: {  	_ =	swait.ge [sflag:s29], $0x1  }
0xb5: {  	[sflag:s29] =	ssyncadd.s32 $0xFFFFFFFF  }
0xb6: {  	_ =	strace $0x90000048  }
0xb7: {  	_ =	sfence  }
0xb8: {  	s30 =	sld [smem:$0x0];
	_ =	sdelay $0x2  }
0xb9: {  	s31 =	sshll.u32 s1, $0xD;
	s1 =	sshrl.u32 s1, $0x2  }
0xba: {  	s3 =	sand.u32 $0x4000, s31;
	s1 =	sadd.s32 s1, s30  }
0xbb: {  	s0 =	sor.u32 s3, s0;
	s1 =	sshll.u32 s1, $0x11  }
0xbc: {  	s0 =	sor.u32 s1, s0  }
0xbd: {  	s0 =	sadd.s32 $0x8F2B, s0  }
0xbe: {  	[sflag:s0] =	ssyncadd.remote.s32 $0x1  }
0xbf: {  	_ =	sfence.sel $0xFFFF  }
0xc0: {  	[dreg:$0x0] =	wrdreg $0xFFFFFFFF;
	(pc) =	sbr.abs _section_cstart, $3  }
0xc1: {  	[dreg:$0x1] =	wrdreg $0xFFFFFFFF  }
0xc2: {  	_ =	task.clear_ibuf [dreg:s7], $0x2FFFF;
	_ =	strace $0x9FFFFFFF  }
0xc3: {  	(tm) =	ssettm $0x7FFFFFFF  }
tec
execute0_lowered:
.L_overlay_start_1:
0x0: {  	(tag) =	ssettag $0x1  }
0x1: {  	s0 =	rddreg [dreg:$0x1]  }
0x2: {  	s26 =	stileid.u32;
	s1 =	simm.s32 $0x0;
	s2 =	srdreg.scid  }
0x3: {  	s29 =	simm.s32 $0x3F00;
	s31 =	simm.s32 $0x4F00;
	s28 =	simm.s32 $0x1  }
0x4: {  	s30 =	simm.s32 $0x480;
	s4 =	smul.u32 $0x18800, s26;
	[smem:$0x7FF] =	sst s1  }
0x5: {  	s5 =	sadd.s32 $0x64800, s0;
	s3 =	sand.u32 $0x1, s2;
	s8 =	smul.u32 $0x1880, s26  }
0x6: {  	s2 =	sadd.s32 $0x95600, s0;
	s13 =	smul.u32 $0x3100, s26;
	p1 =	sgt.u32 s26, $0x3  }
0x7: {  	p2 =	seq.s32 s26, $0xF;
	s6 =	ssub.s32 $0x2, s3;
	p0 =	seq.s32 s3, $0x1  }
0x8: {  	s4 =	sadd.s32 $0x16800, s4;
	s7 =	sshrl.u32 s6, $0x1;
	s10 =	sadd.s32 $0x780, s8  }
0x9: {  	s11 =	sadd.s32 $0xA00, s8;
	s12 =	sadd.s32 $0xC80, s8;
	s14 =	sadd.s32 $0xF00, s8  }
0xa: {  	s15 =	sadd.s32 $0x1180, s8;
	s16 =	sadd.s32 s5, s13;
	s13 =	sadd.s32 s2, s13  }
0xb: {  	s9 =	sshrl.u32 s4, $0x3;
	s6 =	ssub.s32 s6, s7;
	[dreg:$0x6] =	wrdreg s16  }
0xc: {  	s20 =	sshll.u32 s12, $0x1;
	[dreg:$0xf] =	wrdreg s13;
	s21 =	sadd.s32 s5, s9  }
0xd: {  	s24 =	sadd.s32 s5, s20;
	s13 =	sadd.s32 s2, s20;
	s20 =	rddreg [dreg:$0x0]  }
0xe: {  	s7 =	sadd.s32 $0x280, s8;
	s22 =	sadd.s32 s2, s9;
	[dreg:$0x4] =	wrdreg s21  }
0xf: {  	s9 =	sadd.s32 $0x500, s8;
	s8 =	sadd.s32 $0x1400, s8;
	[dreg:$0x5] =	wrdreg s22  }
0x10: {  	s16 =	sshll.u32 s7, $0x1;
	s17 =	sshll.u32 s9, $0x1;
	[dreg:$0xb] =	wrdreg s24  }
0x11: {  	s18 =	sadd.s32 s5, s16;
	s24 =	sshll.u32 s8, $0x1;
	[dreg:$0x14] =	wrdreg s13  }
0x12: {  	s16 =	sadd.s32 s2, s16;
	s13 =	sshll.u32 s12, $0x4;
	[dreg:$0x7] =	wrdreg s18  }
0x13: {  	s23 =	sadd.s32 s5, s17;
	s18 =	sshll.u32 s10, $0x1;
	[dreg:$0x10] =	wrdreg s16  }
0x14: {  	s17 =	sadd.s32 s2, s17;
	[dreg:$0x8] =	wrdreg s23;
	s19 =	sadd.s32 s5, s18  }
0x15: {  	s23 =	sshll.u32 s15, $0x1;
	[dreg:$0x11] =	wrdreg s17;
	s17 =	smul.u32 $0x280, s26  }
0x16: {  	[dreg:$0x9] =	wrdreg s19;
	s19 =	sshll.u32 s11, $0x1;
	s25 =	sadd.s32 s5, s23  }
0x17: {  	s12 =	simm.s32 $0x4700;
	s21 =	sadd.s32 s5, s19;
	[dreg:$0xd] =	wrdreg s25  }
0x18: {  	s25 =	sadd.s32 s2, s19;
	s19 =	sshrl.u32 s17, $0x3;
	s17 =	sshll.u32 s15, $0x4  }
0x19: {  	s15 =	simm.s32 $0x780;
	[dreg:$0xa] =	wrdreg s21;
	s21 =	sshll.u32 s14, $0x1  }
0x1a: {  	[dreg:$0x13] =	wrdreg s25;
	s25 =	sadd.s32 $0x2C00, s0;
	s22 =	sadd.s32 s5, s21  }
0x1b: {  	s5 =	sadd.s32 s5, s24;
	s16 =	sadd.s32 s2, s21;
	[dreg:$0xc] =	wrdreg s22  }
0x1c: {  	s21 =	smul.u32 $0x62000, s26;
	[dreg:$0xe] =	wrdreg s5;
	s22 =	sadd.s32 s2, s18  }
0x1d: {  	[dreg:$0x15] =	wrdreg s16;
	s18 =	sadd.s32 s2, s23;
	s2 =	sadd.s32 s2, s24  }
0x1e: {  	s23 =	sadd.s32 $0x95400, s0;
	s0 =	sadd.s32 $0xC6200, s0;
	[dreg:$0x12] =	wrdreg s22  }
0x1f: {  	s24 =	smax.u32 s6, $0x1;
	s5 =	sshll.u32 s7, $0x4;
	s22 =	rddreg [dreg:$0x2]  }
0x20: {  	s7 =	sshll.u32 s9, $0x4;
	s9 =	sshll.u32 s10, $0x4;
	[dreg:$0x16] =	wrdreg s18  }
0x21: {  	s10 =	sshll.u32 s11, $0x4;
	s16 =	sshll.u32 s14, $0x4;
	[dreg:$0x17] =	wrdreg s2  }
0x22: {  	s14 =	simm.s32 $0x5700;
	_ =	strace $0x80000047;
	[dreg:$0x1a] =	wrdreg s23  }
0x23: {  	s2 =	sshrl.u32 s21, $0x2;
	s4 =	sadd.s32 s4, s22;
	[dreg:$0x1b] =	wrdreg s0  }
0x24: {  	[dreg:$0x1c] =	wrdreg s24;
	s0 =	sadd.s32 s2, s22;
	s6 =	sadd.s32 s5, s22  }
0x25: {  	s11 =	sadd.s32 s10, s22;
	s18 =	sadd.s32 s17, s22;
	[dreg:$0x18] =	wrdreg s4  }
0x26: {  	s17 =	simm.s32 $0x280;
	s2 =	simm.s32 $0xF80;
	[dreg:$0x1d] =	wrdreg s0  }
0x27: {  	s10 =	simm.s32 $0x3600;
	s5 =	simm.s32 $0x0;
	[dreg:$0x1e] =	wrdreg s6  }
0x28: {  	s4 =	sadd.s32 s25, s19;
	s0 =	sadd.s32 s7, s22;
	[smem:$0x7F5] =	sst s11  }
0x29: {  	[smem:$0x7F8] =	sst s18;
	s19 =	sshll.u32 s8, $0x4;
	s11 =	sor.u32 $0x20, s26  }
0x2a: {  	s26 =	sadd.s32 $0x186000, s22;
	s18 =	simm.s32 $0x80;
	[dreg:$0x1f] =	wrdreg s0  }
0x2b: {  	s6 =	simm.s32 $0x1F80;
	s8 =	simm.s32 $0x2780;
	[dreg:$0x19] =	wrdreg s4  }
0x2c: {  	s7 =	simm.s32 $0x3680;
	s0 =	sadd.s32 s9, s22;
	[smem:$0x7FD] =	sst s26  }
0x2d: {  	s21 =	sadd.s32 $0x30D40, s4;
	s23 =	sadd.s32 $0x30C00, s4;
	[smem:$0x7F4] =	sst s0  }
0x2e: {  	s24 =	sadd.s32 $0x61940, s4;
	s4 =	simm.s32 $0x1780;
	[smem:$0x7FA] =	sst s21  }
.Ltmp0:
0x2f: {  	s9 =	simm.s32 $0x3;
	[smem:$0x7FB] =	sst s23;
	(pc) =	sbr.rel .LBB2_1-.Ltmp0, $4  }
0x30: {  	s0 =	sadd.s32 s13, s22;
	[smem:$0x7FC] =	sst s24;
	s21 =	simm.s32 $0x3200  }
0x31: {  	s23 =	simm.s32 $0x3700;
	[smem:$0x7F6] =	sst s0;
	s0 =	sadd.s32 s16, s22  }
0x32: {  	v2 =	vlaneseq.u32;
	s24 =	simm.s32 $0x2;
	[smem:$0x7F7] =	sst s0;
	s0 =	sadd.s32 s19, s22  }
0x33: {  	v1 =	vimm.f32 $0.0e+00;
	v2 =	vor.u32 $0x186A0, v2;
	v0 =	vmov s3;
	s16 =	simm.s32 $0x4;
	[smem:$0x7F9] =	sst s0;
	s0 =	simm.s32 $0x400  }
.LBB2_17:
0x34: {  	s3 =	rddreg [dreg:$0xf]  }
0x35: {  	[hbm4b:s3+s1] =	stream.linear.scatter [tilespmem:s15], [sflag:$0x4], $0x2800, $0x38;
	[tilespmem:$0x1E700] =	vst v63  }
0x36: {  	_ =	swait.ge [sflag:s16], $0x2800  }
0x37: {  	[sflag:s16] =	ssyncset.done $0x0  }
0x38: {  	s5 =	rddreg [dreg:$0x1e];
	[sflag:s16] =	ssyncadd.s32 $0xFFFFD800  }
0x39: {  	[tilespmem:s15], [sflag:$0x4] =	stream.linear.gather [spmem:s5], $0x2800, $0x38;
	[tilespmem:$0x1E700] =	vst v63  }
0x3a: {  	_ =	swait.ge [sflag:s16], $0x2800  }
0x3b: {  	[sflag:s16] =	ssyncset.done $0x0  }
0x3c: {  	s13 =	rddreg [dreg:$0x10];
	[sflag:s16] =	ssyncadd.s32 $0xFFFFD800  }
0x3d: {  	[hbm4b:s13+s1] =	stream.linear.scatter [tilespmem:s15], [sflag:$0x4], $0x2800, $0x38;
	[tilespmem:$0x1E700] =	vst v63  }
0x3e: {  	_ =	swait.ge [sflag:s16], $0x2800  }
0x3f: {  	[sflag:s16] =	ssyncset.done $0x0  }
0x40: {  	s19 =	rddreg [dreg:$0x1f];
	[sflag:s16] =	ssyncadd.s32 $0xFFFFD800  }
0x41: {  	[tilespmem:s15], [sflag:$0x4] =	stream.linear.gather [spmem:s19], $0x2800, $0x38;
	[tilespmem:$0x1E700] =	vst v63  }
0x42: {  	_ =	swait.ge [sflag:s16], $0x2800  }
0x43: {  	[sflag:s16] =	ssyncset.done $0x0  }
0x44: {  	s26 =	rddreg [dreg:$0x11];
	[sflag:s16] =	ssyncadd.s32 $0xFFFFD800  }
0x45: {  	[hbm4b:s26+s1] =	stream.linear.scatter [tilespmem:s15], [sflag:$0x4], $0x2800, $0x38;
	[tilespmem:$0x1E700] =	vst v63  }
0x46: {  	_ =	swait.ge [sflag:s16], $0x2800  }
0x47: {  	s5 =	sld [smem:$0x7F4]  }
0x48: {  	[sflag:s16] =	ssyncset.done $0x0  }
0x49: {  	[sflag:s16] =	ssyncadd.s32 $0xFFFFD800  }
0x4a: {  	[tilespmem:s15], [sflag:$0x4] =	stream.linear.gather [spmem:s5], $0x2800, $0x38;
	[tilespmem:$0x1E700] =	vst v63  }
0x4b: {  	_ =	swait.ge [sflag:s16], $0x2800  }
0x4c: {  	[sflag:s16] =	ssyncset.done $0x0  }
0x4d: {  	s13 =	rddreg [dreg:$0x12];
	[sflag:s16] =	ssyncadd.s32 $0xFFFFD800  }
0x4e: {  	[hbm4b:s13+s1] =	stream.linear.scatter [tilespmem:s15], [sflag:$0x4], $0x2800, $0x38;
	[tilespmem:$0x1E700] =	vst v63  }
0x4f: {  	_ =	swait.ge [sflag:s16], $0x2800  }
0x50: {  	s19 =	sld [smem:$0x7F5]  }
0x51: {  	[sflag:s16] =	ssyncset.done $0x0  }
0x52: {  	[sflag:s16] =	ssyncadd.s32 $0xFFFFD800  }
0x53: {  	[tilespmem:s15], [sflag:$0x4] =	stream.linear.gather [spmem:s19], $0x2800, $0x38;
	[tilespmem:$0x1E700] =	vst v63  }
0x54: {  	_ =	swait.ge [sflag:s16], $0x2800  }
0x55: {  	[sflag:s16] =	ssyncset.done $0x0  }
0x56: {  	s26 =	rddreg [dreg:$0x13];
	[sflag:s16] =	ssyncadd.s32 $0xFFFFD800  }
0x57: {  	[hbm4b:s26+s1] =	stream.linear.scatter [tilespmem:s15], [sflag:$0x4], $0x2800, $0x38;
	[tilespmem:$0x1E700] =	vst v63  }
0x58: {  	_ =	swait.ge [sflag:s16], $0x2800  }
0x59: {  	s5 =	sld [smem:$0x7F6]  }
0x5a: {  	[sflag:s16] =	ssyncset.done $0x0  }
0x5b: {  	[sflag:s16] =	ssyncadd.s32 $0xFFFFD800  }
0x5c: {  	[tilespmem:s15], [sflag:$0x4] =	stream.linear.gather [spmem:s5], $0x2800, $0x38;
	[tilespmem:$0x1E700] =	vst v63  }
0x5d: {  	_ =	swait.ge [sflag:s16], $0x2800  }
0x5e: {  	[sflag:s16] =	ssyncset.done $0x0  }
0x5f: {  	s13 =	rddreg [dreg:$0x14];
	[sflag:s16] =	ssyncadd.s32 $0xFFFFD800  }
0x60: {  	[hbm4b:s13+s1] =	stream.linear.scatter [tilespmem:s15], [sflag:$0x4], $0x2800, $0x38;
	[tilespmem:$0x1E700] =	vst v63  }
0x61: {  	_ =	swait.ge [sflag:s16], $0x2800  }
0x62: {  	s19 =	sld [smem:$0x7F7]  }
0x63: {  	[sflag:s16] =	ssyncset.done $0x0  }
0x64: {  	[sflag:s16] =	ssyncadd.s32 $0xFFFFD800  }
0x65: {  	[tilespmem:s15], [sflag:$0x4] =	stream.linear.gather [spmem:s19], $0x2800, $0x38;
	[tilespmem:$0x1E700] =	vst v63  }
0x66: {  	_ =	swait.ge [sflag:s16], $0x2800  }
0x67: {  	[sflag:s16] =	ssyncset.done $0x0  }
0x68: {  	s26 =	rddreg [dreg:$0x15];
	[sflag:s16] =	ssyncadd.s32 $0xFFFFD800  }
0x69: {  	[hbm4b:s26+s1] =	stream.linear.scatter [tilespmem:s15], [sflag:$0x4], $0x2800, $0x38;
	[tilespmem:$0x1E700] =	vst v63  }
0x6a: {  	_ =	swait.ge [sflag:s16], $0x2800  }
0x6b: {  	s5 =	sld [smem:$0x7F8]  }
0x6c: {  	[sflag:s16] =	ssyncset.done $0x0  }
0x6d: {  	[sflag:s16] =	ssyncadd.s32 $0xFFFFD800  }
0x6e: {  	[tilespmem:s15], [sflag:$0x4] =	stream.linear.gather [spmem:s5], $0x2800, $0x38;
	[tilespmem:$0x1E700] =	vst v63  }
0x6f: {  	_ =	swait.ge [sflag:s16], $0x2800  }
0x70: {  	[sflag:s16] =	ssyncset.done $0x0  }
0x71: {  	s13 =	rddreg [dreg:$0x16];
	[sflag:s16] =	ssyncadd.s32 $0xFFFFD800  }
0x72: {  	[hbm4b:s13+s1] =	stream.linear.scatter [tilespmem:s15], [sflag:$0x4], $0x2800, $0x38;
	[tilespmem:$0x1E700] =	vst v63  }
0x73: {  	_ =	swait.ge [sflag:s16], $0x2800  }
0x74: {  	s19 =	sld [smem:$0x7F9]  }
0x75: {  	[sflag:s16] =	ssyncset.done $0x0  }
0x76: {  	[sflag:s16] =	ssyncadd.s32 $0xFFFFD800  }
0x77: {  	[tilespmem:s15], [sflag:$0x4] =	stream.linear.gather [spmem:s19], $0x2800, $0x38;
	[tilespmem:$0x1E700] =	vst v63  }
0x78: {  	_ =	swait.ge [sflag:s16], $0x2800  }
0x79: {  	[sflag:s16] =	ssyncset.done $0x0  }
0x7a: {  	s26 =	rddreg [dreg:$0x17];
	[sflag:s16] =	ssyncadd.s32 $0xFFFFD800  }
0x7b: {  	[hbm4b:s26+s1] =	stream.linear.scatter [tilespmem:s15], [sflag:$0x4], $0x2800, $0x38;
	[tilespmem:$0x1E700] =	vst v63  }
0x7c: {  	_ =	swait.ge [sflag:s16], $0x2800  }
0x7d: {  	s5 =	sld [smem:$0x7FD]  }
0x7e: {  	[sflag:s16] =	ssyncset.done $0x0  }
0x7f: {  	s3 =	simm.s32 @p2 $0x780;
	[sflag:s16] =	ssyncadd.s32 $0xFFFFD800  }
0x80: {  	[tilespmem:s3], [sflag:$0x4] =	stream.linear.gather @p2 [spmem:s5], $0xA00, $0x38;
	[tilespmem:$0x1E700] =	vst v63  }
0x81: {  	s5 =	simm.s32 @p2 $0x4  }
0x82: {  	_ =	swait.ge @p2 [sflag:s5], $0xA00  }
0x83: {  	[sflag:s5] =	ssyncset.done @p2 $0x0  }
0x84: {  	s13 =	simm.s32 @p2 $0x0;
	s19 =	rddreg [dreg:$0x1b];
	[sflag:s5] =	ssyncadd.s32 @p2 $0xFFFFF600  }
0x85: {  	[hbm4b:s19+s13] =	stream.linear.scatter @p2 [tilespmem:s3], [sflag:$0x4], $0xA00, $0x38;
	[tilespmem:$0x1E700] =	vst v63  }
0x86: {  	_ =	swait.ge @p2 [sflag:s5], $0xA00  }
0x87: {  	[sflag:s5] =	ssyncset.done @p2 $0x0  }
0x88: {  	s3 =	simm.s32 @!p2 $0x780;
	[sflag:s5] =	ssyncadd.s32 @p2 $0xFFFFF600;
	s5 =	rddreg [dreg:$0x18]  }
0x89: {  	[tilespmem:s3], [sflag:$0x4] =	stream.linear.gather @!p2 [spmem:s5], $0x2000, $0x38;
	[tilespmem:$0x1E700] =	vst v63  }
0x8a: {  	s5 =	simm.s32 @!p2 $0x4  }
0x8b: {  	_ =	swait.ge @!p2 [sflag:s5], $0x2000  }
0x8c: {  	[sflag:s5] =	ssyncset.done @!p2 $0x0  }
0x8d: {  	s13 =	simm.s32 @!p2 $0x0;
	s19 =	rddreg [dreg:$0x5];
	[sflag:s5] =	ssyncadd.s32 @!p2 $0xFFFFE000  }
0x8e: {  	[hbm4b:s19+s13] =	stream.linear.scatter @!p2 [tilespmem:s3], [sflag:$0x4], $0x2000, $0x38;
	[tilespmem:$0x1E700] =	vst v63  }
0x8f: {  	_ =	swait.ge @!p2 [sflag:s5], $0x2000  }
0x90: {  	[sflag:s5] =	ssyncset.done @!p2 $0x0  }
0x91: {  	[sflag:s5] =	ssyncadd.s32 @!p2 $0xFFFFE000;
	s5 =	sld [smem:$0x7F3]  }
.LBB2_18:
0x92: {  	_ =	sdelay $0x1  }
0x93: {  	s3 =	rddreg [dreg:$0x1c];
	s5 =	sadd.s32 $0x1, s5  }
0x94: {  	p3 =	sne.s32 s5, s3  }
.Ltmp1:
0x95: {  	_ = 	snop;
	(pc) =	sbr.rel @!p3 .LBB2_19-.Ltmp1, $1  }
0x96: {  	_ =	sdelay $0x3  }
.LBB2_1:
0x97: {  	[smem:$0x7F3] =	sst s5;
	s3 =	simm.s32 $0x0  }
.LBB2_2:
0x98: {  	p3 =	sne.s32 s3, $0x9FC0  }
.Ltmp2:
0x99: {  	_ = 	snop;
	(pc) =	sbr.rel @p3 .LBB2_2-.Ltmp2, $4  }
0x9a: {  	_ = 	snop  }
0x9b: {  	s5 =	sshra.s32 s3, $0x2  }
0x9c: {  	[tilespmem:s5+$0x780] =	vst v1  }
0x9d: {  	s3 =	sadd.s32 $0x40, s3;
	[tilespmem:s5+$0x3700] =	vst v1  }
0x9e: {  	s3 =	simm.s32 $0x0  }
0x9f: {  	s5 =	sand.u32 $0x70, s3  }
0xa0: {  	s3 =	simm.s32 $0x280;
	v3 =	vadd.s32 s5, v2  }
0xa1: {  	s5 =	simm.s32 $0x3200;
	[tilespmem:s3+$0x0] =	vst v3  }
0xa2: {  	s13 =	simm.s32 $0x10;
	[tilespmem:s5+$0x0] =	vst v3  }
.LBB2_4:
0xa3: {  	p3 =	sne.s32 s13, $0x270  }
.Ltmp3:
0xa4: {  	_ = 	snop;
	(pc) =	sbr.rel @p3 .LBB2_4-.Ltmp3, $4  }
0xa5: {  	s26 =	sand.u32 $0x70, s13  }
0xa6: {  	s3 =	sadd.s32 $0x10, s3;
	v3 =	vadd.s32 s26, v2  }
0xa7: {  	s5 =	sadd.s32 $0x10, s5;
	[tilespmem:s3+$0x0] =	vst v3  }
0xa8: {  	s13 =	sadd.s32 $0x10, s13;
	[tilespmem:s5+$0x0] =	vst v3  }
0xa9: {  	s3 =	rddreg [dreg:$0x1d]  }
0xaa: {  	[spmem:s3] =	stream.linear.scatter [tilespmem:s15], [sflag:$0x4], $0x2800, $0x38;
	[tilespmem:$0x1E700] =	vst v63  }
0xab: {  	_ =	swait.ge [sflag:s16], $0x2800  }
0xac: {  	[sflag:s16] =	ssyncset.done $0x0  }
0xad: {  	s13 =	rddreg [dreg:$0x1e];
	[sflag:s16] =	ssyncadd.s32 $0xFFFFD800  }
0xae: {  	[spmem:s13] =	stream.linear.scatter [tilespmem:s15], [sflag:$0x4], $0x2800, $0x38;
	[tilespmem:$0x1E700] =	vst v63  }
0xaf: {  	_ =	swait.ge [sflag:s16], $0x2800  }
0xb0: {  	[sflag:s16] =	ssyncset.done $0x0  }
0xb1: {  	s19 =	rddreg [dreg:$0x1f];
	[sflag:s16] =	ssyncadd.s32 $0xFFFFD800  }
0xb2: {  	[spmem:s19] =	stream.linear.scatter [tilespmem:s15], [sflag:$0x4], $0x2800, $0x38;
	[tilespmem:$0x1E700] =	vst v63  }
0xb3: {  	_ =	swait.ge [sflag:s16], $0x2800  }
0xb4: {  	s26 =	sld [smem:$0x7F4]  }
0xb5: {  	[sflag:s16] =	ssyncset.done $0x0  }
0xb6: {  	[sflag:s16] =	ssyncadd.s32 $0xFFFFD800  }
0xb7: {  	[spmem:s26] =	stream.linear.scatter [tilespmem:s15], [sflag:$0x4], $0x2800, $0x38;
	[tilespmem:$0x1E700] =	vst v63  }
0xb8: {  	_ =	swait.ge [sflag:s16], $0x2800  }
0xb9: {  	s5 =	sld [smem:$0x7F5]  }
0xba: {  	[sflag:s16] =	ssyncset.done $0x0  }
0xbb: {  	[sflag:s16] =	ssyncadd.s32 $0xFFFFD800  }
0xbc: {  	[spmem:s5] =	stream.linear.scatter [tilespmem:s15], [sflag:$0x4], $0x2800, $0x38;
	[tilespmem:$0x1E700] =	vst v63  }
0xbd: {  	_ =	swait.ge [sflag:s16], $0x2800  }
0xbe: {  	s13 =	sld [smem:$0x7F6]  }
0xbf: {  	[sflag:s16] =	ssyncset.done $0x0  }
0xc0: {  	[sflag:s16] =	ssyncadd.s32 $0xFFFFD800  }
0xc1: {  	[spmem:s13] =	stream.linear.scatter [tilespmem:s15], [sflag:$0x4], $0x2800, $0x38;
	[tilespmem:$0x1E700] =	vst v63  }
0xc2: {  	_ =	swait.ge [sflag:s16], $0x2800  }
0xc3: {  	s19 =	sld [smem:$0x7F7]  }
0xc4: {  	[sflag:s16] =	ssyncset.done $0x0  }
0xc5: {  	[sflag:s16] =	ssyncadd.s32 $0xFFFFD800  }
0xc6: {  	[spmem:s19] =	stream.linear.scatter [tilespmem:s15], [sflag:$0x4], $0x2800, $0x38;
	[tilespmem:$0x1E700] =	vst v63  }
0xc7: {  	_ =	swait.ge [sflag:s16], $0x2800  }
0xc8: {  	s26 =	sld [smem:$0x7F8]  }
0xc9: {  	[sflag:s16] =	ssyncset.done $0x0  }
0xca: {  	[sflag:s16] =	ssyncadd.s32 $0xFFFFD800  }
0xcb: {  	[spmem:s26] =	stream.linear.scatter [tilespmem:s15], [sflag:$0x4], $0x2800, $0x38;
	[tilespmem:$0x1E700] =	vst v63  }
0xcc: {  	_ =	swait.ge [sflag:s16], $0x2800  }
0xcd: {  	s5 =	sld [smem:$0x7F9]  }
0xce: {  	[sflag:s16] =	ssyncset.done $0x0  }
0xcf: {  	[sflag:s16] =	ssyncadd.s32 $0xFFFFD800  }
0xd0: {  	[spmem:s5] =	stream.linear.scatter [tilespmem:s15], [sflag:$0x4], $0x2800, $0x38;
	[tilespmem:$0x1E700] =	vst v63  }
0xd1: {  	_ =	swait.ge [sflag:s16], $0x2800  }
0xd2: {  	[sflag:s16] =	ssyncset.done $0x0  }
0xd3: {  	s13 =	rddreg [dreg:$0x18];
	[sflag:s16] =	ssyncadd.s32 $0xFFFFD800  }
0xd4: {  	[spmem:s13] =	stream.linear.scatter [tilespmem:s15], [sflag:$0x4], $0x2000, $0x38;
	[tilespmem:$0x1E700] =	vst v63  }
0xd5: {  	_ =	swait.ge [sflag:s16], $0x2000  }
0xd6: {  	[sflag:s16] =	ssyncset.done $0x0  }
0xd7: {  	[sflag:s16] =	ssyncadd.s32 $0xFFFFE000  }
0xd8: {  	[bflag:$0x0] =	sbarrier.arrive $0xFFFF  }
0xd9: {  	s5 =	rddreg [dreg:$0x19]  }
0xda: {  	s3 =	simm.s32 $0x0;
	s19 =	sld [smem:$0x7FA]  }
0xdb: {  	[tilespmem:s3], [sflag:$0x1] =	stream.linear.gather [hbm4b:s5+s3], $0x280, $0x38;
	[tilespmem:$0x1E700] =	vst v63  }
0xdc: {  	_ = 	snop  }
0xdd: {  	[tilespmem:s17], [sflag:$0x1] =	stream.linear.gather [hbm4b:s19+s3], $0x280, $0x38;
	[tilespmem:$0x1E700] =	vst v63  }
0xde: {  	_ = 	snop  }
0xdf: {  	[spmem:s22] =	stream.indirect.scatter.add.f32 [tilespmem:s23], [sflag:$0x3], $0x10, s21, s18, $0xb8;
	[tilespmem:$0x1E700] =	vst v63  }
0xe0: {  	s26 =	simm.s32 $0x3280  }
0xe1: {  	[spmem:s22] =	stream.indirect.scatter.add.f32 [tilespmem:s29], [sflag:$0x3], $0x10, s26, s18, $0xb8;
	[tilespmem:$0x1E700] =	vst v63  }
0xe2: {  	s13 =	simm.s32 $0x3300  }
0xe3: {  	[spmem:s22] =	stream.indirect.scatter.add.f32 [tilespmem:s12], [sflag:$0x3], $0x10, s13, s18, $0xb8;
	[tilespmem:$0x1E700] =	vst v63  }
0xe4: {  	s19 =	simm.s32 $0x3380  }
0xe5: {  	[spmem:s22] =	stream.indirect.scatter.add.f32 [tilespmem:s31], [sflag:$0x3], $0x10, s19, s18, $0xb8;
	[tilespmem:$0x1E700] =	vst v63  }
0xe6: {  	s26 =	simm.s32 $0x3400  }
0xe7: {  	[spmem:s22] =	stream.indirect.scatter.add.f32 [tilespmem:s14], [sflag:$0x3], $0x10, s26, s18, $0xb8;
	[tilespmem:$0x1E700] =	vst v63  }
.LBB2_6:
0xe8: {  	_ =	swait.ge [sflag:s28], $0x280  }
0xe9: {  	[sflag:s28] =	ssyncset.done $0x0  }
0xea: {  	[sflag:s28] =	ssyncadd.s32 $0xFFFFFD80  }
0xeb: {  	_ =	swait.ge [sflag:s28], $0x280  }
0xec: {  	[sflag:s28] =	ssyncset.done $0x0  }
0xed: {  	s5 =	simm.s32 $0x0;
	[sflag:s28] =	ssyncadd.s32 $0xFFFFFD80  }
0xee: {  	v3 =	vld [tilespmem:s5+$0x0]  }
0xef: {  	s13 =	simm.s32 $0x40  }
.LBB2_7:
0xf0: {  	p3 =	sne.s32 s13, $0x9C0  }
.Ltmp4:
0xf1: {  	_ = 	snop;
	(pc) =	sbr.rel @p3 .LBB2_7-.Ltmp4, $4  }
0xf2: {  	_ = 	snop  }
0xf3: {  	s26 =	sshra.s32 s13, $0x2;
	s13 =	sadd.s32 $0x40, s13;
	v4 =	vshll.u32 v3, $0x1  }
0xf4: {  	v3 =	vld [tilespmem:s26+$0x0];
	v4 =	vor.u32 v0, v4  }
0xf5: {  	[tilespmem:s5+$0x500] =	vst v4;
	s5 =	smov.u32 s26  }
0xf6: {  	_ =	sdelay $0x2  }
0xf7: {  	v3 =	vshll.u32 v3, $0x1  }
0xf8: {  	v3 =	vor.u32 v0, v3  }
0xf9: {  	s13 =	simm.s32 $0x500;
	[tilespmem:s5+$0x500] =	vst v3  }
0xfa: {  	[tilespmem:s15], [sflag:$0x2] =	stream.indirect.gather [hbm4b:s20+s18], $0x10, s13, s18, $0xb8;
	[tilespmem:$0x1E700] =	vst v63  }
0xfb: {  	s19 =	simm.s32 $0x580  }
0xfc: {  	[tilespmem:s2], [sflag:$0x2] =	stream.indirect.gather [hbm4b:s20+s18], $0x10, s19, s18, $0xb8;
	[tilespmem:$0x1E700] =	vst v63  }
0xfd: {  	s26 =	simm.s32 $0x600  }
0xfe: {  	[tilespmem:s4], [sflag:$0x2] =	stream.indirect.gather [hbm4b:s20+s18], $0x10, s26, s18, $0xb8;
	[tilespmem:$0x1E700] =	vst v63  }
0xff: {  	s13 =	simm.s32 $0x680  }
0x100: {  	[tilespmem:s6], [sflag:$0x2] =	stream.indirect.gather [hbm4b:s20+s18], $0x10, s13, s18, $0xb8;
	[tilespmem:$0x1E700] =	vst v63  }
0x101: {  	s19 =	simm.s32 $0x700  }
0x102: {  	[tilespmem:s8], [sflag:$0x2] =	stream.indirect.gather [hbm4b:s20+s18], $0x10, s19, s18, $0xb8;
	[tilespmem:$0x1E700] =	vst v63  }
0x103: {  	_ =	swait.ge [sflag:s9], $0x800  }
0x104: {  	[sflag:s9] =	ssyncset.done $0x0  }
0x105: {  	[sflag:s9] =	ssyncadd.s32 $0xFFFFF800  }
0x106: {  	_ =	swait.ge [sflag:s9], $0x800  }
0x107: {  	[sflag:s9] =	ssyncset.done $0x0  }
0x108: {  	[sflag:s9] =	ssyncadd.s32 $0xFFFFF800  }
0x109: {  	_ =	swait.ge [sflag:s9], $0x800  }
0x10a: {  	[sflag:s9] =	ssyncset.done $0x0  }
0x10b: {  	s26 =	sshll.u32 s3, $0x5;
	s13 =	stileid.u32;
	[sflag:s9] =	ssyncadd.s32 $0xFFFFF800  }
0x10c: {  	s5 =	sor.u32 s13, s26;
	_ =	swait.ge [sflag:s9], $0x800  }
0x10d: {  	s5 =	smul.u32 $0x280, s5;
	[sflag:s9] =	ssyncset.done $0x0  }
0x10e: {  	[sflag:s9] =	ssyncadd.s32 $0xFFFFF800  }
0x10f: {  	s5 =	sshrl.u32 s5, $0x3;
	_ =	swait.ge [sflag:s9], $0x800  }
0x110: {  	s26 =	simm.s32 $0x0;
	s5 =	sadd.s32 s25, s5;
	[sflag:s9] =	ssyncset.done $0x0  }
0x111: {  	s19 =	simm.s32 $0x2F80;
	s13 =	sadd.s32 $0x500, s5;
	[sflag:s9] =	ssyncadd.s32 $0xFFFFF800  }
0x112: {  	[tilespmem:s19], [sflag:$0x1] =	stream.linear.gather [hbm4b:s13+s26], $0x280, $0x38;
	[tilespmem:$0x1E700] =	vst v63  }
0x113: {  	s5 =	sadd.s32 $0x31240, s5  }
0x114: {  	[tilespmem:s21], [sflag:$0x1] =	stream.linear.gather [hbm4b:s5+s26], $0x280, $0x38;
	[tilespmem:$0x1E700] =	vst v63  }
0x115: {  	_ =	swait.ge [sflag:s24], $0x800  }
0x116: {  	[sflag:s24] =	ssyncset.done $0x0  }
0x117: {  	[sflag:s24] =	ssyncadd.s32 $0xFFFFF800  }
0x118: {  	_ =	swait.ge [sflag:s24], $0x800  }
0x119: {  	[sflag:s24] =	ssyncset.done $0x0  }
0x11a: {  	[sflag:s24] =	ssyncadd.s32 $0xFFFFF800  }
0x11b: {  	_ =	swait.ge [sflag:s24], $0x800  }
0x11c: {  	[sflag:s24] =	ssyncset.done $0x0  }
0x11d: {  	[sflag:s24] =	ssyncadd.s32 $0xFFFFF800  }
0x11e: {  	_ =	swait.ge [sflag:s24], $0x800  }
0x11f: {  	[sflag:s24] =	ssyncset.done $0x0  }
0x120: {  	[sflag:s24] =	ssyncadd.s32 $0xFFFFF800  }
0x121: {  	_ =	swait.ge [sflag:s24], $0x800  }
0x122: {  	[sflag:s24] =	ssyncset.done $0x0  }
0x123: {  	[sflag:s24] =	ssyncadd.s32 $0xFFFFF800  }
0x124: {  	[spmem:s22] =	stream.indirect.scatter.add.f32 [tilespmem:s15], [sflag:$0x3], $0x10, s17, s18, $0xb8;
	[tilespmem:$0x1E700] =	vst v63  }
0x125: {  	s19 =	simm.s32 $0x300  }
0x126: {  	[spmem:s22] =	stream.indirect.scatter.add.f32 [tilespmem:s2], [sflag:$0x3], $0x10, s19, s18, $0xb8;
	[tilespmem:$0x1E700] =	vst v63  }
0x127: {  	s26 =	simm.s32 $0x380  }
0x128: {  	[spmem:s22] =	stream.indirect.scatter.add.f32 [tilespmem:s4], [sflag:$0x3], $0x10, s26, s18, $0xb8;
	[tilespmem:$0x1E700] =	vst v63  }
0x129: {  	_ = 	snop  }
0x12a: {  	[spmem:s22] =	stream.indirect.scatter.add.f32 [tilespmem:s6], [sflag:$0x3], $0x10, s0, s18, $0xb8;
	[tilespmem:$0x1E700] =	vst v63  }
0x12b: {  	_ = 	snop  }
0x12c: {  	[spmem:s22] =	stream.indirect.scatter.add.f32 [tilespmem:s8], [sflag:$0x3], $0x10, s30, s18, $0xb8;
	[tilespmem:$0x1E700] =	vst v63  }
0x12d: {  	_ =	swait.ge [sflag:s28], $0x280  }
0x12e: {  	[sflag:s28] =	ssyncset.done $0x0  }
0x12f: {  	[sflag:s28] =	ssyncadd.s32 $0xFFFFFD80  }
0x130: {  	_ =	swait.ge [sflag:s28], $0x280  }
0x131: {  	[sflag:s28] =	ssyncset.done $0x0  }
0x132: {  	s5 =	simm.s32 $0x0;
	[sflag:s28] =	ssyncadd.s32 $0xFFFFFD80  }
0x133: {  	v3 =	vld [tilespmem:s5+$0x2F80]  }
0x134: {  	s13 =	sshll.u32 s3, $0x1;
	s26 =	simm.s32 $0x40  }
.LBB2_9:
0x135: {  	p3 =	sne.s32 s26, $0x9C0  }
.Ltmp5:
0x136: {  	_ = 	snop;
	(pc) =	sbr.rel @p3 .LBB2_9-.Ltmp5, $4  }
0x137: {  	_ = 	snop  }
0x138: {  	s19 =	sshra.s32 s26, $0x2;
	s26 =	sadd.s32 $0x40, s26;
	v4 =	vshll.u32 v3, $0x1  }
0x139: {  	v3 =	vld [tilespmem:s19+$0x2F80];
	v4 =	vor.u32 v0, v4  }
0x13a: {  	[tilespmem:s5+$0x3480] =	vst v4;
	s5 =	smov.u32 s19  }
0x13b: {  	_ =	sdelay $0x2  }
0x13c: {  	v3 =	vshll.u32 v3, $0x1  }
0x13d: {  	v3 =	vor.u32 v0, v3  }
0x13e: {  	s26 =	simm.s32 $0x3480;
	[tilespmem:s5+$0x3480] =	vst v3  }
0x13f: {  	[tilespmem:s23], [sflag:$0x2] =	stream.indirect.gather [hbm4b:s20+s18], $0x10, s26, s18, $0xb8;
	[tilespmem:$0x1E700] =	vst v63  }
0x140: {  	s19 =	simm.s32 $0x3500  }
0x141: {  	[tilespmem:s29], [sflag:$0x2] =	stream.indirect.gather [hbm4b:s20+s18], $0x10, s19, s18, $0xb8;
	[tilespmem:$0x1E700] =	vst v63  }
0x142: {  	s26 =	simm.s32 $0x3580  }
0x143: {  	[tilespmem:s12], [sflag:$0x2] =	stream.indirect.gather [hbm4b:s20+s18], $0x10, s26, s18, $0xb8;
	[tilespmem:$0x1E700] =	vst v63  }
0x144: {  	_ = 	snop  }
0x145: {  	[tilespmem:s31], [sflag:$0x2] =	stream.indirect.gather [hbm4b:s20+s18], $0x10, s10, s18, $0xb8;
	[tilespmem:$0x1E700] =	vst v63  }
0x146: {  	_ = 	snop  }
0x147: {  	[tilespmem:s14], [sflag:$0x2] =	stream.indirect.gather [hbm4b:s20+s18], $0x10, s7, s18, $0xb8;
	[tilespmem:$0x1E700] =	vst v63  }
0x148: {  	_ =	swait.ge [sflag:s9], $0x800  }
0x149: {  	[sflag:s9] =	ssyncset.done $0x0  }
0x14a: {  	[sflag:s9] =	ssyncadd.s32 $0xFFFFF800  }
0x14b: {  	_ =	swait.ge [sflag:s9], $0x800  }
0x14c: {  	[sflag:s9] =	ssyncset.done $0x0  }
0x14d: {  	[sflag:s9] =	ssyncadd.s32 $0xFFFFF800  }
0x14e: {  	_ =	swait.ge [sflag:s9], $0x800  }
0x14f: {  	[sflag:s9] =	ssyncset.done $0x0  }
0x150: {  	s19 =	smin.u32 s13, $0x99;
	[sflag:s9] =	ssyncadd.s32 $0xFFFFF800  }
0x151: {  	s5 =	sshll.u32 s19, $0x4;
	_ =	swait.ge [sflag:s9], $0x800  }
0x152: {  	s5 =	sadd.s32 s11, s5;
	[sflag:s9] =	ssyncset.done $0x0  }
0x153: {  	s5 =	smul.u32 $0x280, s5;
	[sflag:s9] =	ssyncadd.s32 $0xFFFFF800  }
0x154: {  	_ =	swait.ge [sflag:s9], $0x800  }
0x155: {  	s5 =	sshrl.u32 s5, $0x3;
	[sflag:s9] =	ssyncset.done $0x0  }
0x156: {  	s5 =	sadd.s32 s25, s5;
	[sflag:s9] =	ssyncadd.s32 $0xFFFFF800  }
0x157: {  	[tilespmem:s1], [sflag:$0x1] =	stream.linear.gather [hbm4b:s5+s1], $0x280, $0x38;
	[tilespmem:$0x1E700] =	vst v63  }
0x158: {  	s5 =	sadd.s32 $0x30D40, s5  }
0x159: {  	[tilespmem:s17], [sflag:$0x1] =	stream.linear.gather [hbm4b:s5+s1], $0x280, $0x38;
	[tilespmem:$0x1E700] =	vst v63  }
0x15a: {  	_ =	swait.ge [sflag:s24], $0x800  }
0x15b: {  	[sflag:s24] =	ssyncset.done $0x0  }
0x15c: {  	[sflag:s24] =	ssyncadd.s32 $0xFFFFF800  }
0x15d: {  	_ =	swait.ge [sflag:s24], $0x800  }
0x15e: {  	[sflag:s24] =	ssyncset.done $0x0  }
0x15f: {  	[sflag:s24] =	ssyncadd.s32 $0xFFFFF800  }
0x160: {  	_ =	swait.ge [sflag:s24], $0x800  }
0x161: {  	[sflag:s24] =	ssyncset.done $0x0  }
0x162: {  	[sflag:s24] =	ssyncadd.s32 $0xFFFFF800  }
0x163: {  	_ =	swait.ge [sflag:s24], $0x800  }
0x164: {  	[sflag:s24] =	ssyncset.done $0x0  }
0x165: {  	[sflag:s24] =	ssyncadd.s32 $0xFFFFF800  }
0x166: {  	_ =	swait.ge [sflag:s24], $0x800  }
0x167: {  	[sflag:s24] =	ssyncset.done $0x0  }
0x168: {  	[sflag:s24] =	ssyncadd.s32 $0xFFFFF800  }
0x169: {  	[spmem:s22] =	stream.indirect.scatter.add.f32 [tilespmem:s23], [sflag:$0x3], $0x10, s21, s18, $0xb8;
	[tilespmem:$0x1E700] =	vst v63  }
0x16a: {  	s3 =	sadd.s32 $0x1, s3;
	s26 =	simm.s32 $0x3280  }
0x16b: {  	[spmem:s22] =	stream.indirect.scatter.add.f32 [tilespmem:s29], [sflag:$0x3], $0x10, s26, s18, $0xb8;
	[tilespmem:$0x1E700] =	vst v63  }
0x16c: {  	p3 =	sne.s32 s3, $0x4E;
	s13 =	simm.s32 $0x3300  }
0x16d: {  	[spmem:s22] =	stream.indirect.scatter.add.f32 [tilespmem:s12], [sflag:$0x3], $0x10, s13, s18, $0xb8;
	[tilespmem:$0x1E700] =	vst v63  }
.Ltmp6:
0x16e: {  	_ = 	snop;
	(pc) =	sbr.rel @p3 .LBB2_6-.Ltmp6, $4  }
0x16f: {  	s19 =	simm.s32 $0x3380  }
0x170: {  	[spmem:s22] =	stream.indirect.scatter.add.f32 [tilespmem:s31], [sflag:$0x3], $0x10, s19, s18, $0xb8;
	[tilespmem:$0x1E700] =	vst v63  }
0x171: {  	s26 =	simm.s32 $0x3400  }
0x172: {  	[spmem:s22] =	stream.indirect.scatter.add.f32 [tilespmem:s14], [sflag:$0x3], $0x10, s26, s18, $0xb8;
	[tilespmem:$0x1E700] =	vst v63  }
0x173: {  	_ =	swait.ge [sflag:s9], $0x800  }
0x174: {  	[sflag:s9] =	ssyncset.done $0x0  }
0x175: {  	[sflag:s9] =	ssyncadd.s32 $0xFFFFF800  }
0x176: {  	_ =	swait.ge [sflag:s9], $0x800  }
0x177: {  	[sflag:s9] =	ssyncset.done $0x0  }
0x178: {  	[sflag:s9] =	ssyncadd.s32 $0xFFFFF800  }
0x179: {  	_ =	swait.ge [sflag:s9], $0x800  }
0x17a: {  	[sflag:s9] =	ssyncset.done $0x0  }
0x17b: {  	[sflag:s9] =	ssyncadd.s32 $0xFFFFF800  }
0x17c: {  	_ =	swait.ge [sflag:s9], $0x800  }
0x17d: {  	[sflag:s9] =	ssyncset.done $0x0  }
0x17e: {  	[sflag:s9] =	ssyncadd.s32 $0xFFFFF800  }
0x17f: {  	_ =	swait.ge [sflag:s9], $0x800  }
0x180: {  	[sflag:s9] =	ssyncset.done $0x0  }
0x181: {  	[sflag:s9] =	ssyncadd.s32 $0xFFFFF800  }
0x182: {  	_ =	swait.ge [sflag:s28], $0x280  }
.Ltmp7:
0x183: {  	[sflag:s28] =	ssyncset.done $0x0;
	(pc) =	sbr.rel @p1 .LBB2_15-.Ltmp7, $4  }
0x184: {  	[sflag:s28] =	ssyncadd.s32 $0xFFFFFD80  }
0x185: {  	_ =	swait.ge [sflag:s28], $0x280  }
0x186: {  	[sflag:s28] =	ssyncset.done $0x0  }
0x187: {  	[sflag:s28] =	ssyncadd.s32 $0xFFFFFD80  }
0x188: {  	s5 =	sld [smem:$0x7FB];
	_ =	sdelay $0x1  }
0x189: {  	s3 =	simm.s32 $0x0  }
0x18a: {  	[tilespmem:s3], [sflag:$0x4] =	stream.linear.gather [hbm4b:s5+s3], $0x280, $0x38;
	[tilespmem:$0x1E700] =	vst v63  }
0x18b: {  	_ =	swait.ge [sflag:s16], $0x280  }
0x18c: {  	s26 =	sld [smem:$0x7FC]  }
0x18d: {  	[sflag:s16] =	ssyncset.done $0x0  }
0x18e: {  	[sflag:s16] =	ssyncadd.s32 $0xFFFFFD80  }
0x18f: {  	[tilespmem:s17], [sflag:$0x4] =	stream.linear.gather [hbm4b:s26+s3], $0x280, $0x38;
	[tilespmem:$0x1E700] =	vst v63  }
0x190: {  	_ =	swait.ge [sflag:s16], $0x280  }
0x191: {  	[sflag:s16] =	ssyncset.done $0x0  }
0x192: {  	s3 =	simm.s32 $0x0;
	[sflag:s16] =	ssyncadd.s32 $0xFFFFFD80  }
0x193: {  	v3 =	vld [tilespmem:s3+$0x0]  }
0x194: {  	s5 =	simm.s32 $0x40  }
.LBB2_13:
0x195: {  	p3 =	sne.s32 s5, $0x9C0  }
.Ltmp8:
0x196: {  	_ = 	snop;
	(pc) =	sbr.rel @p3 .LBB2_13-.Ltmp8, $4  }
0x197: {  	_ = 	snop  }
0x198: {  	s13 =	sshra.s32 s5, $0x2;
	s5 =	sadd.s32 $0x40, s5;
	v4 =	vshll.u32 v3, $0x1  }
0x199: {  	v3 =	vld [tilespmem:s13+$0x0];
	v4 =	vor.u32 v0, v4  }
0x19a: {  	[tilespmem:s3+$0x500] =	vst v4;
	s3 =	smov.u32 s13  }
0x19b: {  	_ =	sdelay $0x2  }
0x19c: {  	v3 =	vshll.u32 v3, $0x1  }
0x19d: {  	v3 =	vor.u32 v0, v3  }
0x19e: {  	s13 =	simm.s32 $0x500;
	[tilespmem:s3+$0x500] =	vst v3  }
0x19f: {  	[tilespmem:s15], [sflag:$0x2] =	stream.indirect.gather [hbm4b:s20+s18], $0x10, s13, s18, $0xb8;
	[tilespmem:$0x1E700] =	vst v63  }
0x1a0: {  	s19 =	simm.s32 $0x580  }
0x1a1: {  	[tilespmem:s2], [sflag:$0x2] =	stream.indirect.gather [hbm4b:s20+s18], $0x10, s19, s18, $0xb8;
	[tilespmem:$0x1E700] =	vst v63  }
0x1a2: {  	s26 =	simm.s32 $0x600  }
0x1a3: {  	[tilespmem:s4], [sflag:$0x2] =	stream.indirect.gather [hbm4b:s20+s18], $0x10, s26, s18, $0xb8;
	[tilespmem:$0x1E700] =	vst v63  }
0x1a4: {  	s5 =	simm.s32 $0x680  }
0x1a5: {  	[tilespmem:s6], [sflag:$0x2] =	stream.indirect.gather [hbm4b:s20+s18], $0x10, s5, s18, $0xb8;
	[tilespmem:$0x1E700] =	vst v63  }
0x1a6: {  	s13 =	simm.s32 $0x700  }
0x1a7: {  	[tilespmem:s8], [sflag:$0x2] =	stream.indirect.gather [hbm4b:s20+s18], $0x10, s13, s18, $0xb8;
	[tilespmem:$0x1E700] =	vst v63  }
0x1a8: {  	_ =	swait.ge [sflag:s24], $0x800  }
0x1a9: {  	[sflag:s24] =	ssyncset.done $0x0  }
0x1aa: {  	[sflag:s24] =	ssyncadd.s32 $0xFFFFF800  }
0x1ab: {  	_ =	swait.ge [sflag:s24], $0x800  }
0x1ac: {  	[sflag:s24] =	ssyncset.done $0x0  }
0x1ad: {  	[sflag:s24] =	ssyncadd.s32 $0xFFFFF800  }
0x1ae: {  	_ =	swait.ge [sflag:s24], $0x800  }
0x1af: {  	[sflag:s24] =	ssyncset.done $0x0  }
0x1b0: {  	[sflag:s24] =	ssyncadd.s32 $0xFFFFF800  }
0x1b1: {  	_ =	swait.ge [sflag:s24], $0x800  }
0x1b2: {  	[sflag:s24] =	ssyncset.done $0x0  }
0x1b3: {  	[sflag:s24] =	ssyncadd.s32 $0xFFFFF800  }
0x1b4: {  	_ =	swait.ge [sflag:s24], $0x800  }
0x1b5: {  	[sflag:s24] =	ssyncset.done $0x0  }
0x1b6: {  	[sflag:s24] =	ssyncadd.s32 $0xFFFFF800  }
0x1b7: {  	[spmem:s22] =	stream.indirect.scatter.add.f32 [tilespmem:s15], [sflag:$0x3], $0x10, s17, s18, $0xb8;
	[tilespmem:$0x1E700] =	vst v63  }
0x1b8: {  	s19 =	simm.s32 $0x300  }
0x1b9: {  	[spmem:s22] =	stream.indirect.scatter.add.f32 [tilespmem:s2], [sflag:$0x3], $0x10, s19, s18, $0xb8;
	[tilespmem:$0x1E700] =	vst v63  }
0x1ba: {  	s26 =	simm.s32 $0x380  }
0x1bb: {  	[spmem:s22] =	stream.indirect.scatter.add.f32 [tilespmem:s4], [sflag:$0x3], $0x10, s26, s18, $0xb8;
	[tilespmem:$0x1E700] =	vst v63  }
0x1bc: {  	_ = 	snop  }
0x1bd: {  	[spmem:s22] =	stream.indirect.scatter.add.f32 [tilespmem:s6], [sflag:$0x3], $0x10, s0, s18, $0xb8;
	[tilespmem:$0x1E700] =	vst v63  }
0x1be: {  	_ = 	snop  }
0x1bf: {  	[spmem:s22] =	stream.indirect.scatter.add.f32 [tilespmem:s8], [sflag:$0x3], $0x10, s30, s18, $0xb8;
	[tilespmem:$0x1E700] =	vst v63  }
0x1c0: {  	_ =	swait.ge [sflag:s9], $0x800  }
0x1c1: {  	[sflag:s9] =	ssyncset.done $0x0  }
0x1c2: {  	[sflag:s9] =	ssyncadd.s32 $0xFFFFF800  }
0x1c3: {  	_ =	swait.ge [sflag:s9], $0x800  }
0x1c4: {  	[sflag:s9] =	ssyncset.done $0x0  }
0x1c5: {  	[sflag:s9] =	ssyncadd.s32 $0xFFFFF800  }
0x1c6: {  	_ =	swait.ge [sflag:s9], $0x800  }
0x1c7: {  	[sflag:s9] =	ssyncset.done $0x0  }
0x1c8: {  	[sflag:s9] =	ssyncadd.s32 $0xFFFFF800  }
0x1c9: {  	_ =	swait.ge [sflag:s9], $0x800  }
0x1ca: {  	[sflag:s9] =	ssyncset.done $0x0  }
0x1cb: {  	[sflag:s9] =	ssyncadd.s32 $0xFFFFF800  }
0x1cc: {  	_ =	swait.ge [sflag:s9], $0x800  }
0x1cd: {  	[sflag:s9] =	ssyncset.done $0x0  }
0x1ce: {  	[sflag:s9] =	ssyncadd.s32 $0xFFFFF800  }
.LBB2_15:
0x1cf: {  	[bflag:$0x0] =	sbarrier.arrive $0xFFFF  }
.Ltmp9:
0x1d0: {  	s3 =	rddreg [dreg:$0x1d];
	(pc) =	sbr.rel @p0 .LBB2_17-.Ltmp9, $4  }
0x1d1: {  	[tilespmem:s15], [sflag:$0x4] =	stream.linear.gather [spmem:s3], $0x2800, $0x38;
	[tilespmem:$0x1E700] =	vst v63  }
0x1d2: {  	_ =	swait.ge [sflag:s16], $0x2800  }
0x1d3: {  	[sflag:s16] =	ssyncset.done $0x0  }
0x1d4: {  	[sflag:s16] =	ssyncadd.s32 $0xFFFFD800  }
0x1d5: {  	s3 =	rddreg [dreg:$0x6]  }
0x1d6: {  	[hbm4b:s3+s1] =	stream.linear.scatter [tilespmem:s15], [sflag:$0x4], $0x2800, $0x38;
	[tilespmem:$0x1E700] =	vst v63  }
0x1d7: {  	_ =	swait.ge [sflag:s16], $0x2800  }
0x1d8: {  	[sflag:s16] =	ssyncset.done $0x0  }
0x1d9: {  	s5 =	rddreg [dreg:$0x1e];
	[sflag:s16] =	ssyncadd.s32 $0xFFFFD800  }
0x1da: {  	[tilespmem:s15], [sflag:$0x4] =	stream.linear.gather [spmem:s5], $0x2800, $0x38;
	[tilespmem:$0x1E700] =	vst v63  }
0x1db: {  	_ =	swait.ge [sflag:s16], $0x2800  }
0x1dc: {  	[sflag:s16] =	ssyncset.done $0x0  }
0x1dd: {  	s13 =	rddreg [dreg:$0x7];
	[sflag:s16] =	ssyncadd.s32 $0xFFFFD800  }
0x1de: {  	[hbm4b:s13+s1] =	stream.linear.scatter [tilespmem:s15], [sflag:$0x4], $0x2800, $0x38;
	[tilespmem:$0x1E700] =	vst v63  }
0x1df: {  	_ =	swait.ge [sflag:s16], $0x2800  }
0x1e0: {  	[sflag:s16] =	ssyncset.done $0x0  }
0x1e1: {  	s19 =	rddreg [dreg:$0x1f];
	[sflag:s16] =	ssyncadd.s32 $0xFFFFD800  }
0x1e2: {  	[tilespmem:s15], [sflag:$0x4] =	stream.linear.gather [spmem:s19], $0x2800, $0x38;
	[tilespmem:$0x1E700] =	vst v63  }
0x1e3: {  	_ =	swait.ge [sflag:s16], $0x2800  }
0x1e4: {  	[sflag:s16] =	ssyncset.done $0x0  }
0x1e5: {  	s26 =	rddreg [dreg:$0x8];
	[sflag:s16] =	ssyncadd.s32 $0xFFFFD800  }
0x1e6: {  	[hbm4b:s26+s1] =	stream.linear.scatter [tilespmem:s15], [sflag:$0x4], $0x2800, $0x38;
	[tilespmem:$0x1E700] =	vst v63  }
0x1e7: {  	_ =	swait.ge [sflag:s16], $0x2800  }
0x1e8: {  	s5 =	sld [smem:$0x7F4]  }
0x1e9: {  	[sflag:s16] =	ssyncset.done $0x0  }
0x1ea: {  	[sflag:s16] =	ssyncadd.s32 $0xFFFFD800  }
0x1eb: {  	[tilespmem:s15], [sflag:$0x4] =	stream.linear.gather [spmem:s5], $0x2800, $0x38;
	[tilespmem:$0x1E700] =	vst v63  }
0x1ec: {  	_ =	swait.ge [sflag:s16], $0x2800  }
0x1ed: {  	[sflag:s16] =	ssyncset.done $0x0  }
0x1ee: {  	s13 =	rddreg [dreg:$0x9];
	[sflag:s16] =	ssyncadd.s32 $0xFFFFD800  }
0x1ef: {  	[hbm4b:s13+s1] =	stream.linear.scatter [tilespmem:s15], [sflag:$0x4], $0x2800, $0x38;
	[tilespmem:$0x1E700] =	vst v63  }
0x1f0: {  	_ =	swait.ge [sflag:s16], $0x2800  }
0x1f1: {  	s19 =	sld [smem:$0x7F5]  }
0x1f2: {  	[sflag:s16] =	ssyncset.done $0x0  }
0x1f3: {  	[sflag:s16] =	ssyncadd.s32 $0xFFFFD800  }
0x1f4: {  	[tilespmem:s15], [sflag:$0x4] =	stream.linear.gather [spmem:s19], $0x2800, $0x38;
	[tilespmem:$0x1E700] =	vst v63  }
0x1f5: {  	_ =	swait.ge [sflag:s16], $0x2800  }
0x1f6: {  	[sflag:s16] =	ssyncset.done $0x0  }
0x1f7: {  	s26 =	rddreg [dreg:$0xa];
	[sflag:s16] =	ssyncadd.s32 $0xFFFFD800  }
0x1f8: {  	[hbm4b:s26+s1] =	stream.linear.scatter [tilespmem:s15], [sflag:$0x4], $0x2800, $0x38;
	[tilespmem:$0x1E700] =	vst v63  }
0x1f9: {  	_ =	swait.ge [sflag:s16], $0x2800  }
0x1fa: {  	s5 =	sld [smem:$0x7F6]  }
0x1fb: {  	[sflag:s16] =	ssyncset.done $0x0  }
0x1fc: {  	[sflag:s16] =	ssyncadd.s32 $0xFFFFD800  }
0x1fd: {  	[tilespmem:s15], [sflag:$0x4] =	stream.linear.gather [spmem:s5], $0x2800, $0x38;
	[tilespmem:$0x1E700] =	vst v63  }
0x1fe: {  	_ =	swait.ge [sflag:s16], $0x2800  }
0x1ff: {  	[sflag:s16] =	ssyncset.done $0x0  }
0x200: {  	s13 =	rddreg [dreg:$0xb];
	[sflag:s16] =	ssyncadd.s32 $0xFFFFD800  }
0x201: {  	[hbm4b:s13+s1] =	stream.linear.scatter [tilespmem:s15], [sflag:$0x4], $0x2800, $0x38;
	[tilespmem:$0x1E700] =	vst v63  }
0x202: {  	_ =	swait.ge [sflag:s16], $0x2800  }
0x203: {  	s19 =	sld [smem:$0x7F7]  }
0x204: {  	[sflag:s16] =	ssyncset.done $0x0  }
0x205: {  	[sflag:s16] =	ssyncadd.s32 $0xFFFFD800  }
0x206: {  	[tilespmem:s15], [sflag:$0x4] =	stream.linear.gather [spmem:s19], $0x2800, $0x38;
	[tilespmem:$0x1E700] =	vst v63  }
0x207: {  	_ =	swait.ge [sflag:s16], $0x2800  }
0x208: {  	[sflag:s16] =	ssyncset.done $0x0  }
0x209: {  	s26 =	rddreg [dreg:$0xc];
	[sflag:s16] =	ssyncadd.s32 $0xFFFFD800  }
0x20a: {  	[hbm4b:s26+s1] =	stream.linear.scatter [tilespmem:s15], [sflag:$0x4], $0x2800, $0x38;
	[tilespmem:$0x1E700] =	vst v63  }
0x20b: {  	_ =	swait.ge [sflag:s16], $0x2800  }
0x20c: {  	s5 =	sld [smem:$0x7F8]  }
0x20d: {  	[sflag:s16] =	ssyncset.done $0x0  }
0x20e: {  	[sflag:s16] =	ssyncadd.s32 $0xFFFFD800  }
0x20f: {  	[tilespmem:s15], [sflag:$0x4] =	stream.linear.gather [spmem:s5], $0x2800, $0x38;
	[tilespmem:$0x1E700] =	vst v63  }
0x210: {  	_ =	swait.ge [sflag:s16], $0x2800  }
0x211: {  	[sflag:s16] =	ssyncset.done $0x0  }
0x212: {  	s13 =	rddreg [dreg:$0xd];
	[sflag:s16] =	ssyncadd.s32 $0xFFFFD800  }
0x213: {  	[hbm4b:s13+s1] =	stream.linear.scatter [tilespmem:s15], [sflag:$0x4], $0x2800, $0x38;
	[tilespmem:$0x1E700] =	vst v63  }
0x214: {  	_ =	swait.ge [sflag:s16], $0x2800  }
0x215: {  	s19 =	sld [smem:$0x7F9]  }
0x216: {  	[sflag:s16] =	ssyncset.done $0x0  }
0x217: {  	[sflag:s16] =	ssyncadd.s32 $0xFFFFD800  }
0x218: {  	[tilespmem:s15], [sflag:$0x4] =	stream.linear.gather [spmem:s19], $0x2800, $0x38;
	[tilespmem:$0x1E700] =	vst v63  }
0x219: {  	_ =	swait.ge [sflag:s16], $0x2800  }
0x21a: {  	[sflag:s16] =	ssyncset.done $0x0  }
0x21b: {  	s26 =	rddreg [dreg:$0xe];
	[sflag:s16] =	ssyncadd.s32 $0xFFFFD800  }
0x21c: {  	[hbm4b:s26+s1] =	stream.linear.scatter [tilespmem:s15], [sflag:$0x4], $0x2800, $0x38;
	[tilespmem:$0x1E700] =	vst v63  }
0x21d: {  	_ =	swait.ge [sflag:s16], $0x2800  }
0x21e: {  	s5 =	sld [smem:$0x7FD]  }
0x21f: {  	[sflag:s16] =	ssyncset.done $0x0  }
0x220: {  	s3 =	simm.s32 @p2 $0x780;
	[sflag:s16] =	ssyncadd.s32 $0xFFFFD800  }
0x221: {  	[tilespmem:s3], [sflag:$0x4] =	stream.linear.gather @p2 [spmem:s5], $0xA00, $0x38;
	[tilespmem:$0x1E700] =	vst v63  }
0x222: {  	s5 =	simm.s32 @p2 $0x4  }
0x223: {  	_ =	swait.ge @p2 [sflag:s5], $0xA00  }
0x224: {  	[sflag:s5] =	ssyncset.done @p2 $0x0  }
0x225: {  	s13 =	simm.s32 @p2 $0x0;
	s19 =	rddreg [dreg:$0x1a];
	[sflag:s5] =	ssyncadd.s32 @p2 $0xFFFFF600  }
0x226: {  	[hbm4b:s19+s13] =	stream.linear.scatter @p2 [tilespmem:s3], [sflag:$0x4], $0xA00, $0x38;
	[tilespmem:$0x1E700] =	vst v63  }
0x227: {  	_ =	swait.ge @p2 [sflag:s5], $0xA00  }
0x228: {  	[sflag:s5] =	ssyncset.done @p2 $0x0  }
0x229: {  	s3 =	simm.s32 @!p2 $0x780;
	[sflag:s5] =	ssyncadd.s32 @p2 $0xFFFFF600;
	s5 =	rddreg [dreg:$0x18]  }
0x22a: {  	[tilespmem:s3], [sflag:$0x4] =	stream.linear.gather @!p2 [spmem:s5], $0x2000, $0x38;
	[tilespmem:$0x1E700] =	vst v63  }
0x22b: {  	s5 =	simm.s32 @!p2 $0x4  }
0x22c: {  	_ =	swait.ge @!p2 [sflag:s5], $0x2000  }
0x22d: {  	s13 =	simm.s32 @!p2 $0x0;
	[sflag:s5] =	ssyncset.done @!p2 $0x0  }
.Ltmp10:
0x22e: {  	s19 =	rddreg [dreg:$0x4];
	[sflag:s5] =	ssyncadd.s32 @!p2 $0xFFFFE000;
	(pc) =	sbr.rel .LBB2_18-.Ltmp10, $4  }
0x22f: {  	[hbm4b:s19+s13] =	stream.linear.scatter @!p2 [tilespmem:s3], [sflag:$0x4], $0x2000, $0x38;
	[tilespmem:$0x1E700] =	vst v63  }
0x230: {  	_ =	swait.ge @!p2 [sflag:s5], $0x2000  }
0x231: {  	[sflag:s5] =	ssyncset.done @!p2 $0x0  }
0x232: {  	[sflag:s5] =	ssyncadd.s32 @!p2 $0xFFFFE000;
	s5 =	sld [smem:$0x7F3]  }
.LBB2_19:
0x233: {  	_ =	sfence.sel $0x180000  }
0x234: {  	[bflag:$0x0] =	sbarrier.arrive $0xFFFF  }
0x235: {  	_ =	strace $0x90000047  }
0x236: {  	s0 =	stileid.u32;
	[bflag:$0x2] =	sbarrier.arrive $0xFFFF  }
0x237: {  	p0 =	sne.s32 s0, $0x0;
	s0 =	rddreg [dreg:$0x3]  }
0x238: {  	s0 =	sadd.s32 @!p0 $0x100000, s0  }
0x239: {  	[sflag:s0] =	ssyncadd.tile.s32 @!p0 $0x1;
	_ =	shalt  }
.Lfunc_end2:
_tile_overlayer_lowered:
.L_overlay_start_2:
0x23a: {  	(tag) =	ssettag $0x2  }
0x23b: {  	s0 =	rddreg [dreg:$0x0];
	s2 =	stileid.u32  }
0x23c: {  	s1 =	rddreg [dreg:$0x1];
	p0 =	sne.s32 s2, $0x0  }
0x23d: {  	s3 =	rddreg [dreg:$0x2];
	[bflag:$0x3] =	sbarrier.arrive $0xFFFF;
	s2 =	simm.s32 @!p0 $0x1C04  }
0x23e: {  	[timem:s3], [sflag:s2] =	dma.local @!p0 [hbm:s0], s1  }
0x23f: {  	s0 =	simm.s32 @!p0 $0x4  }
0x240: {  	_ =	swait.ge @!p0 [sflag:s0], s1  }
0x241: {  	s1 =	ssub.s32 @!p0 $0x0, s1;
	[sflag:s0] =	ssyncset.done @!p0 $0x0  }
0x242: {  	[sflag:s0] =	ssyncadd.s32 @!p0 s1  }
0x243: {  	[bflag:$0x3] =	sbarrier.arrive $0xFFFF  }
0x244: {  	_ =	shalt  }

// kernel: kernel.8.cloned.1.call-start
scs
__scs_entry_jumppad:
0x0: {  	(pc) =	sbr.rel $0x88, $3  }
0x1: {  	(tag) =	ssettag $0x0;
	lr =	simm.s32 $0x1  }
0x2: {  	[smem:$0x3F9B] =	sst lr;
	_ =	strace $0xD0000000  }
0x3: {  	_ = 	snop  }
0x4: {  	_ = 	snop  }
0x5: {  	_ = 	snop  }
0x6: {  	_ = 	snop  }
0x7: {  	_ = 	snop  }
__scs_overlays_trampoline_lowered:
0x8: {  	[smem:$0x3FAA] =	sst s0  }
0x9: {  	[smem:$0x3FAB] =	sst s1  }
0xa: {  	[smem:$0x3FAC] =	sst s2  }
0xb: {  	[smem:$0x3FAD] =	sst s3  }
0xc: {  	[smem:$0x3FAE] =	sst s4  }
0xd: {  	[smem:$0x3FAF] =	sst s5  }
0xe: {  	[smem:$0x3FB0] =	sst s6  }
0xf: {  	[smem:$0x3FB1] =	sst s7  }
0x10: {  	[smem:$0x3FB2] =	sst s8  }
0x11: {  	[smem:$0x3FB3] =	sst s9;
	s0 =	simm.s32 @!p0 $0x0  }
0x12: {  	s1 =	sld [smem:$0x3F99];
	s0 =	simm.s32 @p0 $0x1  }
0x13: {  	[smem:$0x3FB4] =	sst s0;
	s0 =	simm.s32 @!p1 $0x0  }
0x14: {  	s2 =	sld [smem:$0x3F98];
	s0 =	simm.s32 @p1 $0x1  }
0x15: {  	[smem:$0x3FB5] =	sst s0;
	s0 =	simm.s32 @!p2 $0x0  }
0x16: {  	s3 =	sld [smem:$0x3FDB];
	s0 =	simm.s32 @p2 $0x1  }
0x17: {  	s4 =	simm.s32 $0x1BF5;
	[smem:$0x3FB7] =	sst s0  }
0x18: {  	s0 =	sld [smem:$0x3F9A];
	_ =	swait.ge [sflag:s4], $0x0  }
0x19: {  	s7 =	sld [smem:$0x3F9B]  }
0x1a: {  	s8 =	sadd.s32 $0xFFFFE003, lr  }
0x1b: {  	s9 =	sadd.s32 $0xFFFFFEF7, lr;
	s5 =	simm.s32 $0xFFFFFFFF;
	p2 =	slt.u32 s8, $0xFFFFF086  }
0x1c: {  	p1 =	slt.u32 s9, $0xF7A;
	s5 =	simm.s32 @!p2 $0x0  }
0x1d: {  	s5 =	simm.s32 @p1 $0x1;
	p0 =	seq.s32 s7, s2  }
0x1e: {  	s7 =	smul.u32 @!p0 $0xF7A, s2;
	p2 =	seq.s32 @!p0 s5, $0x0  }
0x1f: {  	s9 =	smul.u32 $0xF7A, s1;
	s8 =	simm.s32 @!p0 $0x1BF5;
	p2 =	por !p2, p0  }
0x20: {  	[sflag:s8] =	ssyncset.s32 @!p0 $0xFFFFF086;
	s6 =	sadd.s32 @!p0 s3, s7;
	s7 =	simm.s32 @!p0 $0x108  }
0x21: {  	s3 =	sadd.s32 s3, s9;
	s6 =	sadd.s32 @!p0 $0x88, s6;
	s7 =	simm.s32 @p2 $0x1082  }
0x22: {  	[simem:s7], [sflag:s8] =	dma.local @!p0 [hbm:s6], $0xF7A  }
0x23: {  	s9 =	sor.u32 $0xD0000000, s2;
	s6 =	simm.s32 $0x108;
	_ =	swait.ge @!p0 [sflag:s8], $0x0  }
0x24: {  	s3 =	sadd.s32 $0x88, s3;
	s6 =	simm.s32 @!p1 $0x1082;
	[sflag:s4] =	ssyncset.s32 $0xFFFFF086  }
0x25: {  	[simem:s6], [sflag:s4] =	dma.local [hbm:s3], $0xF7A  }
0x26: {  	[smem:$0x3F9B] =	sst s1;
	(tag) =	ssettag s2;
	_ =	strace s9  }
0x27: {  	s1 =	sld [smem:$0x3FAB]  }
0x28: {  	s2 =	sld [smem:$0x3FAC]  }
0x29: {  	s4 =	sld [smem:$0x3FAE]  }
0x2a: {  	p0 =	seq.s32 s5, $0x0;
	s5 =	sld [smem:$0x3FAF]  }
0x2b: {  	s6 =	sld [smem:$0x3FB0]  }
0x2c: {  	s7 =	sld [smem:$0x3FB1]  }
0x2d: {  	s3 =	simm.s32 $0x108;
	s8 =	sld [smem:$0x3FB2]  }
0x2e: {  	s3 =	simm.s32 @!p0 $0x1082;
	s9 =	sld [smem:$0x3FB3]  }
0x2f: {  	lr =	sadd.s32 s0, s3;
	s0 =	sld [smem:$0x3FAA]  }
0x30: {  	s3 =	sld [smem:$0x3FAD]  }
0x31: {  	[smem:$0x3FB6] =	sst s10  }
0x32: {  	s10 =	sld [smem:$0x3FB4];
	_ =	sdelay $0x3  }
0x33: {  	p0 =	seq.s32 s10, $0x1;
	s10 =	sld [smem:$0x3FB6];
	_ =	sdelay $0x3  }
0x34: {  	[smem:$0x3FB6] =	sst s10  }
0x35: {  	s10 =	sld [smem:$0x3FB5];
	_ =	sdelay $0x3  }
0x36: {  	p1 =	seq.s32 s10, $0x1;
	s10 =	sld [smem:$0x3FB6];
	_ =	sdelay $0x3  }
0x37: {  	[smem:$0x3FB6] =	sst s10  }
0x38: {  	s10 =	sld [smem:$0x3FB7]  }
0x39: {  	_ = 	snop;
	(pc) =	sbr.ind lr, $3  }
0x3a: {  	_ = 	snop  }
0x3b: {  	_ = 	snop  }
0x3c: {  	p2 =	seq.s32 s10, $0x1;
	s10 =	sld [smem:$0x3FB6]  }
0x3d: {  	_ =	shalt  }
0x3e: {  	_ =	shalt  }
0x3f: {  	_ =	shalt  }
0x40: {  	_ =	shalt  }
0x41: {  	_ =	shalt  }
0x42: {  	_ =	shalt  }
0x43: {  	_ =	shalt  }
0x44: {  	_ =	shalt  }
0x45: {  	_ =	shalt  }
0x46: {  	_ =	shalt  }
0x47: {  	_ =	shalt  }
0x48: {  	_ =	shalt  }
0x49: {  	_ =	shalt  }
0x4a: {  	_ =	shalt  }
0x4b: {  	_ =	shalt  }
0x4c: {  	_ =	shalt  }
0x4d: {  	_ =	shalt  }
0x4e: {  	_ =	shalt  }
0x4f: {  	_ =	shalt  }
0x50: {  	_ =	shalt  }
0x51: {  	_ =	shalt  }
0x52: {  	_ =	shalt  }
0x53: {  	_ =	shalt  }
0x54: {  	_ =	shalt  }
0x55: {  	_ =	shalt  }
0x56: {  	_ =	shalt  }
0x57: {  	_ =	shalt  }
0x58: {  	_ =	shalt  }
0x59: {  	_ =	shalt  }
0x5a: {  	_ =	shalt  }
0x5b: {  	_ =	shalt  }
0x5c: {  	_ =	shalt  }
0x5d: {  	_ =	shalt  }
0x5e: {  	_ =	shalt  }
0x5f: {  	_ =	shalt  }
0x60: {  	_ =	shalt  }
0x61: {  	_ =	shalt  }
0x62: {  	_ =	shalt  }
0x63: {  	_ =	shalt  }
0x64: {  	_ =	shalt  }
0x65: {  	_ =	shalt  }
0x66: {  	_ =	shalt  }
0x67: {  	_ =	shalt  }
0x68: {  	_ =	shalt  }
0x69: {  	_ =	shalt  }
0x6a: {  	_ =	shalt  }
0x6b: {  	_ =	shalt  }
0x6c: {  	_ =	shalt  }
0x6d: {  	_ =	shalt  }
0x6e: {  	_ =	shalt  }
0x6f: {  	_ =	shalt  }
0x70: {  	_ =	shalt  }
0x71: {  	_ =	shalt  }
0x72: {  	_ =	shalt  }
0x73: {  	_ =	shalt  }
0x74: {  	_ =	shalt  }
0x75: {  	_ =	shalt  }
0x76: {  	_ =	shalt  }
0x77: {  	_ =	shalt  }
0x78: {  	_ =	shalt  }
0x79: {  	_ =	shalt  }
0x7a: {  	_ =	shalt  }
0x7b: {  	_ =	shalt  }
0x7c: {  	_ =	shalt  }
0x7d: {  	_ =	shalt  }
0x7e: {  	_ =	shalt  }
0x7f: {  	_ =	shalt  }
0x80: {  	_ =	shalt  }
0x81: {  	_ =	shalt  }
0x82: {  	_ =	shalt  }
0x83: {  	_ =	shalt  }
0x84: {  	_ =	shalt  }
0x85: {  	_ =	shalt  }
0x86: {  	_ =	shalt  }
0x87: {  	_ =	shalt  }
.Lfunc_end0:
.L_simem_size_0:
called_computation.1_lowered:
.L_overlay_start_0:
0x88: {  	s2 =	sld [smem:$0x3FD9]  }
0x89: {  	s3 =	sld [smem:$0x3FFE];
	_ =	sdelay $0x1  }
0x8a: {  	s1 =	srdreg.scid  }
0x8b: {  	s0 =	sand.u32 $0x1, s1  }
0x8c: {  	s17 =	sshll.u32 s0, $0xA;
	s2 =	sadd.s32 s3, s2  }
0x8d: {  	s2 =	sadd.s32 s2, s17  }
0x8e: {  	[smem:$0x3FC2] =	sst s2  }
0x8f: {  	_ = 	snop  }
0x90: {  	s2 =	sld [smem:$0x3FD0];
	(tm) =	ssettm $0x1  }
0x91: {  	s18 =	sld [smem:$0x3FFB];
	_ =	sdelay $0x3  }
0x92: {  	_ =	strace s18  }
0x93: {  	s3 =	sld [smem:$0x3FFC];
	_ =	sdelay $0x3  }
0x94: {  	_ =	strace s3  }
0x95: {  	s3 =	sld [smem:$0x3FFD];
	_ =	sdelay $0x3  }
0x96: {  	_ =	strace s3  }
0x97: {  	_ =	strace $0x8FFFFFFF  }
0x98: {  	s19 =	sld [smem:$0x3FDB];
	_ =	sdelay $0x1  }
0x99: {  	s4 =	simm.s32 $_scs_section_size  }
0x9a: {  	s5 =	simm.s32 $_size__tile_overlayer_lowered;
	s6 =	simm.s32 $_tile_overlayer_lowered  }
0x9b: {  	s22 =	simm.s32 $0x1BFF;
	s21 =	sshll.u32 s6, $0x1;
	s3 =	sadd.s32 s4, s19  }
0x9c: {  	s7 =	simm.s32 $0x0;
	s20 =	sshll.u32 s5, $0x1;
	s5 =	sadd.s32 s21, s3  }
0x9d: {  	[timem:s7], [sflag:s22] =	dma.local [hbm:s5], s20  }
0x9e: {  	_ =	swait.ge [sflag:s22], s20  }
0x9f: {  	s4 =	ssub.s32 $0x0, s20;
	[sflag:s22] =	ssyncset.done $0x0  }
0xa0: {  	[sflag:s22] =	ssyncadd.s32 s4;
	_ =	sdelay $0x1  }
0xa1: {  	s23 =	simm.s32 $0x1B8B  }
0xa2: {  	_ =	swait.ge [sflag:s23], $0x1  }
0xa3: {  	[sflag:s23] =	ssyncset.done $0x0  }
0xa4: {  	s25 =	simm.s32 $0x1B8E;
	s24 =	sld [smem:$0x3FFE];
	[sflag:s23] =	ssyncadd.s32 $0xFFFFFFFF  }
0xa5: {  	s26 =	simm.s32 $execute0_lowered;
	[smem:$0x3FD2] =	sst s25  }
0xa6: {  	s5 =	sshll.u32 s26, $0x1;
	_ =	strace $0x80000049;
	[dreg:$0x1] =	wrdreg $0xFFFFFFFF  }
0xa7: {  	s28 =	simm.s32 $_size_execute0_lowered;
	s3 =	sadd.s32 s3, s5;
	[dreg:$0x0] =	wrdreg $0x0  }
0xa8: {  	s5 =	sshll.u32 s28, $0x1;
	[dreg:$0x2] =	wrdreg s3  }
0xa9: {  	[dreg:$0x3] =	wrdreg s5  }
0xaa: {  	[dreg:$0x4] =	wrdreg $0xC0  }
0xab: {  	_ =	task [dreg:s7], $0x5FFFF  }
0xac: {  	[dreg:$0x1] =	wrdreg $0xFFFFFFFF  }
0xad: {  	[dreg:$0x0] =	wrdreg $0x60  }
0xae: {  	[dreg:$0x2] =	wrdreg s24  }
0xaf: {  	[dreg:$0x3] =	wrdreg s2  }
0xb0: {  	[dreg:$0x4] =	wrdreg $0x5F000  }
0xb1: {  	[dreg:$0x5] =	wrdreg $0x9  }
0xb2: {  	_ =	task.clear_ibuf [dreg:s7], $0x6FFFF;
	_ =	strace $0x90000049  }
0xb3: {  	s29 =	simm.s32 $0x9;
	_ =	strace $0x8000004B  }
0xb4: {  	_ =	swait.ge [sflag:s29], $0x1  }
0xb5: {  	[sflag:s29] =	ssyncadd.s32 $0xFFFFFFFF  }
0xb6: {  	_ =	strace $0x9000004B  }
0xb7: {  	_ =	sfence  }
0xb8: {  	s30 =	sld [smem:$0x0];
	_ =	sdelay $0x2  }
0xb9: {  	s31 =	sshll.u32 s1, $0xD;
	s1 =	sshrl.u32 s1, $0x2  }
0xba: {  	s3 =	sand.u32 $0x4000, s31;
	s1 =	sadd.s32 s1, s30  }
0xbb: {  	s0 =	sor.u32 s3, s0;
	s1 =	sshll.u32 s1, $0x11  }
0xbc: {  	s0 =	sor.u32 s1, s0  }
0xbd: {  	s0 =	sadd.s32 $0x8F2B, s0  }
0xbe: {  	[sflag:s0] =	ssyncadd.remote.s32 $0x1  }
0xbf: {  	_ =	sfence.sel $0xFFFF  }
0xc0: {  	[dreg:$0x0] =	wrdreg $0xFFFFFFFF;
	(pc) =	sbr.abs _section_cstart, $3  }
0xc1: {  	[dreg:$0x1] =	wrdreg $0xFFFFFFFF  }
0xc2: {  	_ =	task.clear_ibuf [dreg:s7], $0x2FFFF;
	_ =	strace $0x9FFFFFFF  }
0xc3: {  	(tm) =	ssettm $0x7FFFFFFF  }
tec
execute0_lowered:
.L_overlay_start_1:
0x0: {  	(tag) =	ssettag $0x1  }
0x1: {  	s24 =	stileid.u32;
	s0 =	srdreg.scid  }
0x2: {  	s10 =	rddreg [dreg:$0x1];
	s28 =	simm.s32 $0x2780;
	s29 =	simm.s32 $0x3  }
0x3: {  	s3 =	smul.u32 $0x1880, s24;
	s18 =	sand.u32 $0x1, s0;
	s0 =	rddreg [dreg:$0x0]  }
0x4: {  	s12 =	smul.u32 $0x31000, s24;
	p0 =	sgt.u32 s24, $0x3;
	p1 =	seq.s32 s24, $0xF  }
0x5: {  	s31 =	sor.u32 $0x20, s24;
	s9 =	sshll.u32 s18, $0x4;
	s2 =	ssub.s32 $0x2, s18  }
0x6: {  	s26 =	sshll.u32 s18, $0x1;
	s7 =	sadd.s32 $0x1680, s3;
	s5 =	sshrl.u32 s2, $0x1  }
0x7: {  	s13 =	sadd.s32 $0x280, s3;
	s16 =	sadd.s32 $0x500, s3;
	s8 =	sadd.s32 $0x780, s3  }
0x8: {  	s6 =	sadd.s32 $0xC80, s3;
	s12 =	sor.u32 s9, s12;
	s1 =	sshll.u32 s7, $0x5  }
0x9: {  	s11 =	ssub.s32 s2, s5;
	s5 =	sadd.s32 $0xA00, s3;
	s2 =	sadd.s32 $0x1180, s3  }
0xa: {  	s14 =	sshll.u32 s13, $0x5;
	s15 =	sshll.u32 s16, $0x5;
	s17 =	sshll.u32 s8, $0x5  }
0xb: {  	s20 =	sshll.u32 s6, $0x5;
	s12 =	sshrl.u32 s12, $0x3;
	s7 =	sshll.u32 s7, $0x4  }
0xc: {  	s4 =	sor.u32 s9, s1;
	s1 =	simm.s32 $0x0;
	s14 =	sor.u32 s9, s14  }
0xd: {  	s15 =	sor.u32 s9, s15;
	s17 =	sor.u32 s9, s17;
	s19 =	sshll.u32 s5, $0x5  }
0xe: {  	s20 =	sor.u32 s9, s20;
	s22 =	sshll.u32 s2, $0x5;
	s12 =	sadd.s32 s10, s12  }
0xf: {  	s4 =	sshrl.u32 s4, $0x3;
	[smem:$0x7FF] =	sst s1;
	s19 =	sor.u32 s9, s19  }
0x10: {  	s22 =	sor.u32 s9, s22;
	s14 =	sshrl.u32 s14, $0x3;
	[dreg:$0x5] =	wrdreg s12  }
0x11: {  	s25 =	sadd.s32 s10, s4;
	s4 =	sadd.s32 $0xF00, s3;
	s3 =	sadd.s32 $0x1400, s3  }
0x12: {  	s30 =	sadd.s32 s10, s14;
	s14 =	sshrl.u32 s15, $0x3;
	s15 =	sshrl.u32 s17, $0x3  }
0x13: {  	s17 =	sshrl.u32 s19, $0x3;
	[dreg:$0x4] =	wrdreg s25;
	s21 =	sshll.u32 s4, $0x5  }
0x14: {  	s23 =	sshll.u32 s3, $0x5;
	[dreg:$0x6] =	wrdreg s30;
	s12 =	sadd.s32 s10, s14  }
0x15: {  	s19 =	sadd.s32 s10, s17;
	s25 =	sshrl.u32 s20, $0x3;
	s17 =	smul.u32 $0x280, s24  }
0x16: {  	s30 =	sshrl.u32 s22, $0x3;
	s14 =	sadd.s32 $0x2C00, s0;
	s20 =	smul.u32 $0x62000, s24  }
0x17: {  	s21 =	sor.u32 s9, s21;
	s9 =	sor.u32 s9, s23;
	[dreg:$0x7] =	wrdreg s12  }
0x18: {  	s23 =	sadd.s32 s26, s10;
	s12 =	sadd.s32 s10, s15;
	[dreg:$0x9] =	wrdreg s19  }
0x19: {  	s15 =	sadd.s32 s10, s30;
	s30 =	sshll.u32 s16, $0x4;
	s16 =	sshll.u32 s6, $0x4  }
0x1a: {  	s6 =	simm.s32 $0x3200;
	[dreg:$0x8] =	wrdreg s12;
	s12 =	sadd.s32 s10, s25  }
0x1b: {  	s26 =	sshrl.u32 s21, $0x3;
	[dreg:$0xc] =	wrdreg s15;
	s9 =	sshrl.u32 s9, $0x3  }
0x1c: {  	s19 =	sshrl.u32 s17, $0x3;
	s15 =	sadd.s32 $0x64800, s0;
	s22 =	sadd.s32 $0x61800, s23  }
0x1d: {  	s23 =	smax.u32 s11, $0x1;
	[dreg:$0xa] =	wrdreg s12;
	s12 =	sadd.s32 s10, s26  }
0x1e: {  	s25 =	sshrl.u32 s20, $0x2;
	s11 =	sshll.u32 s8, $0x4;
	[dreg:$0xb] =	wrdreg s12  }
0x1f: {  	s20 =	sshll.u32 s2, $0x4;
	s9 =	sadd.s32 s10, s9;
	s12 =	rddreg [dreg:$0x2]  }
0x20: {  	s2 =	simm.s32 $0x780;
	s8 =	simm.s32 $0x2;
	[dreg:$0xd] =	wrdreg s9  }
0x21: {  	s26 =	sshll.u32 s13, $0x4;
	_ =	strace $0x8000004A;
	[dreg:$0x10] =	wrdreg s22  }
0x22: {  	s13 =	sshll.u32 s5, $0x4;
	s9 =	sadd.s32 s14, s19;
	[dreg:$0x11] =	wrdreg s23  }
0x23: {  	s5 =	simm.s32 $0x80;
	s21 =	sadd.s32 s7, s12;
	[dreg:$0xf] =	wrdreg s9  }
0x24: {  	s19 =	sshll.u32 s4, $0x4;
	s0 =	sadd.s32 s25, s12;
	[dreg:$0xe] =	wrdreg s21  }
0x25: {  	s4 =	simm.s32 $0x280;
	s10 =	sadd.s32 s30, s12;
	[dreg:$0x12] =	wrdreg s0  }
0x26: {  	s17 =	sadd.s32 s16, s12;
	s23 =	sadd.s32 $0x30D40, s9;
	[dreg:$0x14] =	wrdreg s10  }
0x27: {  	s25 =	sadd.s32 $0x30C00, s9;
	s30 =	sadd.s32 $0x186000, s12;
	[dreg:$0x17] =	wrdreg s17  }
0x28: {  	s7 =	simm.s32 $0x3700;
	s0 =	sadd.s32 s26, s12;
	[dreg:$0x1b] =	wrdreg s23  }
0x29: {  	s21 =	sshll.u32 s3, $0x4;
	[dreg:$0x1c] =	wrdreg s25;
	s26 =	sadd.s32 $0x61940, s9  }
0x2a: {  	[dreg:$0x1e] =	wrdreg s30;
	s3 =	simm.s32 $0x4;
	s10 =	simm.s32 $0x3F00  }
0x2b: {  	s9 =	simm.s32 $0x5700;
	s17 =	simm.s32 $0x1;
	s23 =	simm.s32 $0x1780  }
0x2c: {  	s25 =	simm.s32 $0x1F80;
	[dreg:$0x13] =	wrdreg s0;
	s0 =	sadd.s32 s11, s12  }
0x2d: {  	s22 =	sadd.s32 s21, s12;
	[dreg:$0x1d] =	wrdreg s26;
	s21 =	simm.s32 $0xF80  }
.Ltmp0:
0x2e: {  	s26 =	simm.s32 $0x3680;
	[dreg:$0x15] =	wrdreg s0;
	(pc) =	sbr.rel .LBB2_1-.Ltmp0, $4  }
0x2f: {  	s11 =	simm.s32 $0x0;
	s0 =	sadd.s32 s13, s12;
	[dreg:$0x1a] =	wrdreg s22  }
0x30: {  	s13 =	simm.s32 $0x4700;
	[dreg:$0x16] =	wrdreg s0;
	s0 =	sadd.s32 s19, s12  }
0x31: {  	v2 =	vlaneseq.u32;
	s19 =	simm.s32 $0x4F00;
	[dreg:$0x18] =	wrdreg s0;
	s0 =	sadd.s32 s20, s12  }
0x32: {  	v1 =	vimm.f32 $0.0e+00;
	v2 =	vor.u32 $0x186A0, v2;
	v0 =	vmov s18;
	s20 =	simm.s32 $0x400;
	[dreg:$0x19] =	wrdreg s0;
	s0 =	simm.s32 $0x480  }
.LBB2_15:
0x33: {  	[bflag:$0x0] =	sbarrier.arrive $0xFFFF  }
0x34: {  	s16 =	rddreg [dreg:$0x12]  }
0x35: {  	[tilespmem:s2], [sflag:$0x4] =	stream.linear.gather [spmem:s16], $0x2800, $0x38;
	[tilespmem:$0x1E700] =	vst v63  }
0x36: {  	_ =	swait.ge [sflag:s3], $0x2800  }
0x37: {  	s18 =	simm.s32 $0x10;
	[sflag:s3] =	ssyncset.done $0x0  }
0x38: {  	s22 =	simm.s32 $0x20;
	s24 =	rddreg [dreg:$0x5];
	[sflag:s3] =	ssyncadd.s32 $0xFFFFD800  }
0x39: {  	[hbm4b:s24+s18] =	stream.strided.scatter [tilespmem:s2], [sflag:$0x4], $0x2800, s22, s18, $0x38;
	[tilespmem:$0x1E700] =	vst v63  }
0x3a: {  	_ =	swait.ge [sflag:s3], $0x2800  }
0x3b: {  	[sflag:s3] =	ssyncset.done $0x0  }
0x3c: {  	s30 =	rddreg [dreg:$0x13];
	[sflag:s3] =	ssyncadd.s32 $0xFFFFD800  }
0x3d: {  	[tilespmem:s2], [sflag:$0x4] =	stream.linear.gather [spmem:s30], $0x2800, $0x38;
	[tilespmem:$0x1E700] =	vst v63  }
0x3e: {  	_ =	swait.ge [sflag:s3], $0x2800  }
0x3f: {  	[sflag:s3] =	ssyncset.done $0x0  }
0x40: {  	s24 =	rddreg [dreg:$0x6];
	[sflag:s3] =	ssyncadd.s32 $0xFFFFD800  }
0x41: {  	[hbm4b:s24+s18] =	stream.strided.scatter [tilespmem:s2], [sflag:$0x4], $0x2800, s22, s18, $0x38;
	[tilespmem:$0x1E700] =	vst v63  }
0x42: {  	_ =	swait.ge [sflag:s3], $0x2800  }
0x43: {  	[sflag:s3] =	ssyncset.done $0x0  }
0x44: {  	s30 =	rddreg [dreg:$0x14];
	[sflag:s3] =	ssyncadd.s32 $0xFFFFD800  }
0x45: {  	[tilespmem:s2], [sflag:$0x4] =	stream.linear.gather [spmem:s30], $0x2800, $0x38;
	[tilespmem:$0x1E700] =	vst v63  }
0x46: {  	_ =	swait.ge [sflag:s3], $0x2800  }
0x47: {  	[sflag:s3] =	ssyncset.done $0x0  }
0x48: {  	s24 =	rddreg [dreg:$0x7];
	[sflag:s3] =	ssyncadd.s32 $0xFFFFD800  }
0x49: {  	[hbm4b:s24+s18] =	stream.strided.scatter [tilespmem:s2], [sflag:$0x4], $0x2800, s22, s18, $0x38;
	[tilespmem:$0x1E700] =	vst v63  }
0x4a: {  	_ =	swait.ge [sflag:s3], $0x2800  }
0x4b: {  	[sflag:s3] =	ssyncset.done $0x0  }
0x4c: {  	s30 =	rddreg [dreg:$0x15];
	[sflag:s3] =	ssyncadd.s32 $0xFFFFD800  }
0x4d: {  	[tilespmem:s2], [sflag:$0x4] =	stream.linear.gather [spmem:s30], $0x2800, $0x38;
	[tilespmem:$0x1E700] =	vst v63  }
0x4e: {  	_ =	swait.ge [sflag:s3], $0x2800  }
0x4f: {  	[sflag:s3] =	ssyncset.done $0x0  }
0x50: {  	s24 =	rddreg [dreg:$0x8];
	[sflag:s3] =	ssyncadd.s32 $0xFFFFD800  }
0x51: {  	[hbm4b:s24+s18] =	stream.strided.scatter [tilespmem:s2], [sflag:$0x4], $0x2800, s22, s18, $0x38;
	[tilespmem:$0x1E700] =	vst v63  }
0x52: {  	_ =	swait.ge [sflag:s3], $0x2800  }
0x53: {  	[sflag:s3] =	ssyncset.done $0x0  }
0x54: {  	s30 =	rddreg [dreg:$0x16];
	[sflag:s3] =	ssyncadd.s32 $0xFFFFD800  }
0x55: {  	[tilespmem:s2], [sflag:$0x4] =	stream.linear.gather [spmem:s30], $0x2800, $0x38;
	[tilespmem:$0x1E700] =	vst v63  }
0x56: {  	_ =	swait.ge [sflag:s3], $0x2800  }
0x57: {  	[sflag:s3] =	ssyncset.done $0x0  }
0x58: {  	s24 =	rddreg [dreg:$0x9];
	[sflag:s3] =	ssyncadd.s32 $0xFFFFD800  }
0x59: {  	[hbm4b:s24+s18] =	stream.strided.scatter [tilespmem:s2], [sflag:$0x4], $0x2800, s22, s18, $0x38;
	[tilespmem:$0x1E700] =	vst v63  }
0x5a: {  	_ =	swait.ge [sflag:s3], $0x2800  }
0x5b: {  	[sflag:s3] =	ssyncset.done $0x0  }
0x5c: {  	s30 =	rddreg [dreg:$0x17];
	[sflag:s3] =	ssyncadd.s32 $0xFFFFD800  }
0x5d: {  	[tilespmem:s2], [sflag:$0x4] =	stream.linear.gather [spmem:s30], $0x2800, $0x38;
	[tilespmem:$0x1E700] =	vst v63  }
0x5e: {  	_ =	swait.ge [sflag:s3], $0x2800  }
0x5f: {  	[sflag:s3] =	ssyncset.done $0x0  }
0x60: {  	s24 =	rddreg [dreg:$0xa];
	[sflag:s3] =	ssyncadd.s32 $0xFFFFD800  }
0x61: {  	[hbm4b:s24+s18] =	stream.strided.scatter [tilespmem:s2], [sflag:$0x4], $0x2800, s22, s18, $0x38;
	[tilespmem:$0x1E700] =	vst v63  }
0x62: {  	_ =	swait.ge [sflag:s3], $0x2800  }
0x63: {  	[sflag:s3] =	ssyncset.done $0x0  }
0x64: {  	s30 =	rddreg [dreg:$0x18];
	[sflag:s3] =	ssyncadd.s32 $0xFFFFD800  }
0x65: {  	[tilespmem:s2], [sflag:$0x4] =	stream.linear.gather [spmem:s30], $0x2800, $0x38;
	[tilespmem:$0x1E700] =	vst v63  }
0x66: {  	_ =	swait.ge [sflag:s3], $0x2800  }
0x67: {  	[sflag:s3] =	ssyncset.done $0x0  }
0x68: {  	s24 =	rddreg [dreg:$0xb];
	[sflag:s3] =	ssyncadd.s32 $0xFFFFD800  }
0x69: {  	[hbm4b:s24+s18] =	stream.strided.scatter [tilespmem:s2], [sflag:$0x4], $0x2800, s22, s18, $0x38;
	[tilespmem:$0x1E700] =	vst v63  }
0x6a: {  	_ =	swait.ge [sflag:s3], $0x2800  }
0x6b: {  	[sflag:s3] =	ssyncset.done $0x0  }
0x6c: {  	s30 =	rddreg [dreg:$0x19];
	[sflag:s3] =	ssyncadd.s32 $0xFFFFD800  }
0x6d: {  	[tilespmem:s2], [sflag:$0x4] =	stream.linear.gather [spmem:s30], $0x2800, $0x38;
	[tilespmem:$0x1E700] =	vst v63  }
0x6e: {  	_ =	swait.ge [sflag:s3], $0x2800  }
0x6f: {  	[sflag:s3] =	ssyncset.done $0x0  }
0x70: {  	s24 =	rddreg [dreg:$0xc];
	[sflag:s3] =	ssyncadd.s32 $0xFFFFD800  }
0x71: {  	[hbm4b:s24+s18] =	stream.strided.scatter [tilespmem:s2], [sflag:$0x4], $0x2800, s22, s18, $0x38;
	[tilespmem:$0x1E700] =	vst v63  }
0x72: {  	_ =	swait.ge [sflag:s3], $0x2800  }
0x73: {  	[sflag:s3] =	ssyncset.done $0x0  }
0x74: {  	s30 =	rddreg [dreg:$0x1a];
	[sflag:s3] =	ssyncadd.s32 $0xFFFFD800  }
0x75: {  	[tilespmem:s2], [sflag:$0x4] =	stream.linear.gather [spmem:s30], $0x2800, $0x38;
	[tilespmem:$0x1E700] =	vst v63  }
0x76: {  	_ =	swait.ge [sflag:s3], $0x2800  }
0x77: {  	[sflag:s3] =	ssyncset.done $0x0  }
0x78: {  	s24 =	rddreg [dreg:$0xd];
	[sflag:s3] =	ssyncadd.s32 $0xFFFFD800  }
0x79: {  	[hbm4b:s24+s18] =	stream.strided.scatter [tilespmem:s2], [sflag:$0x4], $0x2800, s22, s18, $0x38;
	[tilespmem:$0x1E700] =	vst v63  }
0x7a: {  	_ =	swait.ge [sflag:s3], $0x2800  }
0x7b: {  	[sflag:s3] =	ssyncset.done $0x0  }
0x7c: {  	s16 =	simm.s32 @p1 $0x780;
	s18 =	rddreg [dreg:$0x1e];
	[sflag:s3] =	ssyncadd.s32 $0xFFFFD800  }
0x7d: {  	[tilespmem:s16], [sflag:$0x4] =	stream.linear.gather @p1 [spmem:s18], $0xA00, $0x38;
	[tilespmem:$0x1E700] =	vst v63  }
0x7e: {  	s18 =	simm.s32 @p1 $0x4  }
0x7f: {  	_ =	swait.ge @p1 [sflag:s18], $0xA00  }
0x80: {  	s22 =	simm.s32 @p1 $0x10;
	[sflag:s18] =	ssyncset.done @p1 $0x0  }
0x81: {  	s24 =	simm.s32 @p1 $0x20;
	s30 =	rddreg [dreg:$0x10];
	[sflag:s18] =	ssyncadd.s32 @p1 $0xFFFFF600  }
0x82: {  	[hbm4b:s30+s22] =	stream.strided.scatter @p1 [tilespmem:s16], [sflag:$0x4], $0xA00, s24, s22, $0x38;
	[tilespmem:$0x1E700] =	vst v63  }
0x83: {  	_ =	swait.ge @p1 [sflag:s18], $0xA00  }
0x84: {  	[sflag:s18] =	ssyncset.done @p1 $0x0  }
0x85: {  	s16 =	simm.s32 @!p1 $0x780;
	[sflag:s18] =	ssyncadd.s32 @p1 $0xFFFFF600;
	s18 =	rddreg [dreg:$0xe]  }
0x86: {  	[tilespmem:s16], [sflag:$0x4] =	stream.linear.gather @!p1 [spmem:s18], $0x2000, $0x38;
	[tilespmem:$0x1E700] =	vst v63  }
0x87: {  	s18 =	simm.s32 @!p1 $0x4  }
0x88: {  	_ =	swait.ge @!p1 [sflag:s18], $0x2000  }
0x89: {  	s22 =	simm.s32 @!p1 $0x10;
	[sflag:s18] =	ssyncset.done @!p1 $0x0  }
0x8a: {  	s24 =	simm.s32 @!p1 $0x20;
	s30 =	rddreg [dreg:$0x4];
	[sflag:s18] =	ssyncadd.s32 @!p1 $0xFFFFE000  }
0x8b: {  	[hbm4b:s30+s22] =	stream.strided.scatter @!p1 [tilespmem:s16], [sflag:$0x4], $0x2000, s24, s22, $0x38;
	[tilespmem:$0x1E700] =	vst v63  }
0x8c: {  	_ =	swait.ge @!p1 [sflag:s18], $0x2000  }
0x8d: {  	s11 =	sadd.s32 $0x1, s11;
	s30 =	rddreg [dreg:$0x11]  }
0x8e: {  	p2 =	sne.s32 s11, s30  }
.Ltmp1:
0x8f: {  	_ = 	snop;
	(pc) =	sbr.rel @!p2 .LBB2_16-.Ltmp1, $3  }
0x90: {  	_ =	sdelay $0x1  }
0x91: {  	[sflag:s18] =	ssyncset.done @!p1 $0x0  }
0x92: {  	[sflag:s18] =	ssyncadd.s32 @!p1 $0xFFFFE000  }
.LBB2_1:
0x93: {  	[dreg:$0x1f] =	wrdreg s11;
	s16 =	simm.s32 $0x0  }
.LBB2_2:
0x94: {  	p2 =	sne.s32 s16, $0x9FC0  }
.Ltmp2:
0x95: {  	_ = 	snop;
	(pc) =	sbr.rel @p2 .LBB2_2-.Ltmp2, $4  }
0x96: {  	_ = 	snop  }
0x97: {  	s18 =	sshra.s32 s16, $0x2  }
0x98: {  	[tilespmem:s18+$0x780] =	vst v1  }
0x99: {  	s16 =	sadd.s32 $0x40, s16;
	[tilespmem:s18+$0x3700] =	vst v1  }
0x9a: {  	s16 =	simm.s32 $0x0  }
0x9b: {  	s16 =	sand.u32 $0x70, s16  }
0x9c: {  	s18 =	simm.s32 $0x280;
	v3 =	vadd.s32 s16, v2  }
0x9d: {  	s22 =	simm.s32 $0x3200;
	[tilespmem:s18+$0x0] =	vst v3  }
0x9e: {  	s30 =	simm.s32 $0x10;
	s11 =	simm.s32 $0x380;
	[tilespmem:s22+$0x0] =	vst v3  }
.LBB2_4:
0x9f: {  	p2 =	sne.s32 s30, $0x270  }
.Ltmp3:
0xa0: {  	_ = 	snop;
	(pc) =	sbr.rel @p2 .LBB2_4-.Ltmp3, $4  }
0xa1: {  	s16 =	sand.u32 $0x70, s30  }
0xa2: {  	s18 =	sadd.s32 $0x10, s18;
	v3 =	vadd.s32 s16, v2  }
0xa3: {  	s22 =	sadd.s32 $0x10, s22;
	[tilespmem:s18+$0x0] =	vst v3  }
0xa4: {  	s30 =	sadd.s32 $0x10, s30;
	[tilespmem:s22+$0x0] =	vst v3  }
0xa5: {  	s16 =	rddreg [dreg:$0x12]  }
0xa6: {  	[spmem:s16] =	stream.linear.scatter [tilespmem:s2], [sflag:$0x4], $0x2800, $0x38;
	[tilespmem:$0x1E700] =	vst v63  }
0xa7: {  	_ =	swait.ge [sflag:s3], $0x2800  }
0xa8: {  	[sflag:s3] =	ssyncset.done $0x0  }
0xa9: {  	s18 =	rddreg [dreg:$0x13];
	[sflag:s3] =	ssyncadd.s32 $0xFFFFD800  }
0xaa: {  	[spmem:s18] =	stream.linear.scatter [tilespmem:s2], [sflag:$0x4], $0x2800, $0x38;
	[tilespmem:$0x1E700] =	vst v63  }
0xab: {  	_ =	swait.ge [sflag:s3], $0x2800  }
0xac: {  	[sflag:s3] =	ssyncset.done $0x0  }
0xad: {  	s22 =	rddreg [dreg:$0x14];
	[sflag:s3] =	ssyncadd.s32 $0xFFFFD800  }
0xae: {  	[spmem:s22] =	stream.linear.scatter [tilespmem:s2], [sflag:$0x4], $0x2800, $0x38;
	[tilespmem:$0x1E700] =	vst v63  }
0xaf: {  	_ =	swait.ge [sflag:s3], $0x2800  }
0xb0: {  	[sflag:s3] =	ssyncset.done $0x0  }
0xb1: {  	s24 =	rddreg [dreg:$0x15];
	[sflag:s3] =	ssyncadd.s32 $0xFFFFD800  }
0xb2: {  	[spmem:s24] =	stream.linear.scatter [tilespmem:s2], [sflag:$0x4], $0x2800, $0x38;
	[tilespmem:$0x1E700] =	vst v63  }
0xb3: {  	_ =	swait.ge [sflag:s3], $0x2800  }
0xb4: {  	[sflag:s3] =	ssyncset.done $0x0  }
0xb5: {  	s30 =	rddreg [dreg:$0x16];
	[sflag:s3] =	ssyncadd.s32 $0xFFFFD800  }
0xb6: {  	[spmem:s30] =	stream.linear.scatter [tilespmem:s2], [sflag:$0x4], $0x2800, $0x38;
	[tilespmem:$0x1E700] =	vst v63  }
0xb7: {  	_ =	swait.ge [sflag:s3], $0x2800  }
0xb8: {  	[sflag:s3] =	ssyncset.done $0x0  }
0xb9: {  	s18 =	rddreg [dreg:$0x17];
	[sflag:s3] =	ssyncadd.s32 $0xFFFFD800  }
0xba: {  	[spmem:s18] =	stream.linear.scatter [tilespmem:s2], [sflag:$0x4], $0x2800, $0x38;
	[tilespmem:$0x1E700] =	vst v63  }
0xbb: {  	_ =	swait.ge [sflag:s3], $0x2800  }
0xbc: {  	[sflag:s3] =	ssyncset.done $0x0  }
0xbd: {  	s22 =	rddreg [dreg:$0x18];
	[sflag:s3] =	ssyncadd.s32 $0xFFFFD800  }
0xbe: {  	[spmem:s22] =	stream.linear.scatter [tilespmem:s2], [sflag:$0x4], $0x2800, $0x38;
	[tilespmem:$0x1E700] =	vst v63  }
0xbf: {  	_ =	swait.ge [sflag:s3], $0x2800  }
0xc0: {  	[sflag:s3] =	ssyncset.done $0x0  }
0xc1: {  	s24 =	rddreg [dreg:$0x19];
	[sflag:s3] =	ssyncadd.s32 $0xFFFFD800  }
0xc2: {  	[spmem:s24] =	stream.linear.scatter [tilespmem:s2], [sflag:$0x4], $0x2800, $0x38;
	[tilespmem:$0x1E700] =	vst v63  }
0xc3: {  	_ =	swait.ge [sflag:s3], $0x2800  }
0xc4: {  	[sflag:s3] =	ssyncset.done $0x0  }
0xc5: {  	s30 =	rddreg [dreg:$0x1a];
	[sflag:s3] =	ssyncadd.s32 $0xFFFFD800  }
0xc6: {  	[spmem:s30] =	stream.linear.scatter [tilespmem:s2], [sflag:$0x4], $0x2800, $0x38;
	[tilespmem:$0x1E700] =	vst v63  }
0xc7: {  	_ =	swait.ge [sflag:s3], $0x2800  }
0xc8: {  	[sflag:s3] =	ssyncset.done $0x0  }
0xc9: {  	s18 =	rddreg [dreg:$0xe];
	[sflag:s3] =	ssyncadd.s32 $0xFFFFD800  }
0xca: {  	[spmem:s18] =	stream.linear.scatter [tilespmem:s2], [sflag:$0x4], $0x2000, $0x38;
	[tilespmem:$0x1E700] =	vst v63  }
0xcb: {  	_ =	swait.ge [sflag:s3], $0x2000  }
0xcc: {  	[sflag:s3] =	ssyncset.done $0x0  }
0xcd: {  	[sflag:s3] =	ssyncadd.s32 $0xFFFFE000  }
0xce: {  	[bflag:$0x0] =	sbarrier.arrive $0xFFFF  }
0xcf: {  	s18 =	simm.s32 $0x0;
	s22 =	rddreg [dreg:$0xf]  }
0xd0: {  	[tilespmem:s18], [sflag:$0x1] =	stream.linear.gather [hbm4b:s22+s18], $0x280, $0x38;
	[tilespmem:$0x1E700] =	vst v63  }
0xd1: {  	s24 =	rddreg [dreg:$0x1b]  }
0xd2: {  	[tilespmem:s4], [sflag:$0x1] =	stream.linear.gather [hbm4b:s24+s18], $0x280, $0x38;
	[tilespmem:$0x1E700] =	vst v63  }
0xd3: {  	_ = 	snop  }
0xd4: {  	[spmem:s12] =	stream.indirect.scatter.add.f32 [tilespmem:s7], [sflag:$0x3], $0x10, s6, s5, $0xb8;
	[tilespmem:$0x1E700] =	vst v63  }
0xd5: {  	s30 =	simm.s32 $0x3280  }
0xd6: {  	[spmem:s12] =	stream.indirect.scatter.add.f32 [tilespmem:s10], [sflag:$0x3], $0x10, s30, s5, $0xb8;
	[tilespmem:$0x1E700] =	vst v63  }
0xd7: {  	s22 =	simm.s32 $0x3300  }
0xd8: {  	[spmem:s12] =	stream.indirect.scatter.add.f32 [tilespmem:s13], [sflag:$0x3], $0x10, s22, s5, $0xb8;
	[tilespmem:$0x1E700] =	vst v63  }
0xd9: {  	s24 =	simm.s32 $0x3380  }
0xda: {  	[spmem:s12] =	stream.indirect.scatter.add.f32 [tilespmem:s19], [sflag:$0x3], $0x10, s24, s5, $0xb8;
	[tilespmem:$0x1E700] =	vst v63  }
0xdb: {  	s30 =	simm.s32 $0x3400  }
0xdc: {  	[spmem:s12] =	stream.indirect.scatter.add.f32 [tilespmem:s9], [sflag:$0x3], $0x10, s30, s5, $0xb8;
	[tilespmem:$0x1E700] =	vst v63  }
.LBB2_6:
0xdd: {  	_ =	swait.ge [sflag:s17], $0x280  }
0xde: {  	[sflag:s17] =	ssyncset.done $0x0  }
0xdf: {  	[sflag:s17] =	ssyncadd.s32 $0xFFFFFD80  }
0xe0: {  	_ =	swait.ge [sflag:s17], $0x280  }
0xe1: {  	[sflag:s17] =	ssyncset.done $0x0  }
0xe2: {  	s22 =	simm.s32 $0x0;
	[sflag:s17] =	ssyncadd.s32 $0xFFFFFD80  }
0xe3: {  	v3 =	vld [tilespmem:s22+$0x0]  }
0xe4: {  	s30 =	simm.s32 $0x40  }
.LBB2_7:
0xe5: {  	p2 =	sne.s32 s30, $0x9C0  }
.Ltmp4:
0xe6: {  	_ = 	snop;
	(pc) =	sbr.rel @p2 .LBB2_7-.Ltmp4, $4  }
0xe7: {  	_ = 	snop  }
0xe8: {  	s16 =	sshra.s32 s30, $0x2;
	s30 =	sadd.s32 $0x40, s30;
	v4 =	vshll.u32 v3, $0x1  }
0xe9: {  	v3 =	vld [tilespmem:s16+$0x0];
	v4 =	vor.u32 v0, v4  }
0xea: {  	[tilespmem:s22+$0x500] =	vst v4;
	s22 =	smov.u32 s16  }
0xeb: {  	_ =	sdelay $0x2  }
0xec: {  	v3 =	vshll.u32 v3, $0x1  }
0xed: {  	v3 =	vor.u32 v0, v3  }
0xee: {  	s16 =	simm.s32 $0x500;
	[tilespmem:s22+$0x500] =	vst v3  }
0xef: {  	[tilespmem:s2], [sflag:$0x2] =	stream.indirect.gather [hbm4b:s15+s5], $0x10, s16, s5, $0xb8;
	[tilespmem:$0x1E700] =	vst v63  }
0xf0: {  	s22 =	simm.s32 $0x580  }
0xf1: {  	[tilespmem:s21], [sflag:$0x2] =	stream.indirect.gather [hbm4b:s15+s5], $0x10, s22, s5, $0xb8;
	[tilespmem:$0x1E700] =	vst v63  }
0xf2: {  	s24 =	simm.s32 $0x600  }
0xf3: {  	[tilespmem:s23], [sflag:$0x2] =	stream.indirect.gather [hbm4b:s15+s5], $0x10, s24, s5, $0xb8;
	[tilespmem:$0x1E700] =	vst v63  }
0xf4: {  	s22 =	simm.s32 $0x680  }
0xf5: {  	[tilespmem:s25], [sflag:$0x2] =	stream.indirect.gather [hbm4b:s15+s5], $0x10, s22, s5, $0xb8;
	[tilespmem:$0x1E700] =	vst v63  }
0xf6: {  	s24 =	simm.s32 $0x700  }
0xf7: {  	[tilespmem:s28], [sflag:$0x2] =	stream.indirect.gather [hbm4b:s15+s5], $0x10, s24, s5, $0xb8;
	[tilespmem:$0x1E700] =	vst v63  }
0xf8: {  	_ =	swait.ge [sflag:s29], $0x800  }
0xf9: {  	[sflag:s29] =	ssyncset.done $0x0  }
0xfa: {  	[sflag:s29] =	ssyncadd.s32 $0xFFFFF800  }
0xfb: {  	_ =	swait.ge [sflag:s29], $0x800  }
0xfc: {  	[sflag:s29] =	ssyncset.done $0x0  }
0xfd: {  	[sflag:s29] =	ssyncadd.s32 $0xFFFFF800  }
0xfe: {  	_ =	swait.ge [sflag:s29], $0x800  }
0xff: {  	[sflag:s29] =	ssyncset.done $0x0  }
0x100: {  	s22 =	sshll.u32 s18, $0x5;
	s24 =	stileid.u32;
	[sflag:s29] =	ssyncadd.s32 $0xFFFFF800  }
0x101: {  	s16 =	sor.u32 s24, s22;
	_ =	swait.ge [sflag:s29], $0x800  }
0x102: {  	s16 =	smul.u32 $0x280, s16;
	[sflag:s29] =	ssyncset.done $0x0  }
0x103: {  	[sflag:s29] =	ssyncadd.s32 $0xFFFFF800  }
0x104: {  	s16 =	sshrl.u32 s16, $0x3;
	_ =	swait.ge [sflag:s29], $0x800  }
0x105: {  	s30 =	simm.s32 $0x0;
	s16 =	sadd.s32 s14, s16;
	[sflag:s29] =	ssyncset.done $0x0  }
0x106: {  	s24 =	simm.s32 $0x2F80;
	s22 =	sadd.s32 $0x500, s16;
	[sflag:s29] =	ssyncadd.s32 $0xFFFFF800  }
0x107: {  	[tilespmem:s24], [sflag:$0x1] =	stream.linear.gather [hbm4b:s22+s30], $0x280, $0x38;
	[tilespmem:$0x1E700] =	vst v63  }
0x108: {  	s16 =	sadd.s32 $0x31240, s16  }
0x109: {  	[tilespmem:s6], [sflag:$0x1] =	stream.linear.gather [hbm4b:s16+s30], $0x280, $0x38;
	[tilespmem:$0x1E700] =	vst v63  }
0x10a: {  	_ =	swait.ge [sflag:s8], $0x800  }
0x10b: {  	[sflag:s8] =	ssyncset.done $0x0  }
0x10c: {  	[sflag:s8] =	ssyncadd.s32 $0xFFFFF800  }
0x10d: {  	_ =	swait.ge [sflag:s8], $0x800  }
0x10e: {  	[sflag:s8] =	ssyncset.done $0x0  }
0x10f: {  	[sflag:s8] =	ssyncadd.s32 $0xFFFFF800  }
0x110: {  	_ =	swait.ge [sflag:s8], $0x800  }
0x111: {  	[sflag:s8] =	ssyncset.done $0x0  }
0x112: {  	[sflag:s8] =	ssyncadd.s32 $0xFFFFF800  }
0x113: {  	_ =	swait.ge [sflag:s8], $0x800  }
0x114: {  	[sflag:s8] =	ssyncset.done $0x0  }
0x115: {  	[sflag:s8] =	ssyncadd.s32 $0xFFFFF800  }
0x116: {  	_ =	swait.ge [sflag:s8], $0x800  }
0x117: {  	[sflag:s8] =	ssyncset.done $0x0  }
0x118: {  	[sflag:s8] =	ssyncadd.s32 $0xFFFFF800  }
0x119: {  	[spmem:s12] =	stream.indirect.scatter.add.f32 [tilespmem:s2], [sflag:$0x3], $0x10, s4, s5, $0xb8;
	[tilespmem:$0x1E700] =	vst v63  }
0x11a: {  	s24 =	simm.s32 $0x300  }
0x11b: {  	[spmem:s12] =	stream.indirect.scatter.add.f32 [tilespmem:s21], [sflag:$0x3], $0x10, s24, s5, $0xb8;
	[tilespmem:$0x1E700] =	vst v63  }
0x11c: {  	_ = 	snop  }
0x11d: {  	[spmem:s12] =	stream.indirect.scatter.add.f32 [tilespmem:s23], [sflag:$0x3], $0x10, s11, s5, $0xb8;
	[tilespmem:$0x1E700] =	vst v63  }
0x11e: {  	_ = 	snop  }
0x11f: {  	[spmem:s12] =	stream.indirect.scatter.add.f32 [tilespmem:s25], [sflag:$0x3], $0x10, s20, s5, $0xb8;
	[tilespmem:$0x1E700] =	vst v63  }
0x120: {  	_ = 	snop  }
0x121: {  	[spmem:s12] =	stream.indirect.scatter.add.f32 [tilespmem:s28], [sflag:$0x3], $0x10, s0, s5, $0xb8;
	[tilespmem:$0x1E700] =	vst v63  }
0x122: {  	_ =	swait.ge [sflag:s17], $0x280  }
0x123: {  	[sflag:s17] =	ssyncset.done $0x0  }
0x124: {  	[sflag:s17] =	ssyncadd.s32 $0xFFFFFD80  }
0x125: {  	_ =	swait.ge [sflag:s17], $0x280  }
0x126: {  	[sflag:s17] =	ssyncset.done $0x0  }
0x127: {  	s30 =	simm.s32 $0x0;
	[sflag:s17] =	ssyncadd.s32 $0xFFFFFD80  }
0x128: {  	v3 =	vld [tilespmem:s30+$0x2F80]  }
0x129: {  	s22 =	sshll.u32 s18, $0x1;
	s16 =	simm.s32 $0x40  }
.LBB2_9:
0x12a: {  	p2 =	sne.s32 s16, $0x9C0  }
.Ltmp5:
0x12b: {  	_ = 	snop;
	(pc) =	sbr.rel @p2 .LBB2_9-.Ltmp5, $4  }
0x12c: {  	_ = 	snop  }
0x12d: {  	s24 =	sshra.s32 s16, $0x2;
	s16 =	sadd.s32 $0x40, s16;
	v4 =	vshll.u32 v3, $0x1  }
0x12e: {  	v3 =	vld [tilespmem:s24+$0x2F80];
	v4 =	vor.u32 v0, v4  }
0x12f: {  	[tilespmem:s30+$0x3480] =	vst v4;
	s30 =	smov.u32 s24  }
0x130: {  	_ =	sdelay $0x2  }
0x131: {  	v3 =	vshll.u32 v3, $0x1  }
0x132: {  	v3 =	vor.u32 v0, v3  }
0x133: {  	s16 =	simm.s32 $0x3480;
	[tilespmem:s30+$0x3480] =	vst v3  }
0x134: {  	[tilespmem:s7], [sflag:$0x2] =	stream.indirect.gather [hbm4b:s15+s5], $0x10, s16, s5, $0xb8;
	[tilespmem:$0x1E700] =	vst v63  }
0x135: {  	s30 =	simm.s32 $0x3500  }
0x136: {  	[tilespmem:s10], [sflag:$0x2] =	stream.indirect.gather [hbm4b:s15+s5], $0x10, s30, s5, $0xb8;
	[tilespmem:$0x1E700] =	vst v63  }
0x137: {  	s24 =	simm.s32 $0x3580  }
0x138: {  	[tilespmem:s13], [sflag:$0x2] =	stream.indirect.gather [hbm4b:s15+s5], $0x10, s24, s5, $0xb8;
	[tilespmem:$0x1E700] =	vst v63  }
0x139: {  	s30 =	simm.s32 $0x3600  }
0x13a: {  	[tilespmem:s19], [sflag:$0x2] =	stream.indirect.gather [hbm4b:s15+s5], $0x10, s30, s5, $0xb8;
	[tilespmem:$0x1E700] =	vst v63  }
0x13b: {  	_ = 	snop  }
0x13c: {  	[tilespmem:s9], [sflag:$0x2] =	stream.indirect.gather [hbm4b:s15+s5], $0x10, s26, s5, $0xb8;
	[tilespmem:$0x1E700] =	vst v63  }
0x13d: {  	_ =	swait.ge [sflag:s29], $0x800  }
0x13e: {  	[sflag:s29] =	ssyncset.done $0x0  }
0x13f: {  	[sflag:s29] =	ssyncadd.s32 $0xFFFFF800  }
0x140: {  	_ =	swait.ge [sflag:s29], $0x800  }
0x141: {  	[sflag:s29] =	ssyncset.done $0x0  }
0x142: {  	[sflag:s29] =	ssyncadd.s32 $0xFFFFF800  }
0x143: {  	_ =	swait.ge [sflag:s29], $0x800  }
0x144: {  	[sflag:s29] =	ssyncset.done $0x0  }
0x145: {  	s24 =	smin.u32 s22, $0x99;
	[sflag:s29] =	ssyncadd.s32 $0xFFFFF800  }
0x146: {  	s16 =	sshll.u32 s24, $0x4;
	_ =	swait.ge [sflag:s29], $0x800  }
0x147: {  	s16 =	sadd.s32 s31, s16;
	[sflag:s29] =	ssyncset.done $0x0  }
0x148: {  	s16 =	smul.u32 $0x280, s16;
	[sflag:s29] =	ssyncadd.s32 $0xFFFFF800  }
0x149: {  	_ =	swait.ge [sflag:s29], $0x800  }
0x14a: {  	s16 =	sshrl.u32 s16, $0x3;
	[sflag:s29] =	ssyncset.done $0x0  }
0x14b: {  	s16 =	sadd.s32 s14, s16;
	[sflag:s29] =	ssyncadd.s32 $0xFFFFF800  }
0x14c: {  	[tilespmem:s1], [sflag:$0x1] =	stream.linear.gather [hbm4b:s16+s1], $0x280, $0x38;
	[tilespmem:$0x1E700] =	vst v63  }
0x14d: {  	s16 =	sadd.s32 $0x30D40, s16  }
0x14e: {  	[tilespmem:s4], [sflag:$0x1] =	stream.linear.gather [hbm4b:s16+s1], $0x280, $0x38;
	[tilespmem:$0x1E700] =	vst v63  }
0x14f: {  	_ =	swait.ge [sflag:s8], $0x800  }
0x150: {  	[sflag:s8] =	ssyncset.done $0x0  }
0x151: {  	[sflag:s8] =	ssyncadd.s32 $0xFFFFF800  }
0x152: {  	_ =	swait.ge [sflag:s8], $0x800  }
0x153: {  	[sflag:s8] =	ssyncset.done $0x0  }
0x154: {  	[sflag:s8] =	ssyncadd.s32 $0xFFFFF800  }
0x155: {  	_ =	swait.ge [sflag:s8], $0x800  }
0x156: {  	[sflag:s8] =	ssyncset.done $0x0  }
0x157: {  	[sflag:s8] =	ssyncadd.s32 $0xFFFFF800  }
0x158: {  	_ =	swait.ge [sflag:s8], $0x800  }
0x159: {  	[sflag:s8] =	ssyncset.done $0x0  }
0x15a: {  	[sflag:s8] =	ssyncadd.s32 $0xFFFFF800  }
0x15b: {  	_ =	swait.ge [sflag:s8], $0x800  }
0x15c: {  	[sflag:s8] =	ssyncset.done $0x0  }
0x15d: {  	[sflag:s8] =	ssyncadd.s32 $0xFFFFF800  }
0x15e: {  	[spmem:s12] =	stream.indirect.scatter.add.f32 [tilespmem:s7], [sflag:$0x3], $0x10, s6, s5, $0xb8;
	[tilespmem:$0x1E700] =	vst v63  }
0x15f: {  	s18 =	sadd.s32 $0x1, s18;
	s30 =	simm.s32 $0x3280  }
0x160: {  	[spmem:s12] =	stream.indirect.scatter.add.f32 [tilespmem:s10], [sflag:$0x3], $0x10, s30, s5, $0xb8;
	[tilespmem:$0x1E700] =	vst v63  }
0x161: {  	p2 =	sne.s32 s18, $0x4E;
	s22 =	simm.s32 $0x3300  }
0x162: {  	[spmem:s12] =	stream.indirect.scatter.add.f32 [tilespmem:s13], [sflag:$0x3], $0x10, s22, s5, $0xb8;
	[tilespmem:$0x1E700] =	vst v63  }
.Ltmp6:
0x163: {  	_ = 	snop;
	(pc) =	sbr.rel @p2 .LBB2_6-.Ltmp6, $4  }
0x164: {  	s24 =	simm.s32 $0x3380  }
0x165: {  	[spmem:s12] =	stream.indirect.scatter.add.f32 [tilespmem:s19], [sflag:$0x3], $0x10, s24, s5, $0xb8;
	[tilespmem:$0x1E700] =	vst v63  }
0x166: {  	s30 =	simm.s32 $0x3400  }
0x167: {  	[spmem:s12] =	stream.indirect.scatter.add.f32 [tilespmem:s9], [sflag:$0x3], $0x10, s30, s5, $0xb8;
	[tilespmem:$0x1E700] =	vst v63  }
0x168: {  	_ =	swait.ge [sflag:s29], $0x800  }
0x169: {  	[sflag:s29] =	ssyncset.done $0x0  }
0x16a: {  	[sflag:s29] =	ssyncadd.s32 $0xFFFFF800  }
0x16b: {  	_ =	swait.ge [sflag:s29], $0x800  }
0x16c: {  	[sflag:s29] =	ssyncset.done $0x0  }
0x16d: {  	[sflag:s29] =	ssyncadd.s32 $0xFFFFF800  }
0x16e: {  	_ =	swait.ge [sflag:s29], $0x800  }
0x16f: {  	[sflag:s29] =	ssyncset.done $0x0  }
0x170: {  	[sflag:s29] =	ssyncadd.s32 $0xFFFFF800  }
0x171: {  	_ =	swait.ge [sflag:s29], $0x800  }
0x172: {  	[sflag:s29] =	ssyncset.done $0x0  }
0x173: {  	[sflag:s29] =	ssyncadd.s32 $0xFFFFF800  }
0x174: {  	_ =	swait.ge [sflag:s29], $0x800  }
0x175: {  	[sflag:s29] =	ssyncset.done $0x0  }
0x176: {  	[sflag:s29] =	ssyncadd.s32 $0xFFFFF800  }
0x177: {  	_ =	swait.ge [sflag:s17], $0x280  }
.Ltmp7:
0x178: {  	[sflag:s17] =	ssyncset.done $0x0;
	(pc) =	sbr.rel @p0 .LBB2_15-.Ltmp7, $4  }
0x179: {  	[sflag:s17] =	ssyncadd.s32 $0xFFFFFD80  }
0x17a: {  	_ =	swait.ge [sflag:s17], $0x280  }
0x17b: {  	[sflag:s17] =	ssyncset.done $0x0  }
0x17c: {  	s24 =	simm.s32 $0x380;
	s11 =	rddreg [dreg:$0x1f];
	[sflag:s17] =	ssyncadd.s32 $0xFFFFFD80  }
0x17d: {  	s16 =	simm.s32 $0x0;
	s18 =	rddreg [dreg:$0x1c]  }
0x17e: {  	[tilespmem:s16], [sflag:$0x4] =	stream.linear.gather [hbm4b:s18+s16], $0x280, $0x38;
	[tilespmem:$0x1E700] =	vst v63  }
0x17f: {  	_ =	swait.ge [sflag:s3], $0x280  }
0x180: {  	[sflag:s3] =	ssyncset.done $0x0  }
0x181: {  	s30 =	rddreg [dreg:$0x1d];
	[sflag:s3] =	ssyncadd.s32 $0xFFFFFD80  }
0x182: {  	[tilespmem:s4], [sflag:$0x4] =	stream.linear.gather [hbm4b:s30+s16], $0x280, $0x38;
	[tilespmem:$0x1E700] =	vst v63  }
0x183: {  	_ =	swait.ge [sflag:s3], $0x280  }
0x184: {  	[sflag:s3] =	ssyncset.done $0x0  }
0x185: {  	s18 =	simm.s32 $0x0;
	[sflag:s3] =	ssyncadd.s32 $0xFFFFFD80  }
0x186: {  	v3 =	vld [tilespmem:s18+$0x0]  }
0x187: {  	s16 =	simm.s32 $0x40  }
.LBB2_13:
0x188: {  	p2 =	sne.s32 s16, $0x9C0  }
.Ltmp8:
0x189: {  	_ = 	snop;
	(pc) =	sbr.rel @p2 .LBB2_13-.Ltmp8, $4  }
0x18a: {  	_ = 	snop  }
0x18b: {  	s22 =	sshra.s32 s16, $0x2;
	s16 =	sadd.s32 $0x40, s16;
	v4 =	vshll.u32 v3, $0x1  }
0x18c: {  	v3 =	vld [tilespmem:s22+$0x0];
	v4 =	vor.u32 v0, v4  }
0x18d: {  	[tilespmem:s18+$0x500] =	vst v4;
	s18 =	smov.u32 s22  }
0x18e: {  	_ =	sdelay $0x2  }
0x18f: {  	v3 =	vshll.u32 v3, $0x1  }
0x190: {  	v3 =	vor.u32 v0, v3  }
0x191: {  	s16 =	simm.s32 $0x500;
	[tilespmem:s18+$0x500] =	vst v3  }
0x192: {  	[tilespmem:s2], [sflag:$0x2] =	stream.indirect.gather [hbm4b:s15+s5], $0x10, s16, s5, $0xb8;
	[tilespmem:$0x1E700] =	vst v63  }
0x193: {  	s30 =	simm.s32 $0x580  }
0x194: {  	[tilespmem:s21], [sflag:$0x2] =	stream.indirect.gather [hbm4b:s15+s5], $0x10, s30, s5, $0xb8;
	[tilespmem:$0x1E700] =	vst v63  }
0x195: {  	s11 =	simm.s32 $0x600  }
0x196: {  	[tilespmem:s23], [sflag:$0x2] =	stream.indirect.gather [hbm4b:s15+s5], $0x10, s11, s5, $0xb8;
	[tilespmem:$0x1E700] =	vst v63  }
0x197: {  	s18 =	simm.s32 $0x680  }
0x198: {  	[tilespmem:s25], [sflag:$0x2] =	stream.indirect.gather [hbm4b:s15+s5], $0x10, s18, s5, $0xb8;
	[tilespmem:$0x1E700] =	vst v63  }
0x199: {  	s22 =	simm.s32 $0x700  }
0x19a: {  	[tilespmem:s28], [sflag:$0x2] =	stream.indirect.gather [hbm4b:s15+s5], $0x10, s22, s5, $0xb8;
	[tilespmem:$0x1E700] =	vst v63  }
0x19b: {  	_ =	swait.ge [sflag:s8], $0x800  }
0x19c: {  	[sflag:s8] =	ssyncset.done $0x0  }
0x19d: {  	[sflag:s8] =	ssyncadd.s32 $0xFFFFF800  }
0x19e: {  	_ =	swait.ge [sflag:s8], $0x800  }
0x19f: {  	[sflag:s8] =	ssyncset.done $0x0  }
0x1a0: {  	[sflag:s8] =	ssyncadd.s32 $0xFFFFF800  }
0x1a1: {  	_ =	swait.ge [sflag:s8], $0x800  }
0x1a2: {  	[sflag:s8] =	ssyncset.done $0x0  }
0x1a3: {  	[sflag:s8] =	ssyncadd.s32 $0xFFFFF800  }
0x1a4: {  	_ =	swait.ge [sflag:s8], $0x800  }
0x1a5: {  	[sflag:s8] =	ssyncset.done $0x0  }
0x1a6: {  	[sflag:s8] =	ssyncadd.s32 $0xFFFFF800  }
0x1a7: {  	_ =	swait.ge [sflag:s8], $0x800  }
0x1a8: {  	[sflag:s8] =	ssyncset.done $0x0  }
0x1a9: {  	[sflag:s8] =	ssyncadd.s32 $0xFFFFF800  }
0x1aa: {  	[spmem:s12] =	stream.indirect.scatter.add.f32 [tilespmem:s2], [sflag:$0x3], $0x10, s4, s5, $0xb8;
	[tilespmem:$0x1E700] =	vst v63  }
0x1ab: {  	s30 =	simm.s32 $0x300  }
0x1ac: {  	[spmem:s12] =	stream.indirect.scatter.add.f32 [tilespmem:s21], [sflag:$0x3], $0x10, s30, s5, $0xb8;
	[tilespmem:$0x1E700] =	vst v63  }
0x1ad: {  	_ = 	snop  }
0x1ae: {  	[spmem:s12] =	stream.indirect.scatter.add.f32 [tilespmem:s23], [sflag:$0x3], $0x10, s24, s5, $0xb8;
	[tilespmem:$0x1E700] =	vst v63  }
0x1af: {  	_ = 	snop  }
0x1b0: {  	[spmem:s12] =	stream.indirect.scatter.add.f32 [tilespmem:s25], [sflag:$0x3], $0x10, s20, s5, $0xb8;
	[tilespmem:$0x1E700] =	vst v63  }
0x1b1: {  	_ = 	snop  }
0x1b2: {  	[spmem:s12] =	stream.indirect.scatter.add.f32 [tilespmem:s28], [sflag:$0x3], $0x10, s0, s5, $0xb8;
	[tilespmem:$0x1E700] =	vst v63  }
0x1b3: {  	_ =	swait.ge [sflag:s29], $0x800  }
0x1b4: {  	[sflag:s29] =	ssyncset.done $0x0  }
0x1b5: {  	[sflag:s29] =	ssyncadd.s32 $0xFFFFF800  }
0x1b6: {  	_ =	swait.ge [sflag:s29], $0x800  }
0x1b7: {  	[sflag:s29] =	ssyncset.done $0x0  }
0x1b8: {  	[sflag:s29] =	ssyncadd.s32 $0xFFFFF800  }
0x1b9: {  	_ =	swait.ge [sflag:s29], $0x800  }
0x1ba: {  	[sflag:s29] =	ssyncset.done $0x0  }
0x1bb: {  	[sflag:s29] =	ssyncadd.s32 $0xFFFFF800  }
0x1bc: {  	_ =	swait.ge [sflag:s29], $0x800  }
.Ltmp9:
0x1bd: {  	[sflag:s29] =	ssyncset.done $0x0;
	(pc) =	sbr.rel .LBB2_15-.Ltmp9, $4  }
0x1be: {  	[sflag:s29] =	ssyncadd.s32 $0xFFFFF800  }
0x1bf: {  	_ =	swait.ge [sflag:s29], $0x800  }
0x1c0: {  	[sflag:s29] =	ssyncset.done $0x0  }
0x1c1: {  	s11 =	rddreg [dreg:$0x1f];
	[sflag:s29] =	ssyncadd.s32 $0xFFFFF800  }
.LBB2_16:
0x1c2: {  	_ =	sfence.sel $0x180000  }
0x1c3: {  	[bflag:$0x0] =	sbarrier.arrive $0xFFFF  }
0x1c4: {  	_ =	strace $0x9000004A  }
0x1c5: {  	s0 =	stileid.u32;
	[bflag:$0x2] =	sbarrier.arrive $0xFFFF  }
0x1c6: {  	p0 =	sne.s32 s0, $0x0;
	s0 =	rddreg [dreg:$0x3]  }
0x1c7: {  	s0 =	sadd.s32 @!p0 $0x100000, s0  }
0x1c8: {  	[sflag:s0] =	ssyncadd.tile.s32 @!p0 $0x1;
	_ =	shalt  }
.Lfunc_end2:
_tile_overlayer_lowered:
.L_overlay_start_2:
0x1c9: {  	(tag) =	ssettag $0x2  }
0x1ca: {  	s0 =	rddreg [dreg:$0x0];
	s2 =	stileid.u32  }
0x1cb: {  	s1 =	rddreg [dreg:$0x1];
	p0 =	sne.s32 s2, $0x0  }
0x1cc: {  	s3 =	rddreg [dreg:$0x2];
	[bflag:$0x3] =	sbarrier.arrive $0xFFFF;
	s2 =	simm.s32 @!p0 $0x1C04  }
0x1cd: {  	[timem:s3], [sflag:s2] =	dma.local @!p0 [hbm:s0], s1  }
0x1ce: {  	s0 =	simm.s32 @!p0 $0x4  }
0x1cf: {  	_ =	swait.ge @!p0 [sflag:s0], s1  }
0x1d0: {  	s1 =	ssub.s32 @!p0 $0x0, s1;
	[sflag:s0] =	ssyncset.done @!p0 $0x0  }
0x1d1: {  	[sflag:s0] =	ssyncadd.s32 @!p0 s1  }
0x1d2: {  	[bflag:$0x3] =	sbarrier.arrive $0xFFFF  }
0x1d3: {  	_ =	shalt  }

</sc_bundles>
